<compile_context>
chip_gen: v7x
topology: tpu7x:2x2x1
jax: 0.10.2.dev20260603
libtpu: 0.0.44.dev20260713+nightly
codegen_flags: <defaults>
</compile_context>

<pallas_src>
import functools

import jax
import jax.numpy as jnp
from jax import lax
from jax.experimental import pallas as pl
from jax.experimental.pallas import tpu as pltpu
from jax.experimental.pallas import tpu_sc as plsc

B = 4096
H = 64
NC = 2
NS = 16
NW = NC * NS
C = 512

N_STATIC = B * 8
N_HIST = B * 200
N_FUT = B * 50

_MESH = dict(core_axis_name="c", subcore_axis_name="s",
             num_cores=NC, num_subcores=NS)


def _make_pipeline(idx_v, rows_v, sems_g, sems_w, w):

    def run_stream(table, off, base0, per_w, dst_fn):
        m = per_w // C
        tail = per_w - m * C

        def start_chunk(buf, lbase, n):
            for j in range(n // 128):
                pltpu.async_copy(
                    table.at[idx_v.at[pl.ds(off + lbase + j * 128, 128)]],
                    rows_v.at[buf, pl.ds(j * 128, 128)], sems_g[buf])

        def wait_chunk(buf, n):
            pltpu.make_async_copy(table.at[pl.ds(0, n)],
                                  rows_v.at[buf, pl.ds(0, n)],
                                  sems_g[buf]).wait()

        def start_write(buf, base, n):
            pltpu.async_copy(rows_v.at[buf, pl.ds(0, n)], dst_fn(base, n),
                             sems_w[buf])

        def wait_write(buf, base, n):
            pltpu.make_async_copy(rows_v.at[buf, pl.ds(0, n)],
                                  dst_fn(base, n), sems_w[buf]).wait()

        def bofs(i):
            return base0 + i * C

        start_chunk(0, 0, C)
        start_chunk(1, C, C)
        wait_chunk(0, C)
        start_write(0, bofs(0), C)

        def pair(k, _):
            i0 = 2 * k
            wait_write(0, bofs(i0 - 2), C)
            start_chunk(0, i0 * C, C)
            wait_chunk(1, C)
            start_write(1, bofs(i0 - 1), C)

            wait_write(1, bofs(i0 - 1), C)
            start_chunk(1, (i0 + 1) * C, C)
            wait_chunk(0, C)
            start_write(0, bofs(i0), C)
            return 0

        lax.fori_loop(1, m // 2, pair, 0)

        wait_chunk(1, C)
        start_write(1, bofs(m - 1), C)
        if tail:
            wait_write(0, bofs(m - 2), C)
            start_chunk(0, m * C, tail)
            wait_chunk(0, tail)
            start_write(0, bofs(m), tail)
            wait_write(0, bofs(m), tail)
        else:
            wait_write(0, bofs(m - 2), C)
        wait_write(1, bofs(m - 1), C)

    return run_stream


def _preload_idx(idx_refs, per_ws, offs, idx_v, si, w):
    for idx_hbm, per_w, off in zip(idx_refs, per_ws, offs):
        pltpu.async_copy(idx_hbm.at[pl.ds(w * per_w, per_w)],
                         idx_v.at[pl.ds(off, per_w)], si)
    for idx_hbm, per_w, off in zip(idx_refs, per_ws, offs):
        pltpu.make_async_copy(idx_hbm.at[pl.ds(0, per_w)],
                              idx_v.at[pl.ds(off, per_w)], si).wait()


def _interleave(out, parity):
    return lambda base, n: out.at[pl.ds(base, n), parity]


def _linear(out):
    return lambda base, n: out.at[pl.ds(base, n)]


PW_A = (N_STATIC // NW, N_STATIC // NW, N_FUT // NW)
OFF_A = (0, PW_A[0], PW_A[0] + PW_A[1])
IDX_A = sum(PW_A)


def _body_a(sc_idx, sca_idx, fu_idx, w_sc, w_sca, w_fu,
            out_s, out_f,
            idx_v, rows_v, sg0, sg1, sw0, sw1, si):
    w = lax.axis_index("s") * NC + lax.axis_index("c")
    _preload_idx((sc_idx, sca_idx, fu_idx), PW_A, OFF_A, idx_v, si, w)
    run = _make_pipeline(idx_v, rows_v, (sg0, sg1), (sw0, sw1), w)
    run(w_sc, OFF_A[0], w * PW_A[0], PW_A[0], _interleave(out_s, 0))
    run(w_sca, OFF_A[1], w * PW_A[1], PW_A[1], _interleave(out_s, 1))
    run(w_fu, OFF_A[2], w * PW_A[2], PW_A[2], _linear(out_f))


PW_B = (N_HIST // NW, N_HIST // NW)
OFF_B = (0, PW_B[0])
IDX_B = sum(PW_B)


CB = 256
NBUF = 4


def _body_b(hc_idx, hca_idx, w_hc, w_hca,
            out_h,
            idx_v, rows_v, sg0, sg1, sg2, sg3, sw0, sw1, sw2, sw3, si):
    w = lax.axis_index("s") * NC + lax.axis_index("c")
    _preload_idx((hc_idx, hca_idx), PW_B, OFF_B, idx_v, si, w)
    sems_g = (sg0, sg1, sg2, sg3)
    sems_w = (sw0, sw1, sw2, sw3)

    def run(table, off, base0, per_w, dst_fn):
        m = per_w // CB

        def start_chunk(buf, i):
            for j in range(CB // 128):
                pltpu.async_copy(
                    table.at[idx_v.at[pl.ds(off + i * CB + j * 128, 128)]],
                    rows_v.at[buf, pl.ds(j * 128, 128)], sems_g[buf])

        def wait_chunk(buf):
            pltpu.make_async_copy(table.at[pl.ds(0, CB)],
                                  rows_v.at[buf], sems_g[buf]).wait()

        def start_write(buf, i):
            pltpu.async_copy(rows_v.at[buf], dst_fn(base0 + i * CB, CB),
                             sems_w[buf])

        def wait_write(buf, i):
            pltpu.make_async_copy(rows_v.at[buf],
                                  dst_fn(base0 + i * CB, CB),
                                  sems_w[buf]).wait()

        for i in range(NBUF):
            start_chunk(i, i)
        wait_chunk(0)
        start_write(0, 0)
        wait_chunk(1)
        start_write(1, 1)

        def quad(k, _):
            i0 = NBUF * k
            for d in range(NBUF):
                i = i0 + d
                wait_write(d, i - NBUF)
                start_chunk(d, i)
                wait_chunk((d + 2) % NBUF)
                start_write((d + 2) % NBUF, i - 2)
            return 0

        lax.fori_loop(1, m // NBUF, quad, 0)

        wait_chunk((m - 2) % NBUF)
        start_write((m - 2) % NBUF, m - 2)
        wait_chunk((m - 1) % NBUF)
        start_write((m - 1) % NBUF, m - 1)
        for d in range(NBUF):
            wait_write((m - NBUF + d) % NBUF, m - NBUF + d)

    run(w_hc, OFF_B[0], w * PW_B[0], PW_B[0], _interleave(out_h, 0))
    run(w_hca, OFF_B[1], w * PW_B[1], PW_B[1], _interleave(out_h, 1))


def _sc_call(body, out_type, idx_words, nbuf, chunk):
    return pl.kernel(
        body,
        out_type=out_type,
        mesh=plsc.VectorSubcoreMesh(**_MESH),
        compiler_params=pltpu.CompilerParams(use_tc_tiling_on_sc=False),
        scratch_types=(
            [pltpu.VMEM((idx_words,), jnp.int32),
             pltpu.VMEM((nbuf, chunk, H), jnp.float32)]
            + [pltpu.SemaphoreType.DMA] * (2 * nbuf + 1)
        ),
    )


@jax.jit
def _embed(sc_idx, sca_idx, hc_idx, hca_idx, fu_idx,
           w_sc, w_sca, w_hc, w_hca, w_fu):
    out_h = _sc_call(_body_b, [
        jax.ShapeDtypeStruct((N_HIST, 2, H), jnp.float32),
    ], IDX_B, NBUF, CB)(hc_idx, hca_idx, w_hc, w_hca)[0]
    out_s, out_f = _sc_call(_body_a, [
        jax.ShapeDtypeStruct((N_STATIC, 2, H), jnp.float32),
        jax.ShapeDtypeStruct((N_FUT, H), jnp.float32),
    ], IDX_A, 2, C)(sc_idx, sca_idx, fu_idx, w_sc, w_sca, w_fu)
    return out_s, out_h, out_f


def kernel(static_cont_input, static_cat_input, history_cont_input,
           history_cat_input, future_input, W_static_cont, W_static_cat,
           W_history_cont, W_history_cat, W_future):
    def prep(idx):
        return idx.astype(jnp.int32).reshape(-1)

    out_s, out_h, out_f = _embed(
        prep(static_cont_input), prep(static_cat_input),
        prep(history_cont_input), prep(history_cat_input),
        prep(future_input),
        W_static_cont, W_static_cat, W_history_cont, W_history_cat, W_future)
    return (out_s.reshape(B, 8, 2 * H),
            out_h.reshape(B, 200, 2 * H),
            out_f.reshape(B, 50, H))

# --- scband reference (transcript-rebuilt; emitter-appended) ---
"""Pipeline reference for scband-tft-embeding-54958401520121 (READ-ONLY COPY).

The authoritative reference and input builder live on the scoring server;
editing this copy changes nothing except your own understanding.
"""

import jax, jax.numpy as jnp
import numpy as np

B = 4096
H = 64
V = 100000

def setup_inputs(seed: int = 0) -> dict:
    key = jax.random.key(seed)
    ks = jax.random.split(key, 10)
    static_cont_input = jax.random.randint(ks[0], (B, 8), 0, V, dtype=jnp.int64) if jax.config.jax_enable_x64 else jax.random.randint(ks[0], (B, 8), 0, V)
    static_cat_input = jax.random.randint(ks[1], (B, 8), 0, V)
    history_cont_input = jax.random.randint(ks[2], (B, 200), 0, V)
    history_cat_input = jax.random.randint(ks[3], (B, 200), 0, V)
    future_input = jax.random.randint(ks[4], (B, 50), 0, V)
    W_static_cont = jax.random.normal(ks[5], (V, H), dtype=jnp.float32) * 0.02
    W_static_cat = jax.random.normal(ks[6], (V, H), dtype=jnp.float32) * 0.02
    W_history_cont = jax.random.normal(ks[7], (V, H), dtype=jnp.float32) * 0.02
    W_history_cat = jax.random.normal(ks[8], (V, H), dtype=jnp.float32) * 0.02
    W_future = jax.random.normal(ks[9], (V, H), dtype=jnp.float32) * 0.02
    return {
        "static_cont_input": static_cont_input,
        "static_cat_input": static_cat_input,
        "history_cont_input": history_cont_input,
        "history_cat_input": history_cat_input,
        "future_input": future_input,
        "W_static_cont": W_static_cont,
        "W_static_cat": W_static_cat,
        "W_history_cont": W_history_cont,
        "W_history_cat": W_history_cat,
        "W_future": W_future,
    }

def reference(static_cont_input, static_cat_input, history_cont_input, history_cat_input, future_input, W_static_cont, W_static_cat, W_history_cont, W_history_cat, W_future):
    s_cont = jnp.take(W_static_cont, static_cont_input, axis=0)
    s_cat = jnp.take(W_static_cat, static_cat_input, axis=0)
    h_cont = jnp.take(W_history_cont, history_cont_input, axis=0)
    h_cat = jnp.take(W_history_cat, history_cat_input, axis=0)
    fut = jnp.take(W_future, future_input, axis=0)
    static_input = jnp.concatenate((s_cont, s_cat), axis=2)
    history_input = jnp.concatenate((h_cont, h_cat), axis=2)
    return (static_input, history_input, fut)

if __name__ == "__main__":
    import jax
    _d = setup_inputs()
    print(jax.jit(kernel)(*tuple(_d.values())))

</pallas_src>

<mosaic_0001>
#map = affine_map<(d0, d1) -> (0)>
#map1 = affine_map<(d0, d1) -> (0, 0)>
#map2 = affine_map<(d0, d1) -> (0, 0, 0)>
module attributes {stable_mosaic.version = 14 : i64} {
  func.func @_body_a(%arg0: i32, %arg1: i32, %arg2: memref<32768xi32, #tpu.memory_space<hbm>>, %arg3: memref<32768xi32, #tpu.memory_space<hbm>>, %arg4: memref<204800xi32, #tpu.memory_space<hbm>>, %arg5: memref<100000x64xf32, #tpu.memory_space<hbm>>, %arg6: memref<100000x64xf32, #tpu.memory_space<hbm>>, %arg7: memref<100000x64xf32, #tpu.memory_space<hbm>>, %arg8: memref<32768x2x64xf32, #tpu.memory_space<hbm>>, %arg9: memref<204800x64xf32, #tpu.memory_space<hbm>>, %arg10: memref<8448xi32, #tpu.memory_space<vmem>>, %arg11: memref<2x512x64xf32, #tpu.memory_space<vmem>>, %arg12: memref<!tpu.dma_semaphore, #tpu.memory_space<semaphore_mem>>, %arg13: memref<!tpu.dma_semaphore, #tpu.memory_space<semaphore_mem>>, %arg14: memref<!tpu.dma_semaphore, #tpu.memory_space<semaphore_mem>>, %arg15: memref<!tpu.dma_semaphore, #tpu.memory_space<semaphore_mem>>, %arg16: memref<!tpu.dma_semaphore, #tpu.memory_space<semaphore_mem>>) attributes {dimension_semantics = [#tpu.dimension_semantics<core_parallel>, #tpu.dimension_semantics<subcore_parallel>], iteration_bounds = array<i64: 2, 16>, scalar_prefetch = 0 : i64, scratch_operands = 7 : i64, tpu.core_type = #tpu.core_type<sc_vector_subcore>, window_params = [{transform_indices = #map}, {transform_indices = #map}, {transform_indices = #map}, {transform_indices = #map1}, {transform_indices = #map1}, {transform_indices = #map1}, {transform_indices = #map2}, {transform_indices = #map1}]} {
    %mul3A = arith.constant 2 : i32
    %mul3A_0 = arith.muli %arg1, %mul3A : i32
    %add3A = arith.addi %mul3A_0, %arg0 : i32
    %mul3A_1 = arith.constant 1024 : i32
    %mul3A_2 = arith.muli %add3A, %mul3A_1 : i32
    %dma_start3A = arith.constant 0 : i32
    %dma_start3A_3 = tpu.memref_slice %arg10[%dma_start3A] : memref<8448xi32, #tpu.memory_space<vmem>> -> memref<1024xi32, #tpu.memory_space<vmem>>
    %dma_start3A_4 = tpu.memref_slice %arg2[%mul3A_2] : memref<32768xi32, #tpu.memory_space<hbm>> -> memref<1024xi32, #tpu.memory_space<hbm>>
    %dma_start3A_5 = arith.constant 0 : i32
    %dma_start3A_6 = tpu.memref_slice %arg10[%dma_start3A_5] : memref<8448xi32, #tpu.memory_space<vmem>> -> memref<1024xi32, #tpu.memory_space<vmem>>
    %dma_start3A_7 = tpu.memref_slice %arg2[%mul3A_2] : memref<32768xi32, #tpu.memory_space<hbm>> -> memref<1024xi32, #tpu.memory_space<hbm>>
    tpu.enqueue_dma source(%dma_start3A_7 : memref<1024xi32, #tpu.memory_space<hbm>>) target(%dma_start3A_6 : memref<1024xi32, #tpu.memory_space<vmem>>) target_semaphore(%arg16 : memref<!tpu.dma_semaphore, #tpu.memory_space<semaphore_mem>>)
    %mul3A_8 = arith.constant 1024 : i32
    %mul3A_9 = arith.muli %add3A, %mul3A_8 : i32
    %dma_start3A_10 = arith.constant 1024 : i32
    %dma_start3A_11 = tpu.memref_slice %arg10[%dma_start3A_10] : memref<8448xi32, #tpu.memory_space<vmem>> -> memref<1024xi32, #tpu.memory_space<vmem>>
    %dma_start3A_12 = tpu.memref_slice %arg3[%mul3A_9] : memref<32768xi32, #tpu.memory_space<hbm>> -> memref<1024xi32, #tpu.memory_space<hbm>>
    %dma_start3A_13 = arith.constant 1024 : i32
    %dma_start3A_14 = tpu.memref_slice %arg10[%dma_start3A_13] : memref<8448xi32, #tpu.memory_space<vmem>> -> memref<1024xi32, #tpu.memory_space<vmem>>
    %dma_start3A_15 = tpu.memref_slice %arg3[%mul3A_9] : memref<32768xi32, #tpu.memory_space<hbm>> -> memref<1024xi32, #tpu.memory_space<hbm>>
    tpu.enqueue_dma source(%dma_start3A_15 : memref<1024xi32, #tpu.memory_space<hbm>>) target(%dma_start3A_14 : memref<1024xi32, #tpu.memory_space<vmem>>) target_semaphore(%arg16 : memref<!tpu.dma_semaphore, #tpu.memory_space<semaphore_mem>>)
    %mul3A_16 = arith.constant 6400 : i32
    %mul3A_17 = arith.muli %add3A, %mul3A_16 : i32
    %dma_start3A_18 = arith.constant 2048 : i32
    %dma_start3A_19 = tpu.memref_slice %arg10[%dma_start3A_18] : memref<8448xi32, #tpu.memory_space<vmem>> -> memref<6400xi32, #tpu.memory_space<vmem>>
    %dma_start3A_20 = tpu.memref_slice %arg4[%mul3A_17] : memref<204800xi32, #tpu.memory_space<hbm>> -> memref<6400xi32, #tpu.memory_space<hbm>>
    %dma_start3A_21 = arith.constant 2048 : i32
    %dma_start3A_22 = tpu.memref_slice %arg10[%dma_start3A_21] : memref<8448xi32, #tpu.memory_space<vmem>> -> memref<6400xi32, #tpu.memory_space<vmem>>
    %dma_start3A_23 = tpu.memref_slice %arg4[%mul3A_17] : memref<204800xi32, #tpu.memory_space<hbm>> -> memref<6400xi32, #tpu.memory_space<hbm>>
    tpu.enqueue_dma source(%dma_start3A_23 : memref<6400xi32, #tpu.memory_space<hbm>>) target(%dma_start3A_22 : memref<6400xi32, #tpu.memory_space<vmem>>) target_semaphore(%arg16 : memref<!tpu.dma_semaphore, #tpu.memory_space<semaphore_mem>>)
    %dma_wait3A = arith.constant 0 : i32
    %dma_wait3A_24 = tpu.memref_slice %arg10[%dma_wait3A] : memref<8448xi32, #tpu.memory_space<vmem>> -> memref<1024xi32, #tpu.memory_space<vmem>>
    %dma_wait3A_25 = arith.constant 0 : i32
    %dma_wait3A_26 = tpu.memref_slice %arg2[%dma_wait3A_25] : memref<32768xi32, #tpu.memory_space<hbm>> -> memref<1024xi32, #tpu.memory_space<hbm>>
    %dma_wait3A_27 = arith.constant 0 : i32
    %dma_wait3A_28 = tpu.memref_slice %arg10[%dma_wait3A_27] : memref<8448xi32, #tpu.memory_space<vmem>> -> memref<1024xi32, #tpu.memory_space<vmem>>
    %dma_wait3A_29 = arith.constant 0 : i32
    %dma_wait3A_30 = tpu.memref_slice %arg2[%dma_wait3A_29] : memref<32768xi32, #tpu.memory_space<hbm>> -> memref<1024xi32, #tpu.memory_space<hbm>>
    tpu.wait_dma2 semaphore(%arg16 : memref<!tpu.dma_semaphore, #tpu.memory_space<semaphore_mem>>) src(%dma_wait3A_30 : memref<1024xi32, #tpu.memory_space<hbm>>) dst(%dma_wait3A_28 : memref<1024xi32, #tpu.memory_space<vmem>>)
    %dma_wait3A_31 = arith.constant 1024 : i32
    %dma_wait3A_32 = tpu.memref_slice %arg10[%dma_wait3A_31] : memref<8448xi32, #tpu.memory_space<vmem>> -> memref<1024xi32, #tpu.memory_space<vmem>>
    %dma_wait3A_33 = arith.constant 0 : i32
    %dma_wait3A_34 = tpu.memref_slice %arg3[%dma_wait3A_33] : memref<32768xi32, #tpu.memory_space<hbm>> -> memref<1024xi32, #tpu.memory_space<hbm>>
    %dma_wait3A_35 = arith.constant 1024 : i32
    %dma_wait3A_36 = tpu.memref_slice %arg10[%dma_wait3A_35] : memref<8448xi32, #tpu.memory_space<vmem>> -> memref<1024xi32, #tpu.memory_space<vmem>>
    %dma_wait3A_37 = arith.constant 0 : i32
    %dma_wait3A_38 = tpu.memref_slice %arg3[%dma_wait3A_37] : memref<32768xi32, #tpu.memory_space<hbm>> -> memref<1024xi32, #tpu.memory_space<hbm>>
    tpu.wait_dma2 semaphore(%arg16 : memref<!tpu.dma_semaphore, #tpu.memory_space<semaphore_mem>>) src(%dma_wait3A_38 : memref<1024xi32, #tpu.memory_space<hbm>>) dst(%dma_wait3A_36 : memref<1024xi32, #tpu.memory_space<vmem>>)
    %dma_wait3A_39 = arith.constant 2048 : i32
    %dma_wait3A_40 = tpu.memref_slice %arg10[%dma_wait3A_39] : memref<8448xi32, #tpu.memory_space<vmem>> -> memref<6400xi32, #tpu.memory_space<vmem>>
    %dma_wait3A_41 = arith.constant 0 : i32
    %dma_wait3A_42 = tpu.memref_slice %arg4[%dma_wait3A_41] : memref<204800xi32, #tpu.memory_space<hbm>> -> memref<6400xi32, #tpu.memory_space<hbm>>
    %dma_wait3A_43 = arith.constant 2048 : i32
    %dma_wait3A_44 = tpu.memref_slice %arg10[%dma_wait3A_43] : memref<8448xi32, #tpu.memory_space<vmem>> -> memref<6400xi32, #tpu.memory_space<vmem>>
    %dma_wait3A_45 = arith.constant 0 : i32
    %dma_wait3A_46 = tpu.memref_slice %arg4[%dma_wait3A_45] : memref<204800xi32, #tpu.memory_space<hbm>> -> memref<6400xi32, #tpu.memory_space<hbm>>
    tpu.wait_dma2 semaphore(%arg16 : memref<!tpu.dma_semaphore, #tpu.memory_space<semaphore_mem>>) src(%dma_wait3A_46 : memref<6400xi32, #tpu.memory_space<hbm>>) dst(%dma_wait3A_44 : memref<6400xi32, #tpu.memory_space<vmem>>)
    %mul3A_47 = arith.constant 1024 : i32
    %mul3A_48 = arith.muli %add3A, %mul3A_47 : i32
    %dma_start3A_49 = arith.constant 0 : i32
    %dma_start3A_50 = arith.constant 0 : i32
    %dma_start3A_51 = arith.constant 0 : i32
    %dma_start3A_52 = tpu.memref_slice %arg11[%dma_start3A_49, %dma_start3A_50, %dma_start3A_51] : memref<2x512x64xf32, #tpu.memory_space<vmem>> -> memref<1x128x64xf32, #tpu.memory_space<vmem>>
    %dma_start3A_53 = tpu.memref_squeeze %dma_start3A_52 : memref<1x128x64xf32, #tpu.memory_space<vmem>> -> memref<128x64xf32, #tpu.memory_space<vmem>>
    %dma_start3A_54 = arith.constant 0 : i32
    %dma_start3A_55 = tpu.memref_slice %arg10[%dma_start3A_54] : memref<8448xi32, #tpu.memory_space<vmem>> -> memref<128xi32, #tpu.memory_space<vmem>>
    %dma_start3A_56 = arith.constant 0 : i32
    %dma_start3A_57 = arith.constant 0 : i32
    %dma_start3A_58 = tpu.memref_slice %arg5[%dma_start3A_56, %dma_start3A_57] : memref<100000x64xf32, #tpu.memory_space<hbm>> -> memref<100000x64xf32, #tpu.memory_space<hbm>>
    tpu.enqueue_indirect_dma source(%dma_start3A_58 : memref<100000x64xf32, #tpu.memory_space<hbm>>) target(%dma_start3A_53 : memref<128x64xf32, #tpu.memory_space<vmem>>) offsets(%dma_start3A_55 : memref<128xi32, #tpu.memory_space<vmem>>) semaphore(%arg12 : memref<!tpu.dma_semaphore, #tpu.memory_space<semaphore_mem>>)
    %dma_start3A_59 = arith.constant 0 : i32
    %dma_start3A_60 = arith.constant 128 : i32
    %dma_start3A_61 = arith.constant 0 : i32
    %dma_start3A_62 = tpu.memref_slice %arg11[%dma_start3A_59, %dma_start3A_60, %dma_start3A_61] : memref<2x512x64xf32, #tpu.memory_space<vmem>> -> memref<1x128x64xf32, #tpu.memory_space<vmem>>
    %dma_start3A_63 = tpu.memref_squeeze %dma_start3A_62 : memref<1x128x64xf32, #tpu.memory_space<vmem>> -> memref<128x64xf32, #tpu.memory_space<vmem>>
    %dma_start3A_64 = arith.constant 128 : i32
    %dma_start3A_65 = tpu.memref_slice %arg10[%dma_start3A_64] : memref<8448xi32, #tpu.memory_space<vmem>> -> memref<128xi32, #tpu.memory_space<vmem>>
    %dma_start3A_66 = arith.constant 0 : i32
    %dma_start3A_67 = arith.constant 0 : i32
    %dma_start3A_68 = tpu.memref_slice %arg5[%dma_start3A_66, %dma_start3A_67] : memref<100000x64xf32, #tpu.memory_space<hbm>> -> memref<100000x64xf32, #tpu.memory_space<hbm>>
    tpu.enqueue_indirect_dma source(%dma_start3A_68 : memref<100000x64xf32, #tpu.memory_space<hbm>>) target(%dma_start3A_63 : memref<128x64xf32, #tpu.memory_space<vmem>>) offsets(%dma_start3A_65 : memref<128xi32, #tpu.memory_space<vmem>>) semaphore(%arg12 : memref<!tpu.dma_semaphore, #tpu.memory_space<semaphore_mem>>)
    %dma_start3A_69 = arith.constant 0 : i32
    %dma_start3A_70 = arith.constant 256 : i32
    %dma_start3A_71 = arith.constant 0 : i32
    %dma_start3A_72 = tpu.memref_slice %arg11[%dma_start3A_69, %dma_start3A_70, %dma_start3A_71] : memref<2x512x64xf32, #tpu.memory_space<vmem>> -> memref<1x128x64xf32, #tpu.memory_space<vmem>>
    %dma_start3A_73 = tpu.memref_squeeze %dma_start3A_72 : memref<1x128x64xf32, #tpu.memory_space<vmem>> -> memref<128x64xf32, #tpu.memory_space<vmem>>
    %dma_start3A_74 = arith.constant 256 : i32
    %dma_start3A_75 = tpu.memref_slice %arg10[%dma_start3A_74] : memref<8448xi32, #tpu.memory_space<vmem>> -> memref<128xi32, #tpu.memory_space<vmem>>
    %dma_start3A_76 = arith.constant 0 : i32
    %dma_start3A_77 = arith.constant 0 : i32
    %dma_start3A_78 = tpu.memref_slice %arg5[%dma_start3A_76, %dma_start3A_77] : memref<100000x64xf32, #tpu.memory_space<hbm>> -> memref<100000x64xf32, #tpu.memory_space<hbm>>
    tpu.enqueue_indirect_dma source(%dma_start3A_78 : memref<100000x64xf32, #tpu.memory_space<hbm>>) target(%dma_start3A_73 : memref<128x64xf32, #tpu.memory_space<vmem>>) offsets(%dma_start3A_75 : memref<128xi32, #tpu.memory_space<vmem>>) semaphore(%arg12 : memref<!tpu.dma_semaphore, #tpu.memory_space<semaphore_mem>>)
    %dma_start3A_79 = arith.constant 0 : i32
    %dma_start3A_80 = arith.constant 384 : i32
    %dma_start3A_81 = arith.constant 0 : i32
    %dma_start3A_82 = tpu.memref_slice %arg11[%dma_start3A_79, %dma_start3A_80, %dma_start3A_81] : memref<2x512x64xf32, #tpu.memory_space<vmem>> -> memref<1x128x64xf32, #tpu.memory_space<vmem>>
    %dma_start3A_83 = tpu.memref_squeeze %dma_start3A_82 : memref<1x128x64xf32, #tpu.memory_space<vmem>> -> memref<128x64xf32, #tpu.memory_space<vmem>>
    %dma_start3A_84 = arith.constant 384 : i32
    %dma_start3A_85 = tpu.memref_slice %arg10[%dma_start3A_84] : memref<8448xi32, #tpu.memory_space<vmem>> -> memref<128xi32, #tpu.memory_space<vmem>>
    %dma_start3A_86 = arith.constant 0 : i32
    %dma_start3A_87 = arith.constant 0 : i32
    %dma_start3A_88 = tpu.memref_slice %arg5[%dma_start3A_86, %dma_start3A_87] : memref<100000x64xf32, #tpu.memory_space<hbm>> -> memref<100000x64xf32, #tpu.memory_space<hbm>>
    tpu.enqueue_indirect_dma source(%dma_start3A_88 : memref<100000x64xf32, #tpu.memory_space<hbm>>) target(%dma_start3A_83 : memref<128x64xf32, #tpu.memory_space<vmem>>) offsets(%dma_start3A_85 : memref<128xi32, #tpu.memory_space<vmem>>) semaphore(%arg12 : memref<!tpu.dma_semaphore, #tpu.memory_space<semaphore_mem>>)
    %dma_start3A_89 = arith.constant 1 : i32
    %dma_start3A_90 = arith.constant 0 : i32
    %dma_start3A_91 = arith.constant 0 : i32
    %dma_start3A_92 = tpu.memref_slice %arg11[%dma_start3A_89, %dma_start3A_90, %dma_start3A_91] : memref<2x512x64xf32, #tpu.memory_space<vmem>> -> memref<1x128x64xf32, #tpu.memory_space<vmem>>
    %dma_start3A_93 = tpu.memref_squeeze %dma_start3A_92 : memref<1x128x64xf32, #tpu.memory_space<vmem>> -> memref<128x64xf32, #tpu.memory_space<vmem>>
    %dma_start3A_94 = arith.constant 512 : i32
    %dma_start3A_95 = tpu.memref_slice %arg10[%dma_start3A_94] : memref<8448xi32, #tpu.memory_space<vmem>> -> memref<128xi32, #tpu.memory_space<vmem>>
    %dma_start3A_96 = arith.constant 0 : i32
    %dma_start3A_97 = arith.constant 0 : i32
    %dma_start3A_98 = tpu.memref_slice %arg5[%dma_start3A_96, %dma_start3A_97] : memref<100000x64xf32, #tpu.memory_space<hbm>> -> memref<100000x64xf32, #tpu.memory_space<hbm>>
    tpu.enqueue_indirect_dma source(%dma_start3A_98 : memref<100000x64xf32, #tpu.memory_space<hbm>>) target(%dma_start3A_93 : memref<128x64xf32, #tpu.memory_space<vmem>>) offsets(%dma_start3A_95 : memref<128xi32, #tpu.memory_space<vmem>>) semaphore(%arg13 : memref<!tpu.dma_semaphore, #tpu.memory_space<semaphore_mem>>)
    %dma_start3A_99 = arith.constant 1 : i32
    %dma_start3A_100 = arith.constant 128 : i32
    %dma_start3A_101 = arith.constant 0 : i32
    %dma_start3A_102 = tpu.memref_slice %arg11[%dma_start3A_99, %dma_start3A_100, %dma_start3A_101] : memref<2x512x64xf32, #tpu.memory_space<vmem>> -> memref<1x128x64xf32, #tpu.memory_space<vmem>>
    %dma_start3A_103 = tpu.memref_squeeze %dma_start3A_102 : memref<1x128x64xf32, #tpu.memory_space<vmem>> -> memref<128x64xf32, #tpu.memory_space<vmem>>
    %dma_start3A_104 = arith.constant 640 : i32
    %dma_start3A_105 = tpu.memref_slice %arg10[%dma_start3A_104] : memref<8448xi32, #tpu.memory_space<vmem>> -> memref<128xi32, #tpu.memory_space<vmem>>
    %dma_start3A_106 = arith.constant 0 : i32
    %dma_start3A_107 = arith.constant 0 : i32
    %dma_start3A_108 = tpu.memref_slice %arg5[%dma_start3A_106, %dma_start3A_107] : memref<100000x64xf32, #tpu.memory_space<hbm>> -> memref<100000x64xf32, #tpu.memory_space<hbm>>
    tpu.enqueue_indirect_dma source(%dma_start3A_108 : memref<100000x64xf32, #tpu.memory_space<hbm>>) target(%dma_start3A_103 : memref<128x64xf32, #tpu.memory_space<vmem>>) offsets(%dma_start3A_105 : memref<128xi32, #tpu.memory_space<vmem>>) semaphore(%arg13 : memref<!tpu.dma_semaphore, #tpu.memory_space<semaphore_mem>>)
    %dma_start3A_109 = arith.constant 1 : i32
    %dma_start3A_110 = arith.constant 256 : i32
    %dma_start3A_111 = arith.constant 0 : i32
    %dma_start3A_112 = tpu.memref_slice %arg11[%dma_start3A_109, %dma_start3A_110, %dma_start3A_111] : memref<2x512x64xf32, #tpu.memory_space<vmem>> -> memref<1x128x64xf32, #tpu.memory_space<vmem>>
    %dma_start3A_113 = tpu.memref_squeeze %dma_start3A_112 : memref<1x128x64xf32, #tpu.memory_space<vmem>> -> memref<128x64xf32, #tpu.memory_space<vmem>>
    %dma_start3A_114 = arith.constant 768 : i32
    %dma_start3A_115 = tpu.memref_slice %arg10[%dma_start3A_114] : memref<8448xi32, #tpu.memory_space<vmem>> -> memref<128xi32, #tpu.memory_space<vmem>>
    %dma_start3A_116 = arith.constant 0 : i32
    %dma_start3A_117 = arith.constant 0 : i32
    %dma_start3A_118 = tpu.memref_slice %arg5[%dma_start3A_116, %dma_start3A_117] : memref<100000x64xf32, #tpu.memory_space<hbm>> -> memref<100000x64xf32, #tpu.memory_space<hbm>>
    tpu.enqueue_indirect_dma source(%dma_start3A_118 : memref<100000x64xf32, #tpu.memory_space<hbm>>) target(%dma_start3A_113 : memref<128x64xf32, #tpu.memory_space<vmem>>) offsets(%dma_start3A_115 : memref<128xi32, #tpu.memory_space<vmem>>) semaphore(%arg13 : memref<!tpu.dma_semaphore, #tpu.memory_space<semaphore_mem>>)
    %dma_start3A_119 = arith.constant 1 : i32
    %dma_start3A_120 = arith.constant 384 : i32
    %dma_start3A_121 = arith.constant 0 : i32
    %dma_start3A_122 = tpu.memref_slice %arg11[%dma_start3A_119, %dma_start3A_120, %dma_start3A_121] : memref<2x512x64xf32, #tpu.memory_space<vmem>> -> memref<1x128x64xf32, #tpu.memory_space<vmem>>
    %dma_start3A_123 = tpu.memref_squeeze %dma_start3A_122 : memref<1x128x64xf32, #tpu.memory_space<vmem>> -> memref<128x64xf32, #tpu.memory_space<vmem>>
    %dma_start3A_124 = arith.constant 896 : i32
    %dma_start3A_125 = tpu.memref_slice %arg10[%dma_start3A_124] : memref<8448xi32, #tpu.memory_space<vmem>> -> memref<128xi32, #tpu.memory_space<vmem>>
    %dma_start3A_126 = arith.constant 0 : i32
    %dma_start3A_127 = arith.constant 0 : i32
    %dma_start3A_128 = tpu.memref_slice %arg5[%dma_start3A_126, %dma_start3A_127] : memref<100000x64xf32, #tpu.memory_space<hbm>> -> memref<100000x64xf32, #tpu.memory_space<hbm>>
    tpu.enqueue_indirect_dma source(%dma_start3A_128 : memref<100000x64xf32, #tpu.memory_space<hbm>>) target(%dma_start3A_123 : memref<128x64xf32, #tpu.memory_space<vmem>>) offsets(%dma_start3A_125 : memref<128xi32, #tpu.memory_space<vmem>>) semaphore(%arg13 : memref<!tpu.dma_semaphore, #tpu.memory_space<semaphore_mem>>)
    %dma_wait3A_129 = arith.constant 0 : i32
    %dma_wait3A_130 = arith.constant 0 : i32
    %dma_wait3A_131 = arith.constant 0 : i32
    %dma_wait3A_132 = tpu.memref_slice %arg11[%dma_wait3A_129, %dma_wait3A_130, %dma_wait3A_131] : memref<2x512x64xf32, #tpu.memory_space<vmem>> -> memref<1x512x64xf32, #tpu.memory_space<vmem>>
    %dma_wait3A_133 = tpu.memref_squeeze %dma_wait3A_132 : memref<1x512x64xf32, #tpu.memory_space<vmem>> -> memref<512x64xf32, #tpu.memory_space<vmem>>
    %dma_wait3A_134 = arith.constant 0 : i32
    %dma_wait3A_135 = arith.constant 0 : i32
    %dma_wait3A_136 = tpu.memref_slice %arg5[%dma_wait3A_134, %dma_wait3A_135] : memref<100000x64xf32, #tpu.memory_space<hbm>> -> memref<512x64xf32, #tpu.memory_space<hbm>>
    %dma_wait3A_137 = arith.constant 0 : i32
    %dma_wait3A_138 = arith.constant 0 : i32
    %dma_wait3A_139 = tpu.memref_slice %arg11[%dma_wait3A_129, %dma_wait3A_137, %dma_wait3A_138] : memref<2x512x64xf32, #tpu.memory_space<vmem>> -> memref<1x512x64xf32, #tpu.memory_space<vmem>>
    %dma_wait3A_140 = tpu.memref_squeeze %dma_wait3A_139 : memref<1x512x64xf32, #tpu.memory_space<vmem>> -> memref<512x64xf32, #tpu.memory_space<vmem>>
    %dma_wait3A_141 = arith.constant 0 : i32
    %dma_wait3A_142 = arith.constant 0 : i32
    %dma_wait3A_143 = tpu.memref_slice %arg5[%dma_wait3A_141, %dma_wait3A_142] : memref<100000x64xf32, #tpu.memory_space<hbm>> -> memref<512x64xf32, #tpu.memory_space<hbm>>
    tpu.wait_dma2 semaphore(%arg12 : memref<!tpu.dma_semaphore, #tpu.memory_space<semaphore_mem>>) src(%dma_wait3A_143 : memref<512x64xf32, #tpu.memory_space<hbm>>) dst(%dma_wait3A_140 : memref<512x64xf32, #tpu.memory_space<vmem>>)
    %add3A_144 = arith.constant 0 : i32
    %add3A_145 = arith.addi %mul3A_48, %add3A_144 : i32
    %dma_start3A_146 = arith.constant 0 : i32
    %dma_start3A_147 = arith.constant 0 : i32
    %dma_start3A_148 = arith.constant 0 : i32
    %dma_start3A_149 = arith.constant 0 : i32
    %dma_start3A_150 = tpu.memref_slice %arg11[%dma_start3A_146, %dma_start3A_148, %dma_start3A_149] : memref<2x512x64xf32, #tpu.memory_space<vmem>> -> memref<1x512x64xf32, #tpu.memory_space<vmem>>
    %dma_start3A_151 = tpu.memref_squeeze %dma_start3A_150 : memref<1x512x64xf32, #tpu.memory_space<vmem>> -> memref<512x64xf32, #tpu.memory_space<vmem>>
    %dma_start3A_152 = arith.constant 0 : i32
    %dma_start3A_153 = tpu.memref_slice %arg8[%add3A_145, %dma_start3A_147, %dma_start3A_152] : memref<32768x2x64xf32, #tpu.memory_space<hbm>> -> memref<512x1x64xf32, #tpu.memory_space<hbm>>
    %dma_start3A_154 = tpu.memref_squeeze %dma_start3A_153 : memref<512x1x64xf32, #tpu.memory_space<hbm>> -> memref<512x64xf32, #tpu.memory_space<hbm>>
    %dma_start3A_155 = arith.constant 0 : i32
    %dma_start3A_156 = tpu.memref_slice %arg8[%add3A_145, %dma_start3A_147, %dma_start3A_155] : memref<32768x2x64xf32, #tpu.memory_space<hbm>> -> memref<512x1x64xf32, #tpu.memory_space<hbm>>
    %dma_start3A_157 = tpu.memref_squeeze %dma_start3A_156 : memref<512x1x64xf32, #tpu.memory_space<hbm>> -> memref<512x64xf32, #tpu.memory_space<hbm>>
    %dma_start3A_158 = arith.constant 0 : i32
    %dma_start3A_159 = arith.constant 0 : i32
    %dma_start3A_160 = tpu.memref_slice %arg11[%dma_start3A_146, %dma_start3A_158, %dma_start3A_159] : memref<2x512x64xf32, #tpu.memory_space<vmem>> -> memref<1x512x64xf32, #tpu.memory_space<vmem>>
    %dma_start3A_161 = tpu.memref_squeeze %dma_start3A_160 : memref<1x512x64xf32, #tpu.memory_space<vmem>> -> memref<512x64xf32, #tpu.memory_space<vmem>>
    tpu.enqueue_dma source(%dma_start3A_161 : memref<512x64xf32, #tpu.memory_space<vmem>>) target(%dma_start3A_157 : memref<512x64xf32, #tpu.memory_space<hbm>>) target_semaphore(%arg14 : memref<!tpu.dma_semaphore, #tpu.memory_space<semaphore_mem>>)
    %scan3A = arith.constant 0 : i32
    %scan3A_162 = arith.constant 1 : i32
    %scan3A_163 = arith.constant 0 : i32
    %scan3A_164 = arith.addi %scan3A_162, %scan3A_163 : i32
    %scan3A_165 = arith.constant 0 : i32
    %dma_wait3A_166 = arith.constant 1 : i32
    %dma_wait3A_167 = arith.constant 0 : i32
    %dma_wait3A_168 = arith.constant 0 : i32
    %dma_wait3A_169 = tpu.memref_slice %arg11[%dma_wait3A_166, %dma_wait3A_167, %dma_wait3A_168] : memref<2x512x64xf32, #tpu.memory_space<vmem>> -> memref<1x512x64xf32, #tpu.memory_space<vmem>>
    %dma_wait3A_170 = tpu.memref_squeeze %dma_wait3A_169 : memref<1x512x64xf32, #tpu.memory_space<vmem>> -> memref<512x64xf32, #tpu.memory_space<vmem>>
    %dma_wait3A_171 = arith.constant 0 : i32
    %dma_wait3A_172 = arith.constant 0 : i32
    %dma_wait3A_173 = tpu.memref_slice %arg5[%dma_wait3A_171, %dma_wait3A_172] : memref<100000x64xf32, #tpu.memory_space<hbm>> -> memref<512x64xf32, #tpu.memory_space<hbm>>
    %dma_wait3A_174 = arith.constant 0 : i32
    %dma_wait3A_175 = arith.constant 0 : i32
    %dma_wait3A_176 = tpu.memref_slice %arg11[%dma_wait3A_166, %dma_wait3A_174, %dma_wait3A_175] : memref<2x512x64xf32, #tpu.memory_space<vmem>> -> memref<1x512x64xf32, #tpu.memory_space<vmem>>
    %dma_wait3A_177 = tpu.memref_squeeze %dma_wait3A_176 : memref<1x512x64xf32, #tpu.memory_space<vmem>> -> memref<512x64xf32, #tpu.memory_space<vmem>>
    %dma_wait3A_178 = arith.constant 0 : i32
    %dma_wait3A_179 = arith.constant 0 : i32
    %dma_wait3A_180 = tpu.memref_slice %arg5[%dma_wait3A_178, %dma_wait3A_179] : memref<100000x64xf32, #tpu.memory_space<hbm>> -> memref<512x64xf32, #tpu.memory_space<hbm>>
    tpu.wait_dma2 semaphore(%arg13 : memref<!tpu.dma_semaphore, #tpu.memory_space<semaphore_mem>>) src(%dma_wait3A_180 : memref<512x64xf32, #tpu.memory_space<hbm>>) dst(%dma_wait3A_177 : memref<512x64xf32, #tpu.memory_space<vmem>>)
    %add3A_181 = arith.constant 512 : i32
    %add3A_182 = arith.addi %mul3A_48, %add3A_181 : i32
    %dma_start3A_183 = arith.constant 1 : i32
    %dma_start3A_184 = arith.constant 0 : i32
    %dma_start3A_185 = arith.constant 0 : i32
    %dma_start3A_186 = arith.constant 0 : i32
    %dma_start3A_187 = tpu.memref_slice %arg11[%dma_start3A_183, %dma_start3A_185, %dma_start3A_186] : memref<2x512x64xf32, #tpu.memory_space<vmem>> -> memref<1x512x64xf32, #tpu.memory_space<vmem>>
    %dma_start3A_188 = tpu.memref_squeeze %dma_start3A_187 : memref<1x512x64xf32, #tpu.memory_space<vmem>> -> memref<512x64xf32, #tpu.memory_space<vmem>>
    %dma_start3A_189 = arith.constant 0 : i32
    %dma_start3A_190 = tpu.memref_slice %arg8[%add3A_182, %dma_start3A_184, %dma_start3A_189] : memref<32768x2x64xf32, #tpu.memory_space<hbm>> -> memref<512x1x64xf32, #tpu.memory_space<hbm>>
    %dma_start3A_191 = tpu.memref_squeeze %dma_start3A_190 : memref<512x1x64xf32, #tpu.memory_space<hbm>> -> memref<512x64xf32, #tpu.memory_space<hbm>>
    %dma_start3A_192 = arith.constant 0 : i32
    %dma_start3A_193 = tpu.memref_slice %arg8[%add3A_182, %dma_start3A_184, %dma_start3A_192] : memref<32768x2x64xf32, #tpu.memory_space<hbm>> -> memref<512x1x64xf32, #tpu.memory_space<hbm>>
    %dma_start3A_194 = tpu.memref_squeeze %dma_start3A_193 : memref<512x1x64xf32, #tpu.memory_space<hbm>> -> memref<512x64xf32, #tpu.memory_space<hbm>>
    %dma_start3A_195 = arith.constant 0 : i32
    %dma_start3A_196 = arith.constant 0 : i32
    %dma_start3A_197 = tpu.memref_slice %arg11[%dma_start3A_183, %dma_start3A_195, %dma_start3A_196] : memref<2x512x64xf32, #tpu.memory_space<vmem>> -> memref<1x512x64xf32, #tpu.memory_space<vmem>>
    %dma_start3A_198 = tpu.memref_squeeze %dma_start3A_197 : memref<1x512x64xf32, #tpu.memory_space<vmem>> -> memref<512x64xf32, #tpu.memory_space<vmem>>
    tpu.enqueue_dma source(%dma_start3A_198 : memref<512x64xf32, #tpu.memory_space<vmem>>) target(%dma_start3A_194 : memref<512x64xf32, #tpu.memory_space<hbm>>) target_semaphore(%arg15 : memref<!tpu.dma_semaphore, #tpu.memory_space<semaphore_mem>>)
    %add3A_199 = arith.constant 0 : i32
    %add3A_200 = arith.addi %mul3A_48, %add3A_199 : i32
    %dma_wait3A_201 = arith.constant 0 : i32
    %dma_wait3A_202 = arith.constant 0 : i32
    %dma_wait3A_203 = arith.constant 0 : i32
    %dma_wait3A_204 = arith.constant 0 : i32
    %dma_wait3A_205 = tpu.memref_slice %arg11[%dma_wait3A_201, %dma_wait3A_203, %dma_wait3A_204] : memref<2x512x64xf32, #tpu.memory_space<vmem>> -> memref<1x512x64xf32, #tpu.memory_space<vmem>>
    %dma_wait3A_206 = tpu.memref_squeeze %dma_wait3A_205 : memref<1x512x64xf32, #tpu.memory_space<vmem>> -> memref<512x64xf32, #tpu.memory_space<vmem>>
    %dma_wait3A_207 = arith.constant 0 : i32
    %dma_wait3A_208 = tpu.memref_slice %arg8[%add3A_200, %dma_wait3A_202, %dma_wait3A_207] : memref<32768x2x64xf32, #tpu.memory_space<hbm>> -> memref<512x1x64xf32, #tpu.memory_space<hbm>>
    %dma_wait3A_209 = tpu.memref_squeeze %dma_wait3A_208 : memref<512x1x64xf32, #tpu.memory_space<hbm>> -> memref<512x64xf32, #tpu.memory_space<hbm>>
    %dma_wait3A_210 = arith.constant 0 : i32
    %dma_wait3A_211 = tpu.memref_slice %arg8[%add3A_200, %dma_wait3A_202, %dma_wait3A_210] : memref<32768x2x64xf32, #tpu.memory_space<hbm>> -> memref<512x1x64xf32, #tpu.memory_space<hbm>>
    %dma_wait3A_212 = tpu.memref_squeeze %dma_wait3A_211 : memref<512x1x64xf32, #tpu.memory_space<hbm>> -> memref<512x64xf32, #tpu.memory_space<hbm>>
    %dma_wait3A_213 = arith.constant 0 : i32
    %dma_wait3A_214 = arith.constant 0 : i32
    %dma_wait3A_215 = tpu.memref_slice %arg11[%dma_wait3A_201, %dma_wait3A_213, %dma_wait3A_214] : memref<2x512x64xf32, #tpu.memory_space<vmem>> -> memref<1x512x64xf32, #tpu.memory_space<vmem>>
    %dma_wait3A_216 = tpu.memref_squeeze %dma_wait3A_215 : memref<1x512x64xf32, #tpu.memory_space<vmem>> -> memref<512x64xf32, #tpu.memory_space<vmem>>
    tpu.wait_dma2 semaphore(%arg14 : memref<!tpu.dma_semaphore, #tpu.memory_space<semaphore_mem>>) src(%dma_wait3A_216 : memref<512x64xf32, #tpu.memory_space<vmem>>) dst(%dma_wait3A_212 : memref<512x64xf32, #tpu.memory_space<hbm>>)
    %add3A_217 = arith.constant 512 : i32
    %add3A_218 = arith.addi %mul3A_48, %add3A_217 : i32
    %dma_wait3A_219 = arith.constant 1 : i32
    %dma_wait3A_220 = arith.constant 0 : i32
    %dma_wait3A_221 = arith.constant 0 : i32
    %dma_wait3A_222 = arith.constant 0 : i32
    %dma_wait3A_223 = tpu.memref_slice %arg11[%dma_wait3A_219, %dma_wait3A_221, %dma_wait3A_222] : memref<2x512x64xf32, #tpu.memory_space<vmem>> -> memref<1x512x64xf32, #tpu.memory_space<vmem>>
    %dma_wait3A_224 = tpu.memref_squeeze %dma_wait3A_223 : memref<1x512x64xf32, #tpu.memory_space<vmem>> -> memref<512x64xf32, #tpu.memory_space<vmem>>
    %dma_wait3A_225 = arith.constant 0 : i32
    %dma_wait3A_226 = tpu.memref_slice %arg8[%add3A_218, %dma_wait3A_220, %dma_wait3A_225] : memref<32768x2x64xf32, #tpu.memory_space<hbm>> -> memref<512x1x64xf32, #tpu.memory_space<hbm>>
    %dma_wait3A_227 = tpu.memref_squeeze %dma_wait3A_226 : memref<512x1x64xf32, #tpu.memory_space<hbm>> -> memref<512x64xf32, #tpu.memory_space<hbm>>
    %dma_wait3A_228 = arith.constant 0 : i32
    %dma_wait3A_229 = tpu.memref_slice %arg8[%add3A_218, %dma_wait3A_220, %dma_wait3A_228] : memref<32768x2x64xf32, #tpu.memory_space<hbm>> -> memref<512x1x64xf32, #tpu.memory_space<hbm>>
    %dma_wait3A_230 = tpu.memref_squeeze %dma_wait3A_229 : memref<512x1x64xf32, #tpu.memory_space<hbm>> -> memref<512x64xf32, #tpu.memory_space<hbm>>
    %dma_wait3A_231 = arith.constant 0 : i32
    %dma_wait3A_232 = arith.constant 0 : i32
    %dma_wait3A_233 = tpu.memref_slice %arg11[%dma_wait3A_219, %dma_wait3A_231, %dma_wait3A_232] : memref<2x512x64xf32, #tpu.memory_space<vmem>> -> memref<1x512x64xf32, #tpu.memory_space<vmem>>
    %dma_wait3A_234 = tpu.memref_squeeze %dma_wait3A_233 : memref<1x512x64xf32, #tpu.memory_space<vmem>> -> memref<512x64xf32, #tpu.memory_space<vmem>>
    tpu.wait_dma2 semaphore(%arg15 : memref<!tpu.dma_semaphore, #tpu.memory_space<semaphore_mem>>) src(%dma_wait3A_234 : memref<512x64xf32, #tpu.memory_space<vmem>>) dst(%dma_wait3A_230 : memref<512x64xf32, #tpu.memory_space<hbm>>)
    %mul3A_235 = arith.constant 1024 : i32
    %mul3A_236 = arith.muli %add3A, %mul3A_235 : i32
    %dma_start3A_237 = arith.constant 0 : i32
    %dma_start3A_238 = arith.constant 0 : i32
    %dma_start3A_239 = arith.constant 0 : i32
    %dma_start3A_240 = tpu.memref_slice %arg11[%dma_start3A_237, %dma_start3A_238, %dma_start3A_239] : memref<2x512x64xf32, #tpu.memory_space<vmem>> -> memref<1x128x64xf32, #tpu.memory_space<vmem>>
    %dma_start3A_241 = tpu.memref_squeeze %dma_start3A_240 : memref<1x128x64xf32, #tpu.memory_space<vmem>> -> memref<128x64xf32, #tpu.memory_space<vmem>>
    %dma_start3A_242 = arith.constant 1024 : i32
    %dma_start3A_243 = tpu.memref_slice %arg10[%dma_start3A_242] : memref<8448xi32, #tpu.memory_space<vmem>> -> memref<128xi32, #tpu.memory_space<vmem>>
    %dma_start3A_244 = arith.constant 0 : i32
    %dma_start3A_245 = arith.constant 0 : i32
    %dma_start3A_246 = tpu.memref_slice %arg6[%dma_start3A_244, %dma_start3A_245] : memref<100000x64xf32, #tpu.memory_space<hbm>> -> memref<100000x64xf32, #tpu.memory_space<hbm>>
    tpu.enqueue_indirect_dma source(%dma_start3A_246 : memref<100000x64xf32, #tpu.memory_space<hbm>>) target(%dma_start3A_241 : memref<128x64xf32, #tpu.memory_space<vmem>>) offsets(%dma_start3A_243 : memref<128xi32, #tpu.memory_space<vmem>>) semaphore(%arg12 : memref<!tpu.dma_semaphore, #tpu.memory_space<semaphore_mem>>)
    %dma_start3A_247 = arith.constant 0 : i32
    %dma_start3A_248 = arith.constant 128 : i32
    %dma_start3A_249 = arith.constant 0 : i32
    %dma_start3A_250 = tpu.memref_slice %arg11[%dma_start3A_247, %dma_start3A_248, %dma_start3A_249] : memref<2x512x64xf32, #tpu.memory_space<vmem>> -> memref<1x128x64xf32, #tpu.memory_space<vmem>>
    %dma_start3A_251 = tpu.memref_squeeze %dma_start3A_250 : memref<1x128x64xf32, #tpu.memory_space<vmem>> -> memref<128x64xf32, #tpu.memory_space<vmem>>
    %dma_start3A_252 = arith.constant 1152 : i32
    %dma_start3A_253 = tpu.memref_slice %arg10[%dma_start3A_252] : memref<8448xi32, #tpu.memory_space<vmem>> -> memref<128xi32, #tpu.memory_space<vmem>>
    %dma_start3A_254 = arith.constant 0 : i32
    %dma_start3A_255 = arith.constant 0 : i32
    %dma_start3A_256 = tpu.memref_slice %arg6[%dma_start3A_254, %dma_start3A_255] : memref<100000x64xf32, #tpu.memory_space<hbm>> -> memref<100000x64xf32, #tpu.memory_space<hbm>>
    tpu.enqueue_indirect_dma source(%dma_start3A_256 : memref<100000x64xf32, #tpu.memory_space<hbm>>) target(%dma_start3A_251 : memref<128x64xf32, #tpu.memory_space<vmem>>) offsets(%dma_start3A_253 : memref<128xi32, #tpu.memory_space<vmem>>) semaphore(%arg12 : memref<!tpu.dma_semaphore, #tpu.memory_space<semaphore_mem>>)
    %dma_start3A_257 = arith.constant 0 : i32
    %dma_start3A_258 = arith.constant 256 : i32
    %dma_start3A_259 = arith.constant 0 : i32
    %dma_start3A_260 = tpu.memref_slice %arg11[%dma_start3A_257, %dma_start3A_258, %dma_start3A_259] : memref<2x512x64xf32, #tpu.memory_space<vmem>> -> memref<1x128x64xf32, #tpu.memory_space<vmem>>
    %dma_start3A_261 = tpu.memref_squeeze %dma_start3A_260 : memref<1x128x64xf32, #tpu.memory_space<vmem>> -> memref<128x64xf32, #tpu.memory_space<vmem>>
    %dma_start3A_262 = arith.constant 1280 : i32
    %dma_start3A_263 = tpu.memref_slice %arg10[%dma_start3A_262] : memref<8448xi32, #tpu.memory_space<vmem>> -> memref<128xi32, #tpu.memory_space<vmem>>
    %dma_start3A_264 = arith.constant 0 : i32
    %dma_start3A_265 = arith.constant 0 : i32
    %dma_start3A_266 = tpu.memref_slice %arg6[%dma_start3A_264, %dma_start3A_265] : memref<100000x64xf32, #tpu.memory_space<hbm>> -> memref<100000x64xf32, #tpu.memory_space<hbm>>
    tpu.enqueue_indirect_dma source(%dma_start3A_266 : memref<100000x64xf32, #tpu.memory_space<hbm>>) target(%dma_start3A_261 : memref<128x64xf32, #tpu.memory_space<vmem>>) offsets(%dma_start3A_263 : memref<128xi32, #tpu.memory_space<vmem>>) semaphore(%arg12 : memref<!tpu.dma_semaphore, #tpu.memory_space<semaphore_mem>>)
    %dma_start3A_267 = arith.constant 0 : i32
    %dma_start3A_268 = arith.constant 384 : i32
    %dma_start3A_269 = arith.constant 0 : i32
    %dma_start3A_270 = tpu.memref_slice %arg11[%dma_start3A_267, %dma_start3A_268, %dma_start3A_269] : memref<2x512x64xf32, #tpu.memory_space<vmem>> -> memref<1x128x64xf32, #tpu.memory_space<vmem>>
    %dma_start3A_271 = tpu.memref_squeeze %dma_start3A_270 : memref<1x128x64xf32, #tpu.memory_space<vmem>> -> memref<128x64xf32, #tpu.memory_space<vmem>>
    %dma_start3A_272 = arith.constant 1408 : i32
    %dma_start3A_273 = tpu.memref_slice %arg10[%dma_start3A_272] : memref<8448xi32, #tpu.memory_space<vmem>> -> memref<128xi32, #tpu.memory_space<vmem>>
    %dma_start3A_274 = arith.constant 0 : i32
    %dma_start3A_275 = arith.constant 0 : i32
    %dma_start3A_276 = tpu.memref_slice %arg6[%dma_start3A_274, %dma_start3A_275] : memref<100000x64xf32, #tpu.memory_space<hbm>> -> memref<100000x64xf32, #tpu.memory_space<hbm>>
    tpu.enqueue_indirect_dma source(%dma_start3A_276 : memref<100000x64xf32, #tpu.memory_space<hbm>>) target(%dma_start3A_271 : memref<128x64xf32, #tpu.memory_space<vmem>>) offsets(%dma_start3A_273 : memref<128xi32, #tpu.memory_space<vmem>>) semaphore(%arg12 : memref<!tpu.dma_semaphore, #tpu.memory_space<semaphore_mem>>)
    %dma_start3A_277 = arith.constant 1 : i32
    %dma_start3A_278 = arith.constant 0 : i32
    %dma_start3A_279 = arith.constant 0 : i32
    %dma_start3A_280 = tpu.memref_slice %arg11[%dma_start3A_277, %dma_start3A_278, %dma_start3A_279] : memref<2x512x64xf32, #tpu.memory_space<vmem>> -> memref<1x128x64xf32, #tpu.memory_space<vmem>>
    %dma_start3A_281 = tpu.memref_squeeze %dma_start3A_280 : memref<1x128x64xf32, #tpu.memory_space<vmem>> -> memref<128x64xf32, #tpu.memory_space<vmem>>
    %dma_start3A_282 = arith.constant 1536 : i32
    %dma_start3A_283 = tpu.memref_slice %arg10[%dma_start3A_282] : memref<8448xi32, #tpu.memory_space<vmem>> -> memref<128xi32, #tpu.memory_space<vmem>>
    %dma_start3A_284 = arith.constant 0 : i32
    %dma_start3A_285 = arith.constant 0 : i32
    %dma_start3A_286 = tpu.memref_slice %arg6[%dma_start3A_284, %dma_start3A_285] : memref<100000x64xf32, #tpu.memory_space<hbm>> -> memref<100000x64xf32, #tpu.memory_space<hbm>>
    tpu.enqueue_indirect_dma source(%dma_start3A_286 : memref<100000x64xf32, #tpu.memory_space<hbm>>) target(%dma_start3A_281 : memref<128x64xf32, #tpu.memory_space<vmem>>) offsets(%dma_start3A_283 : memref<128xi32, #tpu.memory_space<vmem>>) semaphore(%arg13 : memref<!tpu.dma_semaphore, #tpu.memory_space<semaphore_mem>>)
    %dma_start3A_287 = arith.constant 1 : i32
    %dma_start3A_288 = arith.constant 128 : i32
    %dma_start3A_289 = arith.constant 0 : i32
    %dma_start3A_290 = tpu.memref_slice %arg11[%dma_start3A_287, %dma_start3A_288, %dma_start3A_289] : memref<2x512x64xf32, #tpu.memory_space<vmem>> -> memref<1x128x64xf32, #tpu.memory_space<vmem>>
    %dma_start3A_291 = tpu.memref_squeeze %dma_start3A_290 : memref<1x128x64xf32, #tpu.memory_space<vmem>> -> memref<128x64xf32, #tpu.memory_space<vmem>>
    %dma_start3A_292 = arith.constant 1664 : i32
    %dma_start3A_293 = tpu.memref_slice %arg10[%dma_start3A_292] : memref<8448xi32, #tpu.memory_space<vmem>> -> memref<128xi32, #tpu.memory_space<vmem>>
    %dma_start3A_294 = arith.constant 0 : i32
    %dma_start3A_295 = arith.constant 0 : i32
    %dma_start3A_296 = tpu.memref_slice %arg6[%dma_start3A_294, %dma_start3A_295] : memref<100000x64xf32, #tpu.memory_space<hbm>> -> memref<100000x64xf32, #tpu.memory_space<hbm>>
    tpu.enqueue_indirect_dma source(%dma_start3A_296 : memref<100000x64xf32, #tpu.memory_space<hbm>>) target(%dma_start3A_291 : memref<128x64xf32, #tpu.memory_space<vmem>>) offsets(%dma_start3A_293 : memref<128xi32, #tpu.memory_space<vmem>>) semaphore(%arg13 : memref<!tpu.dma_semaphore, #tpu.memory_space<semaphore_mem>>)
    %dma_start3A_297 = arith.constant 1 : i32
    %dma_start3A_298 = arith.constant 256 : i32
    %dma_start3A_299 = arith.constant 0 : i32
    %dma_start3A_300 = tpu.memref_slice %arg11[%dma_start3A_297, %dma_start3A_298, %dma_start3A_299] : memref<2x512x64xf32, #tpu.memory_space<vmem>> -> memref<1x128x64xf32, #tpu.memory_space<vmem>>
    %dma_start3A_301 = tpu.memref_squeeze %dma_start3A_300 : memref<1x128x64xf32, #tpu.memory_space<vmem>> -> memref<128x64xf32, #tpu.memory_space<vmem>>
    %dma_start3A_302 = arith.constant 1792 : i32
    %dma_start3A_303 = tpu.memref_slice %arg10[%dma_start3A_302] : memref<8448xi32, #tpu.memory_space<vmem>> -> memref<128xi32, #tpu.memory_space<vmem>>
    %dma_start3A_304 = arith.constant 0 : i32
    %dma_start3A_305 = arith.constant 0 : i32
    %dma_start3A_306 = tpu.memref_slice %arg6[%dma_start3A_304, %dma_start3A_305] : memref<100000x64xf32, #tpu.memory_space<hbm>> -> memref<100000x64xf32, #tpu.memory_space<hbm>>
    tpu.enqueue_indirect_dma source(%dma_start3A_306 : memref<100000x64xf32, #tpu.memory_space<hbm>>) target(%dma_start3A_301 : memref<128x64xf32, #tpu.memory_space<vmem>>) offsets(%dma_start3A_303 : memref<128xi32, #tpu.memory_space<vmem>>) semaphore(%arg13 : memref<!tpu.dma_semaphore, #tpu.memory_space<semaphore_mem>>)
    %dma_start3A_307 = arith.constant 1 : i32
    %dma_start3A_308 = arith.constant 384 : i32
    %dma_start3A_309 = arith.constant 0 : i32
    %dma_start3A_310 = tpu.memref_slice %arg11[%dma_start3A_307, %dma_start3A_308, %dma_start3A_309] : memref<2x512x64xf32, #tpu.memory_space<vmem>> -> memref<1x128x64xf32, #tpu.memory_space<vmem>>
    %dma_start3A_311 = tpu.memref_squeeze %dma_start3A_310 : memref<1x128x64xf32, #tpu.memory_space<vmem>> -> memref<128x64xf32, #tpu.memory_space<vmem>>
    %dma_start3A_312 = arith.constant 1920 : i32
    %dma_start3A_313 = tpu.memref_slice %arg10[%dma_start3A_312] : memref<8448xi32, #tpu.memory_space<vmem>> -> memref<128xi32, #tpu.memory_space<vmem>>
    %dma_start3A_314 = arith.constant 0 : i32
    %dma_start3A_315 = arith.constant 0 : i32
    %dma_start3A_316 = tpu.memref_slice %arg6[%dma_start3A_314, %dma_start3A_315] : memref<100000x64xf32, #tpu.memory_space<hbm>> -> memref<100000x64xf32, #tpu.memory_space<hbm>>
    tpu.enqueue_indirect_dma source(%dma_start3A_316 : memref<100000x64xf32, #tpu.memory_space<hbm>>) target(%dma_start3A_311 : memref<128x64xf32, #tpu.memory_space<vmem>>) offsets(%dma_start3A_313 : memref<128xi32, #tpu.memory_space<vmem>>) semaphore(%arg13 : memref<!tpu.dma_semaphore, #tpu.memory_space<semaphore_mem>>)
    %dma_wait3A_317 = arith.constant 0 : i32
    %dma_wait3A_318 = arith.constant 0 : i32
    %dma_wait3A_319 = arith.constant 0 : i32
    %dma_wait3A_320 = tpu.memref_slice %arg11[%dma_wait3A_317, %dma_wait3A_318, %dma_wait3A_319] : memref<2x512x64xf32, #tpu.memory_space<vmem>> -> memref<1x512x64xf32, #tpu.memory_space<vmem>>
    %dma_wait3A_321 = tpu.memref_squeeze %dma_wait3A_320 : memref<1x512x64xf32, #tpu.memory_space<vmem>> -> memref<512x64xf32, #tpu.memory_space<vmem>>
    %dma_wait3A_322 = arith.constant 0 : i32
    %dma_wait3A_323 = arith.constant 0 : i32
    %dma_wait3A_324 = tpu.memref_slice %arg6[%dma_wait3A_322, %dma_wait3A_323] : memref<100000x64xf32, #tpu.memory_space<hbm>> -> memref<512x64xf32, #tpu.memory_space<hbm>>
    %dma_wait3A_325 = arith.constant 0 : i32
    %dma_wait3A_326 = arith.constant 0 : i32
    %dma_wait3A_327 = tpu.memref_slice %arg11[%dma_wait3A_317, %dma_wait3A_325, %dma_wait3A_326] : memref<2x512x64xf32, #tpu.memory_space<vmem>> -> memref<1x512x64xf32, #tpu.memory_space<vmem>>
    %dma_wait3A_328 = tpu.memref_squeeze %dma_wait3A_327 : memref<1x512x64xf32, #tpu.memory_space<vmem>> -> memref<512x64xf32, #tpu.memory_space<vmem>>
    %dma_wait3A_329 = arith.constant 0 : i32
    %dma_wait3A_330 = arith.constant 0 : i32
    %dma_wait3A_331 = tpu.memref_slice %arg6[%dma_wait3A_329, %dma_wait3A_330] : memref<100000x64xf32, #tpu.memory_space<hbm>> -> memref<512x64xf32, #tpu.memory_space<hbm>>
    tpu.wait_dma2 semaphore(%arg12 : memref<!tpu.dma_semaphore, #tpu.memory_space<semaphore_mem>>) src(%dma_wait3A_331 : memref<512x64xf32, #tpu.memory_space<hbm>>) dst(%dma_wait3A_328 : memref<512x64xf32, #tpu.memory_space<vmem>>)
    %add3A_332 = arith.constant 0 : i32
    %add3A_333 = arith.addi %mul3A_236, %add3A_332 : i32
    %dma_start3A_334 = arith.constant 0 : i32
    %dma_start3A_335 = arith.constant 1 : i32
    %dma_start3A_336 = arith.constant 0 : i32
    %dma_start3A_337 = arith.constant 0 : i32
    %dma_start3A_338 = tpu.memref_slice %arg11[%dma_start3A_334, %dma_start3A_336, %dma_start3A_337] : memref<2x512x64xf32, #tpu.memory_space<vmem>> -> memref<1x512x64xf32, #tpu.memory_space<vmem>>
    %dma_start3A_339 = tpu.memref_squeeze %dma_start3A_338 : memref<1x512x64xf32, #tpu.memory_space<vmem>> -> memref<512x64xf32, #tpu.memory_space<vmem>>
    %dma_start3A_340 = arith.constant 0 : i32
    %dma_start3A_341 = tpu.memref_slice %arg8[%add3A_333, %dma_start3A_335, %dma_start3A_340] : memref<32768x2x64xf32, #tpu.memory_space<hbm>> -> memref<512x1x64xf32, #tpu.memory_space<hbm>>
    %dma_start3A_342 = tpu.memref_squeeze %dma_start3A_341 : memref<512x1x64xf32, #tpu.memory_space<hbm>> -> memref<512x64xf32, #tpu.memory_space<hbm>>
    %dma_start3A_343 = arith.constant 0 : i32
    %dma_start3A_344 = tpu.memref_slice %arg8[%add3A_333, %dma_start3A_335, %dma_start3A_343] : memref<32768x2x64xf32, #tpu.memory_space<hbm>> -> memref<512x1x64xf32, #tpu.memory_space<hbm>>
    %dma_start3A_345 = tpu.memref_squeeze %dma_start3A_344 : memref<512x1x64xf32, #tpu.memory_space<hbm>> -> memref<512x64xf32, #tpu.memory_space<hbm>>
    %dma_start3A_346 = arith.constant 0 : i32
    %dma_start3A_347 = arith.constant 0 : i32
    %dma_start3A_348 = tpu.memref_slice %arg11[%dma_start3A_334, %dma_start3A_346, %dma_start3A_347] : memref<2x512x64xf32, #tpu.memory_space<vmem>> -> memref<1x512x64xf32, #tpu.memory_space<vmem>>
    %dma_start3A_349 = tpu.memref_squeeze %dma_start3A_348 : memref<1x512x64xf32, #tpu.memory_space<vmem>> -> memref<512x64xf32, #tpu.memory_space<vmem>>
    tpu.enqueue_dma source(%dma_start3A_349 : memref<512x64xf32, #tpu.memory_space<vmem>>) target(%dma_start3A_345 : memref<512x64xf32, #tpu.memory_space<hbm>>) target_semaphore(%arg14 : memref<!tpu.dma_semaphore, #tpu.memory_space<semaphore_mem>>)
    %scan3A_350 = arith.constant 0 : i32
    %scan3A_351 = arith.constant 1 : i32
    %scan3A_352 = arith.constant 0 : i32
    %scan3A_353 = arith.addi %scan3A_351, %scan3A_352 : i32
    %scan3A_354 = arith.constant 0 : i32
    %dma_wait3A_355 = arith.constant 1 : i32
    %dma_wait3A_356 = arith.constant 0 : i32
    %dma_wait3A_357 = arith.constant 0 : i32
    %dma_wait3A_358 = tpu.memref_slice %arg11[%dma_wait3A_355, %dma_wait3A_356, %dma_wait3A_357] : memref<2x512x64xf32, #tpu.memory_space<vmem>> -> memref<1x512x64xf32, #tpu.memory_space<vmem>>
    %dma_wait3A_359 = tpu.memref_squeeze %dma_wait3A_358 : memref<1x512x64xf32, #tpu.memory_space<vmem>> -> memref<512x64xf32, #tpu.memory_space<vmem>>
    %dma_wait3A_360 = arith.constant 0 : i32
    %dma_wait3A_361 = arith.constant 0 : i32
    %dma_wait3A_362 = tpu.memref_slice %arg6[%dma_wait3A_360, %dma_wait3A_361] : memref<100000x64xf32, #tpu.memory_space<hbm>> -> memref<512x64xf32, #tpu.memory_space<hbm>>
    %dma_wait3A_363 = arith.constant 0 : i32
    %dma_wait3A_364 = arith.constant 0 : i32
    %dma_wait3A_365 = tpu.memref_slice %arg11[%dma_wait3A_355, %dma_wait3A_363, %dma_wait3A_364] : memref<2x512x64xf32, #tpu.memory_space<vmem>> -> memref<1x512x64xf32, #tpu.memory_space<vmem>>
    %dma_wait3A_366 = tpu.memref_squeeze %dma_wait3A_365 : memref<1x512x64xf32, #tpu.memory_space<vmem>> -> memref<512x64xf32, #tpu.memory_space<vmem>>
    %dma_wait3A_367 = arith.constant 0 : i32
    %dma_wait3A_368 = arith.constant 0 : i32
    %dma_wait3A_369 = tpu.memref_slice %arg6[%dma_wait3A_367, %dma_wait3A_368] : memref<100000x64xf32, #tpu.memory_space<hbm>> -> memref<512x64xf32, #tpu.memory_space<hbm>>
    tpu.wait_dma2 semaphore(%arg13 : memref<!tpu.dma_semaphore, #tpu.memory_space<semaphore_mem>>) src(%dma_wait3A_369 : memref<512x64xf32, #tpu.memory_space<hbm>>) dst(%dma_wait3A_366 : memref<512x64xf32, #tpu.memory_space<vmem>>)
    %add3A_370 = arith.constant 512 : i32
    %add3A_371 = arith.addi %mul3A_236, %add3A_370 : i32
    %dma_start3A_372 = arith.constant 1 : i32
    %dma_start3A_373 = arith.constant 1 : i32
    %dma_start3A_374 = arith.constant 0 : i32
    %dma_start3A_375 = arith.constant 0 : i32
    %dma_start3A_376 = tpu.memref_slice %arg11[%dma_start3A_372, %dma_start3A_374, %dma_start3A_375] : memref<2x512x64xf32, #tpu.memory_space<vmem>> -> memref<1x512x64xf32, #tpu.memory_space<vmem>>
    %dma_start3A_377 = tpu.memref_squeeze %dma_start3A_376 : memref<1x512x64xf32, #tpu.memory_space<vmem>> -> memref<512x64xf32, #tpu.memory_space<vmem>>
    %dma_start3A_378 = arith.constant 0 : i32
    %dma_start3A_379 = tpu.memref_slice %arg8[%add3A_371, %dma_start3A_373, %dma_start3A_378] : memref<32768x2x64xf32, #tpu.memory_space<hbm>> -> memref<512x1x64xf32, #tpu.memory_space<hbm>>
    %dma_start3A_380 = tpu.memref_squeeze %dma_start3A_379 : memref<512x1x64xf32, #tpu.memory_space<hbm>> -> memref<512x64xf32, #tpu.memory_space<hbm>>
    %dma_start3A_381 = arith.constant 0 : i32
    %dma_start3A_382 = tpu.memref_slice %arg8[%add3A_371, %dma_start3A_373, %dma_start3A_381] : memref<32768x2x64xf32, #tpu.memory_space<hbm>> -> memref<512x1x64xf32, #tpu.memory_space<hbm>>
    %dma_start3A_383 = tpu.memref_squeeze %dma_start3A_382 : memref<512x1x64xf32, #tpu.memory_space<hbm>> -> memref<512x64xf32, #tpu.memory_space<hbm>>
    %dma_start3A_384 = arith.constant 0 : i32
    %dma_start3A_385 = arith.constant 0 : i32
    %dma_start3A_386 = tpu.memref_slice %arg11[%dma_start3A_372, %dma_start3A_384, %dma_start3A_385] : memref<2x512x64xf32, #tpu.memory_space<vmem>> -> memref<1x512x64xf32, #tpu.memory_space<vmem>>
    %dma_start3A_387 = tpu.memref_squeeze %dma_start3A_386 : memref<1x512x64xf32, #tpu.memory_space<vmem>> -> memref<512x64xf32, #tpu.memory_space<vmem>>
    tpu.enqueue_dma source(%dma_start3A_387 : memref<512x64xf32, #tpu.memory_space<vmem>>) target(%dma_start3A_383 : memref<512x64xf32, #tpu.memory_space<hbm>>) target_semaphore(%arg15 : memref<!tpu.dma_semaphore, #tpu.memory_space<semaphore_mem>>)
    %add3A_388 = arith.constant 0 : i32
    %add3A_389 = arith.addi %mul3A_236, %add3A_388 : i32
    %dma_wait3A_390 = arith.constant 0 : i32
    %dma_wait3A_391 = arith.constant 1 : i32
    %dma_wait3A_392 = arith.constant 0 : i32
    %dma_wait3A_393 = arith.constant 0 : i32
    %dma_wait3A_394 = tpu.memref_slice %arg11[%dma_wait3A_390, %dma_wait3A_392, %dma_wait3A_393] : memref<2x512x64xf32, #tpu.memory_space<vmem>> -> memref<1x512x64xf32, #tpu.memory_space<vmem>>
    %dma_wait3A_395 = tpu.memref_squeeze %dma_wait3A_394 : memref<1x512x64xf32, #tpu.memory_space<vmem>> -> memref<512x64xf32, #tpu.memory_space<vmem>>
    %dma_wait3A_396 = arith.constant 0 : i32
    %dma_wait3A_397 = tpu.memref_slice %arg8[%add3A_389, %dma_wait3A_391, %dma_wait3A_396] : memref<32768x2x64xf32, #tpu.memory_space<hbm>> -> memref<512x1x64xf32, #tpu.memory_space<hbm>>
    %dma_wait3A_398 = tpu.memref_squeeze %dma_wait3A_397 : memref<512x1x64xf32, #tpu.memory_space<hbm>> -> memref<512x64xf32, #tpu.memory_space<hbm>>
    %dma_wait3A_399 = arith.constant 0 : i32
    %dma_wait3A_400 = tpu.memref_slice %arg8[%add3A_389, %dma_wait3A_391, %dma_wait3A_399] : memref<32768x2x64xf32, #tpu.memory_space<hbm>> -> memref<512x1x64xf32, #tpu.memory_space<hbm>>
    %dma_wait3A_401 = tpu.memref_squeeze %dma_wait3A_400 : memref<512x1x64xf32, #tpu.memory_space<hbm>> -> memref<512x64xf32, #tpu.memory_space<hbm>>
    %dma_wait3A_402 = arith.constant 0 : i32
    %dma_wait3A_403 = arith.constant 0 : i32
    %dma_wait3A_404 = tpu.memref_slice %arg11[%dma_wait3A_390, %dma_wait3A_402, %dma_wait3A_403] : memref<2x512x64xf32, #tpu.memory_space<vmem>> -> memref<1x512x64xf32, #tpu.memory_space<vmem>>
    %dma_wait3A_405 = tpu.memref_squeeze %dma_wait3A_404 : memref<1x512x64xf32, #tpu.memory_space<vmem>> -> memref<512x64xf32, #tpu.memory_space<vmem>>
    tpu.wait_dma2 semaphore(%arg14 : memref<!tpu.dma_semaphore, #tpu.memory_space<semaphore_mem>>) src(%dma_wait3A_405 : memref<512x64xf32, #tpu.memory_space<vmem>>) dst(%dma_wait3A_401 : memref<512x64xf32, #tpu.memory_space<hbm>>)
    %add3A_406 = arith.constant 512 : i32
    %add3A_407 = arith.addi %mul3A_236, %add3A_406 : i32
    %dma_wait3A_408 = arith.constant 1 : i32
    %dma_wait3A_409 = arith.constant 1 : i32
    %dma_wait3A_410 = arith.constant 0 : i32
    %dma_wait3A_411 = arith.constant 0 : i32
    %dma_wait3A_412 = tpu.memref_slice %arg11[%dma_wait3A_408, %dma_wait3A_410, %dma_wait3A_411] : memref<2x512x64xf32, #tpu.memory_space<vmem>> -> memref<1x512x64xf32, #tpu.memory_space<vmem>>
    %dma_wait3A_413 = tpu.memref_squeeze %dma_wait3A_412 : memref<1x512x64xf32, #tpu.memory_space<vmem>> -> memref<512x64xf32, #tpu.memory_space<vmem>>
    %dma_wait3A_414 = arith.constant 0 : i32
    %dma_wait3A_415 = tpu.memref_slice %arg8[%add3A_407, %dma_wait3A_409, %dma_wait3A_414] : memref<32768x2x64xf32, #tpu.memory_space<hbm>> -> memref<512x1x64xf32, #tpu.memory_space<hbm>>
    %dma_wait3A_416 = tpu.memref_squeeze %dma_wait3A_415 : memref<512x1x64xf32, #tpu.memory_space<hbm>> -> memref<512x64xf32, #tpu.memory_space<hbm>>
    %dma_wait3A_417 = arith.constant 0 : i32
    %dma_wait3A_418 = tpu.memref_slice %arg8[%add3A_407, %dma_wait3A_409, %dma_wait3A_417] : memref<32768x2x64xf32, #tpu.memory_space<hbm>> -> memref<512x1x64xf32, #tpu.memory_space<hbm>>
    %dma_wait3A_419 = tpu.memref_squeeze %dma_wait3A_418 : memref<512x1x64xf32, #tpu.memory_space<hbm>> -> memref<512x64xf32, #tpu.memory_space<hbm>>
    %dma_wait3A_420 = arith.constant 0 : i32
    %dma_wait3A_421 = arith.constant 0 : i32
    %dma_wait3A_422 = tpu.memref_slice %arg11[%dma_wait3A_408, %dma_wait3A_420, %dma_wait3A_421] : memref<2x512x64xf32, #tpu.memory_space<vmem>> -> memref<1x512x64xf32, #tpu.memory_space<vmem>>
    %dma_wait3A_423 = tpu.memref_squeeze %dma_wait3A_422 : memref<1x512x64xf32, #tpu.memory_space<vmem>> -> memref<512x64xf32, #tpu.memory_space<vmem>>
    tpu.wait_dma2 semaphore(%arg15 : memref<!tpu.dma_semaphore, #tpu.memory_space<semaphore_mem>>) src(%dma_wait3A_423 : memref<512x64xf32, #tpu.memory_space<vmem>>) dst(%dma_wait3A_419 : memref<512x64xf32, #tpu.memory_space<hbm>>)
    %mul3A_424 = arith.constant 6400 : i32
    %mul3A_425 = arith.muli %add3A, %mul3A_424 : i32
    %dma_start3A_426 = arith.constant 0 : i32
    %dma_start3A_427 = arith.constant 0 : i32
    %dma_start3A_428 = arith.constant 0 : i32
    %dma_start3A_429 = tpu.memref_slice %arg11[%dma_start3A_426, %dma_start3A_427, %dma_start3A_428] : memref<2x512x64xf32, #tpu.memory_space<vmem>> -> memref<1x128x64xf32, #tpu.memory_space<vmem>>
    %dma_start3A_430 = tpu.memref_squeeze %dma_start3A_429 : memref<1x128x64xf32, #tpu.memory_space<vmem>> -> memref<128x64xf32, #tpu.memory_space<vmem>>
    %dma_start3A_431 = arith.constant 2048 : i32
    %dma_start3A_432 = tpu.memref_slice %arg10[%dma_start3A_431] : memref<8448xi32, #tpu.memory_space<vmem>> -> memref<128xi32, #tpu.memory_space<vmem>>
    %dma_start3A_433 = arith.constant 0 : i32
    %dma_start3A_434 = arith.constant 0 : i32
    %dma_start3A_435 = tpu.memref_slice %arg7[%dma_start3A_433, %dma_start3A_434] : memref<100000x64xf32, #tpu.memory_space<hbm>> -> memref<100000x64xf32, #tpu.memory_space<hbm>>
    tpu.enqueue_indirect_dma source(%dma_start3A_435 : memref<100000x64xf32, #tpu.memory_space<hbm>>) target(%dma_start3A_430 : memref<128x64xf32, #tpu.memory_space<vmem>>) offsets(%dma_start3A_432 : memref<128xi32, #tpu.memory_space<vmem>>) semaphore(%arg12 : memref<!tpu.dma_semaphore, #tpu.memory_space<semaphore_mem>>)
    %dma_start3A_436 = arith.constant 0 : i32
    %dma_start3A_437 = arith.constant 128 : i32
    %dma_start3A_438 = arith.constant 0 : i32
    %dma_start3A_439 = tpu.memref_slice %arg11[%dma_start3A_436, %dma_start3A_437, %dma_start3A_438] : memref<2x512x64xf32, #tpu.memory_space<vmem>> -> memref<1x128x64xf32, #tpu.memory_space<vmem>>
    %dma_start3A_440 = tpu.memref_squeeze %dma_start3A_439 : memref<1x128x64xf32, #tpu.memory_space<vmem>> -> memref<128x64xf32, #tpu.memory_space<vmem>>
    %dma_start3A_441 = arith.constant 2176 : i32
    %dma_start3A_442 = tpu.memref_slice %arg10[%dma_start3A_441] : memref<8448xi32, #tpu.memory_space<vmem>> -> memref<128xi32, #tpu.memory_space<vmem>>
    %dma_start3A_443 = arith.constant 0 : i32
    %dma_start3A_444 = arith.constant 0 : i32
    %dma_start3A_445 = tpu.memref_slice %arg7[%dma_start3A_443, %dma_start3A_444] : memref<100000x64xf32, #tpu.memory_space<hbm>> -> memref<100000x64xf32, #tpu.memory_space<hbm>>
    tpu.enqueue_indirect_dma source(%dma_start3A_445 : memref<100000x64xf32, #tpu.memory_space<hbm>>) target(%dma_start3A_440 : memref<128x64xf32, #tpu.memory_space<vmem>>) offsets(%dma_start3A_442 : memref<128xi32, #tpu.memory_space<vmem>>) semaphore(%arg12 : memref<!tpu.dma_semaphore, #tpu.memory_space<semaphore_mem>>)
    %dma_start3A_446 = arith.constant 0 : i32
    %dma_start3A_447 = arith.constant 256 : i32
    %dma_start3A_448 = arith.constant 0 : i32
    %dma_start3A_449 = tpu.memref_slice %arg11[%dma_start3A_446, %dma_start3A_447, %dma_start3A_448] : memref<2x512x64xf32, #tpu.memory_space<vmem>> -> memref<1x128x64xf32, #tpu.memory_space<vmem>>
    %dma_start3A_450 = tpu.memref_squeeze %dma_start3A_449 : memref<1x128x64xf32, #tpu.memory_space<vmem>> -> memref<128x64xf32, #tpu.memory_space<vmem>>
    %dma_start3A_451 = arith.constant 2304 : i32
    %dma_start3A_452 = tpu.memref_slice %arg10[%dma_start3A_451] : memref<8448xi32, #tpu.memory_space<vmem>> -> memref<128xi32, #tpu.memory_space<vmem>>
    %dma_start3A_453 = arith.constant 0 : i32
    %dma_start3A_454 = arith.constant 0 : i32
    %dma_start3A_455 = tpu.memref_slice %arg7[%dma_start3A_453, %dma_start3A_454] : memref<100000x64xf32, #tpu.memory_space<hbm>> -> memref<100000x64xf32, #tpu.memory_space<hbm>>
    tpu.enqueue_indirect_dma source(%dma_start3A_455 : memref<100000x64xf32, #tpu.memory_space<hbm>>) target(%dma_start3A_450 : memref<128x64xf32, #tpu.memory_space<vmem>>) offsets(%dma_start3A_452 : memref<128xi32, #tpu.memory_space<vmem>>) semaphore(%arg12 : memref<!tpu.dma_semaphore, #tpu.memory_space<semaphore_mem>>)
    %dma_start3A_456 = arith.constant 0 : i32
    %dma_start3A_457 = arith.constant 384 : i32
    %dma_start3A_458 = arith.constant 0 : i32
    %dma_start3A_459 = tpu.memref_slice %arg11[%dma_start3A_456, %dma_start3A_457, %dma_start3A_458] : memref<2x512x64xf32, #tpu.memory_space<vmem>> -> memref<1x128x64xf32, #tpu.memory_space<vmem>>
    %dma_start3A_460 = tpu.memref_squeeze %dma_start3A_459 : memref<1x128x64xf32, #tpu.memory_space<vmem>> -> memref<128x64xf32, #tpu.memory_space<vmem>>
    %dma_start3A_461 = arith.constant 2432 : i32
    %dma_start3A_462 = tpu.memref_slice %arg10[%dma_start3A_461] : memref<8448xi32, #tpu.memory_space<vmem>> -> memref<128xi32, #tpu.memory_space<vmem>>
    %dma_start3A_463 = arith.constant 0 : i32
    %dma_start3A_464 = arith.constant 0 : i32
    %dma_start3A_465 = tpu.memref_slice %arg7[%dma_start3A_463, %dma_start3A_464] : memref<100000x64xf32, #tpu.memory_space<hbm>> -> memref<100000x64xf32, #tpu.memory_space<hbm>>
    tpu.enqueue_indirect_dma source(%dma_start3A_465 : memref<100000x64xf32, #tpu.memory_space<hbm>>) target(%dma_start3A_460 : memref<128x64xf32, #tpu.memory_space<vmem>>) offsets(%dma_start3A_462 : memref<128xi32, #tpu.memory_space<vmem>>) semaphore(%arg12 : memref<!tpu.dma_semaphore, #tpu.memory_space<semaphore_mem>>)
    %dma_start3A_466 = arith.constant 1 : i32
    %dma_start3A_467 = arith.constant 0 : i32
    %dma_start3A_468 = arith.constant 0 : i32
    %dma_start3A_469 = tpu.memref_slice %arg11[%dma_start3A_466, %dma_start3A_467, %dma_start3A_468] : memref<2x512x64xf32, #tpu.memory_space<vmem>> -> memref<1x128x64xf32, #tpu.memory_space<vmem>>
    %dma_start3A_470 = tpu.memref_squeeze %dma_start3A_469 : memref<1x128x64xf32, #tpu.memory_space<vmem>> -> memref<128x64xf32, #tpu.memory_space<vmem>>
    %dma_start3A_471 = arith.constant 2560 : i32
    %dma_start3A_472 = tpu.memref_slice %arg10[%dma_start3A_471] : memref<8448xi32, #tpu.memory_space<vmem>> -> memref<128xi32, #tpu.memory_space<vmem>>
    %dma_start3A_473 = arith.constant 0 : i32
    %dma_start3A_474 = arith.constant 0 : i32
    %dma_start3A_475 = tpu.memref_slice %arg7[%dma_start3A_473, %dma_start3A_474] : memref<100000x64xf32, #tpu.memory_space<hbm>> -> memref<100000x64xf32, #tpu.memory_space<hbm>>
    tpu.enqueue_indirect_dma source(%dma_start3A_475 : memref<100000x64xf32, #tpu.memory_space<hbm>>) target(%dma_start3A_470 : memref<128x64xf32, #tpu.memory_space<vmem>>) offsets(%dma_start3A_472 : memref<128xi32, #tpu.memory_space<vmem>>) semaphore(%arg13 : memref<!tpu.dma_semaphore, #tpu.memory_space<semaphore_mem>>)
    %dma_start3A_476 = arith.constant 1 : i32
    %dma_start3A_477 = arith.constant 128 : i32
    %dma_start3A_478 = arith.constant 0 : i32
    %dma_start3A_479 = tpu.memref_slice %arg11[%dma_start3A_476, %dma_start3A_477, %dma_start3A_478] : memref<2x512x64xf32, #tpu.memory_space<vmem>> -> memref<1x128x64xf32, #tpu.memory_space<vmem>>
    %dma_start3A_480 = tpu.memref_squeeze %dma_start3A_479 : memref<1x128x64xf32, #tpu.memory_space<vmem>> -> memref<128x64xf32, #tpu.memory_space<vmem>>
    %dma_start3A_481 = arith.constant 2688 : i32
    %dma_start3A_482 = tpu.memref_slice %arg10[%dma_start3A_481] : memref<8448xi32, #tpu.memory_space<vmem>> -> memref<128xi32, #tpu.memory_space<vmem>>
    %dma_start3A_483 = arith.constant 0 : i32
    %dma_start3A_484 = arith.constant 0 : i32
    %dma_start3A_485 = tpu.memref_slice %arg7[%dma_start3A_483, %dma_start3A_484] : memref<100000x64xf32, #tpu.memory_space<hbm>> -> memref<100000x64xf32, #tpu.memory_space<hbm>>
    tpu.enqueue_indirect_dma source(%dma_start3A_485 : memref<100000x64xf32, #tpu.memory_space<hbm>>) target(%dma_start3A_480 : memref<128x64xf32, #tpu.memory_space<vmem>>) offsets(%dma_start3A_482 : memref<128xi32, #tpu.memory_space<vmem>>) semaphore(%arg13 : memref<!tpu.dma_semaphore, #tpu.memory_space<semaphore_mem>>)
    %dma_start3A_486 = arith.constant 1 : i32
    %dma_start3A_487 = arith.constant 256 : i32
    %dma_start3A_488 = arith.constant 0 : i32
    %dma_start3A_489 = tpu.memref_slice %arg11[%dma_start3A_486, %dma_start3A_487, %dma_start3A_488] : memref<2x512x64xf32, #tpu.memory_space<vmem>> -> memref<1x128x64xf32, #tpu.memory_space<vmem>>
    %dma_start3A_490 = tpu.memref_squeeze %dma_start3A_489 : memref<1x128x64xf32, #tpu.memory_space<vmem>> -> memref<128x64xf32, #tpu.memory_space<vmem>>
    %dma_start3A_491 = arith.constant 2816 : i32
    %dma_start3A_492 = tpu.memref_slice %arg10[%dma_start3A_491] : memref<8448xi32, #tpu.memory_space<vmem>> -> memref<128xi32, #tpu.memory_space<vmem>>
    %dma_start3A_493 = arith.constant 0 : i32
    %dma_start3A_494 = arith.constant 0 : i32
    %dma_start3A_495 = tpu.memref_slice %arg7[%dma_start3A_493, %dma_start3A_494] : memref<100000x64xf32, #tpu.memory_space<hbm>> -> memref<100000x64xf32, #tpu.memory_space<hbm>>
    tpu.enqueue_indirect_dma source(%dma_start3A_495 : memref<100000x64xf32, #tpu.memory_space<hbm>>) target(%dma_start3A_490 : memref<128x64xf32, #tpu.memory_space<vmem>>) offsets(%dma_start3A_492 : memref<128xi32, #tpu.memory_space<vmem>>) semaphore(%arg13 : memref<!tpu.dma_semaphore, #tpu.memory_space<semaphore_mem>>)
    %dma_start3A_496 = arith.constant 1 : i32
    %dma_start3A_497 = arith.constant 384 : i32
    %dma_start3A_498 = arith.constant 0 : i32
    %dma_start3A_499 = tpu.memref_slice %arg11[%dma_start3A_496, %dma_start3A_497, %dma_start3A_498] : memref<2x512x64xf32, #tpu.memory_space<vmem>> -> memref<1x128x64xf32, #tpu.memory_space<vmem>>
    %dma_start3A_500 = tpu.memref_squeeze %dma_start3A_499 : memref<1x128x64xf32, #tpu.memory_space<vmem>> -> memref<128x64xf32, #tpu.memory_space<vmem>>
    %dma_start3A_501 = arith.constant 2944 : i32
    %dma_start3A_502 = tpu.memref_slice %arg10[%dma_start3A_501] : memref<8448xi32, #tpu.memory_space<vmem>> -> memref<128xi32, #tpu.memory_space<vmem>>
    %dma_start3A_503 = arith.constant 0 : i32
    %dma_start3A_504 = arith.constant 0 : i32
    %dma_start3A_505 = tpu.memref_slice %arg7[%dma_start3A_503, %dma_start3A_504] : memref<100000x64xf32, #tpu.memory_space<hbm>> -> memref<100000x64xf32, #tpu.memory_space<hbm>>
    tpu.enqueue_indirect_dma source(%dma_start3A_505 : memref<100000x64xf32, #tpu.memory_space<hbm>>) target(%dma_start3A_500 : memref<128x64xf32, #tpu.memory_space<vmem>>) offsets(%dma_start3A_502 : memref<128xi32, #tpu.memory_space<vmem>>) semaphore(%arg13 : memref<!tpu.dma_semaphore, #tpu.memory_space<semaphore_mem>>)
    %dma_wait3A_506 = arith.constant 0 : i32
    %dma_wait3A_507 = arith.constant 0 : i32
    %dma_wait3A_508 = arith.constant 0 : i32
    %dma_wait3A_509 = tpu.memref_slice %arg11[%dma_wait3A_506, %dma_wait3A_507, %dma_wait3A_508] : memref<2x512x64xf32, #tpu.memory_space<vmem>> -> memref<1x512x64xf32, #tpu.memory_space<vmem>>
    %dma_wait3A_510 = tpu.memref_squeeze %dma_wait3A_509 : memref<1x512x64xf32, #tpu.memory_space<vmem>> -> memref<512x64xf32, #tpu.memory_space<vmem>>
    %dma_wait3A_511 = arith.constant 0 : i32
    %dma_wait3A_512 = arith.constant 0 : i32
    %dma_wait3A_513 = tpu.memref_slice %arg7[%dma_wait3A_511, %dma_wait3A_512] : memref<100000x64xf32, #tpu.memory_space<hbm>> -> memref<512x64xf32, #tpu.memory_space<hbm>>
    %dma_wait3A_514 = arith.constant 0 : i32
    %dma_wait3A_515 = arith.constant 0 : i32
    %dma_wait3A_516 = tpu.memref_slice %arg11[%dma_wait3A_506, %dma_wait3A_514, %dma_wait3A_515] : memref<2x512x64xf32, #tpu.memory_space<vmem>> -> memref<1x512x64xf32, #tpu.memory_space<vmem>>
    %dma_wait3A_517 = tpu.memref_squeeze %dma_wait3A_516 : memref<1x512x64xf32, #tpu.memory_space<vmem>> -> memref<512x64xf32, #tpu.memory_space<vmem>>
    %dma_wait3A_518 = arith.constant 0 : i32
    %dma_wait3A_519 = arith.constant 0 : i32
    %dma_wait3A_520 = tpu.memref_slice %arg7[%dma_wait3A_518, %dma_wait3A_519] : memref<100000x64xf32, #tpu.memory_space<hbm>> -> memref<512x64xf32, #tpu.memory_space<hbm>>
    tpu.wait_dma2 semaphore(%arg12 : memref<!tpu.dma_semaphore, #tpu.memory_space<semaphore_mem>>) src(%dma_wait3A_520 : memref<512x64xf32, #tpu.memory_space<hbm>>) dst(%dma_wait3A_517 : memref<512x64xf32, #tpu.memory_space<vmem>>)
    %add3A_521 = arith.constant 0 : i32
    %add3A_522 = arith.addi %mul3A_425, %add3A_521 : i32
    %dma_start3A_523 = arith.constant 0 : i32
    %dma_start3A_524 = arith.constant 0 : i32
    %dma_start3A_525 = arith.constant 0 : i32
    %dma_start3A_526 = tpu.memref_slice %arg11[%dma_start3A_523, %dma_start3A_524, %dma_start3A_525] : memref<2x512x64xf32, #tpu.memory_space<vmem>> -> memref<1x512x64xf32, #tpu.memory_space<vmem>>
    %dma_start3A_527 = tpu.memref_squeeze %dma_start3A_526 : memref<1x512x64xf32, #tpu.memory_space<vmem>> -> memref<512x64xf32, #tpu.memory_space<vmem>>
    %dma_start3A_528 = arith.constant 0 : i32
    %dma_start3A_529 = tpu.memref_slice %arg9[%add3A_522, %dma_start3A_528] : memref<204800x64xf32, #tpu.memory_space<hbm>> -> memref<512x64xf32, #tpu.memory_space<hbm>>
    %dma_start3A_530 = arith.constant 0 : i32
    %dma_start3A_531 = tpu.memref_slice %arg9[%add3A_522, %dma_start3A_530] : memref<204800x64xf32, #tpu.memory_space<hbm>> -> memref<512x64xf32, #tpu.memory_space<hbm>>
    %dma_start3A_532 = arith.constant 0 : i32
    %dma_start3A_533 = arith.constant 0 : i32
    %dma_start3A_534 = tpu.memref_slice %arg11[%dma_start3A_523, %dma_start3A_532, %dma_start3A_533] : memref<2x512x64xf32, #tpu.memory_space<vmem>> -> memref<1x512x64xf32, #tpu.memory_space<vmem>>
    %dma_start3A_535 = tpu.memref_squeeze %dma_start3A_534 : memref<1x512x64xf32, #tpu.memory_space<vmem>> -> memref<512x64xf32, #tpu.memory_space<vmem>>
    tpu.enqueue_dma source(%dma_start3A_535 : memref<512x64xf32, #tpu.memory_space<vmem>>) target(%dma_start3A_531 : memref<512x64xf32, #tpu.memory_space<hbm>>) target_semaphore(%arg14 : memref<!tpu.dma_semaphore, #tpu.memory_space<semaphore_mem>>)
    %scan3A_536 = arith.constant 0 : i32
    %scan3A_537 = arith.constant 1 : i32
    %scan3A_538 = arith.constant 5 : i32
    %scan3A_539 = arith.addi %scan3A_537, %scan3A_538 : i32
    %scan3A_540 = arith.constant 1 : i32
    %scan3A_541 = scf.for %scan3A_668 = %scan3A_537 to %scan3A_539 step %scan3A_540 iter_args(%scan3A_669 = %scan3A_536) -> (i32)  : i32 {
      %mul3A_670 = arith.constant 2 : i32
      %mul3A_671 = arith.muli %mul3A_670, %scan3A_668 : i32
      %sub3A = arith.constant 2 : i32
      %sub3A_672 = arith.subi %mul3A_671, %sub3A : i32
      %mul3A_673 = arith.constant 512 : i32
      %mul3A_674 = arith.muli %sub3A_672, %mul3A_673 : i32
      %add3A_675 = arith.addi %mul3A_425, %mul3A_674 : i32
      %dma_wait3A_676 = arith.constant 0 : i32
      %dma_wait3A_677 = arith.constant 0 : i32
      %dma_wait3A_678 = arith.constant 0 : i32
      %dma_wait3A_679 = tpu.memref_slice %arg11[%dma_wait3A_676, %dma_wait3A_677, %dma_wait3A_678] : memref<2x512x64xf32, #tpu.memory_space<vmem>> -> memref<1x512x64xf32, #tpu.memory_space<vmem>>
      %dma_wait3A_680 = tpu.memref_squeeze %dma_wait3A_679 : memref<1x512x64xf32, #tpu.memory_space<vmem>> -> memref<512x64xf32, #tpu.memory_space<vmem>>
      %dma_wait3A_681 = arith.constant 0 : i32
      %dma_wait3A_682 = tpu.memref_slice %arg9[%add3A_675, %dma_wait3A_681] : memref<204800x64xf32, #tpu.memory_space<hbm>> -> memref<512x64xf32, #tpu.memory_space<hbm>>
      %dma_wait3A_683 = arith.constant 0 : i32
      %dma_wait3A_684 = tpu.memref_slice %arg9[%add3A_675, %dma_wait3A_683] : memref<204800x64xf32, #tpu.memory_space<hbm>> -> memref<512x64xf32, #tpu.memory_space<hbm>>
      %dma_wait3A_685 = arith.constant 0 : i32
      %dma_wait3A_686 = arith.constant 0 : i32
      %dma_wait3A_687 = tpu.memref_slice %arg11[%dma_wait3A_676, %dma_wait3A_685, %dma_wait3A_686] : memref<2x512x64xf32, #tpu.memory_space<vmem>> -> memref<1x512x64xf32, #tpu.memory_space<vmem>>
      %dma_wait3A_688 = tpu.memref_squeeze %dma_wait3A_687 : memref<1x512x64xf32, #tpu.memory_space<vmem>> -> memref<512x64xf32, #tpu.memory_space<vmem>>
      tpu.wait_dma2 semaphore(%arg14 : memref<!tpu.dma_semaphore, #tpu.memory_space<semaphore_mem>>) src(%dma_wait3A_688 : memref<512x64xf32, #tpu.memory_space<vmem>>) dst(%dma_wait3A_684 : memref<512x64xf32, #tpu.memory_space<hbm>>)
      %mul3A_689 = arith.constant 512 : i32
      %mul3A_690 = arith.muli %mul3A_671, %mul3A_689 : i32
      %add3A_691 = arith.constant 2048 : i32
      %add3A_692 = arith.addi %add3A_691, %mul3A_690 : i32
      %add3A_693 = arith.constant 0 : i32
      %add3A_694 = arith.addi %add3A_692, %add3A_693 : i32
      %dma_start3A_695 = arith.constant 0 : i32
      %dma_start3A_696 = arith.constant 0 : i32
      %dma_start3A_697 = arith.constant 0 : i32
      %dma_start3A_698 = tpu.memref_slice %arg11[%dma_start3A_695, %dma_start3A_696, %dma_start3A_697] : memref<2x512x64xf32, #tpu.memory_space<vmem>> -> memref<1x128x64xf32, #tpu.memory_space<vmem>>
      %dma_start3A_699 = tpu.memref_squeeze %dma_start3A_698 : memref<1x128x64xf32, #tpu.memory_space<vmem>> -> memref<128x64xf32, #tpu.memory_space<vmem>>
      %dma_start3A_700 = tpu.memref_slice %arg10[%add3A_694] : memref<8448xi32, #tpu.memory_space<vmem>> -> memref<128xi32, #tpu.memory_space<vmem>>
      %dma_start3A_701 = arith.constant 0 : i32
      %dma_start3A_702 = arith.constant 0 : i32
      %dma_start3A_703 = tpu.memref_slice %arg7[%dma_start3A_701, %dma_start3A_702] : memref<100000x64xf32, #tpu.memory_space<hbm>> -> memref<100000x64xf32, #tpu.memory_space<hbm>>
      tpu.enqueue_indirect_dma source(%dma_start3A_703 : memref<100000x64xf32, #tpu.memory_space<hbm>>) target(%dma_start3A_699 : memref<128x64xf32, #tpu.memory_space<vmem>>) offsets(%dma_start3A_700 : memref<128xi32, #tpu.memory_space<vmem>>) semaphore(%arg12 : memref<!tpu.dma_semaphore, #tpu.memory_space<semaphore_mem>>)
      %add3A_704 = arith.constant 2048 : i32
      %add3A_705 = arith.addi %add3A_704, %mul3A_690 : i32
      %add3A_706 = arith.constant 128 : i32
      %add3A_707 = arith.addi %add3A_705, %add3A_706 : i32
      %dma_start3A_708 = arith.constant 0 : i32
      %dma_start3A_709 = arith.constant 128 : i32
      %dma_start3A_710 = arith.constant 0 : i32
      %dma_start3A_711 = tpu.memref_slice %arg11[%dma_start3A_708, %dma_start3A_709, %dma_start3A_710] : memref<2x512x64xf32, #tpu.memory_space<vmem>> -> memref<1x128x64xf32, #tpu.memory_space<vmem>>
      %dma_start3A_712 = tpu.memref_squeeze %dma_start3A_711 : memref<1x128x64xf32, #tpu.memory_space<vmem>> -> memref<128x64xf32, #tpu.memory_space<vmem>>
      %dma_start3A_713 = tpu.memref_slice %arg10[%add3A_707] : memref<8448xi32, #tpu.memory_space<vmem>> -> memref<128xi32, #tpu.memory_space<vmem>>
      %dma_start3A_714 = arith.constant 0 : i32
      %dma_start3A_715 = arith.constant 0 : i32
      %dma_start3A_716 = tpu.memref_slice %arg7[%dma_start3A_714, %dma_start3A_715] : memref<100000x64xf32, #tpu.memory_space<hbm>> -> memref<100000x64xf32, #tpu.memory_space<hbm>>
      tpu.enqueue_indirect_dma source(%dma_start3A_716 : memref<100000x64xf32, #tpu.memory_space<hbm>>) target(%dma_start3A_712 : memref<128x64xf32, #tpu.memory_space<vmem>>) offsets(%dma_start3A_713 : memref<128xi32, #tpu.memory_space<vmem>>) semaphore(%arg12 : memref<!tpu.dma_semaphore, #tpu.memory_space<semaphore_mem>>)
      %add3A_717 = arith.constant 2048 : i32
      %add3A_718 = arith.addi %add3A_717, %mul3A_690 : i32
      %add3A_719 = arith.constant 256 : i32
      %add3A_720 = arith.addi %add3A_718, %add3A_719 : i32
      %dma_start3A_721 = arith.constant 0 : i32
      %dma_start3A_722 = arith.constant 256 : i32
      %dma_start3A_723 = arith.constant 0 : i32
      %dma_start3A_724 = tpu.memref_slice %arg11[%dma_start3A_721, %dma_start3A_722, %dma_start3A_723] : memref<2x512x64xf32, #tpu.memory_space<vmem>> -> memref<1x128x64xf32, #tpu.memory_space<vmem>>
      %dma_start3A_725 = tpu.memref_squeeze %dma_start3A_724 : memref<1x128x64xf32, #tpu.memory_space<vmem>> -> memref<128x64xf32, #tpu.memory_space<vmem>>
      %dma_start3A_726 = tpu.memref_slice %arg10[%add3A_720] : memref<8448xi32, #tpu.memory_space<vmem>> -> memref<128xi32, #tpu.memory_space<vmem>>
      %dma_start3A_727 = arith.constant 0 : i32
      %dma_start3A_728 = arith.constant 0 : i32
      %dma_start3A_729 = tpu.memref_slice %arg7[%dma_start3A_727, %dma_start3A_728] : memref<100000x64xf32, #tpu.memory_space<hbm>> -> memref<100000x64xf32, #tpu.memory_space<hbm>>
      tpu.enqueue_indirect_dma source(%dma_start3A_729 : memref<100000x64xf32, #tpu.memory_space<hbm>>) target(%dma_start3A_725 : memref<128x64xf32, #tpu.memory_space<vmem>>) offsets(%dma_start3A_726 : memref<128xi32, #tpu.memory_space<vmem>>) semaphore(%arg12 : memref<!tpu.dma_semaphore, #tpu.memory_space<semaphore_mem>>)
      %add3A_730 = arith.constant 2048 : i32
      %add3A_731 = arith.addi %add3A_730, %mul3A_690 : i32
      %add3A_732 = arith.constant 384 : i32
      %add3A_733 = arith.addi %add3A_731, %add3A_732 : i32
      %dma_start3A_734 = arith.constant 0 : i32
      %dma_start3A_735 = arith.constant 384 : i32
      %dma_start3A_736 = arith.constant 0 : i32
      %dma_start3A_737 = tpu.memref_slice %arg11[%dma_start3A_734, %dma_start3A_735, %dma_start3A_736] : memref<2x512x64xf32, #tpu.memory_space<vmem>> -> memref<1x128x64xf32, #tpu.memory_space<vmem>>
      %dma_start3A_738 = tpu.memref_squeeze %dma_start3A_737 : memref<1x128x64xf32, #tpu.memory_space<vmem>> -> memref<128x64xf32, #tpu.memory_space<vmem>>
      %dma_start3A_739 = tpu.memref_slice %arg10[%add3A_733] : memref<8448xi32, #tpu.memory_space<vmem>> -> memref<128xi32, #tpu.memory_space<vmem>>
      %dma_start3A_740 = arith.constant 0 : i32
      %dma_start3A_741 = arith.constant 0 : i32
      %dma_start3A_742 = tpu.memref_slice %arg7[%dma_start3A_740, %dma_start3A_741] : memref<100000x64xf32, #tpu.memory_space<hbm>> -> memref<100000x64xf32, #tpu.memory_space<hbm>>
      tpu.enqueue_indirect_dma source(%dma_start3A_742 : memref<100000x64xf32, #tpu.memory_space<hbm>>) target(%dma_start3A_738 : memref<128x64xf32, #tpu.memory_space<vmem>>) offsets(%dma_start3A_739 : memref<128xi32, #tpu.memory_space<vmem>>) semaphore(%arg12 : memref<!tpu.dma_semaphore, #tpu.memory_space<semaphore_mem>>)
      %dma_wait3A_743 = arith.constant 1 : i32
      %dma_wait3A_744 = arith.constant 0 : i32
      %dma_wait3A_745 = arith.constant 0 : i32
      %dma_wait3A_746 = tpu.memref_slice %arg11[%dma_wait3A_743, %dma_wait3A_744, %dma_wait3A_745] : memref<2x512x64xf32, #tpu.memory_space<vmem>> -> memref<1x512x64xf32, #tpu.memory_space<vmem>>
      %dma_wait3A_747 = tpu.memref_squeeze %dma_wait3A_746 : memref<1x512x64xf32, #tpu.memory_space<vmem>> -> memref<512x64xf32, #tpu.memory_space<vmem>>
      %dma_wait3A_748 = arith.constant 0 : i32
      %dma_wait3A_749 = arith.constant 0 : i32
      %dma_wait3A_750 = tpu.memref_slice %arg7[%dma_wait3A_748, %dma_wait3A_749] : memref<100000x64xf32, #tpu.memory_space<hbm>> -> memref<512x64xf32, #tpu.memory_space<hbm>>
      %dma_wait3A_751 = arith.constant 0 : i32
      %dma_wait3A_752 = arith.constant 0 : i32
      %dma_wait3A_753 = tpu.memref_slice %arg11[%dma_wait3A_743, %dma_wait3A_751, %dma_wait3A_752] : memref<2x512x64xf32, #tpu.memory_space<vmem>> -> memref<1x512x64xf32, #tpu.memory_space<vmem>>
      %dma_wait3A_754 = tpu.memref_squeeze %dma_wait3A_753 : memref<1x512x64xf32, #tpu.memory_space<vmem>> -> memref<512x64xf32, #tpu.memory_space<vmem>>
      %dma_wait3A_755 = arith.constant 0 : i32
      %dma_wait3A_756 = arith.constant 0 : i32
      %dma_wait3A_757 = tpu.memref_slice %arg7[%dma_wait3A_755, %dma_wait3A_756] : memref<100000x64xf32, #tpu.memory_space<hbm>> -> memref<512x64xf32, #tpu.memory_space<hbm>>
      tpu.wait_dma2 semaphore(%arg13 : memref<!tpu.dma_semaphore, #tpu.memory_space<semaphore_mem>>) src(%dma_wait3A_757 : memref<512x64xf32, #tpu.memory_space<hbm>>) dst(%dma_wait3A_754 : memref<512x64xf32, #tpu.memory_space<vmem>>)
      %sub3A_758 = arith.constant 1 : i32
      %sub3A_759 = arith.subi %mul3A_671, %sub3A_758 : i32
      %mul3A_760 = arith.constant 512 : i32
      %mul3A_761 = arith.muli %sub3A_759, %mul3A_760 : i32
      %add3A_762 = arith.addi %mul3A_425, %mul3A_761 : i32
      %dma_start3A_763 = arith.constant 1 : i32
      %dma_start3A_764 = arith.constant 0 : i32
      %dma_start3A_765 = arith.constant 0 : i32
      %dma_start3A_766 = tpu.memref_slice %arg11[%dma_start3A_763, %dma_start3A_764, %dma_start3A_765] : memref<2x512x64xf32, #tpu.memory_space<vmem>> -> memref<1x512x64xf32, #tpu.memory_space<vmem>>
      %dma_start3A_767 = tpu.memref_squeeze %dma_start3A_766 : memref<1x512x64xf32, #tpu.memory_space<vmem>> -> memref<512x64xf32, #tpu.memory_space<vmem>>
      %dma_start3A_768 = arith.constant 0 : i32
      %dma_start3A_769 = tpu.memref_slice %arg9[%add3A_762, %dma_start3A_768] : memref<204800x64xf32, #tpu.memory_space<hbm>> -> memref<512x64xf32, #tpu.memory_space<hbm>>
      %dma_start3A_770 = arith.constant 0 : i32
      %dma_start3A_771 = tpu.memref_slice %arg9[%add3A_762, %dma_start3A_770] : memref<204800x64xf32, #tpu.memory_space<hbm>> -> memref<512x64xf32, #tpu.memory_space<hbm>>
      %dma_start3A_772 = arith.constant 0 : i32
      %dma_start3A_773 = arith.constant 0 : i32
      %dma_start3A_774 = tpu.memref_slice %arg11[%dma_start3A_763, %dma_start3A_772, %dma_start3A_773] : memref<2x512x64xf32, #tpu.memory_space<vmem>> -> memref<1x512x64xf32, #tpu.memory_space<vmem>>
      %dma_start3A_775 = tpu.memref_squeeze %dma_start3A_774 : memref<1x512x64xf32, #tpu.memory_space<vmem>> -> memref<512x64xf32, #tpu.memory_space<vmem>>
      tpu.enqueue_dma source(%dma_start3A_775 : memref<512x64xf32, #tpu.memory_space<vmem>>) target(%dma_start3A_771 : memref<512x64xf32, #tpu.memory_space<hbm>>) target_semaphore(%arg15 : memref<!tpu.dma_semaphore, #tpu.memory_space<semaphore_mem>>)
      %sub3A_776 = arith.constant 1 : i32
      %sub3A_777 = arith.subi %mul3A_671, %sub3A_776 : i32
      %mul3A_778 = arith.constant 512 : i32
      %mul3A_779 = arith.muli %sub3A_777, %mul3A_778 : i32
      %add3A_780 = arith.addi %mul3A_425, %mul3A_779 : i32
      %dma_wait3A_781 = arith.constant 1 : i32
      %dma_wait3A_782 = arith.constant 0 : i32
      %dma_wait3A_783 = arith.constant 0 : i32
      %dma_wait3A_784 = tpu.memref_slice %arg11[%dma_wait3A_781, %dma_wait3A_782, %dma_wait3A_783] : memref<2x512x64xf32, #tpu.memory_space<vmem>> -> memref<1x512x64xf32, #tpu.memory_space<vmem>>
      %dma_wait3A_785 = tpu.memref_squeeze %dma_wait3A_784 : memref<1x512x64xf32, #tpu.memory_space<vmem>> -> memref<512x64xf32, #tpu.memory_space<vmem>>
      %dma_wait3A_786 = arith.constant 0 : i32
      %dma_wait3A_787 = tpu.memref_slice %arg9[%add3A_780, %dma_wait3A_786] : memref<204800x64xf32, #tpu.memory_space<hbm>> -> memref<512x64xf32, #tpu.memory_space<hbm>>
      %dma_wait3A_788 = arith.constant 0 : i32
      %dma_wait3A_789 = tpu.memref_slice %arg9[%add3A_780, %dma_wait3A_788] : memref<204800x64xf32, #tpu.memory_space<hbm>> -> memref<512x64xf32, #tpu.memory_space<hbm>>
      %dma_wait3A_790 = arith.constant 0 : i32
      %dma_wait3A_791 = arith.constant 0 : i32
      %dma_wait3A_792 = tpu.memref_slice %arg11[%dma_wait3A_781, %dma_wait3A_790, %dma_wait3A_791] : memref<2x512x64xf32, #tpu.memory_space<vmem>> -> memref<1x512x64xf32, #tpu.memory_space<vmem>>
      %dma_wait3A_793 = tpu.memref_squeeze %dma_wait3A_792 : memref<1x512x64xf32, #tpu.memory_space<vmem>> -> memref<512x64xf32, #tpu.memory_space<vmem>>
      tpu.wait_dma2 semaphore(%arg15 : memref<!tpu.dma_semaphore, #tpu.memory_space<semaphore_mem>>) src(%dma_wait3A_793 : memref<512x64xf32, #tpu.memory_space<vmem>>) dst(%dma_wait3A_789 : memref<512x64xf32, #tpu.memory_space<hbm>>)
      %add3A_794 = arith.constant 1 : i32
      %add3A_795 = arith.addi %mul3A_671, %add3A_794 : i32
      %mul3A_796 = arith.constant 512 : i32
      %mul3A_797 = arith.muli %add3A_795, %mul3A_796 : i32
      %add3A_798 = arith.constant 2048 : i32
      %add3A_799 = arith.addi %add3A_798, %mul3A_797 : i32
      %add3A_800 = arith.constant 0 : i32
      %add3A_801 = arith.addi %add3A_799, %add3A_800 : i32
      %dma_start3A_802 = arith.constant 1 : i32
      %dma_start3A_803 = arith.constant 0 : i32
      %dma_start3A_804 = arith.constant 0 : i32
      %dma_start3A_805 = tpu.memref_slice %arg11[%dma_start3A_802, %dma_start3A_803, %dma_start3A_804] : memref<2x512x64xf32, #tpu.memory_space<vmem>> -> memref<1x128x64xf32, #tpu.memory_space<vmem>>
      %dma_start3A_806 = tpu.memref_squeeze %dma_start3A_805 : memref<1x128x64xf32, #tpu.memory_space<vmem>> -> memref<128x64xf32, #tpu.memory_space<vmem>>
      %dma_start3A_807 = tpu.memref_slice %arg10[%add3A_801] : memref<8448xi32, #tpu.memory_space<vmem>> -> memref<128xi32, #tpu.memory_space<vmem>>
      %dma_start3A_808 = arith.constant 0 : i32
      %dma_start3A_809 = arith.constant 0 : i32
      %dma_start3A_810 = tpu.memref_slice %arg7[%dma_start3A_808, %dma_start3A_809] : memref<100000x64xf32, #tpu.memory_space<hbm>> -> memref<100000x64xf32, #tpu.memory_space<hbm>>
      tpu.enqueue_indirect_dma source(%dma_start3A_810 : memref<100000x64xf32, #tpu.memory_space<hbm>>) target(%dma_start3A_806 : memref<128x64xf32, #tpu.memory_space<vmem>>) offsets(%dma_start3A_807 : memref<128xi32, #tpu.memory_space<vmem>>) semaphore(%arg13 : memref<!tpu.dma_semaphore, #tpu.memory_space<semaphore_mem>>)
      %add3A_811 = arith.constant 2048 : i32
      %add3A_812 = arith.addi %add3A_811, %mul3A_797 : i32
      %add3A_813 = arith.constant 128 : i32
      %add3A_814 = arith.addi %add3A_812, %add3A_813 : i32
      %dma_start3A_815 = arith.constant 1 : i32
      %dma_start3A_816 = arith.constant 128 : i32
      %dma_start3A_817 = arith.constant 0 : i32
      %dma_start3A_818 = tpu.memref_slice %arg11[%dma_start3A_815, %dma_start3A_816, %dma_start3A_817] : memref<2x512x64xf32, #tpu.memory_space<vmem>> -> memref<1x128x64xf32, #tpu.memory_space<vmem>>
      %dma_start3A_819 = tpu.memref_squeeze %dma_start3A_818 : memref<1x128x64xf32, #tpu.memory_space<vmem>> -> memref<128x64xf32, #tpu.memory_space<vmem>>
      %dma_start3A_820 = tpu.memref_slice %arg10[%add3A_814] : memref<8448xi32, #tpu.memory_space<vmem>> -> memref<128xi32, #tpu.memory_space<vmem>>
      %dma_start3A_821 = arith.constant 0 : i32
      %dma_start3A_822 = arith.constant 0 : i32
      %dma_start3A_823 = tpu.memref_slice %arg7[%dma_start3A_821, %dma_start3A_822] : memref<100000x64xf32, #tpu.memory_space<hbm>> -> memref<100000x64xf32, #tpu.memory_space<hbm>>
      tpu.enqueue_indirect_dma source(%dma_start3A_823 : memref<100000x64xf32, #tpu.memory_space<hbm>>) target(%dma_start3A_819 : memref<128x64xf32, #tpu.memory_space<vmem>>) offsets(%dma_start3A_820 : memref<128xi32, #tpu.memory_space<vmem>>) semaphore(%arg13 : memref<!tpu.dma_semaphore, #tpu.memory_space<semaphore_mem>>)
      %add3A_824 = arith.constant 2048 : i32
      %add3A_825 = arith.addi %add3A_824, %mul3A_797 : i32
      %add3A_826 = arith.constant 256 : i32
      %add3A_827 = arith.addi %add3A_825, %add3A_826 : i32
      %dma_start3A_828 = arith.constant 1 : i32
      %dma_start3A_829 = arith.constant 256 : i32
      %dma_start3A_830 = arith.constant 0 : i32
      %dma_start3A_831 = tpu.memref_slice %arg11[%dma_start3A_828, %dma_start3A_829, %dma_start3A_830] : memref<2x512x64xf32, #tpu.memory_space<vmem>> -> memref<1x128x64xf32, #tpu.memory_space<vmem>>
      %dma_start3A_832 = tpu.memref_squeeze %dma_start3A_831 : memref<1x128x64xf32, #tpu.memory_space<vmem>> -> memref<128x64xf32, #tpu.memory_space<vmem>>
      %dma_start3A_833 = tpu.memref_slice %arg10[%add3A_827] : memref<8448xi32, #tpu.memory_space<vmem>> -> memref<128xi32, #tpu.memory_space<vmem>>
      %dma_start3A_834 = arith.constant 0 : i32
      %dma_start3A_835 = arith.constant 0 : i32
      %dma_start3A_836 = tpu.memref_slice %arg7[%dma_start3A_834, %dma_start3A_835] : memref<100000x64xf32, #tpu.memory_space<hbm>> -> memref<100000x64xf32, #tpu.memory_space<hbm>>
      tpu.enqueue_indirect_dma source(%dma_start3A_836 : memref<100000x64xf32, #tpu.memory_space<hbm>>) target(%dma_start3A_832 : memref<128x64xf32, #tpu.memory_space<vmem>>) offsets(%dma_start3A_833 : memref<128xi32, #tpu.memory_space<vmem>>) semaphore(%arg13 : memref<!tpu.dma_semaphore, #tpu.memory_space<semaphore_mem>>)
      %add3A_837 = arith.constant 2048 : i32
      %add3A_838 = arith.addi %add3A_837, %mul3A_797 : i32
      %add3A_839 = arith.constant 384 : i32
      %add3A_840 = arith.addi %add3A_838, %add3A_839 : i32
      %dma_start3A_841 = arith.constant 1 : i32
      %dma_start3A_842 = arith.constant 384 : i32
      %dma_start3A_843 = arith.constant 0 : i32
      %dma_start3A_844 = tpu.memref_slice %arg11[%dma_start3A_841, %dma_start3A_842, %dma_start3A_843] : memref<2x512x64xf32, #tpu.memory_space<vmem>> -> memref<1x128x64xf32, #tpu.memory_space<vmem>>
      %dma_start3A_845 = tpu.memref_squeeze %dma_start3A_844 : memref<1x128x64xf32, #tpu.memory_space<vmem>> -> memref<128x64xf32, #tpu.memory_space<vmem>>
      %dma_start3A_846 = tpu.memref_slice %arg10[%add3A_840] : memref<8448xi32, #tpu.memory_space<vmem>> -> memref<128xi32, #tpu.memory_space<vmem>>
      %dma_start3A_847 = arith.constant 0 : i32
      %dma_start3A_848 = arith.constant 0 : i32
      %dma_start3A_849 = tpu.memref_slice %arg7[%dma_start3A_847, %dma_start3A_848] : memref<100000x64xf32, #tpu.memory_space<hbm>> -> memref<100000x64xf32, #tpu.memory_space<hbm>>
      tpu.enqueue_indirect_dma source(%dma_start3A_849 : memref<100000x64xf32, #tpu.memory_space<hbm>>) target(%dma_start3A_845 : memref<128x64xf32, #tpu.memory_space<vmem>>) offsets(%dma_start3A_846 : memref<128xi32, #tpu.memory_space<vmem>>) semaphore(%arg13 : memref<!tpu.dma_semaphore, #tpu.memory_space<semaphore_mem>>)
      %dma_wait3A_850 = arith.constant 0 : i32
      %dma_wait3A_851 = arith.constant 0 : i32
      %dma_wait3A_852 = arith.constant 0 : i32
      %dma_wait3A_853 = tpu.memref_slice %arg11[%dma_wait3A_850, %dma_wait3A_851, %dma_wait3A_852] : memref<2x512x64xf32, #tpu.memory_space<vmem>> -> memref<1x512x64xf32, #tpu.memory_space<vmem>>
      %dma_wait3A_854 = tpu.memref_squeeze %dma_wait3A_853 : memref<1x512x64xf32, #tpu.memory_space<vmem>> -> memref<512x64xf32, #tpu.memory_space<vmem>>
      %dma_wait3A_855 = arith.constant 0 : i32
      %dma_wait3A_856 = arith.constant 0 : i32
      %dma_wait3A_857 = tpu.memref_slice %arg7[%dma_wait3A_855, %dma_wait3A_856] : memref<100000x64xf32, #tpu.memory_space<hbm>> -> memref<512x64xf32, #tpu.memory_space<hbm>>
      %dma_wait3A_858 = arith.constant 0 : i32
      %dma_wait3A_859 = arith.constant 0 : i32
      %dma_wait3A_860 = tpu.memref_slice %arg11[%dma_wait3A_850, %dma_wait3A_858, %dma_wait3A_859] : memref<2x512x64xf32, #tpu.memory_space<vmem>> -> memref<1x512x64xf32, #tpu.memory_space<vmem>>
      %dma_wait3A_861 = tpu.memref_squeeze %dma_wait3A_860 : memref<1x512x64xf32, #tpu.memory_space<vmem>> -> memref<512x64xf32, #tpu.memory_space<vmem>>
      %dma_wait3A_862 = arith.constant 0 : i32
      %dma_wait3A_863 = arith.constant 0 : i32
      %dma_wait3A_864 = tpu.memref_slice %arg7[%dma_wait3A_862, %dma_wait3A_863] : memref<100000x64xf32, #tpu.memory_space<hbm>> -> memref<512x64xf32, #tpu.memory_space<hbm>>
      tpu.wait_dma2 semaphore(%arg12 : memref<!tpu.dma_semaphore, #tpu.memory_space<semaphore_mem>>) src(%dma_wait3A_864 : memref<512x64xf32, #tpu.memory_space<hbm>>) dst(%dma_wait3A_861 : memref<512x64xf32, #tpu.memory_space<vmem>>)
      %mul3A_865 = arith.constant 512 : i32
      %mul3A_866 = arith.muli %mul3A_671, %mul3A_865 : i32
      %add3A_867 = arith.addi %mul3A_425, %mul3A_866 : i32
      %dma_start3A_868 = arith.constant 0 : i32
      %dma_start3A_869 = arith.constant 0 : i32
      %dma_start3A_870 = arith.constant 0 : i32
      %dma_start3A_871 = tpu.memref_slice %arg11[%dma_start3A_868, %dma_start3A_869, %dma_start3A_870] : memref<2x512x64xf32, #tpu.memory_space<vmem>> -> memref<1x512x64xf32, #tpu.memory_space<vmem>>
      %dma_start3A_872 = tpu.memref_squeeze %dma_start3A_871 : memref<1x512x64xf32, #tpu.memory_space<vmem>> -> memref<512x64xf32, #tpu.memory_space<vmem>>
      %dma_start3A_873 = arith.constant 0 : i32
      %dma_start3A_874 = tpu.memref_slice %arg9[%add3A_867, %dma_start3A_873] : memref<204800x64xf32, #tpu.memory_space<hbm>> -> memref<512x64xf32, #tpu.memory_space<hbm>>
      %dma_start3A_875 = arith.constant 0 : i32
      %dma_start3A_876 = tpu.memref_slice %arg9[%add3A_867, %dma_start3A_875] : memref<204800x64xf32, #tpu.memory_space<hbm>> -> memref<512x64xf32, #tpu.memory_space<hbm>>
      %dma_start3A_877 = arith.constant 0 : i32
      %dma_start3A_878 = arith.constant 0 : i32
      %dma_start3A_879 = tpu.memref_slice %arg11[%dma_start3A_868, %dma_start3A_877, %dma_start3A_878] : memref<2x512x64xf32, #tpu.memory_space<vmem>> -> memref<1x512x64xf32, #tpu.memory_space<vmem>>
      %dma_start3A_880 = tpu.memref_squeeze %dma_start3A_879 : memref<1x512x64xf32, #tpu.memory_space<vmem>> -> memref<512x64xf32, #tpu.memory_space<vmem>>
      tpu.enqueue_dma source(%dma_start3A_880 : memref<512x64xf32, #tpu.memory_space<vmem>>) target(%dma_start3A_876 : memref<512x64xf32, #tpu.memory_space<hbm>>) target_semaphore(%arg14 : memref<!tpu.dma_semaphore, #tpu.memory_space<semaphore_mem>>)
      %scan3A_881 = arith.constant 0 : i32
      scf.yield %scan3A_881 : i32
    }
    %scan3A_542 = arith.constant 5 : i32
    %dma_wait3A_543 = arith.constant 1 : i32
    %dma_wait3A_544 = arith.constant 0 : i32
    %dma_wait3A_545 = arith.constant 0 : i32
    %dma_wait3A_546 = tpu.memref_slice %arg11[%dma_wait3A_543, %dma_wait3A_544, %dma_wait3A_545] : memref<2x512x64xf32, #tpu.memory_space<vmem>> -> memref<1x512x64xf32, #tpu.memory_space<vmem>>
    %dma_wait3A_547 = tpu.memref_squeeze %dma_wait3A_546 : memref<1x512x64xf32, #tpu.memory_space<vmem>> -> memref<512x64xf32, #tpu.memory_space<vmem>>
    %dma_wait3A_548 = arith.constant 0 : i32
    %dma_wait3A_549 = arith.constant 0 : i32
    %dma_wait3A_550 = tpu.memref_slice %arg7[%dma_wait3A_548, %dma_wait3A_549] : memref<100000x64xf32, #tpu.memory_space<hbm>> -> memref<512x64xf32, #tpu.memory_space<hbm>>
    %dma_wait3A_551 = arith.constant 0 : i32
    %dma_wait3A_552 = arith.constant 0 : i32
    %dma_wait3A_553 = tpu.memref_slice %arg11[%dma_wait3A_543, %dma_wait3A_551, %dma_wait3A_552] : memref<2x512x64xf32, #tpu.memory_space<vmem>> -> memref<1x512x64xf32, #tpu.memory_space<vmem>>
    %dma_wait3A_554 = tpu.memref_squeeze %dma_wait3A_553 : memref<1x512x64xf32, #tpu.memory_space<vmem>> -> memref<512x64xf32, #tpu.memory_space<vmem>>
    %dma_wait3A_555 = arith.constant 0 : i32
    %dma_wait3A_556 = arith.constant 0 : i32
    %dma_wait3A_557 = tpu.memref_slice %arg7[%dma_wait3A_555, %dma_wait3A_556] : memref<100000x64xf32, #tpu.memory_space<hbm>> -> memref<512x64xf32, #tpu.memory_space<hbm>>
    tpu.wait_dma2 semaphore(%arg13 : memref<!tpu.dma_semaphore, #tpu.memory_space<semaphore_mem>>) src(%dma_wait3A_557 : memref<512x64xf32, #tpu.memory_space<hbm>>) dst(%dma_wait3A_554 : memref<512x64xf32, #tpu.memory_space<vmem>>)
    %add3A_558 = arith.constant 5632 : i32
    %add3A_559 = arith.addi %mul3A_425, %add3A_558 : i32
    %dma_start3A_560 = arith.constant 1 : i32
    %dma_start3A_561 = arith.constant 0 : i32
    %dma_start3A_562 = arith.constant 0 : i32
    %dma_start3A_563 = tpu.memref_slice %arg11[%dma_start3A_560, %dma_start3A_561, %dma_start3A_562] : memref<2x512x64xf32, #tpu.memory_space<vmem>> -> memref<1x512x64xf32, #tpu.memory_space<vmem>>
    %dma_start3A_564 = tpu.memref_squeeze %dma_start3A_563 : memref<1x512x64xf32, #tpu.memory_space<vmem>> -> memref<512x64xf32, #tpu.memory_space<vmem>>
    %dma_start3A_565 = arith.constant 0 : i32
    %dma_start3A_566 = tpu.memref_slice %arg9[%add3A_559, %dma_start3A_565] : memref<204800x64xf32, #tpu.memory_space<hbm>> -> memref<512x64xf32, #tpu.memory_space<hbm>>
    %dma_start3A_567 = arith.constant 0 : i32
    %dma_start3A_568 = tpu.memref_slice %arg9[%add3A_559, %dma_start3A_567] : memref<204800x64xf32, #tpu.memory_space<hbm>> -> memref<512x64xf32, #tpu.memory_space<hbm>>
    %dma_start3A_569 = arith.constant 0 : i32
    %dma_start3A_570 = arith.constant 0 : i32
    %dma_start3A_571 = tpu.memref_slice %arg11[%dma_start3A_560, %dma_start3A_569, %dma_start3A_570] : memref<2x512x64xf32, #tpu.memory_space<vmem>> -> memref<1x512x64xf32, #tpu.memory_space<vmem>>
    %dma_start3A_572 = tpu.memref_squeeze %dma_start3A_571 : memref<1x512x64xf32, #tpu.memory_space<vmem>> -> memref<512x64xf32, #tpu.memory_space<vmem>>
    tpu.enqueue_dma source(%dma_start3A_572 : memref<512x64xf32, #tpu.memory_space<vmem>>) target(%dma_start3A_568 : memref<512x64xf32, #tpu.memory_space<hbm>>) target_semaphore(%arg15 : memref<!tpu.dma_semaphore, #tpu.memory_space<semaphore_mem>>)
    %add3A_573 = arith.constant 5120 : i32
    %add3A_574 = arith.addi %mul3A_425, %add3A_573 : i32
    %dma_wait3A_575 = arith.constant 0 : i32
    %dma_wait3A_576 = arith.constant 0 : i32
    %dma_wait3A_577 = arith.constant 0 : i32
    %dma_wait3A_578 = tpu.memref_slice %arg11[%dma_wait3A_575, %dma_wait3A_576, %dma_wait3A_577] : memref<2x512x64xf32, #tpu.memory_space<vmem>> -> memref<1x512x64xf32, #tpu.memory_space<vmem>>
    %dma_wait3A_579 = tpu.memref_squeeze %dma_wait3A_578 : memref<1x512x64xf32, #tpu.memory_space<vmem>> -> memref<512x64xf32, #tpu.memory_space<vmem>>
    %dma_wait3A_580 = arith.constant 0 : i32
    %dma_wait3A_581 = tpu.memref_slice %arg9[%add3A_574, %dma_wait3A_580] : memref<204800x64xf32, #tpu.memory_space<hbm>> -> memref<512x64xf32, #tpu.memory_space<hbm>>
    %dma_wait3A_582 = arith.constant 0 : i32
    %dma_wait3A_583 = tpu.memref_slice %arg9[%add3A_574, %dma_wait3A_582] : memref<204800x64xf32, #tpu.memory_space<hbm>> -> memref<512x64xf32, #tpu.memory_space<hbm>>
    %dma_wait3A_584 = arith.constant 0 : i32
    %dma_wait3A_585 = arith.constant 0 : i32
    %dma_wait3A_586 = tpu.memref_slice %arg11[%dma_wait3A_575, %dma_wait3A_584, %dma_wait3A_585] : memref<2x512x64xf32, #tpu.memory_space<vmem>> -> memref<1x512x64xf32, #tpu.memory_space<vmem>>
    %dma_wait3A_587 = tpu.memref_squeeze %dma_wait3A_586 : memref<1x512x64xf32, #tpu.memory_space<vmem>> -> memref<512x64xf32, #tpu.memory_space<vmem>>
    tpu.wait_dma2 semaphore(%arg14 : memref<!tpu.dma_semaphore, #tpu.memory_space<semaphore_mem>>) src(%dma_wait3A_587 : memref<512x64xf32, #tpu.memory_space<vmem>>) dst(%dma_wait3A_583 : memref<512x64xf32, #tpu.memory_space<hbm>>)
    %dma_start3A_588 = arith.constant 0 : i32
    %dma_start3A_589 = arith.constant 0 : i32
    %dma_start3A_590 = arith.constant 0 : i32
    %dma_start3A_591 = tpu.memref_slice %arg11[%dma_start3A_588, %dma_start3A_589, %dma_start3A_590] : memref<2x512x64xf32, #tpu.memory_space<vmem>> -> memref<1x128x64xf32, #tpu.memory_space<vmem>>
    %dma_start3A_592 = tpu.memref_squeeze %dma_start3A_591 : memref<1x128x64xf32, #tpu.memory_space<vmem>> -> memref<128x64xf32, #tpu.memory_space<vmem>>
    %dma_start3A_593 = arith.constant 8192 : i32
    %dma_start3A_594 = tpu.memref_slice %arg10[%dma_start3A_593] : memref<8448xi32, #tpu.memory_space<vmem>> -> memref<128xi32, #tpu.memory_space<vmem>>
    %dma_start3A_595 = arith.constant 0 : i32
    %dma_start3A_596 = arith.constant 0 : i32
    %dma_start3A_597 = tpu.memref_slice %arg7[%dma_start3A_595, %dma_start3A_596] : memref<100000x64xf32, #tpu.memory_space<hbm>> -> memref<100000x64xf32, #tpu.memory_space<hbm>>
    tpu.enqueue_indirect_dma source(%dma_start3A_597 : memref<100000x64xf32, #tpu.memory_space<hbm>>) target(%dma_start3A_592 : memref<128x64xf32, #tpu.memory_space<vmem>>) offsets(%dma_start3A_594 : memref<128xi32, #tpu.memory_space<vmem>>) semaphore(%arg12 : memref<!tpu.dma_semaphore, #tpu.memory_space<semaphore_mem>>)
    %dma_start3A_598 = arith.constant 0 : i32
    %dma_start3A_599 = arith.constant 128 : i32
    %dma_start3A_600 = arith.constant 0 : i32
    %dma_start3A_601 = tpu.memref_slice %arg11[%dma_start3A_598, %dma_start3A_599, %dma_start3A_600] : memref<2x512x64xf32, #tpu.memory_space<vmem>> -> memref<1x128x64xf32, #tpu.memory_space<vmem>>
    %dma_start3A_602 = tpu.memref_squeeze %dma_start3A_601 : memref<1x128x64xf32, #tpu.memory_space<vmem>> -> memref<128x64xf32, #tpu.memory_space<vmem>>
    %dma_start3A_603 = arith.constant 8320 : i32
    %dma_start3A_604 = tpu.memref_slice %arg10[%dma_start3A_603] : memref<8448xi32, #tpu.memory_space<vmem>> -> memref<128xi32, #tpu.memory_space<vmem>>
    %dma_start3A_605 = arith.constant 0 : i32
    %dma_start3A_606 = arith.constant 0 : i32
    %dma_start3A_607 = tpu.memref_slice %arg7[%dma_start3A_605, %dma_start3A_606] : memref<100000x64xf32, #tpu.memory_space<hbm>> -> memref<100000x64xf32, #tpu.memory_space<hbm>>
    tpu.enqueue_indirect_dma source(%dma_start3A_607 : memref<100000x64xf32, #tpu.memory_space<hbm>>) target(%dma_start3A_602 : memref<128x64xf32, #tpu.memory_space<vmem>>) offsets(%dma_start3A_604 : memref<128xi32, #tpu.memory_space<vmem>>) semaphore(%arg12 : memref<!tpu.dma_semaphore, #tpu.memory_space<semaphore_mem>>)
    %dma_wait3A_608 = arith.constant 0 : i32
    %dma_wait3A_609 = arith.constant 0 : i32
    %dma_wait3A_610 = arith.constant 0 : i32
    %dma_wait3A_611 = tpu.memref_slice %arg11[%dma_wait3A_608, %dma_wait3A_609, %dma_wait3A_610] : memref<2x512x64xf32, #tpu.memory_space<vmem>> -> memref<1x256x64xf32, #tpu.memory_space<vmem>>
    %dma_wait3A_612 = tpu.memref_squeeze %dma_wait3A_611 : memref<1x256x64xf32, #tpu.memory_space<vmem>> -> memref<256x64xf32, #tpu.memory_space<vmem>>
    %dma_wait3A_613 = arith.constant 0 : i32
    %dma_wait3A_614 = arith.constant 0 : i32
    %dma_wait3A_615 = tpu.memref_slice %arg7[%dma_wait3A_613, %dma_wait3A_614] : memref<100000x64xf32, #tpu.memory_space<hbm>> -> memref<256x64xf32, #tpu.memory_space<hbm>>
    %dma_wait3A_616 = arith.constant 0 : i32
    %dma_wait3A_617 = arith.constant 0 : i32
    %dma_wait3A_618 = tpu.memref_slice %arg11[%dma_wait3A_608, %dma_wait3A_616, %dma_wait3A_617] : memref<2x512x64xf32, #tpu.memory_space<vmem>> -> memref<1x256x64xf32, #tpu.memory_space<vmem>>
    %dma_wait3A_619 = tpu.memref_squeeze %dma_wait3A_618 : memref<1x256x64xf32, #tpu.memory_space<vmem>> -> memref<256x64xf32, #tpu.memory_space<vmem>>
    %dma_wait3A_620 = arith.constant 0 : i32
    %dma_wait3A_621 = arith.constant 0 : i32
    %dma_wait3A_622 = tpu.memref_slice %arg7[%dma_wait3A_620, %dma_wait3A_621] : memref<100000x64xf32, #tpu.memory_space<hbm>> -> memref<256x64xf32, #tpu.memory_space<hbm>>
    tpu.wait_dma2 semaphore(%arg12 : memref<!tpu.dma_semaphore, #tpu.memory_space<semaphore_mem>>) src(%dma_wait3A_622 : memref<256x64xf32, #tpu.memory_space<hbm>>) dst(%dma_wait3A_619 : memref<256x64xf32, #tpu.memory_space<vmem>>)
    %add3A_623 = arith.constant 6144 : i32
    %add3A_624 = arith.addi %mul3A_425, %add3A_623 : i32
    %dma_start3A_625 = arith.constant 0 : i32
    %dma_start3A_626 = arith.constant 0 : i32
    %dma_start3A_627 = arith.constant 0 : i32
    %dma_start3A_628 = tpu.memref_slice %arg11[%dma_start3A_625, %dma_start3A_626, %dma_start3A_627] : memref<2x512x64xf32, #tpu.memory_space<vmem>> -> memref<1x256x64xf32, #tpu.memory_space<vmem>>
    %dma_start3A_629 = tpu.memref_squeeze %dma_start3A_628 : memref<1x256x64xf32, #tpu.memory_space<vmem>> -> memref<256x64xf32, #tpu.memory_space<vmem>>
    %dma_start3A_630 = arith.constant 0 : i32
    %dma_start3A_631 = tpu.memref_slice %arg9[%add3A_624, %dma_start3A_630] : memref<204800x64xf32, #tpu.memory_space<hbm>> -> memref<256x64xf32, #tpu.memory_space<hbm>>
    %dma_start3A_632 = arith.constant 0 : i32
    %dma_start3A_633 = tpu.memref_slice %arg9[%add3A_624, %dma_start3A_632] : memref<204800x64xf32, #tpu.memory_space<hbm>> -> memref<256x64xf32, #tpu.memory_space<hbm>>
    %dma_start3A_634 = arith.constant 0 : i32
    %dma_start3A_635 = arith.constant 0 : i32
    %dma_start3A_636 = tpu.memref_slice %arg11[%dma_start3A_625, %dma_start3A_634, %dma_start3A_635] : memref<2x512x64xf32, #tpu.memory_space<vmem>> -> memref<1x256x64xf32, #tpu.memory_space<vmem>>
    %dma_start3A_637 = tpu.memref_squeeze %dma_start3A_636 : memref<1x256x64xf32, #tpu.memory_space<vmem>> -> memref<256x64xf32, #tpu.memory_space<vmem>>
    tpu.enqueue_dma source(%dma_start3A_637 : memref<256x64xf32, #tpu.memory_space<vmem>>) target(%dma_start3A_633 : memref<256x64xf32, #tpu.memory_space<hbm>>) target_semaphore(%arg14 : memref<!tpu.dma_semaphore, #tpu.memory_space<semaphore_mem>>)
    %add3A_638 = arith.constant 6144 : i32
    %add3A_639 = arith.addi %mul3A_425, %add3A_638 : i32
    %dma_wait3A_640 = arith.constant 0 : i32
    %dma_wait3A_641 = arith.constant 0 : i32
    %dma_wait3A_642 = arith.constant 0 : i32
    %dma_wait3A_643 = tpu.memref_slice %arg11[%dma_wait3A_640, %dma_wait3A_641, %dma_wait3A_642] : memref<2x512x64xf32, #tpu.memory_space<vmem>> -> memref<1x256x64xf32, #tpu.memory_space<vmem>>
    %dma_wait3A_644 = tpu.memref_squeeze %dma_wait3A_643 : memref<1x256x64xf32, #tpu.memory_space<vmem>> -> memref<256x64xf32, #tpu.memory_space<vmem>>
    %dma_wait3A_645 = arith.constant 0 : i32
    %dma_wait3A_646 = tpu.memref_slice %arg9[%add3A_639, %dma_wait3A_645] : memref<204800x64xf32, #tpu.memory_space<hbm>> -> memref<256x64xf32, #tpu.memory_space<hbm>>
    %dma_wait3A_647 = arith.constant 0 : i32
    %dma_wait3A_648 = tpu.memref_slice %arg9[%add3A_639, %dma_wait3A_647] : memref<204800x64xf32, #tpu.memory_space<hbm>> -> memref<256x64xf32, #tpu.memory_space<hbm>>
    %dma_wait3A_649 = arith.constant 0 : i32
    %dma_wait3A_650 = arith.constant 0 : i32
    %dma_wait3A_651 = tpu.memref_slice %arg11[%dma_wait3A_640, %dma_wait3A_649, %dma_wait3A_650] : memref<2x512x64xf32, #tpu.memory_space<vmem>> -> memref<1x256x64xf32, #tpu.memory_space<vmem>>
    %dma_wait3A_652 = tpu.memref_squeeze %dma_wait3A_651 : memref<1x256x64xf32, #tpu.memory_space<vmem>> -> memref<256x64xf32, #tpu.memory_space<vmem>>
    tpu.wait_dma2 semaphore(%arg14 : memref<!tpu.dma_semaphore, #tpu.memory_space<semaphore_mem>>) src(%dma_wait3A_652 : memref<256x64xf32, #tpu.memory_space<vmem>>) dst(%dma_wait3A_648 : memref<256x64xf32, #tpu.memory_space<hbm>>)
    %add3A_653 = arith.constant 5632 : i32
    %add3A_654 = arith.addi %mul3A_425, %add3A_653 : i32
    %dma_wait3A_655 = arith.constant 1 : i32
    %dma_wait3A_656 = arith.constant 0 : i32
    %dma_wait3A_657 = arith.constant 0 : i32
    %dma_wait3A_658 = tpu.memref_slice %arg11[%dma_wait3A_655, %dma_wait3A_656, %dma_wait3A_657] : memref<2x512x64xf32, #tpu.memory_space<vmem>> -> memref<1x512x64xf32, #tpu.memory_space<vmem>>
    %dma_wait3A_659 = tpu.memref_squeeze %dma_wait3A_658 : memref<1x512x64xf32, #tpu.memory_space<vmem>> -> memref<512x64xf32, #tpu.memory_space<vmem>>
    %dma_wait3A_660 = arith.constant 0 : i32
    %dma_wait3A_661 = tpu.memref_slice %arg9[%add3A_654, %dma_wait3A_660] : memref<204800x64xf32, #tpu.memory_space<hbm>> -> memref<512x64xf32, #tpu.memory_space<hbm>>
    %dma_wait3A_662 = arith.constant 0 : i32
    %dma_wait3A_663 = tpu.memref_slice %arg9[%add3A_654, %dma_wait3A_662] : memref<204800x64xf32, #tpu.memory_space<hbm>> -> memref<512x64xf32, #tpu.memory_space<hbm>>
    %dma_wait3A_664 = arith.constant 0 : i32
    %dma_wait3A_665 = arith.constant 0 : i32
    %dma_wait3A_666 = tpu.memref_slice %arg11[%dma_wait3A_655, %dma_wait3A_664, %dma_wait3A_665] : memref<2x512x64xf32, #tpu.memory_space<vmem>> -> memref<1x512x64xf32, #tpu.memory_space<vmem>>
    %dma_wait3A_667 = tpu.memref_squeeze %dma_wait3A_666 : memref<1x512x64xf32, #tpu.memory_space<vmem>> -> memref<512x64xf32, #tpu.memory_space<vmem>>
    tpu.wait_dma2 semaphore(%arg15 : memref<!tpu.dma_semaphore, #tpu.memory_space<semaphore_mem>>) src(%dma_wait3A_667 : memref<512x64xf32, #tpu.memory_space<vmem>>) dst(%dma_wait3A_663 : memref<512x64xf32, #tpu.memory_space<hbm>>)
    return
  }
}

#map = affine_map<(d0, d1) -> (0)>
#map1 = affine_map<(d0, d1) -> (0, 0)>
#map2 = affine_map<(d0, d1) -> (0, 0, 0)>
module attributes {stable_mosaic.version = 14 : i64} {
  func.func @_body_b(%arg0: i32, %arg1: i32, %arg2: memref<819200xi32, #tpu.memory_space<hbm>>, %arg3: memref<819200xi32, #tpu.memory_space<hbm>>, %arg4: memref<100000x64xf32, #tpu.memory_space<hbm>>, %arg5: memref<100000x64xf32, #tpu.memory_space<hbm>>, %arg6: memref<819200x2x64xf32, #tpu.memory_space<hbm>>, %arg7: memref<51200xi32, #tpu.memory_space<vmem>>, %arg8: memref<4x256x64xf32, #tpu.memory_space<vmem>>, %arg9: memref<!tpu.dma_semaphore, #tpu.memory_space<semaphore_mem>>, %arg10: memref<!tpu.dma_semaphore, #tpu.memory_space<semaphore_mem>>, %arg11: memref<!tpu.dma_semaphore, #tpu.memory_space<semaphore_mem>>, %arg12: memref<!tpu.dma_semaphore, #tpu.memory_space<semaphore_mem>>, %arg13: memref<!tpu.dma_semaphore, #tpu.memory_space<semaphore_mem>>, %arg14: memref<!tpu.dma_semaphore, #tpu.memory_space<semaphore_mem>>, %arg15: memref<!tpu.dma_semaphore, #tpu.memory_space<semaphore_mem>>, %arg16: memref<!tpu.dma_semaphore, #tpu.memory_space<semaphore_mem>>, %arg17: memref<!tpu.dma_semaphore, #tpu.memory_space<semaphore_mem>>) attributes {dimension_semantics = [#tpu.dimension_semantics<core_parallel>, #tpu.dimension_semantics<subcore_parallel>], iteration_bounds = array<i64: 2, 16>, scalar_prefetch = 0 : i64, scratch_operands = 11 : i64, tpu.core_type = #tpu.core_type<sc_vector_subcore>, window_params = [{transform_indices = #map}, {transform_indices = #map}, {transform_indices = #map1}, {transform_indices = #map1}, {transform_indices = #map2}]} {
    %mul3A = arith.constant 2 : i32
    %mul3A_0 = arith.muli %arg1, %mul3A : i32
    %add3A = arith.addi %mul3A_0, %arg0 : i32
    %mul3A_1 = arith.constant 25600 : i32
    %mul3A_2 = arith.muli %add3A, %mul3A_1 : i32
    %dma_start3A = arith.constant 0 : i32
    %dma_start3A_3 = tpu.memref_slice %arg7[%dma_start3A] : memref<51200xi32, #tpu.memory_space<vmem>> -> memref<25600xi32, #tpu.memory_space<vmem>>
    %dma_start3A_4 = tpu.memref_slice %arg2[%mul3A_2] : memref<819200xi32, #tpu.memory_space<hbm>> -> memref<25600xi32, #tpu.memory_space<hbm>>
    %dma_start3A_5 = arith.constant 0 : i32
    %dma_start3A_6 = tpu.memref_slice %arg7[%dma_start3A_5] : memref<51200xi32, #tpu.memory_space<vmem>> -> memref<25600xi32, #tpu.memory_space<vmem>>
    %dma_start3A_7 = tpu.memref_slice %arg2[%mul3A_2] : memref<819200xi32, #tpu.memory_space<hbm>> -> memref<25600xi32, #tpu.memory_space<hbm>>
    tpu.enqueue_dma source(%dma_start3A_7 : memref<25600xi32, #tpu.memory_space<hbm>>) target(%dma_start3A_6 : memref<25600xi32, #tpu.memory_space<vmem>>) target_semaphore(%arg17 : memref<!tpu.dma_semaphore, #tpu.memory_space<semaphore_mem>>)
    %mul3A_8 = arith.constant 25600 : i32
    %mul3A_9 = arith.muli %add3A, %mul3A_8 : i32
    %dma_start3A_10 = arith.constant 25600 : i32
    %dma_start3A_11 = tpu.memref_slice %arg7[%dma_start3A_10] : memref<51200xi32, #tpu.memory_space<vmem>> -> memref<25600xi32, #tpu.memory_space<vmem>>
    %dma_start3A_12 = tpu.memref_slice %arg3[%mul3A_9] : memref<819200xi32, #tpu.memory_space<hbm>> -> memref<25600xi32, #tpu.memory_space<hbm>>
    %dma_start3A_13 = arith.constant 25600 : i32
    %dma_start3A_14 = tpu.memref_slice %arg7[%dma_start3A_13] : memref<51200xi32, #tpu.memory_space<vmem>> -> memref<25600xi32, #tpu.memory_space<vmem>>
    %dma_start3A_15 = tpu.memref_slice %arg3[%mul3A_9] : memref<819200xi32, #tpu.memory_space<hbm>> -> memref<25600xi32, #tpu.memory_space<hbm>>
    tpu.enqueue_dma source(%dma_start3A_15 : memref<25600xi32, #tpu.memory_space<hbm>>) target(%dma_start3A_14 : memref<25600xi32, #tpu.memory_space<vmem>>) target_semaphore(%arg17 : memref<!tpu.dma_semaphore, #tpu.memory_space<semaphore_mem>>)
    %dma_wait3A = arith.constant 0 : i32
    %dma_wait3A_16 = tpu.memref_slice %arg7[%dma_wait3A] : memref<51200xi32, #tpu.memory_space<vmem>> -> memref<25600xi32, #tpu.memory_space<vmem>>
    %dma_wait3A_17 = arith.constant 0 : i32
    %dma_wait3A_18 = tpu.memref_slice %arg2[%dma_wait3A_17] : memref<819200xi32, #tpu.memory_space<hbm>> -> memref<25600xi32, #tpu.memory_space<hbm>>
    %dma_wait3A_19 = arith.constant 0 : i32
    %dma_wait3A_20 = tpu.memref_slice %arg7[%dma_wait3A_19] : memref<51200xi32, #tpu.memory_space<vmem>> -> memref<25600xi32, #tpu.memory_space<vmem>>
    %dma_wait3A_21 = arith.constant 0 : i32
    %dma_wait3A_22 = tpu.memref_slice %arg2[%dma_wait3A_21] : memref<819200xi32, #tpu.memory_space<hbm>> -> memref<25600xi32, #tpu.memory_space<hbm>>
    tpu.wait_dma2 semaphore(%arg17 : memref<!tpu.dma_semaphore, #tpu.memory_space<semaphore_mem>>) src(%dma_wait3A_22 : memref<25600xi32, #tpu.memory_space<hbm>>) dst(%dma_wait3A_20 : memref<25600xi32, #tpu.memory_space<vmem>>)
    %dma_wait3A_23 = arith.constant 25600 : i32
    %dma_wait3A_24 = tpu.memref_slice %arg7[%dma_wait3A_23] : memref<51200xi32, #tpu.memory_space<vmem>> -> memref<25600xi32, #tpu.memory_space<vmem>>
    %dma_wait3A_25 = arith.constant 0 : i32
    %dma_wait3A_26 = tpu.memref_slice %arg3[%dma_wait3A_25] : memref<819200xi32, #tpu.memory_space<hbm>> -> memref<25600xi32, #tpu.memory_space<hbm>>
    %dma_wait3A_27 = arith.constant 25600 : i32
    %dma_wait3A_28 = tpu.memref_slice %arg7[%dma_wait3A_27] : memref<51200xi32, #tpu.memory_space<vmem>> -> memref<25600xi32, #tpu.memory_space<vmem>>
    %dma_wait3A_29 = arith.constant 0 : i32
    %dma_wait3A_30 = tpu.memref_slice %arg3[%dma_wait3A_29] : memref<819200xi32, #tpu.memory_space<hbm>> -> memref<25600xi32, #tpu.memory_space<hbm>>
    tpu.wait_dma2 semaphore(%arg17 : memref<!tpu.dma_semaphore, #tpu.memory_space<semaphore_mem>>) src(%dma_wait3A_30 : memref<25600xi32, #tpu.memory_space<hbm>>) dst(%dma_wait3A_28 : memref<25600xi32, #tpu.memory_space<vmem>>)
    %mul3A_31 = arith.constant 25600 : i32
    %mul3A_32 = arith.muli %add3A, %mul3A_31 : i32
    %dma_start3A_33 = arith.constant 0 : i32
    %dma_start3A_34 = arith.constant 0 : i32
    %dma_start3A_35 = arith.constant 0 : i32
    %dma_start3A_36 = tpu.memref_slice %arg8[%dma_start3A_33, %dma_start3A_34, %dma_start3A_35] : memref<4x256x64xf32, #tpu.memory_space<vmem>> -> memref<1x128x64xf32, #tpu.memory_space<vmem>>
    %dma_start3A_37 = tpu.memref_squeeze %dma_start3A_36 : memref<1x128x64xf32, #tpu.memory_space<vmem>> -> memref<128x64xf32, #tpu.memory_space<vmem>>
    %dma_start3A_38 = arith.constant 0 : i32
    %dma_start3A_39 = tpu.memref_slice %arg7[%dma_start3A_38] : memref<51200xi32, #tpu.memory_space<vmem>> -> memref<128xi32, #tpu.memory_space<vmem>>
    %dma_start3A_40 = arith.constant 0 : i32
    %dma_start3A_41 = arith.constant 0 : i32
    %dma_start3A_42 = tpu.memref_slice %arg4[%dma_start3A_40, %dma_start3A_41] : memref<100000x64xf32, #tpu.memory_space<hbm>> -> memref<100000x64xf32, #tpu.memory_space<hbm>>
    tpu.enqueue_indirect_dma source(%dma_start3A_42 : memref<100000x64xf32, #tpu.memory_space<hbm>>) target(%dma_start3A_37 : memref<128x64xf32, #tpu.memory_space<vmem>>) offsets(%dma_start3A_39 : memref<128xi32, #tpu.memory_space<vmem>>) semaphore(%arg9 : memref<!tpu.dma_semaphore, #tpu.memory_space<semaphore_mem>>)
    %dma_start3A_43 = arith.constant 0 : i32
    %dma_start3A_44 = arith.constant 128 : i32
    %dma_start3A_45 = arith.constant 0 : i32
    %dma_start3A_46 = tpu.memref_slice %arg8[%dma_start3A_43, %dma_start3A_44, %dma_start3A_45] : memref<4x256x64xf32, #tpu.memory_space<vmem>> -> memref<1x128x64xf32, #tpu.memory_space<vmem>>
    %dma_start3A_47 = tpu.memref_squeeze %dma_start3A_46 : memref<1x128x64xf32, #tpu.memory_space<vmem>> -> memref<128x64xf32, #tpu.memory_space<vmem>>
    %dma_start3A_48 = arith.constant 128 : i32
    %dma_start3A_49 = tpu.memref_slice %arg7[%dma_start3A_48] : memref<51200xi32, #tpu.memory_space<vmem>> -> memref<128xi32, #tpu.memory_space<vmem>>
    %dma_start3A_50 = arith.constant 0 : i32
    %dma_start3A_51 = arith.constant 0 : i32
    %dma_start3A_52 = tpu.memref_slice %arg4[%dma_start3A_50, %dma_start3A_51] : memref<100000x64xf32, #tpu.memory_space<hbm>> -> memref<100000x64xf32, #tpu.memory_space<hbm>>
    tpu.enqueue_indirect_dma source(%dma_start3A_52 : memref<100000x64xf32, #tpu.memory_space<hbm>>) target(%dma_start3A_47 : memref<128x64xf32, #tpu.memory_space<vmem>>) offsets(%dma_start3A_49 : memref<128xi32, #tpu.memory_space<vmem>>) semaphore(%arg9 : memref<!tpu.dma_semaphore, #tpu.memory_space<semaphore_mem>>)
    %dma_start3A_53 = arith.constant 1 : i32
    %dma_start3A_54 = arith.constant 0 : i32
    %dma_start3A_55 = arith.constant 0 : i32
    %dma_start3A_56 = tpu.memref_slice %arg8[%dma_start3A_53, %dma_start3A_54, %dma_start3A_55] : memref<4x256x64xf32, #tpu.memory_space<vmem>> -> memref<1x128x64xf32, #tpu.memory_space<vmem>>
    %dma_start3A_57 = tpu.memref_squeeze %dma_start3A_56 : memref<1x128x64xf32, #tpu.memory_space<vmem>> -> memref<128x64xf32, #tpu.memory_space<vmem>>
    %dma_start3A_58 = arith.constant 256 : i32
    %dma_start3A_59 = tpu.memref_slice %arg7[%dma_start3A_58] : memref<51200xi32, #tpu.memory_space<vmem>> -> memref<128xi32, #tpu.memory_space<vmem>>
    %dma_start3A_60 = arith.constant 0 : i32
    %dma_start3A_61 = arith.constant 0 : i32
    %dma_start3A_62 = tpu.memref_slice %arg4[%dma_start3A_60, %dma_start3A_61] : memref<100000x64xf32, #tpu.memory_space<hbm>> -> memref<100000x64xf32, #tpu.memory_space<hbm>>
    tpu.enqueue_indirect_dma source(%dma_start3A_62 : memref<100000x64xf32, #tpu.memory_space<hbm>>) target(%dma_start3A_57 : memref<128x64xf32, #tpu.memory_space<vmem>>) offsets(%dma_start3A_59 : memref<128xi32, #tpu.memory_space<vmem>>) semaphore(%arg10 : memref<!tpu.dma_semaphore, #tpu.memory_space<semaphore_mem>>)
    %dma_start3A_63 = arith.constant 1 : i32
    %dma_start3A_64 = arith.constant 128 : i32
    %dma_start3A_65 = arith.constant 0 : i32
    %dma_start3A_66 = tpu.memref_slice %arg8[%dma_start3A_63, %dma_start3A_64, %dma_start3A_65] : memref<4x256x64xf32, #tpu.memory_space<vmem>> -> memref<1x128x64xf32, #tpu.memory_space<vmem>>
    %dma_start3A_67 = tpu.memref_squeeze %dma_start3A_66 : memref<1x128x64xf32, #tpu.memory_space<vmem>> -> memref<128x64xf32, #tpu.memory_space<vmem>>
    %dma_start3A_68 = arith.constant 384 : i32
    %dma_start3A_69 = tpu.memref_slice %arg7[%dma_start3A_68] : memref<51200xi32, #tpu.memory_space<vmem>> -> memref<128xi32, #tpu.memory_space<vmem>>
    %dma_start3A_70 = arith.constant 0 : i32
    %dma_start3A_71 = arith.constant 0 : i32
    %dma_start3A_72 = tpu.memref_slice %arg4[%dma_start3A_70, %dma_start3A_71] : memref<100000x64xf32, #tpu.memory_space<hbm>> -> memref<100000x64xf32, #tpu.memory_space<hbm>>
    tpu.enqueue_indirect_dma source(%dma_start3A_72 : memref<100000x64xf32, #tpu.memory_space<hbm>>) target(%dma_start3A_67 : memref<128x64xf32, #tpu.memory_space<vmem>>) offsets(%dma_start3A_69 : memref<128xi32, #tpu.memory_space<vmem>>) semaphore(%arg10 : memref<!tpu.dma_semaphore, #tpu.memory_space<semaphore_mem>>)
    %dma_start3A_73 = arith.constant 2 : i32
    %dma_start3A_74 = arith.constant 0 : i32
    %dma_start3A_75 = arith.constant 0 : i32
    %dma_start3A_76 = tpu.memref_slice %arg8[%dma_start3A_73, %dma_start3A_74, %dma_start3A_75] : memref<4x256x64xf32, #tpu.memory_space<vmem>> -> memref<1x128x64xf32, #tpu.memory_space<vmem>>
    %dma_start3A_77 = tpu.memref_squeeze %dma_start3A_76 : memref<1x128x64xf32, #tpu.memory_space<vmem>> -> memref<128x64xf32, #tpu.memory_space<vmem>>
    %dma_start3A_78 = arith.constant 512 : i32
    %dma_start3A_79 = tpu.memref_slice %arg7[%dma_start3A_78] : memref<51200xi32, #tpu.memory_space<vmem>> -> memref<128xi32, #tpu.memory_space<vmem>>
    %dma_start3A_80 = arith.constant 0 : i32
    %dma_start3A_81 = arith.constant 0 : i32
    %dma_start3A_82 = tpu.memref_slice %arg4[%dma_start3A_80, %dma_start3A_81] : memref<100000x64xf32, #tpu.memory_space<hbm>> -> memref<100000x64xf32, #tpu.memory_space<hbm>>
    tpu.enqueue_indirect_dma source(%dma_start3A_82 : memref<100000x64xf32, #tpu.memory_space<hbm>>) target(%dma_start3A_77 : memref<128x64xf32, #tpu.memory_space<vmem>>) offsets(%dma_start3A_79 : memref<128xi32, #tpu.memory_space<vmem>>) semaphore(%arg11 : memref<!tpu.dma_semaphore, #tpu.memory_space<semaphore_mem>>)
    %dma_start3A_83 = arith.constant 2 : i32
    %dma_start3A_84 = arith.constant 128 : i32
    %dma_start3A_85 = arith.constant 0 : i32
    %dma_start3A_86 = tpu.memref_slice %arg8[%dma_start3A_83, %dma_start3A_84, %dma_start3A_85] : memref<4x256x64xf32, #tpu.memory_space<vmem>> -> memref<1x128x64xf32, #tpu.memory_space<vmem>>
    %dma_start3A_87 = tpu.memref_squeeze %dma_start3A_86 : memref<1x128x64xf32, #tpu.memory_space<vmem>> -> memref<128x64xf32, #tpu.memory_space<vmem>>
    %dma_start3A_88 = arith.constant 640 : i32
    %dma_start3A_89 = tpu.memref_slice %arg7[%dma_start3A_88] : memref<51200xi32, #tpu.memory_space<vmem>> -> memref<128xi32, #tpu.memory_space<vmem>>
    %dma_start3A_90 = arith.constant 0 : i32
    %dma_start3A_91 = arith.constant 0 : i32
    %dma_start3A_92 = tpu.memref_slice %arg4[%dma_start3A_90, %dma_start3A_91] : memref<100000x64xf32, #tpu.memory_space<hbm>> -> memref<100000x64xf32, #tpu.memory_space<hbm>>
    tpu.enqueue_indirect_dma source(%dma_start3A_92 : memref<100000x64xf32, #tpu.memory_space<hbm>>) target(%dma_start3A_87 : memref<128x64xf32, #tpu.memory_space<vmem>>) offsets(%dma_start3A_89 : memref<128xi32, #tpu.memory_space<vmem>>) semaphore(%arg11 : memref<!tpu.dma_semaphore, #tpu.memory_space<semaphore_mem>>)
    %dma_start3A_93 = arith.constant 3 : i32
    %dma_start3A_94 = arith.constant 0 : i32
    %dma_start3A_95 = arith.constant 0 : i32
    %dma_start3A_96 = tpu.memref_slice %arg8[%dma_start3A_93, %dma_start3A_94, %dma_start3A_95] : memref<4x256x64xf32, #tpu.memory_space<vmem>> -> memref<1x128x64xf32, #tpu.memory_space<vmem>>
    %dma_start3A_97 = tpu.memref_squeeze %dma_start3A_96 : memref<1x128x64xf32, #tpu.memory_space<vmem>> -> memref<128x64xf32, #tpu.memory_space<vmem>>
    %dma_start3A_98 = arith.constant 768 : i32
    %dma_start3A_99 = tpu.memref_slice %arg7[%dma_start3A_98] : memref<51200xi32, #tpu.memory_space<vmem>> -> memref<128xi32, #tpu.memory_space<vmem>>
    %dma_start3A_100 = arith.constant 0 : i32
    %dma_start3A_101 = arith.constant 0 : i32
    %dma_start3A_102 = tpu.memref_slice %arg4[%dma_start3A_100, %dma_start3A_101] : memref<100000x64xf32, #tpu.memory_space<hbm>> -> memref<100000x64xf32, #tpu.memory_space<hbm>>
    tpu.enqueue_indirect_dma source(%dma_start3A_102 : memref<100000x64xf32, #tpu.memory_space<hbm>>) target(%dma_start3A_97 : memref<128x64xf32, #tpu.memory_space<vmem>>) offsets(%dma_start3A_99 : memref<128xi32, #tpu.memory_space<vmem>>) semaphore(%arg12 : memref<!tpu.dma_semaphore, #tpu.memory_space<semaphore_mem>>)
    %dma_start3A_103 = arith.constant 3 : i32
    %dma_start3A_104 = arith.constant 128 : i32
    %dma_start3A_105 = arith.constant 0 : i32
    %dma_start3A_106 = tpu.memref_slice %arg8[%dma_start3A_103, %dma_start3A_104, %dma_start3A_105] : memref<4x256x64xf32, #tpu.memory_space<vmem>> -> memref<1x128x64xf32, #tpu.memory_space<vmem>>
    %dma_start3A_107 = tpu.memref_squeeze %dma_start3A_106 : memref<1x128x64xf32, #tpu.memory_space<vmem>> -> memref<128x64xf32, #tpu.memory_space<vmem>>
    %dma_start3A_108 = arith.constant 896 : i32
    %dma_start3A_109 = tpu.memref_slice %arg7[%dma_start3A_108] : memref<51200xi32, #tpu.memory_space<vmem>> -> memref<128xi32, #tpu.memory_space<vmem>>
    %dma_start3A_110 = arith.constant 0 : i32
    %dma_start3A_111 = arith.constant 0 : i32
    %dma_start3A_112 = tpu.memref_slice %arg4[%dma_start3A_110, %dma_start3A_111] : memref<100000x64xf32, #tpu.memory_space<hbm>> -> memref<100000x64xf32, #tpu.memory_space<hbm>>
    tpu.enqueue_indirect_dma source(%dma_start3A_112 : memref<100000x64xf32, #tpu.memory_space<hbm>>) target(%dma_start3A_107 : memref<128x64xf32, #tpu.memory_space<vmem>>) offsets(%dma_start3A_109 : memref<128xi32, #tpu.memory_space<vmem>>) semaphore(%arg12 : memref<!tpu.dma_semaphore, #tpu.memory_space<semaphore_mem>>)
    %dma_wait3A_113 = arith.constant 0 : i32
    %dma_wait3A_114 = arith.constant 0 : i32
    %dma_wait3A_115 = arith.constant 0 : i32
    %dma_wait3A_116 = tpu.memref_slice %arg8[%dma_wait3A_113, %dma_wait3A_114, %dma_wait3A_115] : memref<4x256x64xf32, #tpu.memory_space<vmem>> -> memref<1x256x64xf32, #tpu.memory_space<vmem>>
    %dma_wait3A_117 = tpu.memref_squeeze %dma_wait3A_116 : memref<1x256x64xf32, #tpu.memory_space<vmem>> -> memref<256x64xf32, #tpu.memory_space<vmem>>
    %dma_wait3A_118 = arith.constant 0 : i32
    %dma_wait3A_119 = arith.constant 0 : i32
    %dma_wait3A_120 = tpu.memref_slice %arg4[%dma_wait3A_118, %dma_wait3A_119] : memref<100000x64xf32, #tpu.memory_space<hbm>> -> memref<256x64xf32, #tpu.memory_space<hbm>>
    %dma_wait3A_121 = arith.constant 0 : i32
    %dma_wait3A_122 = arith.constant 0 : i32
    %dma_wait3A_123 = tpu.memref_slice %arg8[%dma_wait3A_113, %dma_wait3A_121, %dma_wait3A_122] : memref<4x256x64xf32, #tpu.memory_space<vmem>> -> memref<1x256x64xf32, #tpu.memory_space<vmem>>
    %dma_wait3A_124 = tpu.memref_squeeze %dma_wait3A_123 : memref<1x256x64xf32, #tpu.memory_space<vmem>> -> memref<256x64xf32, #tpu.memory_space<vmem>>
    %dma_wait3A_125 = arith.constant 0 : i32
    %dma_wait3A_126 = arith.constant 0 : i32
    %dma_wait3A_127 = tpu.memref_slice %arg4[%dma_wait3A_125, %dma_wait3A_126] : memref<100000x64xf32, #tpu.memory_space<hbm>> -> memref<256x64xf32, #tpu.memory_space<hbm>>
    tpu.wait_dma2 semaphore(%arg9 : memref<!tpu.dma_semaphore, #tpu.memory_space<semaphore_mem>>) src(%dma_wait3A_127 : memref<256x64xf32, #tpu.memory_space<hbm>>) dst(%dma_wait3A_124 : memref<256x64xf32, #tpu.memory_space<vmem>>)
    %add3A_128 = arith.constant 0 : i32
    %add3A_129 = arith.addi %mul3A_32, %add3A_128 : i32
    %dma_start3A_130 = arith.constant 0 : i32
    %dma_start3A_131 = arith.constant 0 : i32
    %dma_start3A_132 = arith.constant 0 : i32
    %dma_start3A_133 = arith.constant 0 : i32
    %dma_start3A_134 = tpu.memref_slice %arg8[%dma_start3A_130, %dma_start3A_132, %dma_start3A_133] : memref<4x256x64xf32, #tpu.memory_space<vmem>> -> memref<1x256x64xf32, #tpu.memory_space<vmem>>
    %dma_start3A_135 = tpu.memref_squeeze %dma_start3A_134 : memref<1x256x64xf32, #tpu.memory_space<vmem>> -> memref<256x64xf32, #tpu.memory_space<vmem>>
    %dma_start3A_136 = arith.constant 0 : i32
    %dma_start3A_137 = tpu.memref_slice %arg6[%add3A_129, %dma_start3A_131, %dma_start3A_136] : memref<819200x2x64xf32, #tpu.memory_space<hbm>> -> memref<256x1x64xf32, #tpu.memory_space<hbm>>
    %dma_start3A_138 = tpu.memref_squeeze %dma_start3A_137 : memref<256x1x64xf32, #tpu.memory_space<hbm>> -> memref<256x64xf32, #tpu.memory_space<hbm>>
    %dma_start3A_139 = arith.constant 0 : i32
    %dma_start3A_140 = tpu.memref_slice %arg6[%add3A_129, %dma_start3A_131, %dma_start3A_139] : memref<819200x2x64xf32, #tpu.memory_space<hbm>> -> memref<256x1x64xf32, #tpu.memory_space<hbm>>
    %dma_start3A_141 = tpu.memref_squeeze %dma_start3A_140 : memref<256x1x64xf32, #tpu.memory_space<hbm>> -> memref<256x64xf32, #tpu.memory_space<hbm>>
    %dma_start3A_142 = arith.constant 0 : i32
    %dma_start3A_143 = arith.constant 0 : i32
    %dma_start3A_144 = tpu.memref_slice %arg8[%dma_start3A_130, %dma_start3A_142, %dma_start3A_143] : memref<4x256x64xf32, #tpu.memory_space<vmem>> -> memref<1x256x64xf32, #tpu.memory_space<vmem>>
    %dma_start3A_145 = tpu.memref_squeeze %dma_start3A_144 : memref<1x256x64xf32, #tpu.memory_space<vmem>> -> memref<256x64xf32, #tpu.memory_space<vmem>>
    tpu.enqueue_dma source(%dma_start3A_145 : memref<256x64xf32, #tpu.memory_space<vmem>>) target(%dma_start3A_141 : memref<256x64xf32, #tpu.memory_space<hbm>>) target_semaphore(%arg13 : memref<!tpu.dma_semaphore, #tpu.memory_space<semaphore_mem>>)
    %dma_wait3A_146 = arith.constant 1 : i32
    %dma_wait3A_147 = arith.constant 0 : i32
    %dma_wait3A_148 = arith.constant 0 : i32
    %dma_wait3A_149 = tpu.memref_slice %arg8[%dma_wait3A_146, %dma_wait3A_147, %dma_wait3A_148] : memref<4x256x64xf32, #tpu.memory_space<vmem>> -> memref<1x256x64xf32, #tpu.memory_space<vmem>>
    %dma_wait3A_150 = tpu.memref_squeeze %dma_wait3A_149 : memref<1x256x64xf32, #tpu.memory_space<vmem>> -> memref<256x64xf32, #tpu.memory_space<vmem>>
    %dma_wait3A_151 = arith.constant 0 : i32
    %dma_wait3A_152 = arith.constant 0 : i32
    %dma_wait3A_153 = tpu.memref_slice %arg4[%dma_wait3A_151, %dma_wait3A_152] : memref<100000x64xf32, #tpu.memory_space<hbm>> -> memref<256x64xf32, #tpu.memory_space<hbm>>
    %dma_wait3A_154 = arith.constant 0 : i32
    %dma_wait3A_155 = arith.constant 0 : i32
    %dma_wait3A_156 = tpu.memref_slice %arg8[%dma_wait3A_146, %dma_wait3A_154, %dma_wait3A_155] : memref<4x256x64xf32, #tpu.memory_space<vmem>> -> memref<1x256x64xf32, #tpu.memory_space<vmem>>
    %dma_wait3A_157 = tpu.memref_squeeze %dma_wait3A_156 : memref<1x256x64xf32, #tpu.memory_space<vmem>> -> memref<256x64xf32, #tpu.memory_space<vmem>>
    %dma_wait3A_158 = arith.constant 0 : i32
    %dma_wait3A_159 = arith.constant 0 : i32
    %dma_wait3A_160 = tpu.memref_slice %arg4[%dma_wait3A_158, %dma_wait3A_159] : memref<100000x64xf32, #tpu.memory_space<hbm>> -> memref<256x64xf32, #tpu.memory_space<hbm>>
    tpu.wait_dma2 semaphore(%arg10 : memref<!tpu.dma_semaphore, #tpu.memory_space<semaphore_mem>>) src(%dma_wait3A_160 : memref<256x64xf32, #tpu.memory_space<hbm>>) dst(%dma_wait3A_157 : memref<256x64xf32, #tpu.memory_space<vmem>>)
    %add3A_161 = arith.constant 256 : i32
    %add3A_162 = arith.addi %mul3A_32, %add3A_161 : i32
    %dma_start3A_163 = arith.constant 1 : i32
    %dma_start3A_164 = arith.constant 0 : i32
    %dma_start3A_165 = arith.constant 0 : i32
    %dma_start3A_166 = arith.constant 0 : i32
    %dma_start3A_167 = tpu.memref_slice %arg8[%dma_start3A_163, %dma_start3A_165, %dma_start3A_166] : memref<4x256x64xf32, #tpu.memory_space<vmem>> -> memref<1x256x64xf32, #tpu.memory_space<vmem>>
    %dma_start3A_168 = tpu.memref_squeeze %dma_start3A_167 : memref<1x256x64xf32, #tpu.memory_space<vmem>> -> memref<256x64xf32, #tpu.memory_space<vmem>>
    %dma_start3A_169 = arith.constant 0 : i32
    %dma_start3A_170 = tpu.memref_slice %arg6[%add3A_162, %dma_start3A_164, %dma_start3A_169] : memref<819200x2x64xf32, #tpu.memory_space<hbm>> -> memref<256x1x64xf32, #tpu.memory_space<hbm>>
    %dma_start3A_171 = tpu.memref_squeeze %dma_start3A_170 : memref<256x1x64xf32, #tpu.memory_space<hbm>> -> memref<256x64xf32, #tpu.memory_space<hbm>>
    %dma_start3A_172 = arith.constant 0 : i32
    %dma_start3A_173 = tpu.memref_slice %arg6[%add3A_162, %dma_start3A_164, %dma_start3A_172] : memref<819200x2x64xf32, #tpu.memory_space<hbm>> -> memref<256x1x64xf32, #tpu.memory_space<hbm>>
    %dma_start3A_174 = tpu.memref_squeeze %dma_start3A_173 : memref<256x1x64xf32, #tpu.memory_space<hbm>> -> memref<256x64xf32, #tpu.memory_space<hbm>>
    %dma_start3A_175 = arith.constant 0 : i32
    %dma_start3A_176 = arith.constant 0 : i32
    %dma_start3A_177 = tpu.memref_slice %arg8[%dma_start3A_163, %dma_start3A_175, %dma_start3A_176] : memref<4x256x64xf32, #tpu.memory_space<vmem>> -> memref<1x256x64xf32, #tpu.memory_space<vmem>>
    %dma_start3A_178 = tpu.memref_squeeze %dma_start3A_177 : memref<1x256x64xf32, #tpu.memory_space<vmem>> -> memref<256x64xf32, #tpu.memory_space<vmem>>
    tpu.enqueue_dma source(%dma_start3A_178 : memref<256x64xf32, #tpu.memory_space<vmem>>) target(%dma_start3A_174 : memref<256x64xf32, #tpu.memory_space<hbm>>) target_semaphore(%arg14 : memref<!tpu.dma_semaphore, #tpu.memory_space<semaphore_mem>>)
    %scan3A = arith.constant 0 : i32
    %scan3A_179 = arith.constant 1 : i32
    %scan3A_180 = arith.constant 24 : i32
    %scan3A_181 = arith.addi %scan3A_179, %scan3A_180 : i32
    %scan3A_182 = arith.constant 1 : i32
    %scan3A_183 = scf.for %scan3A_616 = %scan3A_179 to %scan3A_181 step %scan3A_182 iter_args(%scan3A_617 = %scan3A) -> (i32)  : i32 {
      %mul3A_618 = arith.constant 4 : i32
      %mul3A_619 = arith.muli %mul3A_618, %scan3A_616 : i32
      %add3A_620 = arith.constant 0 : i32
      %add3A_621 = arith.addi %mul3A_619, %add3A_620 : i32
      %sub3A = arith.constant 4 : i32
      %sub3A_622 = arith.subi %add3A_621, %sub3A : i32
      %mul3A_623 = arith.constant 256 : i32
      %mul3A_624 = arith.muli %sub3A_622, %mul3A_623 : i32
      %add3A_625 = arith.addi %mul3A_32, %mul3A_624 : i32
      %dma_wait3A_626 = arith.constant 0 : i32
      %dma_wait3A_627 = arith.constant 0 : i32
      %dma_wait3A_628 = arith.constant 0 : i32
      %dma_wait3A_629 = arith.constant 0 : i32
      %dma_wait3A_630 = tpu.memref_slice %arg8[%dma_wait3A_626, %dma_wait3A_628, %dma_wait3A_629] : memref<4x256x64xf32, #tpu.memory_space<vmem>> -> memref<1x256x64xf32, #tpu.memory_space<vmem>>
      %dma_wait3A_631 = tpu.memref_squeeze %dma_wait3A_630 : memref<1x256x64xf32, #tpu.memory_space<vmem>> -> memref<256x64xf32, #tpu.memory_space<vmem>>
      %dma_wait3A_632 = arith.constant 0 : i32
      %dma_wait3A_633 = tpu.memref_slice %arg6[%add3A_625, %dma_wait3A_627, %dma_wait3A_632] : memref<819200x2x64xf32, #tpu.memory_space<hbm>> -> memref<256x1x64xf32, #tpu.memory_space<hbm>>
      %dma_wait3A_634 = tpu.memref_squeeze %dma_wait3A_633 : memref<256x1x64xf32, #tpu.memory_space<hbm>> -> memref<256x64xf32, #tpu.memory_space<hbm>>
      %dma_wait3A_635 = arith.constant 0 : i32
      %dma_wait3A_636 = tpu.memref_slice %arg6[%add3A_625, %dma_wait3A_627, %dma_wait3A_635] : memref<819200x2x64xf32, #tpu.memory_space<hbm>> -> memref<256x1x64xf32, #tpu.memory_space<hbm>>
      %dma_wait3A_637 = tpu.memref_squeeze %dma_wait3A_636 : memref<256x1x64xf32, #tpu.memory_space<hbm>> -> memref<256x64xf32, #tpu.memory_space<hbm>>
      %dma_wait3A_638 = arith.constant 0 : i32
      %dma_wait3A_639 = arith.constant 0 : i32
      %dma_wait3A_640 = tpu.memref_slice %arg8[%dma_wait3A_626, %dma_wait3A_638, %dma_wait3A_639] : memref<4x256x64xf32, #tpu.memory_space<vmem>> -> memref<1x256x64xf32, #tpu.memory_space<vmem>>
      %dma_wait3A_641 = tpu.memref_squeeze %dma_wait3A_640 : memref<1x256x64xf32, #tpu.memory_space<vmem>> -> memref<256x64xf32, #tpu.memory_space<vmem>>
      tpu.wait_dma2 semaphore(%arg13 : memref<!tpu.dma_semaphore, #tpu.memory_space<semaphore_mem>>) src(%dma_wait3A_641 : memref<256x64xf32, #tpu.memory_space<vmem>>) dst(%dma_wait3A_637 : memref<256x64xf32, #tpu.memory_space<hbm>>)
      %mul3A_642 = arith.constant 256 : i32
      %mul3A_643 = arith.muli %add3A_621, %mul3A_642 : i32
      %add3A_644 = arith.constant 0 : i32
      %add3A_645 = arith.addi %add3A_644, %mul3A_643 : i32
      %add3A_646 = arith.constant 0 : i32
      %add3A_647 = arith.addi %add3A_645, %add3A_646 : i32
      %dma_start3A_648 = arith.constant 0 : i32
      %dma_start3A_649 = arith.constant 0 : i32
      %dma_start3A_650 = arith.constant 0 : i32
      %dma_start3A_651 = tpu.memref_slice %arg8[%dma_start3A_648, %dma_start3A_649, %dma_start3A_650] : memref<4x256x64xf32, #tpu.memory_space<vmem>> -> memref<1x128x64xf32, #tpu.memory_space<vmem>>
      %dma_start3A_652 = tpu.memref_squeeze %dma_start3A_651 : memref<1x128x64xf32, #tpu.memory_space<vmem>> -> memref<128x64xf32, #tpu.memory_space<vmem>>
      %dma_start3A_653 = tpu.memref_slice %arg7[%add3A_647] : memref<51200xi32, #tpu.memory_space<vmem>> -> memref<128xi32, #tpu.memory_space<vmem>>
      %dma_start3A_654 = arith.constant 0 : i32
      %dma_start3A_655 = arith.constant 0 : i32
      %dma_start3A_656 = tpu.memref_slice %arg4[%dma_start3A_654, %dma_start3A_655] : memref<100000x64xf32, #tpu.memory_space<hbm>> -> memref<100000x64xf32, #tpu.memory_space<hbm>>
      tpu.enqueue_indirect_dma source(%dma_start3A_656 : memref<100000x64xf32, #tpu.memory_space<hbm>>) target(%dma_start3A_652 : memref<128x64xf32, #tpu.memory_space<vmem>>) offsets(%dma_start3A_653 : memref<128xi32, #tpu.memory_space<vmem>>) semaphore(%arg9 : memref<!tpu.dma_semaphore, #tpu.memory_space<semaphore_mem>>)
      %mul3A_657 = arith.constant 256 : i32
      %mul3A_658 = arith.muli %add3A_621, %mul3A_657 : i32
      %add3A_659 = arith.constant 0 : i32
      %add3A_660 = arith.addi %add3A_659, %mul3A_658 : i32
      %add3A_661 = arith.constant 128 : i32
      %add3A_662 = arith.addi %add3A_660, %add3A_661 : i32
      %dma_start3A_663 = arith.constant 0 : i32
      %dma_start3A_664 = arith.constant 128 : i32
      %dma_start3A_665 = arith.constant 0 : i32
      %dma_start3A_666 = tpu.memref_slice %arg8[%dma_start3A_663, %dma_start3A_664, %dma_start3A_665] : memref<4x256x64xf32, #tpu.memory_space<vmem>> -> memref<1x128x64xf32, #tpu.memory_space<vmem>>
      %dma_start3A_667 = tpu.memref_squeeze %dma_start3A_666 : memref<1x128x64xf32, #tpu.memory_space<vmem>> -> memref<128x64xf32, #tpu.memory_space<vmem>>
      %dma_start3A_668 = tpu.memref_slice %arg7[%add3A_662] : memref<51200xi32, #tpu.memory_space<vmem>> -> memref<128xi32, #tpu.memory_space<vmem>>
      %dma_start3A_669 = arith.constant 0 : i32
      %dma_start3A_670 = arith.constant 0 : i32
      %dma_start3A_671 = tpu.memref_slice %arg4[%dma_start3A_669, %dma_start3A_670] : memref<100000x64xf32, #tpu.memory_space<hbm>> -> memref<100000x64xf32, #tpu.memory_space<hbm>>
      tpu.enqueue_indirect_dma source(%dma_start3A_671 : memref<100000x64xf32, #tpu.memory_space<hbm>>) target(%dma_start3A_667 : memref<128x64xf32, #tpu.memory_space<vmem>>) offsets(%dma_start3A_668 : memref<128xi32, #tpu.memory_space<vmem>>) semaphore(%arg9 : memref<!tpu.dma_semaphore, #tpu.memory_space<semaphore_mem>>)
      %dma_wait3A_672 = arith.constant 2 : i32
      %dma_wait3A_673 = arith.constant 0 : i32
      %dma_wait3A_674 = arith.constant 0 : i32
      %dma_wait3A_675 = tpu.memref_slice %arg8[%dma_wait3A_672, %dma_wait3A_673, %dma_wait3A_674] : memref<4x256x64xf32, #tpu.memory_space<vmem>> -> memref<1x256x64xf32, #tpu.memory_space<vmem>>
      %dma_wait3A_676 = tpu.memref_squeeze %dma_wait3A_675 : memref<1x256x64xf32, #tpu.memory_space<vmem>> -> memref<256x64xf32, #tpu.memory_space<vmem>>
      %dma_wait3A_677 = arith.constant 0 : i32
      %dma_wait3A_678 = arith.constant 0 : i32
      %dma_wait3A_679 = tpu.memref_slice %arg4[%dma_wait3A_677, %dma_wait3A_678] : memref<100000x64xf32, #tpu.memory_space<hbm>> -> memref<256x64xf32, #tpu.memory_space<hbm>>
      %dma_wait3A_680 = arith.constant 0 : i32
      %dma_wait3A_681 = arith.constant 0 : i32
      %dma_wait3A_682 = tpu.memref_slice %arg8[%dma_wait3A_672, %dma_wait3A_680, %dma_wait3A_681] : memref<4x256x64xf32, #tpu.memory_space<vmem>> -> memref<1x256x64xf32, #tpu.memory_space<vmem>>
      %dma_wait3A_683 = tpu.memref_squeeze %dma_wait3A_682 : memref<1x256x64xf32, #tpu.memory_space<vmem>> -> memref<256x64xf32, #tpu.memory_space<vmem>>
      %dma_wait3A_684 = arith.constant 0 : i32
      %dma_wait3A_685 = arith.constant 0 : i32
      %dma_wait3A_686 = tpu.memref_slice %arg4[%dma_wait3A_684, %dma_wait3A_685] : memref<100000x64xf32, #tpu.memory_space<hbm>> -> memref<256x64xf32, #tpu.memory_space<hbm>>
      tpu.wait_dma2 semaphore(%arg11 : memref<!tpu.dma_semaphore, #tpu.memory_space<semaphore_mem>>) src(%dma_wait3A_686 : memref<256x64xf32, #tpu.memory_space<hbm>>) dst(%dma_wait3A_683 : memref<256x64xf32, #tpu.memory_space<vmem>>)
      %sub3A_687 = arith.constant 2 : i32
      %sub3A_688 = arith.subi %add3A_621, %sub3A_687 : i32
      %mul3A_689 = arith.constant 256 : i32
      %mul3A_690 = arith.muli %sub3A_688, %mul3A_689 : i32
      %add3A_691 = arith.addi %mul3A_32, %mul3A_690 : i32
      %dma_start3A_692 = arith.constant 2 : i32
      %dma_start3A_693 = arith.constant 0 : i32
      %dma_start3A_694 = arith.constant 0 : i32
      %dma_start3A_695 = arith.constant 0 : i32
      %dma_start3A_696 = tpu.memref_slice %arg8[%dma_start3A_692, %dma_start3A_694, %dma_start3A_695] : memref<4x256x64xf32, #tpu.memory_space<vmem>> -> memref<1x256x64xf32, #tpu.memory_space<vmem>>
      %dma_start3A_697 = tpu.memref_squeeze %dma_start3A_696 : memref<1x256x64xf32, #tpu.memory_space<vmem>> -> memref<256x64xf32, #tpu.memory_space<vmem>>
      %dma_start3A_698 = arith.constant 0 : i32
      %dma_start3A_699 = tpu.memref_slice %arg6[%add3A_691, %dma_start3A_693, %dma_start3A_698] : memref<819200x2x64xf32, #tpu.memory_space<hbm>> -> memref<256x1x64xf32, #tpu.memory_space<hbm>>
      %dma_start3A_700 = tpu.memref_squeeze %dma_start3A_699 : memref<256x1x64xf32, #tpu.memory_space<hbm>> -> memref<256x64xf32, #tpu.memory_space<hbm>>
      %dma_start3A_701 = arith.constant 0 : i32
      %dma_start3A_702 = tpu.memref_slice %arg6[%add3A_691, %dma_start3A_693, %dma_start3A_701] : memref<819200x2x64xf32, #tpu.memory_space<hbm>> -> memref<256x1x64xf32, #tpu.memory_space<hbm>>
      %dma_start3A_703 = tpu.memref_squeeze %dma_start3A_702 : memref<256x1x64xf32, #tpu.memory_space<hbm>> -> memref<256x64xf32, #tpu.memory_space<hbm>>
      %dma_start3A_704 = arith.constant 0 : i32
      %dma_start3A_705 = arith.constant 0 : i32
      %dma_start3A_706 = tpu.memref_slice %arg8[%dma_start3A_692, %dma_start3A_704, %dma_start3A_705] : memref<4x256x64xf32, #tpu.memory_space<vmem>> -> memref<1x256x64xf32, #tpu.memory_space<vmem>>
      %dma_start3A_707 = tpu.memref_squeeze %dma_start3A_706 : memref<1x256x64xf32, #tpu.memory_space<vmem>> -> memref<256x64xf32, #tpu.memory_space<vmem>>
      tpu.enqueue_dma source(%dma_start3A_707 : memref<256x64xf32, #tpu.memory_space<vmem>>) target(%dma_start3A_703 : memref<256x64xf32, #tpu.memory_space<hbm>>) target_semaphore(%arg15 : memref<!tpu.dma_semaphore, #tpu.memory_space<semaphore_mem>>)
      %add3A_708 = arith.constant 1 : i32
      %add3A_709 = arith.addi %mul3A_619, %add3A_708 : i32
      %sub3A_710 = arith.constant 4 : i32
      %sub3A_711 = arith.subi %add3A_709, %sub3A_710 : i32
      %mul3A_712 = arith.constant 256 : i32
      %mul3A_713 = arith.muli %sub3A_711, %mul3A_712 : i32
      %add3A_714 = arith.addi %mul3A_32, %mul3A_713 : i32
      %dma_wait3A_715 = arith.constant 1 : i32
      %dma_wait3A_716 = arith.constant 0 : i32
      %dma_wait3A_717 = arith.constant 0 : i32
      %dma_wait3A_718 = arith.constant 0 : i32
      %dma_wait3A_719 = tpu.memref_slice %arg8[%dma_wait3A_715, %dma_wait3A_717, %dma_wait3A_718] : memref<4x256x64xf32, #tpu.memory_space<vmem>> -> memref<1x256x64xf32, #tpu.memory_space<vmem>>
      %dma_wait3A_720 = tpu.memref_squeeze %dma_wait3A_719 : memref<1x256x64xf32, #tpu.memory_space<vmem>> -> memref<256x64xf32, #tpu.memory_space<vmem>>
      %dma_wait3A_721 = arith.constant 0 : i32
      %dma_wait3A_722 = tpu.memref_slice %arg6[%add3A_714, %dma_wait3A_716, %dma_wait3A_721] : memref<819200x2x64xf32, #tpu.memory_space<hbm>> -> memref<256x1x64xf32, #tpu.memory_space<hbm>>
      %dma_wait3A_723 = tpu.memref_squeeze %dma_wait3A_722 : memref<256x1x64xf32, #tpu.memory_space<hbm>> -> memref<256x64xf32, #tpu.memory_space<hbm>>
      %dma_wait3A_724 = arith.constant 0 : i32
      %dma_wait3A_725 = tpu.memref_slice %arg6[%add3A_714, %dma_wait3A_716, %dma_wait3A_724] : memref<819200x2x64xf32, #tpu.memory_space<hbm>> -> memref<256x1x64xf32, #tpu.memory_space<hbm>>
      %dma_wait3A_726 = tpu.memref_squeeze %dma_wait3A_725 : memref<256x1x64xf32, #tpu.memory_space<hbm>> -> memref<256x64xf32, #tpu.memory_space<hbm>>
      %dma_wait3A_727 = arith.constant 0 : i32
      %dma_wait3A_728 = arith.constant 0 : i32
      %dma_wait3A_729 = tpu.memref_slice %arg8[%dma_wait3A_715, %dma_wait3A_727, %dma_wait3A_728] : memref<4x256x64xf32, #tpu.memory_space<vmem>> -> memref<1x256x64xf32, #tpu.memory_space<vmem>>
      %dma_wait3A_730 = tpu.memref_squeeze %dma_wait3A_729 : memref<1x256x64xf32, #tpu.memory_space<vmem>> -> memref<256x64xf32, #tpu.memory_space<vmem>>
      tpu.wait_dma2 semaphore(%arg14 : memref<!tpu.dma_semaphore, #tpu.memory_space<semaphore_mem>>) src(%dma_wait3A_730 : memref<256x64xf32, #tpu.memory_space<vmem>>) dst(%dma_wait3A_726 : memref<256x64xf32, #tpu.memory_space<hbm>>)
      %mul3A_731 = arith.constant 256 : i32
      %mul3A_732 = arith.muli %add3A_709, %mul3A_731 : i32
      %add3A_733 = arith.constant 0 : i32
      %add3A_734 = arith.addi %add3A_733, %mul3A_732 : i32
      %add3A_735 = arith.constant 0 : i32
      %add3A_736 = arith.addi %add3A_734, %add3A_735 : i32
      %dma_start3A_737 = arith.constant 1 : i32
      %dma_start3A_738 = arith.constant 0 : i32
      %dma_start3A_739 = arith.constant 0 : i32
      %dma_start3A_740 = tpu.memref_slice %arg8[%dma_start3A_737, %dma_start3A_738, %dma_start3A_739] : memref<4x256x64xf32, #tpu.memory_space<vmem>> -> memref<1x128x64xf32, #tpu.memory_space<vmem>>
      %dma_start3A_741 = tpu.memref_squeeze %dma_start3A_740 : memref<1x128x64xf32, #tpu.memory_space<vmem>> -> memref<128x64xf32, #tpu.memory_space<vmem>>
      %dma_start3A_742 = tpu.memref_slice %arg7[%add3A_736] : memref<51200xi32, #tpu.memory_space<vmem>> -> memref<128xi32, #tpu.memory_space<vmem>>
      %dma_start3A_743 = arith.constant 0 : i32
      %dma_start3A_744 = arith.constant 0 : i32
      %dma_start3A_745 = tpu.memref_slice %arg4[%dma_start3A_743, %dma_start3A_744] : memref<100000x64xf32, #tpu.memory_space<hbm>> -> memref<100000x64xf32, #tpu.memory_space<hbm>>
      tpu.enqueue_indirect_dma source(%dma_start3A_745 : memref<100000x64xf32, #tpu.memory_space<hbm>>) target(%dma_start3A_741 : memref<128x64xf32, #tpu.memory_space<vmem>>) offsets(%dma_start3A_742 : memref<128xi32, #tpu.memory_space<vmem>>) semaphore(%arg10 : memref<!tpu.dma_semaphore, #tpu.memory_space<semaphore_mem>>)
      %mul3A_746 = arith.constant 256 : i32
      %mul3A_747 = arith.muli %add3A_709, %mul3A_746 : i32
      %add3A_748 = arith.constant 0 : i32
      %add3A_749 = arith.addi %add3A_748, %mul3A_747 : i32
      %add3A_750 = arith.constant 128 : i32
      %add3A_751 = arith.addi %add3A_749, %add3A_750 : i32
      %dma_start3A_752 = arith.constant 1 : i32
      %dma_start3A_753 = arith.constant 128 : i32
      %dma_start3A_754 = arith.constant 0 : i32
      %dma_start3A_755 = tpu.memref_slice %arg8[%dma_start3A_752, %dma_start3A_753, %dma_start3A_754] : memref<4x256x64xf32, #tpu.memory_space<vmem>> -> memref<1x128x64xf32, #tpu.memory_space<vmem>>
      %dma_start3A_756 = tpu.memref_squeeze %dma_start3A_755 : memref<1x128x64xf32, #tpu.memory_space<vmem>> -> memref<128x64xf32, #tpu.memory_space<vmem>>
      %dma_start3A_757 = tpu.memref_slice %arg7[%add3A_751] : memref<51200xi32, #tpu.memory_space<vmem>> -> memref<128xi32, #tpu.memory_space<vmem>>
      %dma_start3A_758 = arith.constant 0 : i32
      %dma_start3A_759 = arith.constant 0 : i32
      %dma_start3A_760 = tpu.memref_slice %arg4[%dma_start3A_758, %dma_start3A_759] : memref<100000x64xf32, #tpu.memory_space<hbm>> -> memref<100000x64xf32, #tpu.memory_space<hbm>>
      tpu.enqueue_indirect_dma source(%dma_start3A_760 : memref<100000x64xf32, #tpu.memory_space<hbm>>) target(%dma_start3A_756 : memref<128x64xf32, #tpu.memory_space<vmem>>) offsets(%dma_start3A_757 : memref<128xi32, #tpu.memory_space<vmem>>) semaphore(%arg10 : memref<!tpu.dma_semaphore, #tpu.memory_space<semaphore_mem>>)
      %dma_wait3A_761 = arith.constant 3 : i32
      %dma_wait3A_762 = arith.constant 0 : i32
      %dma_wait3A_763 = arith.constant 0 : i32
      %dma_wait3A_764 = tpu.memref_slice %arg8[%dma_wait3A_761, %dma_wait3A_762, %dma_wait3A_763] : memref<4x256x64xf32, #tpu.memory_space<vmem>> -> memref<1x256x64xf32, #tpu.memory_space<vmem>>
      %dma_wait3A_765 = tpu.memref_squeeze %dma_wait3A_764 : memref<1x256x64xf32, #tpu.memory_space<vmem>> -> memref<256x64xf32, #tpu.memory_space<vmem>>
      %dma_wait3A_766 = arith.constant 0 : i32
      %dma_wait3A_767 = arith.constant 0 : i32
      %dma_wait3A_768 = tpu.memref_slice %arg4[%dma_wait3A_766, %dma_wait3A_767] : memref<100000x64xf32, #tpu.memory_space<hbm>> -> memref<256x64xf32, #tpu.memory_space<hbm>>
      %dma_wait3A_769 = arith.constant 0 : i32
      %dma_wait3A_770 = arith.constant 0 : i32
      %dma_wait3A_771 = tpu.memref_slice %arg8[%dma_wait3A_761, %dma_wait3A_769, %dma_wait3A_770] : memref<4x256x64xf32, #tpu.memory_space<vmem>> -> memref<1x256x64xf32, #tpu.memory_space<vmem>>
      %dma_wait3A_772 = tpu.memref_squeeze %dma_wait3A_771 : memref<1x256x64xf32, #tpu.memory_space<vmem>> -> memref<256x64xf32, #tpu.memory_space<vmem>>
      %dma_wait3A_773 = arith.constant 0 : i32
      %dma_wait3A_774 = arith.constant 0 : i32
      %dma_wait3A_775 = tpu.memref_slice %arg4[%dma_wait3A_773, %dma_wait3A_774] : memref<100000x64xf32, #tpu.memory_space<hbm>> -> memref<256x64xf32, #tpu.memory_space<hbm>>
      tpu.wait_dma2 semaphore(%arg12 : memref<!tpu.dma_semaphore, #tpu.memory_space<semaphore_mem>>) src(%dma_wait3A_775 : memref<256x64xf32, #tpu.memory_space<hbm>>) dst(%dma_wait3A_772 : memref<256x64xf32, #tpu.memory_space<vmem>>)
      %sub3A_776 = arith.constant 2 : i32
      %sub3A_777 = arith.subi %add3A_709, %sub3A_776 : i32
      %mul3A_778 = arith.constant 256 : i32
      %mul3A_779 = arith.muli %sub3A_777, %mul3A_778 : i32
      %add3A_780 = arith.addi %mul3A_32, %mul3A_779 : i32
      %dma_start3A_781 = arith.constant 3 : i32
      %dma_start3A_782 = arith.constant 0 : i32
      %dma_start3A_783 = arith.constant 0 : i32
      %dma_start3A_784 = arith.constant 0 : i32
      %dma_start3A_785 = tpu.memref_slice %arg8[%dma_start3A_781, %dma_start3A_783, %dma_start3A_784] : memref<4x256x64xf32, #tpu.memory_space<vmem>> -> memref<1x256x64xf32, #tpu.memory_space<vmem>>
      %dma_start3A_786 = tpu.memref_squeeze %dma_start3A_785 : memref<1x256x64xf32, #tpu.memory_space<vmem>> -> memref<256x64xf32, #tpu.memory_space<vmem>>
      %dma_start3A_787 = arith.constant 0 : i32
      %dma_start3A_788 = tpu.memref_slice %arg6[%add3A_780, %dma_start3A_782, %dma_start3A_787] : memref<819200x2x64xf32, #tpu.memory_space<hbm>> -> memref<256x1x64xf32, #tpu.memory_space<hbm>>
      %dma_start3A_789 = tpu.memref_squeeze %dma_start3A_788 : memref<256x1x64xf32, #tpu.memory_space<hbm>> -> memref<256x64xf32, #tpu.memory_space<hbm>>
      %dma_start3A_790 = arith.constant 0 : i32
      %dma_start3A_791 = tpu.memref_slice %arg6[%add3A_780, %dma_start3A_782, %dma_start3A_790] : memref<819200x2x64xf32, #tpu.memory_space<hbm>> -> memref<256x1x64xf32, #tpu.memory_space<hbm>>
      %dma_start3A_792 = tpu.memref_squeeze %dma_start3A_791 : memref<256x1x64xf32, #tpu.memory_space<hbm>> -> memref<256x64xf32, #tpu.memory_space<hbm>>
      %dma_start3A_793 = arith.constant 0 : i32
      %dma_start3A_794 = arith.constant 0 : i32
      %dma_start3A_795 = tpu.memref_slice %arg8[%dma_start3A_781, %dma_start3A_793, %dma_start3A_794] : memref<4x256x64xf32, #tpu.memory_space<vmem>> -> memref<1x256x64xf32, #tpu.memory_space<vmem>>
      %dma_start3A_796 = tpu.memref_squeeze %dma_start3A_795 : memref<1x256x64xf32, #tpu.memory_space<vmem>> -> memref<256x64xf32, #tpu.memory_space<vmem>>
      tpu.enqueue_dma source(%dma_start3A_796 : memref<256x64xf32, #tpu.memory_space<vmem>>) target(%dma_start3A_792 : memref<256x64xf32, #tpu.memory_space<hbm>>) target_semaphore(%arg16 : memref<!tpu.dma_semaphore, #tpu.memory_space<semaphore_mem>>)
      %add3A_797 = arith.constant 2 : i32
      %add3A_798 = arith.addi %mul3A_619, %add3A_797 : i32
      %sub3A_799 = arith.constant 4 : i32
      %sub3A_800 = arith.subi %add3A_798, %sub3A_799 : i32
      %mul3A_801 = arith.constant 256 : i32
      %mul3A_802 = arith.muli %sub3A_800, %mul3A_801 : i32
      %add3A_803 = arith.addi %mul3A_32, %mul3A_802 : i32
      %dma_wait3A_804 = arith.constant 2 : i32
      %dma_wait3A_805 = arith.constant 0 : i32
      %dma_wait3A_806 = arith.constant 0 : i32
      %dma_wait3A_807 = arith.constant 0 : i32
      %dma_wait3A_808 = tpu.memref_slice %arg8[%dma_wait3A_804, %dma_wait3A_806, %dma_wait3A_807] : memref<4x256x64xf32, #tpu.memory_space<vmem>> -> memref<1x256x64xf32, #tpu.memory_space<vmem>>
      %dma_wait3A_809 = tpu.memref_squeeze %dma_wait3A_808 : memref<1x256x64xf32, #tpu.memory_space<vmem>> -> memref<256x64xf32, #tpu.memory_space<vmem>>
      %dma_wait3A_810 = arith.constant 0 : i32
      %dma_wait3A_811 = tpu.memref_slice %arg6[%add3A_803, %dma_wait3A_805, %dma_wait3A_810] : memref<819200x2x64xf32, #tpu.memory_space<hbm>> -> memref<256x1x64xf32, #tpu.memory_space<hbm>>
      %dma_wait3A_812 = tpu.memref_squeeze %dma_wait3A_811 : memref<256x1x64xf32, #tpu.memory_space<hbm>> -> memref<256x64xf32, #tpu.memory_space<hbm>>
      %dma_wait3A_813 = arith.constant 0 : i32
      %dma_wait3A_814 = tpu.memref_slice %arg6[%add3A_803, %dma_wait3A_805, %dma_wait3A_813] : memref<819200x2x64xf32, #tpu.memory_space<hbm>> -> memref<256x1x64xf32, #tpu.memory_space<hbm>>
      %dma_wait3A_815 = tpu.memref_squeeze %dma_wait3A_814 : memref<256x1x64xf32, #tpu.memory_space<hbm>> -> memref<256x64xf32, #tpu.memory_space<hbm>>
      %dma_wait3A_816 = arith.constant 0 : i32
      %dma_wait3A_817 = arith.constant 0 : i32
      %dma_wait3A_818 = tpu.memref_slice %arg8[%dma_wait3A_804, %dma_wait3A_816, %dma_wait3A_817] : memref<4x256x64xf32, #tpu.memory_space<vmem>> -> memref<1x256x64xf32, #tpu.memory_space<vmem>>
      %dma_wait3A_819 = tpu.memref_squeeze %dma_wait3A_818 : memref<1x256x64xf32, #tpu.memory_space<vmem>> -> memref<256x64xf32, #tpu.memory_space<vmem>>
      tpu.wait_dma2 semaphore(%arg15 : memref<!tpu.dma_semaphore, #tpu.memory_space<semaphore_mem>>) src(%dma_wait3A_819 : memref<256x64xf32, #tpu.memory_space<vmem>>) dst(%dma_wait3A_815 : memref<256x64xf32, #tpu.memory_space<hbm>>)
      %mul3A_820 = arith.constant 256 : i32
      %mul3A_821 = arith.muli %add3A_798, %mul3A_820 : i32
      %add3A_822 = arith.constant 0 : i32
      %add3A_823 = arith.addi %add3A_822, %mul3A_821 : i32
      %add3A_824 = arith.constant 0 : i32
      %add3A_825 = arith.addi %add3A_823, %add3A_824 : i32
      %dma_start3A_826 = arith.constant 2 : i32
      %dma_start3A_827 = arith.constant 0 : i32
      %dma_start3A_828 = arith.constant 0 : i32
      %dma_start3A_829 = tpu.memref_slice %arg8[%dma_start3A_826, %dma_start3A_827, %dma_start3A_828] : memref<4x256x64xf32, #tpu.memory_space<vmem>> -> memref<1x128x64xf32, #tpu.memory_space<vmem>>
      %dma_start3A_830 = tpu.memref_squeeze %dma_start3A_829 : memref<1x128x64xf32, #tpu.memory_space<vmem>> -> memref<128x64xf32, #tpu.memory_space<vmem>>
      %dma_start3A_831 = tpu.memref_slice %arg7[%add3A_825] : memref<51200xi32, #tpu.memory_space<vmem>> -> memref<128xi32, #tpu.memory_space<vmem>>
      %dma_start3A_832 = arith.constant 0 : i32
      %dma_start3A_833 = arith.constant 0 : i32
      %dma_start3A_834 = tpu.memref_slice %arg4[%dma_start3A_832, %dma_start3A_833] : memref<100000x64xf32, #tpu.memory_space<hbm>> -> memref<100000x64xf32, #tpu.memory_space<hbm>>
      tpu.enqueue_indirect_dma source(%dma_start3A_834 : memref<100000x64xf32, #tpu.memory_space<hbm>>) target(%dma_start3A_830 : memref<128x64xf32, #tpu.memory_space<vmem>>) offsets(%dma_start3A_831 : memref<128xi32, #tpu.memory_space<vmem>>) semaphore(%arg11 : memref<!tpu.dma_semaphore, #tpu.memory_space<semaphore_mem>>)
      %mul3A_835 = arith.constant 256 : i32
      %mul3A_836 = arith.muli %add3A_798, %mul3A_835 : i32
      %add3A_837 = arith.constant 0 : i32
      %add3A_838 = arith.addi %add3A_837, %mul3A_836 : i32
      %add3A_839 = arith.constant 128 : i32
      %add3A_840 = arith.addi %add3A_838, %add3A_839 : i32
      %dma_start3A_841 = arith.constant 2 : i32
      %dma_start3A_842 = arith.constant 128 : i32
      %dma_start3A_843 = arith.constant 0 : i32
      %dma_start3A_844 = tpu.memref_slice %arg8[%dma_start3A_841, %dma_start3A_842, %dma_start3A_843] : memref<4x256x64xf32, #tpu.memory_space<vmem>> -> memref<1x128x64xf32, #tpu.memory_space<vmem>>
      %dma_start3A_845 = tpu.memref_squeeze %dma_start3A_844 : memref<1x128x64xf32, #tpu.memory_space<vmem>> -> memref<128x64xf32, #tpu.memory_space<vmem>>
      %dma_start3A_846 = tpu.memref_slice %arg7[%add3A_840] : memref<51200xi32, #tpu.memory_space<vmem>> -> memref<128xi32, #tpu.memory_space<vmem>>
      %dma_start3A_847 = arith.constant 0 : i32
      %dma_start3A_848 = arith.constant 0 : i32
      %dma_start3A_849 = tpu.memref_slice %arg4[%dma_start3A_847, %dma_start3A_848] : memref<100000x64xf32, #tpu.memory_space<hbm>> -> memref<100000x64xf32, #tpu.memory_space<hbm>>
      tpu.enqueue_indirect_dma source(%dma_start3A_849 : memref<100000x64xf32, #tpu.memory_space<hbm>>) target(%dma_start3A_845 : memref<128x64xf32, #tpu.memory_space<vmem>>) offsets(%dma_start3A_846 : memref<128xi32, #tpu.memory_space<vmem>>) semaphore(%arg11 : memref<!tpu.dma_semaphore, #tpu.memory_space<semaphore_mem>>)
      %dma_wait3A_850 = arith.constant 0 : i32
      %dma_wait3A_851 = arith.constant 0 : i32
      %dma_wait3A_852 = arith.constant 0 : i32
      %dma_wait3A_853 = tpu.memref_slice %arg8[%dma_wait3A_850, %dma_wait3A_851, %dma_wait3A_852] : memref<4x256x64xf32, #tpu.memory_space<vmem>> -> memref<1x256x64xf32, #tpu.memory_space<vmem>>
      %dma_wait3A_854 = tpu.memref_squeeze %dma_wait3A_853 : memref<1x256x64xf32, #tpu.memory_space<vmem>> -> memref<256x64xf32, #tpu.memory_space<vmem>>
      %dma_wait3A_855 = arith.constant 0 : i32
      %dma_wait3A_856 = arith.constant 0 : i32
      %dma_wait3A_857 = tpu.memref_slice %arg4[%dma_wait3A_855, %dma_wait3A_856] : memref<100000x64xf32, #tpu.memory_space<hbm>> -> memref<256x64xf32, #tpu.memory_space<hbm>>
      %dma_wait3A_858 = arith.constant 0 : i32
      %dma_wait3A_859 = arith.constant 0 : i32
      %dma_wait3A_860 = tpu.memref_slice %arg8[%dma_wait3A_850, %dma_wait3A_858, %dma_wait3A_859] : memref<4x256x64xf32, #tpu.memory_space<vmem>> -> memref<1x256x64xf32, #tpu.memory_space<vmem>>
      %dma_wait3A_861 = tpu.memref_squeeze %dma_wait3A_860 : memref<1x256x64xf32, #tpu.memory_space<vmem>> -> memref<256x64xf32, #tpu.memory_space<vmem>>
      %dma_wait3A_862 = arith.constant 0 : i32
      %dma_wait3A_863 = arith.constant 0 : i32
      %dma_wait3A_864 = tpu.memref_slice %arg4[%dma_wait3A_862, %dma_wait3A_863] : memref<100000x64xf32, #tpu.memory_space<hbm>> -> memref<256x64xf32, #tpu.memory_space<hbm>>
      tpu.wait_dma2 semaphore(%arg9 : memref<!tpu.dma_semaphore, #tpu.memory_space<semaphore_mem>>) src(%dma_wait3A_864 : memref<256x64xf32, #tpu.memory_space<hbm>>) dst(%dma_wait3A_861 : memref<256x64xf32, #tpu.memory_space<vmem>>)
      %sub3A_865 = arith.constant 2 : i32
      %sub3A_866 = arith.subi %add3A_798, %sub3A_865 : i32
      %mul3A_867 = arith.constant 256 : i32
      %mul3A_868 = arith.muli %sub3A_866, %mul3A_867 : i32
      %add3A_869 = arith.addi %mul3A_32, %mul3A_868 : i32
      %dma_start3A_870 = arith.constant 0 : i32
      %dma_start3A_871 = arith.constant 0 : i32
      %dma_start3A_872 = arith.constant 0 : i32
      %dma_start3A_873 = arith.constant 0 : i32
      %dma_start3A_874 = tpu.memref_slice %arg8[%dma_start3A_870, %dma_start3A_872, %dma_start3A_873] : memref<4x256x64xf32, #tpu.memory_space<vmem>> -> memref<1x256x64xf32, #tpu.memory_space<vmem>>
      %dma_start3A_875 = tpu.memref_squeeze %dma_start3A_874 : memref<1x256x64xf32, #tpu.memory_space<vmem>> -> memref<256x64xf32, #tpu.memory_space<vmem>>
      %dma_start3A_876 = arith.constant 0 : i32
      %dma_start3A_877 = tpu.memref_slice %arg6[%add3A_869, %dma_start3A_871, %dma_start3A_876] : memref<819200x2x64xf32, #tpu.memory_space<hbm>> -> memref<256x1x64xf32, #tpu.memory_space<hbm>>
      %dma_start3A_878 = tpu.memref_squeeze %dma_start3A_877 : memref<256x1x64xf32, #tpu.memory_space<hbm>> -> memref<256x64xf32, #tpu.memory_space<hbm>>
      %dma_start3A_879 = arith.constant 0 : i32
      %dma_start3A_880 = tpu.memref_slice %arg6[%add3A_869, %dma_start3A_871, %dma_start3A_879] : memref<819200x2x64xf32, #tpu.memory_space<hbm>> -> memref<256x1x64xf32, #tpu.memory_space<hbm>>
      %dma_start3A_881 = tpu.memref_squeeze %dma_start3A_880 : memref<256x1x64xf32, #tpu.memory_space<hbm>> -> memref<256x64xf32, #tpu.memory_space<hbm>>
      %dma_start3A_882 = arith.constant 0 : i32
      %dma_start3A_883 = arith.constant 0 : i32
      %dma_start3A_884 = tpu.memref_slice %arg8[%dma_start3A_870, %dma_start3A_882, %dma_start3A_883] : memref<4x256x64xf32, #tpu.memory_space<vmem>> -> memref<1x256x64xf32, #tpu.memory_space<vmem>>
      %dma_start3A_885 = tpu.memref_squeeze %dma_start3A_884 : memref<1x256x64xf32, #tpu.memory_space<vmem>> -> memref<256x64xf32, #tpu.memory_space<vmem>>
      tpu.enqueue_dma source(%dma_start3A_885 : memref<256x64xf32, #tpu.memory_space<vmem>>) target(%dma_start3A_881 : memref<256x64xf32, #tpu.memory_space<hbm>>) target_semaphore(%arg13 : memref<!tpu.dma_semaphore, #tpu.memory_space<semaphore_mem>>)
      %add3A_886 = arith.constant 3 : i32
      %add3A_887 = arith.addi %mul3A_619, %add3A_886 : i32
      %sub3A_888 = arith.constant 4 : i32
      %sub3A_889 = arith.subi %add3A_887, %sub3A_888 : i32
      %mul3A_890 = arith.constant 256 : i32
      %mul3A_891 = arith.muli %sub3A_889, %mul3A_890 : i32
      %add3A_892 = arith.addi %mul3A_32, %mul3A_891 : i32
      %dma_wait3A_893 = arith.constant 3 : i32
      %dma_wait3A_894 = arith.constant 0 : i32
      %dma_wait3A_895 = arith.constant 0 : i32
      %dma_wait3A_896 = arith.constant 0 : i32
      %dma_wait3A_897 = tpu.memref_slice %arg8[%dma_wait3A_893, %dma_wait3A_895, %dma_wait3A_896] : memref<4x256x64xf32, #tpu.memory_space<vmem>> -> memref<1x256x64xf32, #tpu.memory_space<vmem>>
      %dma_wait3A_898 = tpu.memref_squeeze %dma_wait3A_897 : memref<1x256x64xf32, #tpu.memory_space<vmem>> -> memref<256x64xf32, #tpu.memory_space<vmem>>
      %dma_wait3A_899 = arith.constant 0 : i32
      %dma_wait3A_900 = tpu.memref_slice %arg6[%add3A_892, %dma_wait3A_894, %dma_wait3A_899] : memref<819200x2x64xf32, #tpu.memory_space<hbm>> -> memref<256x1x64xf32, #tpu.memory_space<hbm>>
      %dma_wait3A_901 = tpu.memref_squeeze %dma_wait3A_900 : memref<256x1x64xf32, #tpu.memory_space<hbm>> -> memref<256x64xf32, #tpu.memory_space<hbm>>
      %dma_wait3A_902 = arith.constant 0 : i32
      %dma_wait3A_903 = tpu.memref_slice %arg6[%add3A_892, %dma_wait3A_894, %dma_wait3A_902] : memref<819200x2x64xf32, #tpu.memory_space<hbm>> -> memref<256x1x64xf32, #tpu.memory_space<hbm>>
      %dma_wait3A_904 = tpu.memref_squeeze %dma_wait3A_903 : memref<256x1x64xf32, #tpu.memory_space<hbm>> -> memref<256x64xf32, #tpu.memory_space<hbm>>
      %dma_wait3A_905 = arith.constant 0 : i32
      %dma_wait3A_906 = arith.constant 0 : i32
      %dma_wait3A_907 = tpu.memref_slice %arg8[%dma_wait3A_893, %dma_wait3A_905, %dma_wait3A_906] : memref<4x256x64xf32, #tpu.memory_space<vmem>> -> memref<1x256x64xf32, #tpu.memory_space<vmem>>
      %dma_wait3A_908 = tpu.memref_squeeze %dma_wait3A_907 : memref<1x256x64xf32, #tpu.memory_space<vmem>> -> memref<256x64xf32, #tpu.memory_space<vmem>>
      tpu.wait_dma2 semaphore(%arg16 : memref<!tpu.dma_semaphore, #tpu.memory_space<semaphore_mem>>) src(%dma_wait3A_908 : memref<256x64xf32, #tpu.memory_space<vmem>>) dst(%dma_wait3A_904 : memref<256x64xf32, #tpu.memory_space<hbm>>)
      %mul3A_909 = arith.constant 256 : i32
      %mul3A_910 = arith.muli %add3A_887, %mul3A_909 : i32
      %add3A_911 = arith.constant 0 : i32
      %add3A_912 = arith.addi %add3A_911, %mul3A_910 : i32
      %add3A_913 = arith.constant 0 : i32
      %add3A_914 = arith.addi %add3A_912, %add3A_913 : i32
      %dma_start3A_915 = arith.constant 3 : i32
      %dma_start3A_916 = arith.constant 0 : i32
      %dma_start3A_917 = arith.constant 0 : i32
      %dma_start3A_918 = tpu.memref_slice %arg8[%dma_start3A_915, %dma_start3A_916, %dma_start3A_917] : memref<4x256x64xf32, #tpu.memory_space<vmem>> -> memref<1x128x64xf32, #tpu.memory_space<vmem>>
      %dma_start3A_919 = tpu.memref_squeeze %dma_start3A_918 : memref<1x128x64xf32, #tpu.memory_space<vmem>> -> memref<128x64xf32, #tpu.memory_space<vmem>>
      %dma_start3A_920 = tpu.memref_slice %arg7[%add3A_914] : memref<51200xi32, #tpu.memory_space<vmem>> -> memref<128xi32, #tpu.memory_space<vmem>>
      %dma_start3A_921 = arith.constant 0 : i32
      %dma_start3A_922 = arith.constant 0 : i32
      %dma_start3A_923 = tpu.memref_slice %arg4[%dma_start3A_921, %dma_start3A_922] : memref<100000x64xf32, #tpu.memory_space<hbm>> -> memref<100000x64xf32, #tpu.memory_space<hbm>>
      tpu.enqueue_indirect_dma source(%dma_start3A_923 : memref<100000x64xf32, #tpu.memory_space<hbm>>) target(%dma_start3A_919 : memref<128x64xf32, #tpu.memory_space<vmem>>) offsets(%dma_start3A_920 : memref<128xi32, #tpu.memory_space<vmem>>) semaphore(%arg12 : memref<!tpu.dma_semaphore, #tpu.memory_space<semaphore_mem>>)
      %mul3A_924 = arith.constant 256 : i32
      %mul3A_925 = arith.muli %add3A_887, %mul3A_924 : i32
      %add3A_926 = arith.constant 0 : i32
      %add3A_927 = arith.addi %add3A_926, %mul3A_925 : i32
      %add3A_928 = arith.constant 128 : i32
      %add3A_929 = arith.addi %add3A_927, %add3A_928 : i32
      %dma_start3A_930 = arith.constant 3 : i32
      %dma_start3A_931 = arith.constant 128 : i32
      %dma_start3A_932 = arith.constant 0 : i32
      %dma_start3A_933 = tpu.memref_slice %arg8[%dma_start3A_930, %dma_start3A_931, %dma_start3A_932] : memref<4x256x64xf32, #tpu.memory_space<vmem>> -> memref<1x128x64xf32, #tpu.memory_space<vmem>>
      %dma_start3A_934 = tpu.memref_squeeze %dma_start3A_933 : memref<1x128x64xf32, #tpu.memory_space<vmem>> -> memref<128x64xf32, #tpu.memory_space<vmem>>
      %dma_start3A_935 = tpu.memref_slice %arg7[%add3A_929] : memref<51200xi32, #tpu.memory_space<vmem>> -> memref<128xi32, #tpu.memory_space<vmem>>
      %dma_start3A_936 = arith.constant 0 : i32
      %dma_start3A_937 = arith.constant 0 : i32
      %dma_start3A_938 = tpu.memref_slice %arg4[%dma_start3A_936, %dma_start3A_937] : memref<100000x64xf32, #tpu.memory_space<hbm>> -> memref<100000x64xf32, #tpu.memory_space<hbm>>
      tpu.enqueue_indirect_dma source(%dma_start3A_938 : memref<100000x64xf32, #tpu.memory_space<hbm>>) target(%dma_start3A_934 : memref<128x64xf32, #tpu.memory_space<vmem>>) offsets(%dma_start3A_935 : memref<128xi32, #tpu.memory_space<vmem>>) semaphore(%arg12 : memref<!tpu.dma_semaphore, #tpu.memory_space<semaphore_mem>>)
      %dma_wait3A_939 = arith.constant 1 : i32
      %dma_wait3A_940 = arith.constant 0 : i32
      %dma_wait3A_941 = arith.constant 0 : i32
      %dma_wait3A_942 = tpu.memref_slice %arg8[%dma_wait3A_939, %dma_wait3A_940, %dma_wait3A_941] : memref<4x256x64xf32, #tpu.memory_space<vmem>> -> memref<1x256x64xf32, #tpu.memory_space<vmem>>
      %dma_wait3A_943 = tpu.memref_squeeze %dma_wait3A_942 : memref<1x256x64xf32, #tpu.memory_space<vmem>> -> memref<256x64xf32, #tpu.memory_space<vmem>>
      %dma_wait3A_944 = arith.constant 0 : i32
      %dma_wait3A_945 = arith.constant 0 : i32
      %dma_wait3A_946 = tpu.memref_slice %arg4[%dma_wait3A_944, %dma_wait3A_945] : memref<100000x64xf32, #tpu.memory_space<hbm>> -> memref<256x64xf32, #tpu.memory_space<hbm>>
      %dma_wait3A_947 = arith.constant 0 : i32
      %dma_wait3A_948 = arith.constant 0 : i32
      %dma_wait3A_949 = tpu.memref_slice %arg8[%dma_wait3A_939, %dma_wait3A_947, %dma_wait3A_948] : memref<4x256x64xf32, #tpu.memory_space<vmem>> -> memref<1x256x64xf32, #tpu.memory_space<vmem>>
      %dma_wait3A_950 = tpu.memref_squeeze %dma_wait3A_949 : memref<1x256x64xf32, #tpu.memory_space<vmem>> -> memref<256x64xf32, #tpu.memory_space<vmem>>
      %dma_wait3A_951 = arith.constant 0 : i32
      %dma_wait3A_952 = arith.constant 0 : i32
      %dma_wait3A_953 = tpu.memref_slice %arg4[%dma_wait3A_951, %dma_wait3A_952] : memref<100000x64xf32, #tpu.memory_space<hbm>> -> memref<256x64xf32, #tpu.memory_space<hbm>>
      tpu.wait_dma2 semaphore(%arg10 : memref<!tpu.dma_semaphore, #tpu.memory_space<semaphore_mem>>) src(%dma_wait3A_953 : memref<256x64xf32, #tpu.memory_space<hbm>>) dst(%dma_wait3A_950 : memref<256x64xf32, #tpu.memory_space<vmem>>)
      %sub3A_954 = arith.constant 2 : i32
      %sub3A_955 = arith.subi %add3A_887, %sub3A_954 : i32
      %mul3A_956 = arith.constant 256 : i32
      %mul3A_957 = arith.muli %sub3A_955, %mul3A_956 : i32
      %add3A_958 = arith.addi %mul3A_32, %mul3A_957 : i32
      %dma_start3A_959 = arith.constant 1 : i32
      %dma_start3A_960 = arith.constant 0 : i32
      %dma_start3A_961 = arith.constant 0 : i32
      %dma_start3A_962 = arith.constant 0 : i32
      %dma_start3A_963 = tpu.memref_slice %arg8[%dma_start3A_959, %dma_start3A_961, %dma_start3A_962] : memref<4x256x64xf32, #tpu.memory_space<vmem>> -> memref<1x256x64xf32, #tpu.memory_space<vmem>>
      %dma_start3A_964 = tpu.memref_squeeze %dma_start3A_963 : memref<1x256x64xf32, #tpu.memory_space<vmem>> -> memref<256x64xf32, #tpu.memory_space<vmem>>
      %dma_start3A_965 = arith.constant 0 : i32
      %dma_start3A_966 = tpu.memref_slice %arg6[%add3A_958, %dma_start3A_960, %dma_start3A_965] : memref<819200x2x64xf32, #tpu.memory_space<hbm>> -> memref<256x1x64xf32, #tpu.memory_space<hbm>>
      %dma_start3A_967 = tpu.memref_squeeze %dma_start3A_966 : memref<256x1x64xf32, #tpu.memory_space<hbm>> -> memref<256x64xf32, #tpu.memory_space<hbm>>
      %dma_start3A_968 = arith.constant 0 : i32
      %dma_start3A_969 = tpu.memref_slice %arg6[%add3A_958, %dma_start3A_960, %dma_start3A_968] : memref<819200x2x64xf32, #tpu.memory_space<hbm>> -> memref<256x1x64xf32, #tpu.memory_space<hbm>>
      %dma_start3A_970 = tpu.memref_squeeze %dma_start3A_969 : memref<256x1x64xf32, #tpu.memory_space<hbm>> -> memref<256x64xf32, #tpu.memory_space<hbm>>
      %dma_start3A_971 = arith.constant 0 : i32
      %dma_start3A_972 = arith.constant 0 : i32
      %dma_start3A_973 = tpu.memref_slice %arg8[%dma_start3A_959, %dma_start3A_971, %dma_start3A_972] : memref<4x256x64xf32, #tpu.memory_space<vmem>> -> memref<1x256x64xf32, #tpu.memory_space<vmem>>
      %dma_start3A_974 = tpu.memref_squeeze %dma_start3A_973 : memref<1x256x64xf32, #tpu.memory_space<vmem>> -> memref<256x64xf32, #tpu.memory_space<vmem>>
      tpu.enqueue_dma source(%dma_start3A_974 : memref<256x64xf32, #tpu.memory_space<vmem>>) target(%dma_start3A_970 : memref<256x64xf32, #tpu.memory_space<hbm>>) target_semaphore(%arg14 : memref<!tpu.dma_semaphore, #tpu.memory_space<semaphore_mem>>)
      %scan3A_975 = arith.constant 0 : i32
      scf.yield %scan3A_975 : i32
    }
    %scan3A_184 = arith.constant 24 : i32
    %dma_wait3A_185 = arith.constant 2 : i32
    %dma_wait3A_186 = arith.constant 0 : i32
    %dma_wait3A_187 = arith.constant 0 : i32
    %dma_wait3A_188 = tpu.memref_slice %arg8[%dma_wait3A_185, %dma_wait3A_186, %dma_wait3A_187] : memref<4x256x64xf32, #tpu.memory_space<vmem>> -> memref<1x256x64xf32, #tpu.memory_space<vmem>>
    %dma_wait3A_189 = tpu.memref_squeeze %dma_wait3A_188 : memref<1x256x64xf32, #tpu.memory_space<vmem>> -> memref<256x64xf32, #tpu.memory_space<vmem>>
    %dma_wait3A_190 = arith.constant 0 : i32
    %dma_wait3A_191 = arith.constant 0 : i32
    %dma_wait3A_192 = tpu.memref_slice %arg4[%dma_wait3A_190, %dma_wait3A_191] : memref<100000x64xf32, #tpu.memory_space<hbm>> -> memref<256x64xf32, #tpu.memory_space<hbm>>
    %dma_wait3A_193 = arith.constant 0 : i32
    %dma_wait3A_194 = arith.constant 0 : i32
    %dma_wait3A_195 = tpu.memref_slice %arg8[%dma_wait3A_185, %dma_wait3A_193, %dma_wait3A_194] : memref<4x256x64xf32, #tpu.memory_space<vmem>> -> memref<1x256x64xf32, #tpu.memory_space<vmem>>
    %dma_wait3A_196 = tpu.memref_squeeze %dma_wait3A_195 : memref<1x256x64xf32, #tpu.memory_space<vmem>> -> memref<256x64xf32, #tpu.memory_space<vmem>>
    %dma_wait3A_197 = arith.constant 0 : i32
    %dma_wait3A_198 = arith.constant 0 : i32
    %dma_wait3A_199 = tpu.memref_slice %arg4[%dma_wait3A_197, %dma_wait3A_198] : memref<100000x64xf32, #tpu.memory_space<hbm>> -> memref<256x64xf32, #tpu.memory_space<hbm>>
    tpu.wait_dma2 semaphore(%arg11 : memref<!tpu.dma_semaphore, #tpu.memory_space<semaphore_mem>>) src(%dma_wait3A_199 : memref<256x64xf32, #tpu.memory_space<hbm>>) dst(%dma_wait3A_196 : memref<256x64xf32, #tpu.memory_space<vmem>>)
    %add3A_200 = arith.constant 25088 : i32
    %add3A_201 = arith.addi %mul3A_32, %add3A_200 : i32
    %dma_start3A_202 = arith.constant 2 : i32
    %dma_start3A_203 = arith.constant 0 : i32
    %dma_start3A_204 = arith.constant 0 : i32
    %dma_start3A_205 = arith.constant 0 : i32
    %dma_start3A_206 = tpu.memref_slice %arg8[%dma_start3A_202, %dma_start3A_204, %dma_start3A_205] : memref<4x256x64xf32, #tpu.memory_space<vmem>> -> memref<1x256x64xf32, #tpu.memory_space<vmem>>
    %dma_start3A_207 = tpu.memref_squeeze %dma_start3A_206 : memref<1x256x64xf32, #tpu.memory_space<vmem>> -> memref<256x64xf32, #tpu.memory_space<vmem>>
    %dma_start3A_208 = arith.constant 0 : i32
    %dma_start3A_209 = tpu.memref_slice %arg6[%add3A_201, %dma_start3A_203, %dma_start3A_208] : memref<819200x2x64xf32, #tpu.memory_space<hbm>> -> memref<256x1x64xf32, #tpu.memory_space<hbm>>
    %dma_start3A_210 = tpu.memref_squeeze %dma_start3A_209 : memref<256x1x64xf32, #tpu.memory_space<hbm>> -> memref<256x64xf32, #tpu.memory_space<hbm>>
    %dma_start3A_211 = arith.constant 0 : i32
    %dma_start3A_212 = tpu.memref_slice %arg6[%add3A_201, %dma_start3A_203, %dma_start3A_211] : memref<819200x2x64xf32, #tpu.memory_space<hbm>> -> memref<256x1x64xf32, #tpu.memory_space<hbm>>
    %dma_start3A_213 = tpu.memref_squeeze %dma_start3A_212 : memref<256x1x64xf32, #tpu.memory_space<hbm>> -> memref<256x64xf32, #tpu.memory_space<hbm>>
    %dma_start3A_214 = arith.constant 0 : i32
    %dma_start3A_215 = arith.constant 0 : i32
    %dma_start3A_216 = tpu.memref_slice %arg8[%dma_start3A_202, %dma_start3A_214, %dma_start3A_215] : memref<4x256x64xf32, #tpu.memory_space<vmem>> -> memref<1x256x64xf32, #tpu.memory_space<vmem>>
    %dma_start3A_217 = tpu.memref_squeeze %dma_start3A_216 : memref<1x256x64xf32, #tpu.memory_space<vmem>> -> memref<256x64xf32, #tpu.memory_space<vmem>>
    tpu.enqueue_dma source(%dma_start3A_217 : memref<256x64xf32, #tpu.memory_space<vmem>>) target(%dma_start3A_213 : memref<256x64xf32, #tpu.memory_space<hbm>>) target_semaphore(%arg15 : memref<!tpu.dma_semaphore, #tpu.memory_space<semaphore_mem>>)
    %dma_wait3A_218 = arith.constant 3 : i32
    %dma_wait3A_219 = arith.constant 0 : i32
    %dma_wait3A_220 = arith.constant 0 : i32
    %dma_wait3A_221 = tpu.memref_slice %arg8[%dma_wait3A_218, %dma_wait3A_219, %dma_wait3A_220] : memref<4x256x64xf32, #tpu.memory_space<vmem>> -> memref<1x256x64xf32, #tpu.memory_space<vmem>>
    %dma_wait3A_222 = tpu.memref_squeeze %dma_wait3A_221 : memref<1x256x64xf32, #tpu.memory_space<vmem>> -> memref<256x64xf32, #tpu.memory_space<vmem>>
    %dma_wait3A_223 = arith.constant 0 : i32
    %dma_wait3A_224 = arith.constant 0 : i32
    %dma_wait3A_225 = tpu.memref_slice %arg4[%dma_wait3A_223, %dma_wait3A_224] : memref<100000x64xf32, #tpu.memory_space<hbm>> -> memref<256x64xf32, #tpu.memory_space<hbm>>
    %dma_wait3A_226 = arith.constant 0 : i32
    %dma_wait3A_227 = arith.constant 0 : i32
    %dma_wait3A_228 = tpu.memref_slice %arg8[%dma_wait3A_218, %dma_wait3A_226, %dma_wait3A_227] : memref<4x256x64xf32, #tpu.memory_space<vmem>> -> memref<1x256x64xf32, #tpu.memory_space<vmem>>
    %dma_wait3A_229 = tpu.memref_squeeze %dma_wait3A_228 : memref<1x256x64xf32, #tpu.memory_space<vmem>> -> memref<256x64xf32, #tpu.memory_space<vmem>>
    %dma_wait3A_230 = arith.constant 0 : i32
    %dma_wait3A_231 = arith.constant 0 : i32
    %dma_wait3A_232 = tpu.memref_slice %arg4[%dma_wait3A_230, %dma_wait3A_231] : memref<100000x64xf32, #tpu.memory_space<hbm>> -> memref<256x64xf32, #tpu.memory_space<hbm>>
    tpu.wait_dma2 semaphore(%arg12 : memref<!tpu.dma_semaphore, #tpu.memory_space<semaphore_mem>>) src(%dma_wait3A_232 : memref<256x64xf32, #tpu.memory_space<hbm>>) dst(%dma_wait3A_229 : memref<256x64xf32, #tpu.memory_space<vmem>>)
    %add3A_233 = arith.constant 25344 : i32
    %add3A_234 = arith.addi %mul3A_32, %add3A_233 : i32
    %dma_start3A_235 = arith.constant 3 : i32
    %dma_start3A_236 = arith.constant 0 : i32
    %dma_start3A_237 = arith.constant 0 : i32
    %dma_start3A_238 = arith.constant 0 : i32
    %dma_start3A_239 = tpu.memref_slice %arg8[%dma_start3A_235, %dma_start3A_237, %dma_start3A_238] : memref<4x256x64xf32, #tpu.memory_space<vmem>> -> memref<1x256x64xf32, #tpu.memory_space<vmem>>
    %dma_start3A_240 = tpu.memref_squeeze %dma_start3A_239 : memref<1x256x64xf32, #tpu.memory_space<vmem>> -> memref<256x64xf32, #tpu.memory_space<vmem>>
    %dma_start3A_241 = arith.constant 0 : i32
    %dma_start3A_242 = tpu.memref_slice %arg6[%add3A_234, %dma_start3A_236, %dma_start3A_241] : memref<819200x2x64xf32, #tpu.memory_space<hbm>> -> memref<256x1x64xf32, #tpu.memory_space<hbm>>
    %dma_start3A_243 = tpu.memref_squeeze %dma_start3A_242 : memref<256x1x64xf32, #tpu.memory_space<hbm>> -> memref<256x64xf32, #tpu.memory_space<hbm>>
    %dma_start3A_244 = arith.constant 0 : i32
    %dma_start3A_245 = tpu.memref_slice %arg6[%add3A_234, %dma_start3A_236, %dma_start3A_244] : memref<819200x2x64xf32, #tpu.memory_space<hbm>> -> memref<256x1x64xf32, #tpu.memory_space<hbm>>
    %dma_start3A_246 = tpu.memref_squeeze %dma_start3A_245 : memref<256x1x64xf32, #tpu.memory_space<hbm>> -> memref<256x64xf32, #tpu.memory_space<hbm>>
    %dma_start3A_247 = arith.constant 0 : i32
    %dma_start3A_248 = arith.constant 0 : i32
    %dma_start3A_249 = tpu.memref_slice %arg8[%dma_start3A_235, %dma_start3A_247, %dma_start3A_248] : memref<4x256x64xf32, #tpu.memory_space<vmem>> -> memref<1x256x64xf32, #tpu.memory_space<vmem>>
    %dma_start3A_250 = tpu.memref_squeeze %dma_start3A_249 : memref<1x256x64xf32, #tpu.memory_space<vmem>> -> memref<256x64xf32, #tpu.memory_space<vmem>>
    tpu.enqueue_dma source(%dma_start3A_250 : memref<256x64xf32, #tpu.memory_space<vmem>>) target(%dma_start3A_246 : memref<256x64xf32, #tpu.memory_space<hbm>>) target_semaphore(%arg16 : memref<!tpu.dma_semaphore, #tpu.memory_space<semaphore_mem>>)
    %add3A_251 = arith.constant 24576 : i32
    %add3A_252 = arith.addi %mul3A_32, %add3A_251 : i32
    %dma_wait3A_253 = arith.constant 0 : i32
    %dma_wait3A_254 = arith.constant 0 : i32
    %dma_wait3A_255 = arith.constant 0 : i32
    %dma_wait3A_256 = arith.constant 0 : i32
    %dma_wait3A_257 = tpu.memref_slice %arg8[%dma_wait3A_253, %dma_wait3A_255, %dma_wait3A_256] : memref<4x256x64xf32, #tpu.memory_space<vmem>> -> memref<1x256x64xf32, #tpu.memory_space<vmem>>
    %dma_wait3A_258 = tpu.memref_squeeze %dma_wait3A_257 : memref<1x256x64xf32, #tpu.memory_space<vmem>> -> memref<256x64xf32, #tpu.memory_space<vmem>>
    %dma_wait3A_259 = arith.constant 0 : i32
    %dma_wait3A_260 = tpu.memref_slice %arg6[%add3A_252, %dma_wait3A_254, %dma_wait3A_259] : memref<819200x2x64xf32, #tpu.memory_space<hbm>> -> memref<256x1x64xf32, #tpu.memory_space<hbm>>
    %dma_wait3A_261 = tpu.memref_squeeze %dma_wait3A_260 : memref<256x1x64xf32, #tpu.memory_space<hbm>> -> memref<256x64xf32, #tpu.memory_space<hbm>>
    %dma_wait3A_262 = arith.constant 0 : i32
    %dma_wait3A_263 = tpu.memref_slice %arg6[%add3A_252, %dma_wait3A_254, %dma_wait3A_262] : memref<819200x2x64xf32, #tpu.memory_space<hbm>> -> memref<256x1x64xf32, #tpu.memory_space<hbm>>
    %dma_wait3A_264 = tpu.memref_squeeze %dma_wait3A_263 : memref<256x1x64xf32, #tpu.memory_space<hbm>> -> memref<256x64xf32, #tpu.memory_space<hbm>>
    %dma_wait3A_265 = arith.constant 0 : i32
    %dma_wait3A_266 = arith.constant 0 : i32
    %dma_wait3A_267 = tpu.memref_slice %arg8[%dma_wait3A_253, %dma_wait3A_265, %dma_wait3A_266] : memref<4x256x64xf32, #tpu.memory_space<vmem>> -> memref<1x256x64xf32, #tpu.memory_space<vmem>>
    %dma_wait3A_268 = tpu.memref_squeeze %dma_wait3A_267 : memref<1x256x64xf32, #tpu.memory_space<vmem>> -> memref<256x64xf32, #tpu.memory_space<vmem>>
    tpu.wait_dma2 semaphore(%arg13 : memref<!tpu.dma_semaphore, #tpu.memory_space<semaphore_mem>>) src(%dma_wait3A_268 : memref<256x64xf32, #tpu.memory_space<vmem>>) dst(%dma_wait3A_264 : memref<256x64xf32, #tpu.memory_space<hbm>>)
    %add3A_269 = arith.constant 24832 : i32
    %add3A_270 = arith.addi %mul3A_32, %add3A_269 : i32
    %dma_wait3A_271 = arith.constant 1 : i32
    %dma_wait3A_272 = arith.constant 0 : i32
    %dma_wait3A_273 = arith.constant 0 : i32
    %dma_wait3A_274 = arith.constant 0 : i32
    %dma_wait3A_275 = tpu.memref_slice %arg8[%dma_wait3A_271, %dma_wait3A_273, %dma_wait3A_274] : memref<4x256x64xf32, #tpu.memory_space<vmem>> -> memref<1x256x64xf32, #tpu.memory_space<vmem>>
    %dma_wait3A_276 = tpu.memref_squeeze %dma_wait3A_275 : memref<1x256x64xf32, #tpu.memory_space<vmem>> -> memref<256x64xf32, #tpu.memory_space<vmem>>
    %dma_wait3A_277 = arith.constant 0 : i32
    %dma_wait3A_278 = tpu.memref_slice %arg6[%add3A_270, %dma_wait3A_272, %dma_wait3A_277] : memref<819200x2x64xf32, #tpu.memory_space<hbm>> -> memref<256x1x64xf32, #tpu.memory_space<hbm>>
    %dma_wait3A_279 = tpu.memref_squeeze %dma_wait3A_278 : memref<256x1x64xf32, #tpu.memory_space<hbm>> -> memref<256x64xf32, #tpu.memory_space<hbm>>
    %dma_wait3A_280 = arith.constant 0 : i32
    %dma_wait3A_281 = tpu.memref_slice %arg6[%add3A_270, %dma_wait3A_272, %dma_wait3A_280] : memref<819200x2x64xf32, #tpu.memory_space<hbm>> -> memref<256x1x64xf32, #tpu.memory_space<hbm>>
    %dma_wait3A_282 = tpu.memref_squeeze %dma_wait3A_281 : memref<256x1x64xf32, #tpu.memory_space<hbm>> -> memref<256x64xf32, #tpu.memory_space<hbm>>
    %dma_wait3A_283 = arith.constant 0 : i32
    %dma_wait3A_284 = arith.constant 0 : i32
    %dma_wait3A_285 = tpu.memref_slice %arg8[%dma_wait3A_271, %dma_wait3A_283, %dma_wait3A_284] : memref<4x256x64xf32, #tpu.memory_space<vmem>> -> memref<1x256x64xf32, #tpu.memory_space<vmem>>
    %dma_wait3A_286 = tpu.memref_squeeze %dma_wait3A_285 : memref<1x256x64xf32, #tpu.memory_space<vmem>> -> memref<256x64xf32, #tpu.memory_space<vmem>>
    tpu.wait_dma2 semaphore(%arg14 : memref<!tpu.dma_semaphore, #tpu.memory_space<semaphore_mem>>) src(%dma_wait3A_286 : memref<256x64xf32, #tpu.memory_space<vmem>>) dst(%dma_wait3A_282 : memref<256x64xf32, #tpu.memory_space<hbm>>)
    %add3A_287 = arith.constant 25088 : i32
    %add3A_288 = arith.addi %mul3A_32, %add3A_287 : i32
    %dma_wait3A_289 = arith.constant 2 : i32
    %dma_wait3A_290 = arith.constant 0 : i32
    %dma_wait3A_291 = arith.constant 0 : i32
    %dma_wait3A_292 = arith.constant 0 : i32
    %dma_wait3A_293 = tpu.memref_slice %arg8[%dma_wait3A_289, %dma_wait3A_291, %dma_wait3A_292] : memref<4x256x64xf32, #tpu.memory_space<vmem>> -> memref<1x256x64xf32, #tpu.memory_space<vmem>>
    %dma_wait3A_294 = tpu.memref_squeeze %dma_wait3A_293 : memref<1x256x64xf32, #tpu.memory_space<vmem>> -> memref<256x64xf32, #tpu.memory_space<vmem>>
    %dma_wait3A_295 = arith.constant 0 : i32
    %dma_wait3A_296 = tpu.memref_slice %arg6[%add3A_288, %dma_wait3A_290, %dma_wait3A_295] : memref<819200x2x64xf32, #tpu.memory_space<hbm>> -> memref<256x1x64xf32, #tpu.memory_space<hbm>>
    %dma_wait3A_297 = tpu.memref_squeeze %dma_wait3A_296 : memref<256x1x64xf32, #tpu.memory_space<hbm>> -> memref<256x64xf32, #tpu.memory_space<hbm>>
    %dma_wait3A_298 = arith.constant 0 : i32
    %dma_wait3A_299 = tpu.memref_slice %arg6[%add3A_288, %dma_wait3A_290, %dma_wait3A_298] : memref<819200x2x64xf32, #tpu.memory_space<hbm>> -> memref<256x1x64xf32, #tpu.memory_space<hbm>>
    %dma_wait3A_300 = tpu.memref_squeeze %dma_wait3A_299 : memref<256x1x64xf32, #tpu.memory_space<hbm>> -> memref<256x64xf32, #tpu.memory_space<hbm>>
    %dma_wait3A_301 = arith.constant 0 : i32
    %dma_wait3A_302 = arith.constant 0 : i32
    %dma_wait3A_303 = tpu.memref_slice %arg8[%dma_wait3A_289, %dma_wait3A_301, %dma_wait3A_302] : memref<4x256x64xf32, #tpu.memory_space<vmem>> -> memref<1x256x64xf32, #tpu.memory_space<vmem>>
    %dma_wait3A_304 = tpu.memref_squeeze %dma_wait3A_303 : memref<1x256x64xf32, #tpu.memory_space<vmem>> -> memref<256x64xf32, #tpu.memory_space<vmem>>
    tpu.wait_dma2 semaphore(%arg15 : memref<!tpu.dma_semaphore, #tpu.memory_space<semaphore_mem>>) src(%dma_wait3A_304 : memref<256x64xf32, #tpu.memory_space<vmem>>) dst(%dma_wait3A_300 : memref<256x64xf32, #tpu.memory_space<hbm>>)
    %add3A_305 = arith.constant 25344 : i32
    %add3A_306 = arith.addi %mul3A_32, %add3A_305 : i32
    %dma_wait3A_307 = arith.constant 3 : i32
    %dma_wait3A_308 = arith.constant 0 : i32
    %dma_wait3A_309 = arith.constant 0 : i32
    %dma_wait3A_310 = arith.constant 0 : i32
    %dma_wait3A_311 = tpu.memref_slice %arg8[%dma_wait3A_307, %dma_wait3A_309, %dma_wait3A_310] : memref<4x256x64xf32, #tpu.memory_space<vmem>> -> memref<1x256x64xf32, #tpu.memory_space<vmem>>
    %dma_wait3A_312 = tpu.memref_squeeze %dma_wait3A_311 : memref<1x256x64xf32, #tpu.memory_space<vmem>> -> memref<256x64xf32, #tpu.memory_space<vmem>>
    %dma_wait3A_313 = arith.constant 0 : i32
    %dma_wait3A_314 = tpu.memref_slice %arg6[%add3A_306, %dma_wait3A_308, %dma_wait3A_313] : memref<819200x2x64xf32, #tpu.memory_space<hbm>> -> memref<256x1x64xf32, #tpu.memory_space<hbm>>
    %dma_wait3A_315 = tpu.memref_squeeze %dma_wait3A_314 : memref<256x1x64xf32, #tpu.memory_space<hbm>> -> memref<256x64xf32, #tpu.memory_space<hbm>>
    %dma_wait3A_316 = arith.constant 0 : i32
    %dma_wait3A_317 = tpu.memref_slice %arg6[%add3A_306, %dma_wait3A_308, %dma_wait3A_316] : memref<819200x2x64xf32, #tpu.memory_space<hbm>> -> memref<256x1x64xf32, #tpu.memory_space<hbm>>
    %dma_wait3A_318 = tpu.memref_squeeze %dma_wait3A_317 : memref<256x1x64xf32, #tpu.memory_space<hbm>> -> memref<256x64xf32, #tpu.memory_space<hbm>>
    %dma_wait3A_319 = arith.constant 0 : i32
    %dma_wait3A_320 = arith.constant 0 : i32
    %dma_wait3A_321 = tpu.memref_slice %arg8[%dma_wait3A_307, %dma_wait3A_319, %dma_wait3A_320] : memref<4x256x64xf32, #tpu.memory_space<vmem>> -> memref<1x256x64xf32, #tpu.memory_space<vmem>>
    %dma_wait3A_322 = tpu.memref_squeeze %dma_wait3A_321 : memref<1x256x64xf32, #tpu.memory_space<vmem>> -> memref<256x64xf32, #tpu.memory_space<vmem>>
    tpu.wait_dma2 semaphore(%arg16 : memref<!tpu.dma_semaphore, #tpu.memory_space<semaphore_mem>>) src(%dma_wait3A_322 : memref<256x64xf32, #tpu.memory_space<vmem>>) dst(%dma_wait3A_318 : memref<256x64xf32, #tpu.memory_space<hbm>>)
    %mul3A_323 = arith.constant 25600 : i32
    %mul3A_324 = arith.muli %add3A, %mul3A_323 : i32
    %dma_start3A_325 = arith.constant 0 : i32
    %dma_start3A_326 = arith.constant 0 : i32
    %dma_start3A_327 = arith.constant 0 : i32
    %dma_start3A_328 = tpu.memref_slice %arg8[%dma_start3A_325, %dma_start3A_326, %dma_start3A_327] : memref<4x256x64xf32, #tpu.memory_space<vmem>> -> memref<1x128x64xf32, #tpu.memory_space<vmem>>
    %dma_start3A_329 = tpu.memref_squeeze %dma_start3A_328 : memref<1x128x64xf32, #tpu.memory_space<vmem>> -> memref<128x64xf32, #tpu.memory_space<vmem>>
    %dma_start3A_330 = arith.constant 25600 : i32
    %dma_start3A_331 = tpu.memref_slice %arg7[%dma_start3A_330] : memref<51200xi32, #tpu.memory_space<vmem>> -> memref<128xi32, #tpu.memory_space<vmem>>
    %dma_start3A_332 = arith.constant 0 : i32
    %dma_start3A_333 = arith.constant 0 : i32
    %dma_start3A_334 = tpu.memref_slice %arg5[%dma_start3A_332, %dma_start3A_333] : memref<100000x64xf32, #tpu.memory_space<hbm>> -> memref<100000x64xf32, #tpu.memory_space<hbm>>
    tpu.enqueue_indirect_dma source(%dma_start3A_334 : memref<100000x64xf32, #tpu.memory_space<hbm>>) target(%dma_start3A_329 : memref<128x64xf32, #tpu.memory_space<vmem>>) offsets(%dma_start3A_331 : memref<128xi32, #tpu.memory_space<vmem>>) semaphore(%arg9 : memref<!tpu.dma_semaphore, #tpu.memory_space<semaphore_mem>>)
    %dma_start3A_335 = arith.constant 0 : i32
    %dma_start3A_336 = arith.constant 128 : i32
    %dma_start3A_337 = arith.constant 0 : i32
    %dma_start3A_338 = tpu.memref_slice %arg8[%dma_start3A_335, %dma_start3A_336, %dma_start3A_337] : memref<4x256x64xf32, #tpu.memory_space<vmem>> -> memref<1x128x64xf32, #tpu.memory_space<vmem>>
    %dma_start3A_339 = tpu.memref_squeeze %dma_start3A_338 : memref<1x128x64xf32, #tpu.memory_space<vmem>> -> memref<128x64xf32, #tpu.memory_space<vmem>>
    %dma_start3A_340 = arith.constant 25728 : i32
    %dma_start3A_341 = tpu.memref_slice %arg7[%dma_start3A_340] : memref<51200xi32, #tpu.memory_space<vmem>> -> memref<128xi32, #tpu.memory_space<vmem>>
    %dma_start3A_342 = arith.constant 0 : i32
    %dma_start3A_343 = arith.constant 0 : i32
    %dma_start3A_344 = tpu.memref_slice %arg5[%dma_start3A_342, %dma_start3A_343] : memref<100000x64xf32, #tpu.memory_space<hbm>> -> memref<100000x64xf32, #tpu.memory_space<hbm>>
    tpu.enqueue_indirect_dma source(%dma_start3A_344 : memref<100000x64xf32, #tpu.memory_space<hbm>>) target(%dma_start3A_339 : memref<128x64xf32, #tpu.memory_space<vmem>>) offsets(%dma_start3A_341 : memref<128xi32, #tpu.memory_space<vmem>>) semaphore(%arg9 : memref<!tpu.dma_semaphore, #tpu.memory_space<semaphore_mem>>)
    %dma_start3A_345 = arith.constant 1 : i32
    %dma_start3A_346 = arith.constant 0 : i32
    %dma_start3A_347 = arith.constant 0 : i32
    %dma_start3A_348 = tpu.memref_slice %arg8[%dma_start3A_345, %dma_start3A_346, %dma_start3A_347] : memref<4x256x64xf32, #tpu.memory_space<vmem>> -> memref<1x128x64xf32, #tpu.memory_space<vmem>>
    %dma_start3A_349 = tpu.memref_squeeze %dma_start3A_348 : memref<1x128x64xf32, #tpu.memory_space<vmem>> -> memref<128x64xf32, #tpu.memory_space<vmem>>
    %dma_start3A_350 = arith.constant 25856 : i32
    %dma_start3A_351 = tpu.memref_slice %arg7[%dma_start3A_350] : memref<51200xi32, #tpu.memory_space<vmem>> -> memref<128xi32, #tpu.memory_space<vmem>>
    %dma_start3A_352 = arith.constant 0 : i32
    %dma_start3A_353 = arith.constant 0 : i32
    %dma_start3A_354 = tpu.memref_slice %arg5[%dma_start3A_352, %dma_start3A_353] : memref<100000x64xf32, #tpu.memory_space<hbm>> -> memref<100000x64xf32, #tpu.memory_space<hbm>>
    tpu.enqueue_indirect_dma source(%dma_start3A_354 : memref<100000x64xf32, #tpu.memory_space<hbm>>) target(%dma_start3A_349 : memref<128x64xf32, #tpu.memory_space<vmem>>) offsets(%dma_start3A_351 : memref<128xi32, #tpu.memory_space<vmem>>) semaphore(%arg10 : memref<!tpu.dma_semaphore, #tpu.memory_space<semaphore_mem>>)
    %dma_start3A_355 = arith.constant 1 : i32
    %dma_start3A_356 = arith.constant 128 : i32
    %dma_start3A_357 = arith.constant 0 : i32
    %dma_start3A_358 = tpu.memref_slice %arg8[%dma_start3A_355, %dma_start3A_356, %dma_start3A_357] : memref<4x256x64xf32, #tpu.memory_space<vmem>> -> memref<1x128x64xf32, #tpu.memory_space<vmem>>
    %dma_start3A_359 = tpu.memref_squeeze %dma_start3A_358 : memref<1x128x64xf32, #tpu.memory_space<vmem>> -> memref<128x64xf32, #tpu.memory_space<vmem>>
    %dma_start3A_360 = arith.constant 25984 : i32
    %dma_start3A_361 = tpu.memref_slice %arg7[%dma_start3A_360] : memref<51200xi32, #tpu.memory_space<vmem>> -> memref<128xi32, #tpu.memory_space<vmem>>
    %dma_start3A_362 = arith.constant 0 : i32
    %dma_start3A_363 = arith.constant 0 : i32
    %dma_start3A_364 = tpu.memref_slice %arg5[%dma_start3A_362, %dma_start3A_363] : memref<100000x64xf32, #tpu.memory_space<hbm>> -> memref<100000x64xf32, #tpu.memory_space<hbm>>
    tpu.enqueue_indirect_dma source(%dma_start3A_364 : memref<100000x64xf32, #tpu.memory_space<hbm>>) target(%dma_start3A_359 : memref<128x64xf32, #tpu.memory_space<vmem>>) offsets(%dma_start3A_361 : memref<128xi32, #tpu.memory_space<vmem>>) semaphore(%arg10 : memref<!tpu.dma_semaphore, #tpu.memory_space<semaphore_mem>>)
    %dma_start3A_365 = arith.constant 2 : i32
    %dma_start3A_366 = arith.constant 0 : i32
    %dma_start3A_367 = arith.constant 0 : i32
    %dma_start3A_368 = tpu.memref_slice %arg8[%dma_start3A_365, %dma_start3A_366, %dma_start3A_367] : memref<4x256x64xf32, #tpu.memory_space<vmem>> -> memref<1x128x64xf32, #tpu.memory_space<vmem>>
    %dma_start3A_369 = tpu.memref_squeeze %dma_start3A_368 : memref<1x128x64xf32, #tpu.memory_space<vmem>> -> memref<128x64xf32, #tpu.memory_space<vmem>>
    %dma_start3A_370 = arith.constant 26112 : i32
    %dma_start3A_371 = tpu.memref_slice %arg7[%dma_start3A_370] : memref<51200xi32, #tpu.memory_space<vmem>> -> memref<128xi32, #tpu.memory_space<vmem>>
    %dma_start3A_372 = arith.constant 0 : i32
    %dma_start3A_373 = arith.constant 0 : i32
    %dma_start3A_374 = tpu.memref_slice %arg5[%dma_start3A_372, %dma_start3A_373] : memref<100000x64xf32, #tpu.memory_space<hbm>> -> memref<100000x64xf32, #tpu.memory_space<hbm>>
    tpu.enqueue_indirect_dma source(%dma_start3A_374 : memref<100000x64xf32, #tpu.memory_space<hbm>>) target(%dma_start3A_369 : memref<128x64xf32, #tpu.memory_space<vmem>>) offsets(%dma_start3A_371 : memref<128xi32, #tpu.memory_space<vmem>>) semaphore(%arg11 : memref<!tpu.dma_semaphore, #tpu.memory_space<semaphore_mem>>)
    %dma_start3A_375 = arith.constant 2 : i32
    %dma_start3A_376 = arith.constant 128 : i32
    %dma_start3A_377 = arith.constant 0 : i32
    %dma_start3A_378 = tpu.memref_slice %arg8[%dma_start3A_375, %dma_start3A_376, %dma_start3A_377] : memref<4x256x64xf32, #tpu.memory_space<vmem>> -> memref<1x128x64xf32, #tpu.memory_space<vmem>>
    %dma_start3A_379 = tpu.memref_squeeze %dma_start3A_378 : memref<1x128x64xf32, #tpu.memory_space<vmem>> -> memref<128x64xf32, #tpu.memory_space<vmem>>
    %dma_start3A_380 = arith.constant 26240 : i32
    %dma_start3A_381 = tpu.memref_slice %arg7[%dma_start3A_380] : memref<51200xi32, #tpu.memory_space<vmem>> -> memref<128xi32, #tpu.memory_space<vmem>>
    %dma_start3A_382 = arith.constant 0 : i32
    %dma_start3A_383 = arith.constant 0 : i32
    %dma_start3A_384 = tpu.memref_slice %arg5[%dma_start3A_382, %dma_start3A_383] : memref<100000x64xf32, #tpu.memory_space<hbm>> -> memref<100000x64xf32, #tpu.memory_space<hbm>>
    tpu.enqueue_indirect_dma source(%dma_start3A_384 : memref<100000x64xf32, #tpu.memory_space<hbm>>) target(%dma_start3A_379 : memref<128x64xf32, #tpu.memory_space<vmem>>) offsets(%dma_start3A_381 : memref<128xi32, #tpu.memory_space<vmem>>) semaphore(%arg11 : memref<!tpu.dma_semaphore, #tpu.memory_space<semaphore_mem>>)
    %dma_start3A_385 = arith.constant 3 : i32
    %dma_start3A_386 = arith.constant 0 : i32
    %dma_start3A_387 = arith.constant 0 : i32
    %dma_start3A_388 = tpu.memref_slice %arg8[%dma_start3A_385, %dma_start3A_386, %dma_start3A_387] : memref<4x256x64xf32, #tpu.memory_space<vmem>> -> memref<1x128x64xf32, #tpu.memory_space<vmem>>
    %dma_start3A_389 = tpu.memref_squeeze %dma_start3A_388 : memref<1x128x64xf32, #tpu.memory_space<vmem>> -> memref<128x64xf32, #tpu.memory_space<vmem>>
    %dma_start3A_390 = arith.constant 26368 : i32
    %dma_start3A_391 = tpu.memref_slice %arg7[%dma_start3A_390] : memref<51200xi32, #tpu.memory_space<vmem>> -> memref<128xi32, #tpu.memory_space<vmem>>
    %dma_start3A_392 = arith.constant 0 : i32
    %dma_start3A_393 = arith.constant 0 : i32
    %dma_start3A_394 = tpu.memref_slice %arg5[%dma_start3A_392, %dma_start3A_393] : memref<100000x64xf32, #tpu.memory_space<hbm>> -> memref<100000x64xf32, #tpu.memory_space<hbm>>
    tpu.enqueue_indirect_dma source(%dma_start3A_394 : memref<100000x64xf32, #tpu.memory_space<hbm>>) target(%dma_start3A_389 : memref<128x64xf32, #tpu.memory_space<vmem>>) offsets(%dma_start3A_391 : memref<128xi32, #tpu.memory_space<vmem>>) semaphore(%arg12 : memref<!tpu.dma_semaphore, #tpu.memory_space<semaphore_mem>>)
    %dma_start3A_395 = arith.constant 3 : i32
    %dma_start3A_396 = arith.constant 128 : i32
    %dma_start3A_397 = arith.constant 0 : i32
    %dma_start3A_398 = tpu.memref_slice %arg8[%dma_start3A_395, %dma_start3A_396, %dma_start3A_397] : memref<4x256x64xf32, #tpu.memory_space<vmem>> -> memref<1x128x64xf32, #tpu.memory_space<vmem>>
    %dma_start3A_399 = tpu.memref_squeeze %dma_start3A_398 : memref<1x128x64xf32, #tpu.memory_space<vmem>> -> memref<128x64xf32, #tpu.memory_space<vmem>>
    %dma_start3A_400 = arith.constant 26496 : i32
    %dma_start3A_401 = tpu.memref_slice %arg7[%dma_start3A_400] : memref<51200xi32, #tpu.memory_space<vmem>> -> memref<128xi32, #tpu.memory_space<vmem>>
    %dma_start3A_402 = arith.constant 0 : i32
    %dma_start3A_403 = arith.constant 0 : i32
    %dma_start3A_404 = tpu.memref_slice %arg5[%dma_start3A_402, %dma_start3A_403] : memref<100000x64xf32, #tpu.memory_space<hbm>> -> memref<100000x64xf32, #tpu.memory_space<hbm>>
    tpu.enqueue_indirect_dma source(%dma_start3A_404 : memref<100000x64xf32, #tpu.memory_space<hbm>>) target(%dma_start3A_399 : memref<128x64xf32, #tpu.memory_space<vmem>>) offsets(%dma_start3A_401 : memref<128xi32, #tpu.memory_space<vmem>>) semaphore(%arg12 : memref<!tpu.dma_semaphore, #tpu.memory_space<semaphore_mem>>)
    %dma_wait3A_405 = arith.constant 0 : i32
    %dma_wait3A_406 = arith.constant 0 : i32
    %dma_wait3A_407 = arith.constant 0 : i32
    %dma_wait3A_408 = tpu.memref_slice %arg8[%dma_wait3A_405, %dma_wait3A_406, %dma_wait3A_407] : memref<4x256x64xf32, #tpu.memory_space<vmem>> -> memref<1x256x64xf32, #tpu.memory_space<vmem>>
    %dma_wait3A_409 = tpu.memref_squeeze %dma_wait3A_408 : memref<1x256x64xf32, #tpu.memory_space<vmem>> -> memref<256x64xf32, #tpu.memory_space<vmem>>
    %dma_wait3A_410 = arith.constant 0 : i32
    %dma_wait3A_411 = arith.constant 0 : i32
    %dma_wait3A_412 = tpu.memref_slice %arg5[%dma_wait3A_410, %dma_wait3A_411] : memref<100000x64xf32, #tpu.memory_space<hbm>> -> memref<256x64xf32, #tpu.memory_space<hbm>>
    %dma_wait3A_413 = arith.constant 0 : i32
    %dma_wait3A_414 = arith.constant 0 : i32
    %dma_wait3A_415 = tpu.memref_slice %arg8[%dma_wait3A_405, %dma_wait3A_413, %dma_wait3A_414] : memref<4x256x64xf32, #tpu.memory_space<vmem>> -> memref<1x256x64xf32, #tpu.memory_space<vmem>>
    %dma_wait3A_416 = tpu.memref_squeeze %dma_wait3A_415 : memref<1x256x64xf32, #tpu.memory_space<vmem>> -> memref<256x64xf32, #tpu.memory_space<vmem>>
    %dma_wait3A_417 = arith.constant 0 : i32
    %dma_wait3A_418 = arith.constant 0 : i32
    %dma_wait3A_419 = tpu.memref_slice %arg5[%dma_wait3A_417, %dma_wait3A_418] : memref<100000x64xf32, #tpu.memory_space<hbm>> -> memref<256x64xf32, #tpu.memory_space<hbm>>
    tpu.wait_dma2 semaphore(%arg9 : memref<!tpu.dma_semaphore, #tpu.memory_space<semaphore_mem>>) src(%dma_wait3A_419 : memref<256x64xf32, #tpu.memory_space<hbm>>) dst(%dma_wait3A_416 : memref<256x64xf32, #tpu.memory_space<vmem>>)
    %add3A_420 = arith.constant 0 : i32
    %add3A_421 = arith.addi %mul3A_324, %add3A_420 : i32
    %dma_start3A_422 = arith.constant 0 : i32
    %dma_start3A_423 = arith.constant 1 : i32
    %dma_start3A_424 = arith.constant 0 : i32
    %dma_start3A_425 = arith.constant 0 : i32
    %dma_start3A_426 = tpu.memref_slice %arg8[%dma_start3A_422, %dma_start3A_424, %dma_start3A_425] : memref<4x256x64xf32, #tpu.memory_space<vmem>> -> memref<1x256x64xf32, #tpu.memory_space<vmem>>
    %dma_start3A_427 = tpu.memref_squeeze %dma_start3A_426 : memref<1x256x64xf32, #tpu.memory_space<vmem>> -> memref<256x64xf32, #tpu.memory_space<vmem>>
    %dma_start3A_428 = arith.constant 0 : i32
    %dma_start3A_429 = tpu.memref_slice %arg6[%add3A_421, %dma_start3A_423, %dma_start3A_428] : memref<819200x2x64xf32, #tpu.memory_space<hbm>> -> memref<256x1x64xf32, #tpu.memory_space<hbm>>
    %dma_start3A_430 = tpu.memref_squeeze %dma_start3A_429 : memref<256x1x64xf32, #tpu.memory_space<hbm>> -> memref<256x64xf32, #tpu.memory_space<hbm>>
    %dma_start3A_431 = arith.constant 0 : i32
    %dma_start3A_432 = tpu.memref_slice %arg6[%add3A_421, %dma_start3A_423, %dma_start3A_431] : memref<819200x2x64xf32, #tpu.memory_space<hbm>> -> memref<256x1x64xf32, #tpu.memory_space<hbm>>
    %dma_start3A_433 = tpu.memref_squeeze %dma_start3A_432 : memref<256x1x64xf32, #tpu.memory_space<hbm>> -> memref<256x64xf32, #tpu.memory_space<hbm>>
    %dma_start3A_434 = arith.constant 0 : i32
    %dma_start3A_435 = arith.constant 0 : i32
    %dma_start3A_436 = tpu.memref_slice %arg8[%dma_start3A_422, %dma_start3A_434, %dma_start3A_435] : memref<4x256x64xf32, #tpu.memory_space<vmem>> -> memref<1x256x64xf32, #tpu.memory_space<vmem>>
    %dma_start3A_437 = tpu.memref_squeeze %dma_start3A_436 : memref<1x256x64xf32, #tpu.memory_space<vmem>> -> memref<256x64xf32, #tpu.memory_space<vmem>>
    tpu.enqueue_dma source(%dma_start3A_437 : memref<256x64xf32, #tpu.memory_space<vmem>>) target(%dma_start3A_433 : memref<256x64xf32, #tpu.memory_space<hbm>>) target_semaphore(%arg13 : memref<!tpu.dma_semaphore, #tpu.memory_space<semaphore_mem>>)
    %dma_wait3A_438 = arith.constant 1 : i32
    %dma_wait3A_439 = arith.constant 0 : i32
    %dma_wait3A_440 = arith.constant 0 : i32
    %dma_wait3A_441 = tpu.memref_slice %arg8[%dma_wait3A_438, %dma_wait3A_439, %dma_wait3A_440] : memref<4x256x64xf32, #tpu.memory_space<vmem>> -> memref<1x256x64xf32, #tpu.memory_space<vmem>>
    %dma_wait3A_442 = tpu.memref_squeeze %dma_wait3A_441 : memref<1x256x64xf32, #tpu.memory_space<vmem>> -> memref<256x64xf32, #tpu.memory_space<vmem>>
    %dma_wait3A_443 = arith.constant 0 : i32
    %dma_wait3A_444 = arith.constant 0 : i32
    %dma_wait3A_445 = tpu.memref_slice %arg5[%dma_wait3A_443, %dma_wait3A_444] : memref<100000x64xf32, #tpu.memory_space<hbm>> -> memref<256x64xf32, #tpu.memory_space<hbm>>
    %dma_wait3A_446 = arith.constant 0 : i32
    %dma_wait3A_447 = arith.constant 0 : i32
    %dma_wait3A_448 = tpu.memref_slice %arg8[%dma_wait3A_438, %dma_wait3A_446, %dma_wait3A_447] : memref<4x256x64xf32, #tpu.memory_space<vmem>> -> memref<1x256x64xf32, #tpu.memory_space<vmem>>
    %dma_wait3A_449 = tpu.memref_squeeze %dma_wait3A_448 : memref<1x256x64xf32, #tpu.memory_space<vmem>> -> memref<256x64xf32, #tpu.memory_space<vmem>>
    %dma_wait3A_450 = arith.constant 0 : i32
    %dma_wait3A_451 = arith.constant 0 : i32
    %dma_wait3A_452 = tpu.memref_slice %arg5[%dma_wait3A_450, %dma_wait3A_451] : memref<100000x64xf32, #tpu.memory_space<hbm>> -> memref<256x64xf32, #tpu.memory_space<hbm>>
    tpu.wait_dma2 semaphore(%arg10 : memref<!tpu.dma_semaphore, #tpu.memory_space<semaphore_mem>>) src(%dma_wait3A_452 : memref<256x64xf32, #tpu.memory_space<hbm>>) dst(%dma_wait3A_449 : memref<256x64xf32, #tpu.memory_space<vmem>>)
    %add3A_453 = arith.constant 256 : i32
    %add3A_454 = arith.addi %mul3A_324, %add3A_453 : i32
    %dma_start3A_455 = arith.constant 1 : i32
    %dma_start3A_456 = arith.constant 1 : i32
    %dma_start3A_457 = arith.constant 0 : i32
    %dma_start3A_458 = arith.constant 0 : i32
    %dma_start3A_459 = tpu.memref_slice %arg8[%dma_start3A_455, %dma_start3A_457, %dma_start3A_458] : memref<4x256x64xf32, #tpu.memory_space<vmem>> -> memref<1x256x64xf32, #tpu.memory_space<vmem>>
    %dma_start3A_460 = tpu.memref_squeeze %dma_start3A_459 : memref<1x256x64xf32, #tpu.memory_space<vmem>> -> memref<256x64xf32, #tpu.memory_space<vmem>>
    %dma_start3A_461 = arith.constant 0 : i32
    %dma_start3A_462 = tpu.memref_slice %arg6[%add3A_454, %dma_start3A_456, %dma_start3A_461] : memref<819200x2x64xf32, #tpu.memory_space<hbm>> -> memref<256x1x64xf32, #tpu.memory_space<hbm>>
    %dma_start3A_463 = tpu.memref_squeeze %dma_start3A_462 : memref<256x1x64xf32, #tpu.memory_space<hbm>> -> memref<256x64xf32, #tpu.memory_space<hbm>>
    %dma_start3A_464 = arith.constant 0 : i32
    %dma_start3A_465 = tpu.memref_slice %arg6[%add3A_454, %dma_start3A_456, %dma_start3A_464] : memref<819200x2x64xf32, #tpu.memory_space<hbm>> -> memref<256x1x64xf32, #tpu.memory_space<hbm>>
    %dma_start3A_466 = tpu.memref_squeeze %dma_start3A_465 : memref<256x1x64xf32, #tpu.memory_space<hbm>> -> memref<256x64xf32, #tpu.memory_space<hbm>>
    %dma_start3A_467 = arith.constant 0 : i32
    %dma_start3A_468 = arith.constant 0 : i32
    %dma_start3A_469 = tpu.memref_slice %arg8[%dma_start3A_455, %dma_start3A_467, %dma_start3A_468] : memref<4x256x64xf32, #tpu.memory_space<vmem>> -> memref<1x256x64xf32, #tpu.memory_space<vmem>>
    %dma_start3A_470 = tpu.memref_squeeze %dma_start3A_469 : memref<1x256x64xf32, #tpu.memory_space<vmem>> -> memref<256x64xf32, #tpu.memory_space<vmem>>
    tpu.enqueue_dma source(%dma_start3A_470 : memref<256x64xf32, #tpu.memory_space<vmem>>) target(%dma_start3A_466 : memref<256x64xf32, #tpu.memory_space<hbm>>) target_semaphore(%arg14 : memref<!tpu.dma_semaphore, #tpu.memory_space<semaphore_mem>>)
    %scan3A_471 = arith.constant 0 : i32
    %scan3A_472 = arith.constant 1 : i32
    %scan3A_473 = arith.constant 24 : i32
    %scan3A_474 = arith.addi %scan3A_472, %scan3A_473 : i32
    %scan3A_475 = arith.constant 1 : i32
    %scan3A_476 = scf.for %scan3A_616 = %scan3A_472 to %scan3A_474 step %scan3A_475 iter_args(%scan3A_617 = %scan3A_471) -> (i32)  : i32 {
      %mul3A_618 = arith.constant 4 : i32
      %mul3A_619 = arith.muli %mul3A_618, %scan3A_616 : i32
      %add3A_620 = arith.constant 0 : i32
      %add3A_621 = arith.addi %mul3A_619, %add3A_620 : i32
      %sub3A = arith.constant 4 : i32
      %sub3A_622 = arith.subi %add3A_621, %sub3A : i32
      %mul3A_623 = arith.constant 256 : i32
      %mul3A_624 = arith.muli %sub3A_622, %mul3A_623 : i32
      %add3A_625 = arith.addi %mul3A_324, %mul3A_624 : i32
      %dma_wait3A_626 = arith.constant 0 : i32
      %dma_wait3A_627 = arith.constant 1 : i32
      %dma_wait3A_628 = arith.constant 0 : i32
      %dma_wait3A_629 = arith.constant 0 : i32
      %dma_wait3A_630 = tpu.memref_slice %arg8[%dma_wait3A_626, %dma_wait3A_628, %dma_wait3A_629] : memref<4x256x64xf32, #tpu.memory_space<vmem>> -> memref<1x256x64xf32, #tpu.memory_space<vmem>>
      %dma_wait3A_631 = tpu.memref_squeeze %dma_wait3A_630 : memref<1x256x64xf32, #tpu.memory_space<vmem>> -> memref<256x64xf32, #tpu.memory_space<vmem>>
      %dma_wait3A_632 = arith.constant 0 : i32
      %dma_wait3A_633 = tpu.memref_slice %arg6[%add3A_625, %dma_wait3A_627, %dma_wait3A_632] : memref<819200x2x64xf32, #tpu.memory_space<hbm>> -> memref<256x1x64xf32, #tpu.memory_space<hbm>>
      %dma_wait3A_634 = tpu.memref_squeeze %dma_wait3A_633 : memref<256x1x64xf32, #tpu.memory_space<hbm>> -> memref<256x64xf32, #tpu.memory_space<hbm>>
      %dma_wait3A_635 = arith.constant 0 : i32
      %dma_wait3A_636 = tpu.memref_slice %arg6[%add3A_625, %dma_wait3A_627, %dma_wait3A_635] : memref<819200x2x64xf32, #tpu.memory_space<hbm>> -> memref<256x1x64xf32, #tpu.memory_space<hbm>>
      %dma_wait3A_637 = tpu.memref_squeeze %dma_wait3A_636 : memref<256x1x64xf32, #tpu.memory_space<hbm>> -> memref<256x64xf32, #tpu.memory_space<hbm>>
      %dma_wait3A_638 = arith.constant 0 : i32
      %dma_wait3A_639 = arith.constant 0 : i32
      %dma_wait3A_640 = tpu.memref_slice %arg8[%dma_wait3A_626, %dma_wait3A_638, %dma_wait3A_639] : memref<4x256x64xf32, #tpu.memory_space<vmem>> -> memref<1x256x64xf32, #tpu.memory_space<vmem>>
      %dma_wait3A_641 = tpu.memref_squeeze %dma_wait3A_640 : memref<1x256x64xf32, #tpu.memory_space<vmem>> -> memref<256x64xf32, #tpu.memory_space<vmem>>
      tpu.wait_dma2 semaphore(%arg13 : memref<!tpu.dma_semaphore, #tpu.memory_space<semaphore_mem>>) src(%dma_wait3A_641 : memref<256x64xf32, #tpu.memory_space<vmem>>) dst(%dma_wait3A_637 : memref<256x64xf32, #tpu.memory_space<hbm>>)
      %mul3A_642 = arith.constant 256 : i32
      %mul3A_643 = arith.muli %add3A_621, %mul3A_642 : i32
      %add3A_644 = arith.constant 25600 : i32
      %add3A_645 = arith.addi %add3A_644, %mul3A_643 : i32
      %add3A_646 = arith.constant 0 : i32
      %add3A_647 = arith.addi %add3A_645, %add3A_646 : i32
      %dma_start3A_648 = arith.constant 0 : i32
      %dma_start3A_649 = arith.constant 0 : i32
      %dma_start3A_650 = arith.constant 0 : i32
      %dma_start3A_651 = tpu.memref_slice %arg8[%dma_start3A_648, %dma_start3A_649, %dma_start3A_650] : memref<4x256x64xf32, #tpu.memory_space<vmem>> -> memref<1x128x64xf32, #tpu.memory_space<vmem>>
      %dma_start3A_652 = tpu.memref_squeeze %dma_start3A_651 : memref<1x128x64xf32, #tpu.memory_space<vmem>> -> memref<128x64xf32, #tpu.memory_space<vmem>>
      %dma_start3A_653 = tpu.memref_slice %arg7[%add3A_647] : memref<51200xi32, #tpu.memory_space<vmem>> -> memref<128xi32, #tpu.memory_space<vmem>>
      %dma_start3A_654 = arith.constant 0 : i32
      %dma_start3A_655 = arith.constant 0 : i32
      %dma_start3A_656 = tpu.memref_slice %arg5[%dma_start3A_654, %dma_start3A_655] : memref<100000x64xf32, #tpu.memory_space<hbm>> -> memref<100000x64xf32, #tpu.memory_space<hbm>>
      tpu.enqueue_indirect_dma source(%dma_start3A_656 : memref<100000x64xf32, #tpu.memory_space<hbm>>) target(%dma_start3A_652 : memref<128x64xf32, #tpu.memory_space<vmem>>) offsets(%dma_start3A_653 : memref<128xi32, #tpu.memory_space<vmem>>) semaphore(%arg9 : memref<!tpu.dma_semaphore, #tpu.memory_space<semaphore_mem>>)
      %mul3A_657 = arith.constant 256 : i32
      %mul3A_658 = arith.muli %add3A_621, %mul3A_657 : i32
      %add3A_659 = arith.constant 25600 : i32
      %add3A_660 = arith.addi %add3A_659, %mul3A_658 : i32
      %add3A_661 = arith.constant 128 : i32
      %add3A_662 = arith.addi %add3A_660, %add3A_661 : i32
      %dma_start3A_663 = arith.constant 0 : i32
      %dma_start3A_664 = arith.constant 128 : i32
      %dma_start3A_665 = arith.constant 0 : i32
      %dma_start3A_666 = tpu.memref_slice %arg8[%dma_start3A_663, %dma_start3A_664, %dma_start3A_665] : memref<4x256x64xf32, #tpu.memory_space<vmem>> -> memref<1x128x64xf32, #tpu.memory_space<vmem>>
      %dma_start3A_667 = tpu.memref_squeeze %dma_start3A_666 : memref<1x128x64xf32, #tpu.memory_space<vmem>> -> memref<128x64xf32, #tpu.memory_space<vmem>>
      %dma_start3A_668 = tpu.memref_slice %arg7[%add3A_662] : memref<51200xi32, #tpu.memory_space<vmem>> -> memref<128xi32, #tpu.memory_space<vmem>>
      %dma_start3A_669 = arith.constant 0 : i32
      %dma_start3A_670 = arith.constant 0 : i32
      %dma_start3A_671 = tpu.memref_slice %arg5[%dma_start3A_669, %dma_start3A_670] : memref<100000x64xf32, #tpu.memory_space<hbm>> -> memref<100000x64xf32, #tpu.memory_space<hbm>>
      tpu.enqueue_indirect_dma source(%dma_start3A_671 : memref<100000x64xf32, #tpu.memory_space<hbm>>) target(%dma_start3A_667 : memref<128x64xf32, #tpu.memory_space<vmem>>) offsets(%dma_start3A_668 : memref<128xi32, #tpu.memory_space<vmem>>) semaphore(%arg9 : memref<!tpu.dma_semaphore, #tpu.memory_space<semaphore_mem>>)
      %dma_wait3A_672 = arith.constant 2 : i32
      %dma_wait3A_673 = arith.constant 0 : i32
      %dma_wait3A_674 = arith.constant 0 : i32
      %dma_wait3A_675 = tpu.memref_slice %arg8[%dma_wait3A_672, %dma_wait3A_673, %dma_wait3A_674] : memref<4x256x64xf32, #tpu.memory_space<vmem>> -> memref<1x256x64xf32, #tpu.memory_space<vmem>>
      %dma_wait3A_676 = tpu.memref_squeeze %dma_wait3A_675 : memref<1x256x64xf32, #tpu.memory_space<vmem>> -> memref<256x64xf32, #tpu.memory_space<vmem>>
      %dma_wait3A_677 = arith.constant 0 : i32
      %dma_wait3A_678 = arith.constant 0 : i32
      %dma_wait3A_679 = tpu.memref_slice %arg5[%dma_wait3A_677, %dma_wait3A_678] : memref<100000x64xf32, #tpu.memory_space<hbm>> -> memref<256x64xf32, #tpu.memory_space<hbm>>
      %dma_wait3A_680 = arith.constant 0 : i32
      %dma_wait3A_681 = arith.constant 0 : i32
      %dma_wait3A_682 = tpu.memref_slice %arg8[%dma_wait3A_672, %dma_wait3A_680, %dma_wait3A_681] : memref<4x256x64xf32, #tpu.memory_space<vmem>> -> memref<1x256x64xf32, #tpu.memory_space<vmem>>
      %dma_wait3A_683 = tpu.memref_squeeze %dma_wait3A_682 : memref<1x256x64xf32, #tpu.memory_space<vmem>> -> memref<256x64xf32, #tpu.memory_space<vmem>>
      %dma_wait3A_684 = arith.constant 0 : i32
      %dma_wait3A_685 = arith.constant 0 : i32
      %dma_wait3A_686 = tpu.memref_slice %arg5[%dma_wait3A_684, %dma_wait3A_685] : memref<100000x64xf32, #tpu.memory_space<hbm>> -> memref<256x64xf32, #tpu.memory_space<hbm>>
      tpu.wait_dma2 semaphore(%arg11 : memref<!tpu.dma_semaphore, #tpu.memory_space<semaphore_mem>>) src(%dma_wait3A_686 : memref<256x64xf32, #tpu.memory_space<hbm>>) dst(%dma_wait3A_683 : memref<256x64xf32, #tpu.memory_space<vmem>>)
      %sub3A_687 = arith.constant 2 : i32
      %sub3A_688 = arith.subi %add3A_621, %sub3A_687 : i32
      %mul3A_689 = arith.constant 256 : i32
      %mul3A_690 = arith.muli %sub3A_688, %mul3A_689 : i32
      %add3A_691 = arith.addi %mul3A_324, %mul3A_690 : i32
      %dma_start3A_692 = arith.constant 2 : i32
      %dma_start3A_693 = arith.constant 1 : i32
      %dma_start3A_694 = arith.constant 0 : i32
      %dma_start3A_695 = arith.constant 0 : i32
      %dma_start3A_696 = tpu.memref_slice %arg8[%dma_start3A_692, %dma_start3A_694, %dma_start3A_695] : memref<4x256x64xf32, #tpu.memory_space<vmem>> -> memref<1x256x64xf32, #tpu.memory_space<vmem>>
      %dma_start3A_697 = tpu.memref_squeeze %dma_start3A_696 : memref<1x256x64xf32, #tpu.memory_space<vmem>> -> memref<256x64xf32, #tpu.memory_space<vmem>>
      %dma_start3A_698 = arith.constant 0 : i32
      %dma_start3A_699 = tpu.memref_slice %arg6[%add3A_691, %dma_start3A_693, %dma_start3A_698] : memref<819200x2x64xf32, #tpu.memory_space<hbm>> -> memref<256x1x64xf32, #tpu.memory_space<hbm>>
      %dma_start3A_700 = tpu.memref_squeeze %dma_start3A_699 : memref<256x1x64xf32, #tpu.memory_space<hbm>> -> memref<256x64xf32, #tpu.memory_space<hbm>>
      %dma_start3A_701 = arith.constant 0 : i32
      %dma_start3A_702 = tpu.memref_slice %arg6[%add3A_691, %dma_start3A_693, %dma_start3A_701] : memref<819200x2x64xf32, #tpu.memory_space<hbm>> -> memref<256x1x64xf32, #tpu.memory_space<hbm>>
      %dma_start3A_703 = tpu.memref_squeeze %dma_start3A_702 : memref<256x1x64xf32, #tpu.memory_space<hbm>> -> memref<256x64xf32, #tpu.memory_space<hbm>>
      %dma_start3A_704 = arith.constant 0 : i32
      %dma_start3A_705 = arith.constant 0 : i32
      %dma_start3A_706 = tpu.memref_slice %arg8[%dma_start3A_692, %dma_start3A_704, %dma_start3A_705] : memref<4x256x64xf32, #tpu.memory_space<vmem>> -> memref<1x256x64xf32, #tpu.memory_space<vmem>>
      %dma_start3A_707 = tpu.memref_squeeze %dma_start3A_706 : memref<1x256x64xf32, #tpu.memory_space<vmem>> -> memref<256x64xf32, #tpu.memory_space<vmem>>
      tpu.enqueue_dma source(%dma_start3A_707 : memref<256x64xf32, #tpu.memory_space<vmem>>) target(%dma_start3A_703 : memref<256x64xf32, #tpu.memory_space<hbm>>) target_semaphore(%arg15 : memref<!tpu.dma_semaphore, #tpu.memory_space<semaphore_mem>>)
      %add3A_708 = arith.constant 1 : i32
      %add3A_709 = arith.addi %mul3A_619, %add3A_708 : i32
      %sub3A_710 = arith.constant 4 : i32
      %sub3A_711 = arith.subi %add3A_709, %sub3A_710 : i32
      %mul3A_712 = arith.constant 256 : i32
      %mul3A_713 = arith.muli %sub3A_711, %mul3A_712 : i32
      %add3A_714 = arith.addi %mul3A_324, %mul3A_713 : i32
      %dma_wait3A_715 = arith.constant 1 : i32
      %dma_wait3A_716 = arith.constant 1 : i32
      %dma_wait3A_717 = arith.constant 0 : i32
      %dma_wait3A_718 = arith.constant 0 : i32
      %dma_wait3A_719 = tpu.memref_slice %arg8[%dma_wait3A_715, %dma_wait3A_717, %dma_wait3A_718] : memref<4x256x64xf32, #tpu.memory_space<vmem>> -> memref<1x256x64xf32, #tpu.memory_space<vmem>>
      %dma_wait3A_720 = tpu.memref_squeeze %dma_wait3A_719 : memref<1x256x64xf32, #tpu.memory_space<vmem>> -> memref<256x64xf32, #tpu.memory_space<vmem>>
      %dma_wait3A_721 = arith.constant 0 : i32
      %dma_wait3A_722 = tpu.memref_slice %arg6[%add3A_714, %dma_wait3A_716, %dma_wait3A_721] : memref<819200x2x64xf32, #tpu.memory_space<hbm>> -> memref<256x1x64xf32, #tpu.memory_space<hbm>>
      %dma_wait3A_723 = tpu.memref_squeeze %dma_wait3A_722 : memref<256x1x64xf32, #tpu.memory_space<hbm>> -> memref<256x64xf32, #tpu.memory_space<hbm>>
      %dma_wait3A_724 = arith.constant 0 : i32
      %dma_wait3A_725 = tpu.memref_slice %arg6[%add3A_714, %dma_wait3A_716, %dma_wait3A_724] : memref<819200x2x64xf32, #tpu.memory_space<hbm>> -> memref<256x1x64xf32, #tpu.memory_space<hbm>>
      %dma_wait3A_726 = tpu.memref_squeeze %dma_wait3A_725 : memref<256x1x64xf32, #tpu.memory_space<hbm>> -> memref<256x64xf32, #tpu.memory_space<hbm>>
      %dma_wait3A_727 = arith.constant 0 : i32
      %dma_wait3A_728 = arith.constant 0 : i32
      %dma_wait3A_729 = tpu.memref_slice %arg8[%dma_wait3A_715, %dma_wait3A_727, %dma_wait3A_728] : memref<4x256x64xf32, #tpu.memory_space<vmem>> -> memref<1x256x64xf32, #tpu.memory_space<vmem>>
      %dma_wait3A_730 = tpu.memref_squeeze %dma_wait3A_729 : memref<1x256x64xf32, #tpu.memory_space<vmem>> -> memref<256x64xf32, #tpu.memory_space<vmem>>
      tpu.wait_dma2 semaphore(%arg14 : memref<!tpu.dma_semaphore, #tpu.memory_space<semaphore_mem>>) src(%dma_wait3A_730 : memref<256x64xf32, #tpu.memory_space<vmem>>) dst(%dma_wait3A_726 : memref<256x64xf32, #tpu.memory_space<hbm>>)
      %mul3A_731 = arith.constant 256 : i32
      %mul3A_732 = arith.muli %add3A_709, %mul3A_731 : i32
      %add3A_733 = arith.constant 25600 : i32
      %add3A_734 = arith.addi %add3A_733, %mul3A_732 : i32
      %add3A_735 = arith.constant 0 : i32
      %add3A_736 = arith.addi %add3A_734, %add3A_735 : i32
      %dma_start3A_737 = arith.constant 1 : i32
      %dma_start3A_738 = arith.constant 0 : i32
      %dma_start3A_739 = arith.constant 0 : i32
      %dma_start3A_740 = tpu.memref_slice %arg8[%dma_start3A_737, %dma_start3A_738, %dma_start3A_739] : memref<4x256x64xf32, #tpu.memory_space<vmem>> -> memref<1x128x64xf32, #tpu.memory_space<vmem>>
      %dma_start3A_741 = tpu.memref_squeeze %dma_start3A_740 : memref<1x128x64xf32, #tpu.memory_space<vmem>> -> memref<128x64xf32, #tpu.memory_space<vmem>>
      %dma_start3A_742 = tpu.memref_slice %arg7[%add3A_736] : memref<51200xi32, #tpu.memory_space<vmem>> -> memref<128xi32, #tpu.memory_space<vmem>>
      %dma_start3A_743 = arith.constant 0 : i32
      %dma_start3A_744 = arith.constant 0 : i32
      %dma_start3A_745 = tpu.memref_slice %arg5[%dma_start3A_743, %dma_start3A_744] : memref<100000x64xf32, #tpu.memory_space<hbm>> -> memref<100000x64xf32, #tpu.memory_space<hbm>>
      tpu.enqueue_indirect_dma source(%dma_start3A_745 : memref<100000x64xf32, #tpu.memory_space<hbm>>) target(%dma_start3A_741 : memref<128x64xf32, #tpu.memory_space<vmem>>) offsets(%dma_start3A_742 : memref<128xi32, #tpu.memory_space<vmem>>) semaphore(%arg10 : memref<!tpu.dma_semaphore, #tpu.memory_space<semaphore_mem>>)
      %mul3A_746 = arith.constant 256 : i32
      %mul3A_747 = arith.muli %add3A_709, %mul3A_746 : i32
      %add3A_748 = arith.constant 25600 : i32
      %add3A_749 = arith.addi %add3A_748, %mul3A_747 : i32
      %add3A_750 = arith.constant 128 : i32
      %add3A_751 = arith.addi %add3A_749, %add3A_750 : i32
      %dma_start3A_752 = arith.constant 1 : i32
      %dma_start3A_753 = arith.constant 128 : i32
      %dma_start3A_754 = arith.constant 0 : i32
      %dma_start3A_755 = tpu.memref_slice %arg8[%dma_start3A_752, %dma_start3A_753, %dma_start3A_754] : memref<4x256x64xf32, #tpu.memory_space<vmem>> -> memref<1x128x64xf32, #tpu.memory_space<vmem>>
      %dma_start3A_756 = tpu.memref_squeeze %dma_start3A_755 : memref<1x128x64xf32, #tpu.memory_space<vmem>> -> memref<128x64xf32, #tpu.memory_space<vmem>>
      %dma_start3A_757 = tpu.memref_slice %arg7[%add3A_751] : memref<51200xi32, #tpu.memory_space<vmem>> -> memref<128xi32, #tpu.memory_space<vmem>>
      %dma_start3A_758 = arith.constant 0 : i32
      %dma_start3A_759 = arith.constant 0 : i32
      %dma_start3A_760 = tpu.memref_slice %arg5[%dma_start3A_758, %dma_start3A_759] : memref<100000x64xf32, #tpu.memory_space<hbm>> -> memref<100000x64xf32, #tpu.memory_space<hbm>>
      tpu.enqueue_indirect_dma source(%dma_start3A_760 : memref<100000x64xf32, #tpu.memory_space<hbm>>) target(%dma_start3A_756 : memref<128x64xf32, #tpu.memory_space<vmem>>) offsets(%dma_start3A_757 : memref<128xi32, #tpu.memory_space<vmem>>) semaphore(%arg10 : memref<!tpu.dma_semaphore, #tpu.memory_space<semaphore_mem>>)
      %dma_wait3A_761 = arith.constant 3 : i32
      %dma_wait3A_762 = arith.constant 0 : i32
      %dma_wait3A_763 = arith.constant 0 : i32
      %dma_wait3A_764 = tpu.memref_slice %arg8[%dma_wait3A_761, %dma_wait3A_762, %dma_wait3A_763] : memref<4x256x64xf32, #tpu.memory_space<vmem>> -> memref<1x256x64xf32, #tpu.memory_space<vmem>>
      %dma_wait3A_765 = tpu.memref_squeeze %dma_wait3A_764 : memref<1x256x64xf32, #tpu.memory_space<vmem>> -> memref<256x64xf32, #tpu.memory_space<vmem>>
      %dma_wait3A_766 = arith.constant 0 : i32
      %dma_wait3A_767 = arith.constant 0 : i32
      %dma_wait3A_768 = tpu.memref_slice %arg5[%dma_wait3A_766, %dma_wait3A_767] : memref<100000x64xf32, #tpu.memory_space<hbm>> -> memref<256x64xf32, #tpu.memory_space<hbm>>
      %dma_wait3A_769 = arith.constant 0 : i32
      %dma_wait3A_770 = arith.constant 0 : i32
      %dma_wait3A_771 = tpu.memref_slice %arg8[%dma_wait3A_761, %dma_wait3A_769, %dma_wait3A_770] : memref<4x256x64xf32, #tpu.memory_space<vmem>> -> memref<1x256x64xf32, #tpu.memory_space<vmem>>
      %dma_wait3A_772 = tpu.memref_squeeze %dma_wait3A_771 : memref<1x256x64xf32, #tpu.memory_space<vmem>> -> memref<256x64xf32, #tpu.memory_space<vmem>>
      %dma_wait3A_773 = arith.constant 0 : i32
      %dma_wait3A_774 = arith.constant 0 : i32
      %dma_wait3A_775 = tpu.memref_slice %arg5[%dma_wait3A_773, %dma_wait3A_774] : memref<100000x64xf32, #tpu.memory_space<hbm>> -> memref<256x64xf32, #tpu.memory_space<hbm>>
      tpu.wait_dma2 semaphore(%arg12 : memref<!tpu.dma_semaphore, #tpu.memory_space<semaphore_mem>>) src(%dma_wait3A_775 : memref<256x64xf32, #tpu.memory_space<hbm>>) dst(%dma_wait3A_772 : memref<256x64xf32, #tpu.memory_space<vmem>>)
      %sub3A_776 = arith.constant 2 : i32
      %sub3A_777 = arith.subi %add3A_709, %sub3A_776 : i32
      %mul3A_778 = arith.constant 256 : i32
      %mul3A_779 = arith.muli %sub3A_777, %mul3A_778 : i32
      %add3A_780 = arith.addi %mul3A_324, %mul3A_779 : i32
      %dma_start3A_781 = arith.constant 3 : i32
      %dma_start3A_782 = arith.constant 1 : i32
      %dma_start3A_783 = arith.constant 0 : i32
      %dma_start3A_784 = arith.constant 0 : i32
      %dma_start3A_785 = tpu.memref_slice %arg8[%dma_start3A_781, %dma_start3A_783, %dma_start3A_784] : memref<4x256x64xf32, #tpu.memory_space<vmem>> -> memref<1x256x64xf32, #tpu.memory_space<vmem>>
      %dma_start3A_786 = tpu.memref_squeeze %dma_start3A_785 : memref<1x256x64xf32, #tpu.memory_space<vmem>> -> memref<256x64xf32, #tpu.memory_space<vmem>>
      %dma_start3A_787 = arith.constant 0 : i32
      %dma_start3A_788 = tpu.memref_slice %arg6[%add3A_780, %dma_start3A_782, %dma_start3A_787] : memref<819200x2x64xf32, #tpu.memory_space<hbm>> -> memref<256x1x64xf32, #tpu.memory_space<hbm>>
      %dma_start3A_789 = tpu.memref_squeeze %dma_start3A_788 : memref<256x1x64xf32, #tpu.memory_space<hbm>> -> memref<256x64xf32, #tpu.memory_space<hbm>>
      %dma_start3A_790 = arith.constant 0 : i32
      %dma_start3A_791 = tpu.memref_slice %arg6[%add3A_780, %dma_start3A_782, %dma_start3A_790] : memref<819200x2x64xf32, #tpu.memory_space<hbm>> -> memref<256x1x64xf32, #tpu.memory_space<hbm>>
      %dma_start3A_792 = tpu.memref_squeeze %dma_start3A_791 : memref<256x1x64xf32, #tpu.memory_space<hbm>> -> memref<256x64xf32, #tpu.memory_space<hbm>>
      %dma_start3A_793 = arith.constant 0 : i32
      %dma_start3A_794 = arith.constant 0 : i32
      %dma_start3A_795 = tpu.memref_slice %arg8[%dma_start3A_781, %dma_start3A_793, %dma_start3A_794] : memref<4x256x64xf32, #tpu.memory_space<vmem>> -> memref<1x256x64xf32, #tpu.memory_space<vmem>>
      %dma_start3A_796 = tpu.memref_squeeze %dma_start3A_795 : memref<1x256x64xf32, #tpu.memory_space<vmem>> -> memref<256x64xf32, #tpu.memory_space<vmem>>
      tpu.enqueue_dma source(%dma_start3A_796 : memref<256x64xf32, #tpu.memory_space<vmem>>) target(%dma_start3A_792 : memref<256x64xf32, #tpu.memory_space<hbm>>) target_semaphore(%arg16 : memref<!tpu.dma_semaphore, #tpu.memory_space<semaphore_mem>>)
      %add3A_797 = arith.constant 2 : i32
      %add3A_798 = arith.addi %mul3A_619, %add3A_797 : i32
      %sub3A_799 = arith.constant 4 : i32
      %sub3A_800 = arith.subi %add3A_798, %sub3A_799 : i32
      %mul3A_801 = arith.constant 256 : i32
      %mul3A_802 = arith.muli %sub3A_800, %mul3A_801 : i32
      %add3A_803 = arith.addi %mul3A_324, %mul3A_802 : i32
      %dma_wait3A_804 = arith.constant 2 : i32
      %dma_wait3A_805 = arith.constant 1 : i32
      %dma_wait3A_806 = arith.constant 0 : i32
      %dma_wait3A_807 = arith.constant 0 : i32
      %dma_wait3A_808 = tpu.memref_slice %arg8[%dma_wait3A_804, %dma_wait3A_806, %dma_wait3A_807] : memref<4x256x64xf32, #tpu.memory_space<vmem>> -> memref<1x256x64xf32, #tpu.memory_space<vmem>>
      %dma_wait3A_809 = tpu.memref_squeeze %dma_wait3A_808 : memref<1x256x64xf32, #tpu.memory_space<vmem>> -> memref<256x64xf32, #tpu.memory_space<vmem>>
      %dma_wait3A_810 = arith.constant 0 : i32
      %dma_wait3A_811 = tpu.memref_slice %arg6[%add3A_803, %dma_wait3A_805, %dma_wait3A_810] : memref<819200x2x64xf32, #tpu.memory_space<hbm>> -> memref<256x1x64xf32, #tpu.memory_space<hbm>>
      %dma_wait3A_812 = tpu.memref_squeeze %dma_wait3A_811 : memref<256x1x64xf32, #tpu.memory_space<hbm>> -> memref<256x64xf32, #tpu.memory_space<hbm>>
      %dma_wait3A_813 = arith.constant 0 : i32
      %dma_wait3A_814 = tpu.memref_slice %arg6[%add3A_803, %dma_wait3A_805, %dma_wait3A_813] : memref<819200x2x64xf32, #tpu.memory_space<hbm>> -> memref<256x1x64xf32, #tpu.memory_space<hbm>>
      %dma_wait3A_815 = tpu.memref_squeeze %dma_wait3A_814 : memref<256x1x64xf32, #tpu.memory_space<hbm>> -> memref<256x64xf32, #tpu.memory_space<hbm>>
      %dma_wait3A_816 = arith.constant 0 : i32
      %dma_wait3A_817 = arith.constant 0 : i32
      %dma_wait3A_818 = tpu.memref_slice %arg8[%dma_wait3A_804, %dma_wait3A_816, %dma_wait3A_817] : memref<4x256x64xf32, #tpu.memory_space<vmem>> -> memref<1x256x64xf32, #tpu.memory_space<vmem>>
      %dma_wait3A_819 = tpu.memref_squeeze %dma_wait3A_818 : memref<1x256x64xf32, #tpu.memory_space<vmem>> -> memref<256x64xf32, #tpu.memory_space<vmem>>
      tpu.wait_dma2 semaphore(%arg15 : memref<!tpu.dma_semaphore, #tpu.memory_space<semaphore_mem>>) src(%dma_wait3A_819 : memref<256x64xf32, #tpu.memory_space<vmem>>) dst(%dma_wait3A_815 : memref<256x64xf32, #tpu.memory_space<hbm>>)
      %mul3A_820 = arith.constant 256 : i32
      %mul3A_821 = arith.muli %add3A_798, %mul3A_820 : i32
      %add3A_822 = arith.constant 25600 : i32
      %add3A_823 = arith.addi %add3A_822, %mul3A_821 : i32
      %add3A_824 = arith.constant 0 : i32
      %add3A_825 = arith.addi %add3A_823, %add3A_824 : i32
      %dma_start3A_826 = arith.constant 2 : i32
      %dma_start3A_827 = arith.constant 0 : i32
      %dma_start3A_828 = arith.constant 0 : i32
      %dma_start3A_829 = tpu.memref_slice %arg8[%dma_start3A_826, %dma_start3A_827, %dma_start3A_828] : memref<4x256x64xf32, #tpu.memory_space<vmem>> -> memref<1x128x64xf32, #tpu.memory_space<vmem>>
      %dma_start3A_830 = tpu.memref_squeeze %dma_start3A_829 : memref<1x128x64xf32, #tpu.memory_space<vmem>> -> memref<128x64xf32, #tpu.memory_space<vmem>>
      %dma_start3A_831 = tpu.memref_slice %arg7[%add3A_825] : memref<51200xi32, #tpu.memory_space<vmem>> -> memref<128xi32, #tpu.memory_space<vmem>>
      %dma_start3A_832 = arith.constant 0 : i32
      %dma_start3A_833 = arith.constant 0 : i32
      %dma_start3A_834 = tpu.memref_slice %arg5[%dma_start3A_832, %dma_start3A_833] : memref<100000x64xf32, #tpu.memory_space<hbm>> -> memref<100000x64xf32, #tpu.memory_space<hbm>>
      tpu.enqueue_indirect_dma source(%dma_start3A_834 : memref<100000x64xf32, #tpu.memory_space<hbm>>) target(%dma_start3A_830 : memref<128x64xf32, #tpu.memory_space<vmem>>) offsets(%dma_start3A_831 : memref<128xi32, #tpu.memory_space<vmem>>) semaphore(%arg11 : memref<!tpu.dma_semaphore, #tpu.memory_space<semaphore_mem>>)
      %mul3A_835 = arith.constant 256 : i32
      %mul3A_836 = arith.muli %add3A_798, %mul3A_835 : i32
      %add3A_837 = arith.constant 25600 : i32
      %add3A_838 = arith.addi %add3A_837, %mul3A_836 : i32
      %add3A_839 = arith.constant 128 : i32
      %add3A_840 = arith.addi %add3A_838, %add3A_839 : i32
      %dma_start3A_841 = arith.constant 2 : i32
      %dma_start3A_842 = arith.constant 128 : i32
      %dma_start3A_843 = arith.constant 0 : i32
      %dma_start3A_844 = tpu.memref_slice %arg8[%dma_start3A_841, %dma_start3A_842, %dma_start3A_843] : memref<4x256x64xf32, #tpu.memory_space<vmem>> -> memref<1x128x64xf32, #tpu.memory_space<vmem>>
      %dma_start3A_845 = tpu.memref_squeeze %dma_start3A_844 : memref<1x128x64xf32, #tpu.memory_space<vmem>> -> memref<128x64xf32, #tpu.memory_space<vmem>>
      %dma_start3A_846 = tpu.memref_slice %arg7[%add3A_840] : memref<51200xi32, #tpu.memory_space<vmem>> -> memref<128xi32, #tpu.memory_space<vmem>>
      %dma_start3A_847 = arith.constant 0 : i32
      %dma_start3A_848 = arith.constant 0 : i32
      %dma_start3A_849 = tpu.memref_slice %arg5[%dma_start3A_847, %dma_start3A_848] : memref<100000x64xf32, #tpu.memory_space<hbm>> -> memref<100000x64xf32, #tpu.memory_space<hbm>>
      tpu.enqueue_indirect_dma source(%dma_start3A_849 : memref<100000x64xf32, #tpu.memory_space<hbm>>) target(%dma_start3A_845 : memref<128x64xf32, #tpu.memory_space<vmem>>) offsets(%dma_start3A_846 : memref<128xi32, #tpu.memory_space<vmem>>) semaphore(%arg11 : memref<!tpu.dma_semaphore, #tpu.memory_space<semaphore_mem>>)
      %dma_wait3A_850 = arith.constant 0 : i32
      %dma_wait3A_851 = arith.constant 0 : i32
      %dma_wait3A_852 = arith.constant 0 : i32
      %dma_wait3A_853 = tpu.memref_slice %arg8[%dma_wait3A_850, %dma_wait3A_851, %dma_wait3A_852] : memref<4x256x64xf32, #tpu.memory_space<vmem>> -> memref<1x256x64xf32, #tpu.memory_space<vmem>>
      %dma_wait3A_854 = tpu.memref_squeeze %dma_wait3A_853 : memref<1x256x64xf32, #tpu.memory_space<vmem>> -> memref<256x64xf32, #tpu.memory_space<vmem>>
      %dma_wait3A_855 = arith.constant 0 : i32
      %dma_wait3A_856 = arith.constant 0 : i32
      %dma_wait3A_857 = tpu.memref_slice %arg5[%dma_wait3A_855, %dma_wait3A_856] : memref<100000x64xf32, #tpu.memory_space<hbm>> -> memref<256x64xf32, #tpu.memory_space<hbm>>
      %dma_wait3A_858 = arith.constant 0 : i32
      %dma_wait3A_859 = arith.constant 0 : i32
      %dma_wait3A_860 = tpu.memref_slice %arg8[%dma_wait3A_850, %dma_wait3A_858, %dma_wait3A_859] : memref<4x256x64xf32, #tpu.memory_space<vmem>> -> memref<1x256x64xf32, #tpu.memory_space<vmem>>
      %dma_wait3A_861 = tpu.memref_squeeze %dma_wait3A_860 : memref<1x256x64xf32, #tpu.memory_space<vmem>> -> memref<256x64xf32, #tpu.memory_space<vmem>>
      %dma_wait3A_862 = arith.constant 0 : i32
      %dma_wait3A_863 = arith.constant 0 : i32
      %dma_wait3A_864 = tpu.memref_slice %arg5[%dma_wait3A_862, %dma_wait3A_863] : memref<100000x64xf32, #tpu.memory_space<hbm>> -> memref<256x64xf32, #tpu.memory_space<hbm>>
      tpu.wait_dma2 semaphore(%arg9 : memref<!tpu.dma_semaphore, #tpu.memory_space<semaphore_mem>>) src(%dma_wait3A_864 : memref<256x64xf32, #tpu.memory_space<hbm>>) dst(%dma_wait3A_861 : memref<256x64xf32, #tpu.memory_space<vmem>>)
      %sub3A_865 = arith.constant 2 : i32
      %sub3A_866 = arith.subi %add3A_798, %sub3A_865 : i32
      %mul3A_867 = arith.constant 256 : i32
      %mul3A_868 = arith.muli %sub3A_866, %mul3A_867 : i32
      %add3A_869 = arith.addi %mul3A_324, %mul3A_868 : i32
      %dma_start3A_870 = arith.constant 0 : i32
      %dma_start3A_871 = arith.constant 1 : i32
      %dma_start3A_872 = arith.constant 0 : i32
      %dma_start3A_873 = arith.constant 0 : i32
      %dma_start3A_874 = tpu.memref_slice %arg8[%dma_start3A_870, %dma_start3A_872, %dma_start3A_873] : memref<4x256x64xf32, #tpu.memory_space<vmem>> -> memref<1x256x64xf32, #tpu.memory_space<vmem>>
      %dma_start3A_875 = tpu.memref_squeeze %dma_start3A_874 : memref<1x256x64xf32, #tpu.memory_space<vmem>> -> memref<256x64xf32, #tpu.memory_space<vmem>>
      %dma_start3A_876 = arith.constant 0 : i32
      %dma_start3A_877 = tpu.memref_slice %arg6[%add3A_869, %dma_start3A_871, %dma_start3A_876] : memref<819200x2x64xf32, #tpu.memory_space<hbm>> -> memref<256x1x64xf32, #tpu.memory_space<hbm>>
      %dma_start3A_878 = tpu.memref_squeeze %dma_start3A_877 : memref<256x1x64xf32, #tpu.memory_space<hbm>> -> memref<256x64xf32, #tpu.memory_space<hbm>>
      %dma_start3A_879 = arith.constant 0 : i32
      %dma_start3A_880 = tpu.memref_slice %arg6[%add3A_869, %dma_start3A_871, %dma_start3A_879] : memref<819200x2x64xf32, #tpu.memory_space<hbm>> -> memref<256x1x64xf32, #tpu.memory_space<hbm>>
      %dma_start3A_881 = tpu.memref_squeeze %dma_start3A_880 : memref<256x1x64xf32, #tpu.memory_space<hbm>> -> memref<256x64xf32, #tpu.memory_space<hbm>>
      %dma_start3A_882 = arith.constant 0 : i32
      %dma_start3A_883 = arith.constant 0 : i32
      %dma_start3A_884 = tpu.memref_slice %arg8[%dma_start3A_870, %dma_start3A_882, %dma_start3A_883] : memref<4x256x64xf32, #tpu.memory_space<vmem>> -> memref<1x256x64xf32, #tpu.memory_space<vmem>>
      %dma_start3A_885 = tpu.memref_squeeze %dma_start3A_884 : memref<1x256x64xf32, #tpu.memory_space<vmem>> -> memref<256x64xf32, #tpu.memory_space<vmem>>
      tpu.enqueue_dma source(%dma_start3A_885 : memref<256x64xf32, #tpu.memory_space<vmem>>) target(%dma_start3A_881 : memref<256x64xf32, #tpu.memory_space<hbm>>) target_semaphore(%arg13 : memref<!tpu.dma_semaphore, #tpu.memory_space<semaphore_mem>>)
      %add3A_886 = arith.constant 3 : i32
      %add3A_887 = arith.addi %mul3A_619, %add3A_886 : i32
      %sub3A_888 = arith.constant 4 : i32
      %sub3A_889 = arith.subi %add3A_887, %sub3A_888 : i32
      %mul3A_890 = arith.constant 256 : i32
      %mul3A_891 = arith.muli %sub3A_889, %mul3A_890 : i32
      %add3A_892 = arith.addi %mul3A_324, %mul3A_891 : i32
      %dma_wait3A_893 = arith.constant 3 : i32
      %dma_wait3A_894 = arith.constant 1 : i32
      %dma_wait3A_895 = arith.constant 0 : i32
      %dma_wait3A_896 = arith.constant 0 : i32
      %dma_wait3A_897 = tpu.memref_slice %arg8[%dma_wait3A_893, %dma_wait3A_895, %dma_wait3A_896] : memref<4x256x64xf32, #tpu.memory_space<vmem>> -> memref<1x256x64xf32, #tpu.memory_space<vmem>>
      %dma_wait3A_898 = tpu.memref_squeeze %dma_wait3A_897 : memref<1x256x64xf32, #tpu.memory_space<vmem>> -> memref<256x64xf32, #tpu.memory_space<vmem>>
      %dma_wait3A_899 = arith.constant 0 : i32
      %dma_wait3A_900 = tpu.memref_slice %arg6[%add3A_892, %dma_wait3A_894, %dma_wait3A_899] : memref<819200x2x64xf32, #tpu.memory_space<hbm>> -> memref<256x1x64xf32, #tpu.memory_space<hbm>>
      %dma_wait3A_901 = tpu.memref_squeeze %dma_wait3A_900 : memref<256x1x64xf32, #tpu.memory_space<hbm>> -> memref<256x64xf32, #tpu.memory_space<hbm>>
      %dma_wait3A_902 = arith.constant 0 : i32
      %dma_wait3A_903 = tpu.memref_slice %arg6[%add3A_892, %dma_wait3A_894, %dma_wait3A_902] : memref<819200x2x64xf32, #tpu.memory_space<hbm>> -> memref<256x1x64xf32, #tpu.memory_space<hbm>>
      %dma_wait3A_904 = tpu.memref_squeeze %dma_wait3A_903 : memref<256x1x64xf32, #tpu.memory_space<hbm>> -> memref<256x64xf32, #tpu.memory_space<hbm>>
      %dma_wait3A_905 = arith.constant 0 : i32
      %dma_wait3A_906 = arith.constant 0 : i32
      %dma_wait3A_907 = tpu.memref_slice %arg8[%dma_wait3A_893, %dma_wait3A_905, %dma_wait3A_906] : memref<4x256x64xf32, #tpu.memory_space<vmem>> -> memref<1x256x64xf32, #tpu.memory_space<vmem>>
      %dma_wait3A_908 = tpu.memref_squeeze %dma_wait3A_907 : memref<1x256x64xf32, #tpu.memory_space<vmem>> -> memref<256x64xf32, #tpu.memory_space<vmem>>
      tpu.wait_dma2 semaphore(%arg16 : memref<!tpu.dma_semaphore, #tpu.memory_space<semaphore_mem>>) src(%dma_wait3A_908 : memref<256x64xf32, #tpu.memory_space<vmem>>) dst(%dma_wait3A_904 : memref<256x64xf32, #tpu.memory_space<hbm>>)
      %mul3A_909 = arith.constant 256 : i32
      %mul3A_910 = arith.muli %add3A_887, %mul3A_909 : i32
      %add3A_911 = arith.constant 25600 : i32
      %add3A_912 = arith.addi %add3A_911, %mul3A_910 : i32
      %add3A_913 = arith.constant 0 : i32
      %add3A_914 = arith.addi %add3A_912, %add3A_913 : i32
      %dma_start3A_915 = arith.constant 3 : i32
      %dma_start3A_916 = arith.constant 0 : i32
      %dma_start3A_917 = arith.constant 0 : i32
      %dma_start3A_918 = tpu.memref_slice %arg8[%dma_start3A_915, %dma_start3A_916, %dma_start3A_917] : memref<4x256x64xf32, #tpu.memory_space<vmem>> -> memref<1x128x64xf32, #tpu.memory_space<vmem>>
      %dma_start3A_919 = tpu.memref_squeeze %dma_start3A_918 : memref<1x128x64xf32, #tpu.memory_space<vmem>> -> memref<128x64xf32, #tpu.memory_space<vmem>>
      %dma_start3A_920 = tpu.memref_slice %arg7[%add3A_914] : memref<51200xi32, #tpu.memory_space<vmem>> -> memref<128xi32, #tpu.memory_space<vmem>>
      %dma_start3A_921 = arith.constant 0 : i32
      %dma_start3A_922 = arith.constant 0 : i32
      %dma_start3A_923 = tpu.memref_slice %arg5[%dma_start3A_921, %dma_start3A_922] : memref<100000x64xf32, #tpu.memory_space<hbm>> -> memref<100000x64xf32, #tpu.memory_space<hbm>>
      tpu.enqueue_indirect_dma source(%dma_start3A_923 : memref<100000x64xf32, #tpu.memory_space<hbm>>) target(%dma_start3A_919 : memref<128x64xf32, #tpu.memory_space<vmem>>) offsets(%dma_start3A_920 : memref<128xi32, #tpu.memory_space<vmem>>) semaphore(%arg12 : memref<!tpu.dma_semaphore, #tpu.memory_space<semaphore_mem>>)
      %mul3A_924 = arith.constant 256 : i32
      %mul3A_925 = arith.muli %add3A_887, %mul3A_924 : i32
      %add3A_926 = arith.constant 25600 : i32
      %add3A_927 = arith.addi %add3A_926, %mul3A_925 : i32
      %add3A_928 = arith.constant 128 : i32
      %add3A_929 = arith.addi %add3A_927, %add3A_928 : i32
      %dma_start3A_930 = arith.constant 3 : i32
      %dma_start3A_931 = arith.constant 128 : i32
      %dma_start3A_932 = arith.constant 0 : i32
      %dma_start3A_933 = tpu.memref_slice %arg8[%dma_start3A_930, %dma_start3A_931, %dma_start3A_932] : memref<4x256x64xf32, #tpu.memory_space<vmem>> -> memref<1x128x64xf32, #tpu.memory_space<vmem>>
      %dma_start3A_934 = tpu.memref_squeeze %dma_start3A_933 : memref<1x128x64xf32, #tpu.memory_space<vmem>> -> memref<128x64xf32, #tpu.memory_space<vmem>>
      %dma_start3A_935 = tpu.memref_slice %arg7[%add3A_929] : memref<51200xi32, #tpu.memory_space<vmem>> -> memref<128xi32, #tpu.memory_space<vmem>>
      %dma_start3A_936 = arith.constant 0 : i32
      %dma_start3A_937 = arith.constant 0 : i32
      %dma_start3A_938 = tpu.memref_slice %arg5[%dma_start3A_936, %dma_start3A_937] : memref<100000x64xf32, #tpu.memory_space<hbm>> -> memref<100000x64xf32, #tpu.memory_space<hbm>>
      tpu.enqueue_indirect_dma source(%dma_start3A_938 : memref<100000x64xf32, #tpu.memory_space<hbm>>) target(%dma_start3A_934 : memref<128x64xf32, #tpu.memory_space<vmem>>) offsets(%dma_start3A_935 : memref<128xi32, #tpu.memory_space<vmem>>) semaphore(%arg12 : memref<!tpu.dma_semaphore, #tpu.memory_space<semaphore_mem>>)
      %dma_wait3A_939 = arith.constant 1 : i32
      %dma_wait3A_940 = arith.constant 0 : i32
      %dma_wait3A_941 = arith.constant 0 : i32
      %dma_wait3A_942 = tpu.memref_slice %arg8[%dma_wait3A_939, %dma_wait3A_940, %dma_wait3A_941] : memref<4x256x64xf32, #tpu.memory_space<vmem>> -> memref<1x256x64xf32, #tpu.memory_space<vmem>>
      %dma_wait3A_943 = tpu.memref_squeeze %dma_wait3A_942 : memref<1x256x64xf32, #tpu.memory_space<vmem>> -> memref<256x64xf32, #tpu.memory_space<vmem>>
      %dma_wait3A_944 = arith.constant 0 : i32
      %dma_wait3A_945 = arith.constant 0 : i32
      %dma_wait3A_946 = tpu.memref_slice %arg5[%dma_wait3A_944, %dma_wait3A_945] : memref<100000x64xf32, #tpu.memory_space<hbm>> -> memref<256x64xf32, #tpu.memory_space<hbm>>
      %dma_wait3A_947 = arith.constant 0 : i32
      %dma_wait3A_948 = arith.constant 0 : i32
      %dma_wait3A_949 = tpu.memref_slice %arg8[%dma_wait3A_939, %dma_wait3A_947, %dma_wait3A_948] : memref<4x256x64xf32, #tpu.memory_space<vmem>> -> memref<1x256x64xf32, #tpu.memory_space<vmem>>
      %dma_wait3A_950 = tpu.memref_squeeze %dma_wait3A_949 : memref<1x256x64xf32, #tpu.memory_space<vmem>> -> memref<256x64xf32, #tpu.memory_space<vmem>>
      %dma_wait3A_951 = arith.constant 0 : i32
      %dma_wait3A_952 = arith.constant 0 : i32
      %dma_wait3A_953 = tpu.memref_slice %arg5[%dma_wait3A_951, %dma_wait3A_952] : memref<100000x64xf32, #tpu.memory_space<hbm>> -> memref<256x64xf32, #tpu.memory_space<hbm>>
      tpu.wait_dma2 semaphore(%arg10 : memref<!tpu.dma_semaphore, #tpu.memory_space<semaphore_mem>>) src(%dma_wait3A_953 : memref<256x64xf32, #tpu.memory_space<hbm>>) dst(%dma_wait3A_950 : memref<256x64xf32, #tpu.memory_space<vmem>>)
      %sub3A_954 = arith.constant 2 : i32
      %sub3A_955 = arith.subi %add3A_887, %sub3A_954 : i32
      %mul3A_956 = arith.constant 256 : i32
      %mul3A_957 = arith.muli %sub3A_955, %mul3A_956 : i32
      %add3A_958 = arith.addi %mul3A_324, %mul3A_957 : i32
      %dma_start3A_959 = arith.constant 1 : i32
      %dma_start3A_960 = arith.constant 1 : i32
      %dma_start3A_961 = arith.constant 0 : i32
      %dma_start3A_962 = arith.constant 0 : i32
      %dma_start3A_963 = tpu.memref_slice %arg8[%dma_start3A_959, %dma_start3A_961, %dma_start3A_962] : memref<4x256x64xf32, #tpu.memory_space<vmem>> -> memref<1x256x64xf32, #tpu.memory_space<vmem>>
      %dma_start3A_964 = tpu.memref_squeeze %dma_start3A_963 : memref<1x256x64xf32, #tpu.memory_space<vmem>> -> memref<256x64xf32, #tpu.memory_space<vmem>>
      %dma_start3A_965 = arith.constant 0 : i32
      %dma_start3A_966 = tpu.memref_slice %arg6[%add3A_958, %dma_start3A_960, %dma_start3A_965] : memref<819200x2x64xf32, #tpu.memory_space<hbm>> -> memref<256x1x64xf32, #tpu.memory_space<hbm>>
      %dma_start3A_967 = tpu.memref_squeeze %dma_start3A_966 : memref<256x1x64xf32, #tpu.memory_space<hbm>> -> memref<256x64xf32, #tpu.memory_space<hbm>>
      %dma_start3A_968 = arith.constant 0 : i32
      %dma_start3A_969 = tpu.memref_slice %arg6[%add3A_958, %dma_start3A_960, %dma_start3A_968] : memref<819200x2x64xf32, #tpu.memory_space<hbm>> -> memref<256x1x64xf32, #tpu.memory_space<hbm>>
      %dma_start3A_970 = tpu.memref_squeeze %dma_start3A_969 : memref<256x1x64xf32, #tpu.memory_space<hbm>> -> memref<256x64xf32, #tpu.memory_space<hbm>>
      %dma_start3A_971 = arith.constant 0 : i32
      %dma_start3A_972 = arith.constant 0 : i32
      %dma_start3A_973 = tpu.memref_slice %arg8[%dma_start3A_959, %dma_start3A_971, %dma_start3A_972] : memref<4x256x64xf32, #tpu.memory_space<vmem>> -> memref<1x256x64xf32, #tpu.memory_space<vmem>>
      %dma_start3A_974 = tpu.memref_squeeze %dma_start3A_973 : memref<1x256x64xf32, #tpu.memory_space<vmem>> -> memref<256x64xf32, #tpu.memory_space<vmem>>
      tpu.enqueue_dma source(%dma_start3A_974 : memref<256x64xf32, #tpu.memory_space<vmem>>) target(%dma_start3A_970 : memref<256x64xf32, #tpu.memory_space<hbm>>) target_semaphore(%arg14 : memref<!tpu.dma_semaphore, #tpu.memory_space<semaphore_mem>>)
      %scan3A_975 = arith.constant 0 : i32
      scf.yield %scan3A_975 : i32
    }
    %scan3A_477 = arith.constant 24 : i32
    %dma_wait3A_478 = arith.constant 2 : i32
    %dma_wait3A_479 = arith.constant 0 : i32
    %dma_wait3A_480 = arith.constant 0 : i32
    %dma_wait3A_481 = tpu.memref_slice %arg8[%dma_wait3A_478, %dma_wait3A_479, %dma_wait3A_480] : memref<4x256x64xf32, #tpu.memory_space<vmem>> -> memref<1x256x64xf32, #tpu.memory_space<vmem>>
    %dma_wait3A_482 = tpu.memref_squeeze %dma_wait3A_481 : memref<1x256x64xf32, #tpu.memory_space<vmem>> -> memref<256x64xf32, #tpu.memory_space<vmem>>
    %dma_wait3A_483 = arith.constant 0 : i32
    %dma_wait3A_484 = arith.constant 0 : i32
    %dma_wait3A_485 = tpu.memref_slice %arg5[%dma_wait3A_483, %dma_wait3A_484] : memref<100000x64xf32, #tpu.memory_space<hbm>> -> memref<256x64xf32, #tpu.memory_space<hbm>>
    %dma_wait3A_486 = arith.constant 0 : i32
    %dma_wait3A_487 = arith.constant 0 : i32
    %dma_wait3A_488 = tpu.memref_slice %arg8[%dma_wait3A_478, %dma_wait3A_486, %dma_wait3A_487] : memref<4x256x64xf32, #tpu.memory_space<vmem>> -> memref<1x256x64xf32, #tpu.memory_space<vmem>>
    %dma_wait3A_489 = tpu.memref_squeeze %dma_wait3A_488 : memref<1x256x64xf32, #tpu.memory_space<vmem>> -> memref<256x64xf32, #tpu.memory_space<vmem>>
    %dma_wait3A_490 = arith.constant 0 : i32
    %dma_wait3A_491 = arith.constant 0 : i32
    %dma_wait3A_492 = tpu.memref_slice %arg5[%dma_wait3A_490, %dma_wait3A_491] : memref<100000x64xf32, #tpu.memory_space<hbm>> -> memref<256x64xf32, #tpu.memory_space<hbm>>
    tpu.wait_dma2 semaphore(%arg11 : memref<!tpu.dma_semaphore, #tpu.memory_space<semaphore_mem>>) src(%dma_wait3A_492 : memref<256x64xf32, #tpu.memory_space<hbm>>) dst(%dma_wait3A_489 : memref<256x64xf32, #tpu.memory_space<vmem>>)
    %add3A_493 = arith.constant 25088 : i32
    %add3A_494 = arith.addi %mul3A_324, %add3A_493 : i32
    %dma_start3A_495 = arith.constant 2 : i32
    %dma_start3A_496 = arith.constant 1 : i32
    %dma_start3A_497 = arith.constant 0 : i32
    %dma_start3A_498 = arith.constant 0 : i32
    %dma_start3A_499 = tpu.memref_slice %arg8[%dma_start3A_495, %dma_start3A_497, %dma_start3A_498] : memref<4x256x64xf32, #tpu.memory_space<vmem>> -> memref<1x256x64xf32, #tpu.memory_space<vmem>>
    %dma_start3A_500 = tpu.memref_squeeze %dma_start3A_499 : memref<1x256x64xf32, #tpu.memory_space<vmem>> -> memref<256x64xf32, #tpu.memory_space<vmem>>
    %dma_start3A_501 = arith.constant 0 : i32
    %dma_start3A_502 = tpu.memref_slice %arg6[%add3A_494, %dma_start3A_496, %dma_start3A_501] : memref<819200x2x64xf32, #tpu.memory_space<hbm>> -> memref<256x1x64xf32, #tpu.memory_space<hbm>>
    %dma_start3A_503 = tpu.memref_squeeze %dma_start3A_502 : memref<256x1x64xf32, #tpu.memory_space<hbm>> -> memref<256x64xf32, #tpu.memory_space<hbm>>
    %dma_start3A_504 = arith.constant 0 : i32
    %dma_start3A_505 = tpu.memref_slice %arg6[%add3A_494, %dma_start3A_496, %dma_start3A_504] : memref<819200x2x64xf32, #tpu.memory_space<hbm>> -> memref<256x1x64xf32, #tpu.memory_space<hbm>>
    %dma_start3A_506 = tpu.memref_squeeze %dma_start3A_505 : memref<256x1x64xf32, #tpu.memory_space<hbm>> -> memref<256x64xf32, #tpu.memory_space<hbm>>
    %dma_start3A_507 = arith.constant 0 : i32
    %dma_start3A_508 = arith.constant 0 : i32
    %dma_start3A_509 = tpu.memref_slice %arg8[%dma_start3A_495, %dma_start3A_507, %dma_start3A_508] : memref<4x256x64xf32, #tpu.memory_space<vmem>> -> memref<1x256x64xf32, #tpu.memory_space<vmem>>
    %dma_start3A_510 = tpu.memref_squeeze %dma_start3A_509 : memref<1x256x64xf32, #tpu.memory_space<vmem>> -> memref<256x64xf32, #tpu.memory_space<vmem>>
    tpu.enqueue_dma source(%dma_start3A_510 : memref<256x64xf32, #tpu.memory_space<vmem>>) target(%dma_start3A_506 : memref<256x64xf32, #tpu.memory_space<hbm>>) target_semaphore(%arg15 : memref<!tpu.dma_semaphore, #tpu.memory_space<semaphore_mem>>)
    %dma_wait3A_511 = arith.constant 3 : i32
    %dma_wait3A_512 = arith.constant 0 : i32
    %dma_wait3A_513 = arith.constant 0 : i32
    %dma_wait3A_514 = tpu.memref_slice %arg8[%dma_wait3A_511, %dma_wait3A_512, %dma_wait3A_513] : memref<4x256x64xf32, #tpu.memory_space<vmem>> -> memref<1x256x64xf32, #tpu.memory_space<vmem>>
    %dma_wait3A_515 = tpu.memref_squeeze %dma_wait3A_514 : memref<1x256x64xf32, #tpu.memory_space<vmem>> -> memref<256x64xf32, #tpu.memory_space<vmem>>
    %dma_wait3A_516 = arith.constant 0 : i32
    %dma_wait3A_517 = arith.constant 0 : i32
    %dma_wait3A_518 = tpu.memref_slice %arg5[%dma_wait3A_516, %dma_wait3A_517] : memref<100000x64xf32, #tpu.memory_space<hbm>> -> memref<256x64xf32, #tpu.memory_space<hbm>>
    %dma_wait3A_519 = arith.constant 0 : i32
    %dma_wait3A_520 = arith.constant 0 : i32
    %dma_wait3A_521 = tpu.memref_slice %arg8[%dma_wait3A_511, %dma_wait3A_519, %dma_wait3A_520] : memref<4x256x64xf32, #tpu.memory_space<vmem>> -> memref<1x256x64xf32, #tpu.memory_space<vmem>>
    %dma_wait3A_522 = tpu.memref_squeeze %dma_wait3A_521 : memref<1x256x64xf32, #tpu.memory_space<vmem>> -> memref<256x64xf32, #tpu.memory_space<vmem>>
    %dma_wait3A_523 = arith.constant 0 : i32
    %dma_wait3A_524 = arith.constant 0 : i32
    %dma_wait3A_525 = tpu.memref_slice %arg5[%dma_wait3A_523, %dma_wait3A_524] : memref<100000x64xf32, #tpu.memory_space<hbm>> -> memref<256x64xf32, #tpu.memory_space<hbm>>
    tpu.wait_dma2 semaphore(%arg12 : memref<!tpu.dma_semaphore, #tpu.memory_space<semaphore_mem>>) src(%dma_wait3A_525 : memref<256x64xf32, #tpu.memory_space<hbm>>) dst(%dma_wait3A_522 : memref<256x64xf32, #tpu.memory_space<vmem>>)
    %add3A_526 = arith.constant 25344 : i32
    %add3A_527 = arith.addi %mul3A_324, %add3A_526 : i32
    %dma_start3A_528 = arith.constant 3 : i32
    %dma_start3A_529 = arith.constant 1 : i32
    %dma_start3A_530 = arith.constant 0 : i32
    %dma_start3A_531 = arith.constant 0 : i32
    %dma_start3A_532 = tpu.memref_slice %arg8[%dma_start3A_528, %dma_start3A_530, %dma_start3A_531] : memref<4x256x64xf32, #tpu.memory_space<vmem>> -> memref<1x256x64xf32, #tpu.memory_space<vmem>>
    %dma_start3A_533 = tpu.memref_squeeze %dma_start3A_532 : memref<1x256x64xf32, #tpu.memory_space<vmem>> -> memref<256x64xf32, #tpu.memory_space<vmem>>
    %dma_start3A_534 = arith.constant 0 : i32
    %dma_start3A_535 = tpu.memref_slice %arg6[%add3A_527, %dma_start3A_529, %dma_start3A_534] : memref<819200x2x64xf32, #tpu.memory_space<hbm>> -> memref<256x1x64xf32, #tpu.memory_space<hbm>>
    %dma_start3A_536 = tpu.memref_squeeze %dma_start3A_535 : memref<256x1x64xf32, #tpu.memory_space<hbm>> -> memref<256x64xf32, #tpu.memory_space<hbm>>
    %dma_start3A_537 = arith.constant 0 : i32
    %dma_start3A_538 = tpu.memref_slice %arg6[%add3A_527, %dma_start3A_529, %dma_start3A_537] : memref<819200x2x64xf32, #tpu.memory_space<hbm>> -> memref<256x1x64xf32, #tpu.memory_space<hbm>>
    %dma_start3A_539 = tpu.memref_squeeze %dma_start3A_538 : memref<256x1x64xf32, #tpu.memory_space<hbm>> -> memref<256x64xf32, #tpu.memory_space<hbm>>
    %dma_start3A_540 = arith.constant 0 : i32
    %dma_start3A_541 = arith.constant 0 : i32
    %dma_start3A_542 = tpu.memref_slice %arg8[%dma_start3A_528, %dma_start3A_540, %dma_start3A_541] : memref<4x256x64xf32, #tpu.memory_space<vmem>> -> memref<1x256x64xf32, #tpu.memory_space<vmem>>
    %dma_start3A_543 = tpu.memref_squeeze %dma_start3A_542 : memref<1x256x64xf32, #tpu.memory_space<vmem>> -> memref<256x64xf32, #tpu.memory_space<vmem>>
    tpu.enqueue_dma source(%dma_start3A_543 : memref<256x64xf32, #tpu.memory_space<vmem>>) target(%dma_start3A_539 : memref<256x64xf32, #tpu.memory_space<hbm>>) target_semaphore(%arg16 : memref<!tpu.dma_semaphore, #tpu.memory_space<semaphore_mem>>)
    %add3A_544 = arith.constant 24576 : i32
    %add3A_545 = arith.addi %mul3A_324, %add3A_544 : i32
    %dma_wait3A_546 = arith.constant 0 : i32
    %dma_wait3A_547 = arith.constant 1 : i32
    %dma_wait3A_548 = arith.constant 0 : i32
    %dma_wait3A_549 = arith.constant 0 : i32
    %dma_wait3A_550 = tpu.memref_slice %arg8[%dma_wait3A_546, %dma_wait3A_548, %dma_wait3A_549] : memref<4x256x64xf32, #tpu.memory_space<vmem>> -> memref<1x256x64xf32, #tpu.memory_space<vmem>>
    %dma_wait3A_551 = tpu.memref_squeeze %dma_wait3A_550 : memref<1x256x64xf32, #tpu.memory_space<vmem>> -> memref<256x64xf32, #tpu.memory_space<vmem>>
    %dma_wait3A_552 = arith.constant 0 : i32
    %dma_wait3A_553 = tpu.memref_slice %arg6[%add3A_545, %dma_wait3A_547, %dma_wait3A_552] : memref<819200x2x64xf32, #tpu.memory_space<hbm>> -> memref<256x1x64xf32, #tpu.memory_space<hbm>>
    %dma_wait3A_554 = tpu.memref_squeeze %dma_wait3A_553 : memref<256x1x64xf32, #tpu.memory_space<hbm>> -> memref<256x64xf32, #tpu.memory_space<hbm>>
    %dma_wait3A_555 = arith.constant 0 : i32
    %dma_wait3A_556 = tpu.memref_slice %arg6[%add3A_545, %dma_wait3A_547, %dma_wait3A_555] : memref<819200x2x64xf32, #tpu.memory_space<hbm>> -> memref<256x1x64xf32, #tpu.memory_space<hbm>>
    %dma_wait3A_557 = tpu.memref_squeeze %dma_wait3A_556 : memref<256x1x64xf32, #tpu.memory_space<hbm>> -> memref<256x64xf32, #tpu.memory_space<hbm>>
    %dma_wait3A_558 = arith.constant 0 : i32
    %dma_wait3A_559 = arith.constant 0 : i32
    %dma_wait3A_560 = tpu.memref_slice %arg8[%dma_wait3A_546, %dma_wait3A_558, %dma_wait3A_559] : memref<4x256x64xf32, #tpu.memory_space<vmem>> -> memref<1x256x64xf32, #tpu.memory_space<vmem>>
    %dma_wait3A_561 = tpu.memref_squeeze %dma_wait3A_560 : memref<1x256x64xf32, #tpu.memory_space<vmem>> -> memref<256x64xf32, #tpu.memory_space<vmem>>
    tpu.wait_dma2 semaphore(%arg13 : memref<!tpu.dma_semaphore, #tpu.memory_space<semaphore_mem>>) src(%dma_wait3A_561 : memref<256x64xf32, #tpu.memory_space<vmem>>) dst(%dma_wait3A_557 : memref<256x64xf32, #tpu.memory_space<hbm>>)
    %add3A_562 = arith.constant 24832 : i32
    %add3A_563 = arith.addi %mul3A_324, %add3A_562 : i32
    %dma_wait3A_564 = arith.constant 1 : i32
    %dma_wait3A_565 = arith.constant 1 : i32
    %dma_wait3A_566 = arith.constant 0 : i32
    %dma_wait3A_567 = arith.constant 0 : i32
    %dma_wait3A_568 = tpu.memref_slice %arg8[%dma_wait3A_564, %dma_wait3A_566, %dma_wait3A_567] : memref<4x256x64xf32, #tpu.memory_space<vmem>> -> memref<1x256x64xf32, #tpu.memory_space<vmem>>
    %dma_wait3A_569 = tpu.memref_squeeze %dma_wait3A_568 : memref<1x256x64xf32, #tpu.memory_space<vmem>> -> memref<256x64xf32, #tpu.memory_space<vmem>>
    %dma_wait3A_570 = arith.constant 0 : i32
    %dma_wait3A_571 = tpu.memref_slice %arg6[%add3A_563, %dma_wait3A_565, %dma_wait3A_570] : memref<819200x2x64xf32, #tpu.memory_space<hbm>> -> memref<256x1x64xf32, #tpu.memory_space<hbm>>
    %dma_wait3A_572 = tpu.memref_squeeze %dma_wait3A_571 : memref<256x1x64xf32, #tpu.memory_space<hbm>> -> memref<256x64xf32, #tpu.memory_space<hbm>>
    %dma_wait3A_573 = arith.constant 0 : i32
    %dma_wait3A_574 = tpu.memref_slice %arg6[%add3A_563, %dma_wait3A_565, %dma_wait3A_573] : memref<819200x2x64xf32, #tpu.memory_space<hbm>> -> memref<256x1x64xf32, #tpu.memory_space<hbm>>
    %dma_wait3A_575 = tpu.memref_squeeze %dma_wait3A_574 : memref<256x1x64xf32, #tpu.memory_space<hbm>> -> memref<256x64xf32, #tpu.memory_space<hbm>>
    %dma_wait3A_576 = arith.constant 0 : i32
    %dma_wait3A_577 = arith.constant 0 : i32
    %dma_wait3A_578 = tpu.memref_slice %arg8[%dma_wait3A_564, %dma_wait3A_576, %dma_wait3A_577] : memref<4x256x64xf32, #tpu.memory_space<vmem>> -> memref<1x256x64xf32, #tpu.memory_space<vmem>>
    %dma_wait3A_579 = tpu.memref_squeeze %dma_wait3A_578 : memref<1x256x64xf32, #tpu.memory_space<vmem>> -> memref<256x64xf32, #tpu.memory_space<vmem>>
    tpu.wait_dma2 semaphore(%arg14 : memref<!tpu.dma_semaphore, #tpu.memory_space<semaphore_mem>>) src(%dma_wait3A_579 : memref<256x64xf32, #tpu.memory_space<vmem>>) dst(%dma_wait3A_575 : memref<256x64xf32, #tpu.memory_space<hbm>>)
    %add3A_580 = arith.constant 25088 : i32
    %add3A_581 = arith.addi %mul3A_324, %add3A_580 : i32
    %dma_wait3A_582 = arith.constant 2 : i32
    %dma_wait3A_583 = arith.constant 1 : i32
    %dma_wait3A_584 = arith.constant 0 : i32
    %dma_wait3A_585 = arith.constant 0 : i32
    %dma_wait3A_586 = tpu.memref_slice %arg8[%dma_wait3A_582, %dma_wait3A_584, %dma_wait3A_585] : memref<4x256x64xf32, #tpu.memory_space<vmem>> -> memref<1x256x64xf32, #tpu.memory_space<vmem>>
    %dma_wait3A_587 = tpu.memref_squeeze %dma_wait3A_586 : memref<1x256x64xf32, #tpu.memory_space<vmem>> -> memref<256x64xf32, #tpu.memory_space<vmem>>
    %dma_wait3A_588 = arith.constant 0 : i32
    %dma_wait3A_589 = tpu.memref_slice %arg6[%add3A_581, %dma_wait3A_583, %dma_wait3A_588] : memref<819200x2x64xf32, #tpu.memory_space<hbm>> -> memref<256x1x64xf32, #tpu.memory_space<hbm>>
    %dma_wait3A_590 = tpu.memref_squeeze %dma_wait3A_589 : memref<256x1x64xf32, #tpu.memory_space<hbm>> -> memref<256x64xf32, #tpu.memory_space<hbm>>
    %dma_wait3A_591 = arith.constant 0 : i32
    %dma_wait3A_592 = tpu.memref_slice %arg6[%add3A_581, %dma_wait3A_583, %dma_wait3A_591] : memref<819200x2x64xf32, #tpu.memory_space<hbm>> -> memref<256x1x64xf32, #tpu.memory_space<hbm>>
    %dma_wait3A_593 = tpu.memref_squeeze %dma_wait3A_592 : memref<256x1x64xf32, #tpu.memory_space<hbm>> -> memref<256x64xf32, #tpu.memory_space<hbm>>
    %dma_wait3A_594 = arith.constant 0 : i32
    %dma_wait3A_595 = arith.constant 0 : i32
    %dma_wait3A_596 = tpu.memref_slice %arg8[%dma_wait3A_582, %dma_wait3A_594, %dma_wait3A_595] : memref<4x256x64xf32, #tpu.memory_space<vmem>> -> memref<1x256x64xf32, #tpu.memory_space<vmem>>
    %dma_wait3A_597 = tpu.memref_squeeze %dma_wait3A_596 : memref<1x256x64xf32, #tpu.memory_space<vmem>> -> memref<256x64xf32, #tpu.memory_space<vmem>>
    tpu.wait_dma2 semaphore(%arg15 : memref<!tpu.dma_semaphore, #tpu.memory_space<semaphore_mem>>) src(%dma_wait3A_597 : memref<256x64xf32, #tpu.memory_space<vmem>>) dst(%dma_wait3A_593 : memref<256x64xf32, #tpu.memory_space<hbm>>)
    %add3A_598 = arith.constant 25344 : i32
    %add3A_599 = arith.addi %mul3A_324, %add3A_598 : i32
    %dma_wait3A_600 = arith.constant 3 : i32
    %dma_wait3A_601 = arith.constant 1 : i32
    %dma_wait3A_602 = arith.constant 0 : i32
    %dma_wait3A_603 = arith.constant 0 : i32
    %dma_wait3A_604 = tpu.memref_slice %arg8[%dma_wait3A_600, %dma_wait3A_602, %dma_wait3A_603] : memref<4x256x64xf32, #tpu.memory_space<vmem>> -> memref<1x256x64xf32, #tpu.memory_space<vmem>>
    %dma_wait3A_605 = tpu.memref_squeeze %dma_wait3A_604 : memref<1x256x64xf32, #tpu.memory_space<vmem>> -> memref<256x64xf32, #tpu.memory_space<vmem>>
    %dma_wait3A_606 = arith.constant 0 : i32
    %dma_wait3A_607 = tpu.memref_slice %arg6[%add3A_599, %dma_wait3A_601, %dma_wait3A_606] : memref<819200x2x64xf32, #tpu.memory_space<hbm>> -> memref<256x1x64xf32, #tpu.memory_space<hbm>>
    %dma_wait3A_608 = tpu.memref_squeeze %dma_wait3A_607 : memref<256x1x64xf32, #tpu.memory_space<hbm>> -> memref<256x64xf32, #tpu.memory_space<hbm>>
    %dma_wait3A_609 = arith.constant 0 : i32
    %dma_wait3A_610 = tpu.memref_slice %arg6[%add3A_599, %dma_wait3A_601, %dma_wait3A_609] : memref<819200x2x64xf32, #tpu.memory_space<hbm>> -> memref<256x1x64xf32, #tpu.memory_space<hbm>>
    %dma_wait3A_611 = tpu.memref_squeeze %dma_wait3A_610 : memref<256x1x64xf32, #tpu.memory_space<hbm>> -> memref<256x64xf32, #tpu.memory_space<hbm>>
    %dma_wait3A_612 = arith.constant 0 : i32
    %dma_wait3A_613 = arith.constant 0 : i32
    %dma_wait3A_614 = tpu.memref_slice %arg8[%dma_wait3A_600, %dma_wait3A_612, %dma_wait3A_613] : memref<4x256x64xf32, #tpu.memory_space<vmem>> -> memref<1x256x64xf32, #tpu.memory_space<vmem>>
    %dma_wait3A_615 = tpu.memref_squeeze %dma_wait3A_614 : memref<1x256x64xf32, #tpu.memory_space<vmem>> -> memref<256x64xf32, #tpu.memory_space<vmem>>
    tpu.wait_dma2 semaphore(%arg16 : memref<!tpu.dma_semaphore, #tpu.memory_space<semaphore_mem>>) src(%dma_wait3A_615 : memref<256x64xf32, #tpu.memory_space<vmem>>) dst(%dma_wait3A_611 : memref<256x64xf32, #tpu.memory_space<hbm>>)
    return
  }
}

</mosaic_0001>

<sc_bundles>
// kernel: _embed.4.cloned.1.call-start
scs
__scs_entry_jumppad:
0x0: {  	(pc) =	sbr.rel $0x88, $3  }
0x1: {  	(tag) =	ssettag $0x0;
	lr =	simm.s32 $0x1  }
0x2: {  	[smem:$0x3F97] =	sst lr;
	_ =	strace $0xD0000000  }
0x3: {  	_ = 	snop  }
0x4: {  	_ = 	snop  }
0x5: {  	_ = 	snop  }
0x6: {  	_ = 	snop  }
0x7: {  	_ = 	snop  }
__scs_overlays_trampoline_lowered:
0x8: {  	[smem:$0x3FA6] =	sst s0  }
0x9: {  	[smem:$0x3FA7] =	sst s1  }
0xa: {  	[smem:$0x3FA8] =	sst s2  }
0xb: {  	[smem:$0x3FA9] =	sst s3  }
0xc: {  	[smem:$0x3FAA] =	sst s4  }
0xd: {  	[smem:$0x3FAB] =	sst s5  }
0xe: {  	[smem:$0x3FAC] =	sst s6  }
0xf: {  	[smem:$0x3FAD] =	sst s7  }
0x10: {  	[smem:$0x3FAE] =	sst s8  }
0x11: {  	[smem:$0x3FAF] =	sst s9;
	s0 =	simm.s32 @!p0 $0x0  }
0x12: {  	s1 =	sld [smem:$0x3F95];
	s0 =	simm.s32 @p0 $0x1  }
0x13: {  	[smem:$0x3FB0] =	sst s0;
	s0 =	simm.s32 @!p1 $0x0  }
0x14: {  	s2 =	sld [smem:$0x3F94];
	s0 =	simm.s32 @p1 $0x1  }
0x15: {  	[smem:$0x3FB1] =	sst s0;
	s0 =	simm.s32 @!p2 $0x0  }
0x16: {  	s3 =	sld [smem:$0x3FDB];
	s0 =	simm.s32 @p2 $0x1  }
0x17: {  	s4 =	simm.s32 $0x1BF5;
	[smem:$0x3FB3] =	sst s0  }
0x18: {  	s0 =	sld [smem:$0x3F96];
	_ =	swait.ge [sflag:s4], $0x0  }
0x19: {  	s7 =	sld [smem:$0x3F97]  }
0x1a: {  	s8 =	sadd.s32 $0xFFFFE003, lr  }
0x1b: {  	s9 =	sadd.s32 $0xFFFFFEF7, lr;
	s5 =	simm.s32 $0xFFFFFFFF;
	p2 =	slt.u32 s8, $0xFFFFF086  }
0x1c: {  	p1 =	slt.u32 s9, $0xF7A;
	s5 =	simm.s32 @!p2 $0x0  }
0x1d: {  	s5 =	simm.s32 @p1 $0x1;
	p0 =	seq.s32 s7, s2  }
0x1e: {  	s7 =	smul.u32 @!p0 $0xF7A, s2;
	p2 =	seq.s32 @!p0 s5, $0x0  }
0x1f: {  	s9 =	smul.u32 $0xF7A, s1;
	s8 =	simm.s32 @!p0 $0x1BF5;
	p2 =	por !p2, p0  }
0x20: {  	[sflag:s8] =	ssyncset.s32 @!p0 $0xFFFFF086;
	s6 =	sadd.s32 @!p0 s3, s7;
	s7 =	simm.s32 @!p0 $0x108  }
0x21: {  	s3 =	sadd.s32 s3, s9;
	s6 =	sadd.s32 @!p0 $0x88, s6;
	s7 =	simm.s32 @p2 $0x1082  }
0x22: {  	[simem:s7], [sflag:s8] =	dma.local @!p0 [hbm:s6], $0xF7A  }
0x23: {  	s9 =	sor.u32 $0xD0000000, s2;
	s6 =	simm.s32 $0x108;
	_ =	swait.ge @!p0 [sflag:s8], $0x0  }
0x24: {  	s3 =	sadd.s32 $0x88, s3;
	s6 =	simm.s32 @!p1 $0x1082;
	[sflag:s4] =	ssyncset.s32 $0xFFFFF086  }
0x25: {  	[simem:s6], [sflag:s4] =	dma.local [hbm:s3], $0xF7A  }
0x26: {  	[smem:$0x3F97] =	sst s1;
	(tag) =	ssettag s2;
	_ =	strace s9  }
0x27: {  	s1 =	sld [smem:$0x3FA7]  }
0x28: {  	s2 =	sld [smem:$0x3FA8]  }
0x29: {  	s4 =	sld [smem:$0x3FAA]  }
0x2a: {  	p0 =	seq.s32 s5, $0x0;
	s5 =	sld [smem:$0x3FAB]  }
0x2b: {  	s6 =	sld [smem:$0x3FAC]  }
0x2c: {  	s7 =	sld [smem:$0x3FAD]  }
0x2d: {  	s3 =	simm.s32 $0x108;
	s8 =	sld [smem:$0x3FAE]  }
0x2e: {  	s3 =	simm.s32 @!p0 $0x1082;
	s9 =	sld [smem:$0x3FAF]  }
0x2f: {  	lr =	sadd.s32 s0, s3;
	s0 =	sld [smem:$0x3FA6]  }
0x30: {  	s3 =	sld [smem:$0x3FA9]  }
0x31: {  	[smem:$0x3FB2] =	sst s10  }
0x32: {  	s10 =	sld [smem:$0x3FB0];
	_ =	sdelay $0x3  }
0x33: {  	p0 =	seq.s32 s10, $0x1;
	s10 =	sld [smem:$0x3FB2];
	_ =	sdelay $0x3  }
0x34: {  	[smem:$0x3FB2] =	sst s10  }
0x35: {  	s10 =	sld [smem:$0x3FB1];
	_ =	sdelay $0x3  }
0x36: {  	p1 =	seq.s32 s10, $0x1;
	s10 =	sld [smem:$0x3FB2];
	_ =	sdelay $0x3  }
0x37: {  	[smem:$0x3FB2] =	sst s10  }
0x38: {  	s10 =	sld [smem:$0x3FB3]  }
0x39: {  	_ = 	snop;
	(pc) =	sbr.ind lr, $3  }
0x3a: {  	_ = 	snop  }
0x3b: {  	_ = 	snop  }
0x3c: {  	p2 =	seq.s32 s10, $0x1;
	s10 =	sld [smem:$0x3FB2]  }
0x3d: {  	_ =	shalt  }
0x3e: {  	_ =	shalt  }
0x3f: {  	_ =	shalt  }
0x40: {  	_ =	shalt  }
0x41: {  	_ =	shalt  }
0x42: {  	_ =	shalt  }
0x43: {  	_ =	shalt  }
0x44: {  	_ =	shalt  }
0x45: {  	_ =	shalt  }
0x46: {  	_ =	shalt  }
0x47: {  	_ =	shalt  }
0x48: {  	_ =	shalt  }
0x49: {  	_ =	shalt  }
0x4a: {  	_ =	shalt  }
0x4b: {  	_ =	shalt  }
0x4c: {  	_ =	shalt  }
0x4d: {  	_ =	shalt  }
0x4e: {  	_ =	shalt  }
0x4f: {  	_ =	shalt  }
0x50: {  	_ =	shalt  }
0x51: {  	_ =	shalt  }
0x52: {  	_ =	shalt  }
0x53: {  	_ =	shalt  }
0x54: {  	_ =	shalt  }
0x55: {  	_ =	shalt  }
0x56: {  	_ =	shalt  }
0x57: {  	_ =	shalt  }
0x58: {  	_ =	shalt  }
0x59: {  	_ =	shalt  }
0x5a: {  	_ =	shalt  }
0x5b: {  	_ =	shalt  }
0x5c: {  	_ =	shalt  }
0x5d: {  	_ =	shalt  }
0x5e: {  	_ =	shalt  }
0x5f: {  	_ =	shalt  }
0x60: {  	_ =	shalt  }
0x61: {  	_ =	shalt  }
0x62: {  	_ =	shalt  }
0x63: {  	_ =	shalt  }
0x64: {  	_ =	shalt  }
0x65: {  	_ =	shalt  }
0x66: {  	_ =	shalt  }
0x67: {  	_ =	shalt  }
0x68: {  	_ =	shalt  }
0x69: {  	_ =	shalt  }
0x6a: {  	_ =	shalt  }
0x6b: {  	_ =	shalt  }
0x6c: {  	_ =	shalt  }
0x6d: {  	_ =	shalt  }
0x6e: {  	_ =	shalt  }
0x6f: {  	_ =	shalt  }
0x70: {  	_ =	shalt  }
0x71: {  	_ =	shalt  }
0x72: {  	_ =	shalt  }
0x73: {  	_ =	shalt  }
0x74: {  	_ =	shalt  }
0x75: {  	_ =	shalt  }
0x76: {  	_ =	shalt  }
0x77: {  	_ =	shalt  }
0x78: {  	_ =	shalt  }
0x79: {  	_ =	shalt  }
0x7a: {  	_ =	shalt  }
0x7b: {  	_ =	shalt  }
0x7c: {  	_ =	shalt  }
0x7d: {  	_ =	shalt  }
0x7e: {  	_ =	shalt  }
0x7f: {  	_ =	shalt  }
0x80: {  	_ =	shalt  }
0x81: {  	_ =	shalt  }
0x82: {  	_ =	shalt  }
0x83: {  	_ =	shalt  }
0x84: {  	_ =	shalt  }
0x85: {  	_ =	shalt  }
0x86: {  	_ =	shalt  }
0x87: {  	_ =	shalt  }
.Lfunc_end0:
.L_simem_size_0:
called_computation.2_lowered:
.L_overlay_start_0:
0x88: {  	s2 =	sld [smem:$0x3FD9]  }
0x89: {  	s3 =	sld [smem:$0x3FFE];
	_ =	sdelay $0x1  }
0x8a: {  	s1 =	srdreg.scid  }
0x8b: {  	s0 =	sand.u32 $0x1, s1  }
0x8c: {  	s15 =	sshll.u32 s0, $0xA;
	s2 =	sadd.s32 s3, s2  }
0x8d: {  	s2 =	sadd.s32 s2, s15  }
0x8e: {  	[smem:$0x3FBE] =	sst s2  }
0x8f: {  	_ = 	snop  }
0x90: {  	s4 =	sld [smem:$0x3FD0];
	_ =	sdelay $0x1  }
0x91: {  	s2 =	sld [smem:$0x3FC7]  }
0x92: {  	s5 =	simm.s32 $0xB;
	s6 =	simm.s32 $0x10;
	s16 =	sld [smem:$0x3FC6]  }
0x93: {  	[smem:s6], [sflag:s5] =	dma.local [hbm:s4], $0x1  }
0x94: {  	_ =	swait.eq [sflag:s5], $0x1  }
0x95: {  	[sflag:s5] =	ssyncset.done $0x0  }
0x96: {  	[sflag:s5] =	ssyncadd.s32 $0xFFFFFFFF  }
0x97: {  	s17 =	sld [smem:$0x11];
	(tm) =	ssettm $0x1  }
0x98: {  	s18 =	sld [smem:$0x3FFB];
	_ =	sdelay $0x3  }
0x99: {  	_ =	strace s18  }
0x9a: {  	s4 =	sld [smem:$0x3FFC];
	_ =	sdelay $0x3  }
0x9b: {  	_ =	strace s4  }
0x9c: {  	s4 =	sld [smem:$0x3FFD];
	_ =	sdelay $0x3  }
0x9d: {  	_ =	strace s4  }
0x9e: {  	_ =	strace $0x8FFFFFFF  }
0x9f: {  	s19 =	sld [smem:$0x3FDB];
	_ =	sdelay $0x1  }
0xa0: {  	s20 =	simm.s32 $_scs_section_size  }
0xa1: {  	s7 =	simm.s32 $_size__tile_overlayer_lowered;
	s8 =	simm.s32 $_tile_overlayer_lowered  }
0xa2: {  	s9 =	simm.s32 $0x1BFF;
	s21 =	sshll.u32 s8, $0x1;
	s6 =	sadd.s32 s20, s19  }
0xa3: {  	s22 =	simm.s32 $0x0;
	s7 =	sshll.u32 s7, $0x1;
	s8 =	sadd.s32 s21, s6  }
0xa4: {  	[timem:s22], [sflag:s9] =	dma.local [hbm:s8], s7  }
0xa5: {  	_ =	swait.ge [sflag:s9], s7  }
0xa6: {  	s7 =	ssub.s32 $0x0, s7;
	[sflag:s9] =	ssyncset.done $0x0  }
0xa7: {  	[sflag:s9] =	ssyncadd.s32 s7;
	_ =	sdelay $0x1  }
0xa8: {  	s23 =	simm.s32 $0x1B8B  }
0xa9: {  	_ =	swait.ge [sflag:s23], $0x1  }
0xaa: {  	[sflag:s23] =	ssyncset.done $0x0  }
0xab: {  	[sflag:s23] =	ssyncadd.s32 $0xFFFFFFFF  }
0xac: {  	s7 =	sld [smem:$0x0]  }
0xad: {  	s8 =	sand.u32 $0xFFFFFFFE, s1  }
0xae: {  	p0 =	sne.s32 s1, s8  }
0xaf: {  	s8 =	sshll.u32 @p0 s8, $0xE  }
0xb0: {  	s8 =	sadd.s32 @p0 $0x11B8D, s8;
	s9 =	sshll.u32 @p0 s7, $0x11  }
0xb1: {  	s8 =	sor.u32 @p0 s9, s8  }
0xb2: {  	[sflag:s8] =	ssyncadd.remote.s32 @p0 $0x1;
	_ =	sdelay $0x1  }
0xb3: {  	s8 =	simm.s32 @p0 $0x1B8D  }
0xb4: {  	_ =	swait.eq @p0 [sflag:s8], $0x1  }
0xb5: {  	[sflag:s8] =	ssyncadd.s32 @p0 $0xFFFFFFFF  }
0xb6: {  	s9 =	sshll.u32 @!p0 s1, $0xE  }
0xb7: {  	s9 =	sor.u32 @!p0 $0x4000, s9;
	s8 =	simm.s32 @!p0 $0x1B8D  }
0xb8: {  	s7 =	sshll.u32 @!p0 s7, $0x11;
	s9 =	sadd.s32 @!p0 $0x11B8D, s9;
	_ =	swait.eq @!p0 [sflag:s8], $0x1  }
0xb9: {  	s7 =	sor.u32 @!p0 s7, s9;
	[sflag:s8] =	ssyncadd.s32 @!p0 $0xFFFFFFFF  }
0xba: {  	s25 =	simm.s32 $0x1B8E;
	s24 =	sld [smem:$0x3FFE];
	[sflag:s7] =	ssyncadd.remote.s32 @!p0 $0x1  }
0xbb: {  	s26 =	simm.s32 $execute0_lowered;
	[smem:$0x3FD2] =	sst s25  }
0xbc: {  	s8 =	sshll.u32 s26, $0x1;
	_ =	strace $0x80000049;
	[dreg:$0x1] =	wrdreg $0xFFFFFFFF  }
0xbd: {  	s28 =	simm.s32 $_size_execute0_lowered;
	s6 =	sadd.s32 s6, s8;
	[dreg:$0x0] =	wrdreg $0x0  }
0xbe: {  	s8 =	sshll.u32 s28, $0x1;
	[dreg:$0x2] =	wrdreg s6  }
0xbf: {  	[dreg:$0x3] =	wrdreg s8  }
0xc0: {  	[dreg:$0x4] =	wrdreg $0xC0  }
0xc1: {  	_ =	task [dreg:s22], $0x5FFFF  }
0xc2: {  	[dreg:$0x1] =	wrdreg $0xFFFFFFFF  }
0xc3: {  	[dreg:$0x0] =	wrdreg $0x60  }
0xc4: {  	[dreg:$0x2] =	wrdreg s2  }
0xc5: {  	[dreg:$0x3] =	wrdreg s16  }
0xc6: {  	[dreg:$0x4] =	wrdreg s24  }
0xc7: {  	[dreg:$0x5] =	wrdreg s17  }
0xc8: {  	[dreg:$0x6] =	wrdreg $0xA  }
0xc9: {  	_ =	task.clear_ibuf [dreg:s22], $0x7FFFF;
	_ =	strace $0x90000049  }
0xca: {  	s29 =	simm.s32 $0xA;
	_ =	strace $0x8000004B  }
0xcb: {  	_ =	swait.ge [sflag:s29], $0x1  }
0xcc: {  	[sflag:s29] =	ssyncadd.s32 $0xFFFFFFFF  }
0xcd: {  	_ =	strace $0x9000004B  }
0xce: {  	_ =	sfence  }
0xcf: {  	s30 =	sld [smem:$0x0];
	_ =	sdelay $0x2  }
0xd0: {  	s31 =	sshll.u32 s1, $0xD;
	s1 =	sshrl.u32 s1, $0x2  }
0xd1: {  	s3 =	sand.u32 $0x4000, s31;
	s1 =	sadd.s32 s1, s30  }
0xd2: {  	s0 =	sor.u32 s3, s0;
	s1 =	sshll.u32 s1, $0x11  }
0xd3: {  	s0 =	sor.u32 s1, s0  }
0xd4: {  	s0 =	sadd.s32 $0x8F2B, s0  }
0xd5: {  	[sflag:s0] =	ssyncadd.remote.s32 $0x1  }
0xd6: {  	_ =	sfence.sel $0xFFFF  }
0xd7: {  	[dreg:$0x0] =	wrdreg $0xFFFFFFFF;
	(pc) =	sbr.abs _section_cstart, $3  }
0xd8: {  	[dreg:$0x1] =	wrdreg $0xFFFFFFFF  }
0xd9: {  	_ =	task.clear_ibuf [dreg:s22], $0x2FFFF;
	_ =	strace $0x9FFFFFFF  }
0xda: {  	(tm) =	ssettm $0x7FFFFFFF  }
0xdb: {  	_ =	shalt  }
tec
execute0_lowered:
.L_overlay_start_1:
0x0: {  	(tag) =	ssettag $0x1  }
0x1: {  	s0 =	rddreg [dreg:$0x0]  }
0x2: {  	s1 =	rddreg [dreg:$0x1]  }
0x3: {  	s2 =	rddreg [dreg:$0x2]  }
0x4: {  	s3 =	srdreg.scid;
	s11 =	stileid.u32  }
0x5: {  	s5 =	rddreg [dreg:$0x3];
	s4 =	simm.s32 $0x0;
	s28 =	simm.s32 $0xC800  }
0x6: {  	s29 =	simm.s32 $0xE800;
	s31 =	simm.s32 $0x10800;
	s30 =	simm.s32 $0x16800  }
0x7: {  	s6 =	sand.u32 $0x1, s3;
	s25 =	sshll.u32 s11, $0x1;
	[smem:$0x7FF] =	sst s4  }
0x8: {  	s11 =	smul.u32 $0xC800, s11;
	s3 =	sor.u32 s6, s25;
	s7 =	ssub.s32 $0x2, s6  }
0x9: {  	s4 =	sadd.s32 $0x312600, s2;
	s8 =	smul.u32 $0x6400, s3;
	s9 =	sshrl.u32 s7, $0x1  }
0xa: {  	_ =	strace $0x8000004A;
	s12 =	smul.u32 $0x6400, s6;
	s26 =	ssub.s32 s7, s9  }
0xb: {  	s10 =	smul.u32 $0x320000, s3;
	s9 =	sshrl.u32 s8, $0x3;
	s20 =	smax.u32 s26, $0x1  }
0xc: {  	s6 =	simm.s32 $0x0;
	s0 =	sadd.s32 s0, s9;
	[dreg:$0xf] =	wrdreg s20  }
0xd: {  	s10 =	sshrl.u32 s10, $0x3;
	s1 =	sadd.s32 s1, s9;
	[dreg:$0x5] =	wrdreg s0  }
0xe: {  	s3 =	sadd.s32 $0x24F000, s2;
	s8 =	sadd.s32 s5, s10;
	[dreg:$0x7] =	wrdreg s1  }
0xf: {  	s7 =	simm.s32 $0x1A800;
	s13 =	sadd.s32 $0x1000, s8;
	[dreg:$0x6] =	wrdreg s8  }
0x10: {  	s9 =	simm.s32 $0x40;
	s14 =	sadd.s32 $0x62000, s8;
	[dreg:$0x8] =	wrdreg s13  }
0x11: {  	s10 =	simm.s32 $0x2;
	s15 =	sadd.s32 $0x63000, s8;
	[dreg:$0x9] =	wrdreg s14  }
0x12: {  	s16 =	sadd.s32 $0x8, s8;
	s0 =	sadd.s32 s12, s11;
	[dreg:$0xa] =	wrdreg s15  }
0x13: {  	s17 =	sadd.s32 $0x1008, s8;
	s18 =	sadd.s32 $0x62008, s8;
	[dreg:$0xb] =	wrdreg s16  }
0x14: {  	s19 =	sadd.s32 $0x63008, s8;
	[dreg:$0xc] =	wrdreg s17;
	s0 =	sshll.u32 s0, $0x4  }
0x15: {  	s1 =	simm.s32 $0x14800;
	[dreg:$0xd] =	wrdreg s18;
	s0 =	sadd.s32 s5, s0  }
0x16: {  	s8 =	simm.s32 $0x1;
	[dreg:$0xe] =	wrdreg s19;
	s21 =	sadd.s32 $0x3000, s0  }
0x17: {  	s11 =	simm.s32 $0x5;
	s22 =	sadd.s32 $0x2000, s0;
	[dreg:$0x10] =	wrdreg s21  }
0x18: {  	s12 =	simm.s32 $0x3;
	s23 =	sadd.s32 $0x5000, s0;
	[dreg:$0x11] =	wrdreg s22  }
0x19: {  	s13 =	simm.s32 $0x6;
	s24 =	sadd.s32 $0x4000, s0;
	[dreg:$0x12] =	wrdreg s23  }
0x1a: {  	s14 =	simm.s32 $0x4;
	s25 =	sadd.s32 $0x3008, s0;
	[dreg:$0x13] =	wrdreg s24  }
0x1b: {  	s15 =	simm.s32 $0x7;
	s26 =	sadd.s32 $0x2008, s0;
	[dreg:$0x14] =	wrdreg s25  }
0x1c: {  	s20 =	sadd.s32 $0x5008, s0;
	s0 =	sadd.s32 $0x4008, s0;
	[dreg:$0x15] =	wrdreg s26  }
0x1d: {  	s5 =	simm.s32 $0x18800;
	[dreg:$0x16] =	wrdreg s0;
	s25 =	simm.s32 $0x9  }
0x1e: {  	s26 =	simm.s32 $0x80;
	s0 =	simm.s32 $0x12800;
	s24 =	simm.s32 $0x8  }
.LBB2_1:
0x1f: {  	s2 =	simm.s32 $0x0;
	s16 =	rddreg [dreg:$0x5]  }
0x20: {  	[tilespmem:s2], [sflag:$0x9] =	stream.linear.gather [hbm4b:s16+s2], $0x6400, $0x38;
	[tilespmem:$0x1C800] =	vst v63  }
0x21: {  	s23 =	rddreg [dreg:$0x7];
	s17 =	simm.s32 $0x6400  }
0x22: {  	[tilespmem:s17], [sflag:$0x9] =	stream.linear.gather [hbm4b:s23+s2], $0x6400, $0x38;
	[tilespmem:$0x1C800] =	vst v63  }
0x23: {  	_ =	swait.ge [sflag:s25], $0x6400  }
0x24: {  	[sflag:s25] =	ssyncset.done $0x0  }
0x25: {  	[sflag:s25] =	ssyncadd.s32 $0xFFFF9C00  }
0x26: {  	_ =	swait.ge [sflag:s25], $0x6400  }
0x27: {  	[sflag:s25] =	ssyncset.done $0x0  }
0x28: {  	[sflag:s25] =	ssyncadd.s32 $0xFFFF9C00  }
0x29: {  	[tilespmem:s28], [sflag:$0x1] =	stream.indirect.gather [hbm4b:s3+s26], $0x40, s2, s26, $0xb8;
	[tilespmem:$0x1C800] =	vst v63  }
0x2a: {  	_ = 	snop  }
0x2b: {  	[tilespmem:s29], [sflag:$0x1] =	stream.indirect.gather [hbm4b:s3+s26], $0x40, s26, s26, $0xb8;
	[tilespmem:$0x1C800] =	vst v63  }
0x2c: {  	s18 =	simm.s32 $0x100  }
0x2d: {  	[tilespmem:s31], [sflag:$0x2] =	stream.indirect.gather [hbm4b:s3+s26], $0x40, s18, s26, $0xb8;
	[tilespmem:$0x1C800] =	vst v63  }
0x2e: {  	s19 =	simm.s32 $0x180  }
0x2f: {  	[tilespmem:s0], [sflag:$0x2] =	stream.indirect.gather [hbm4b:s3+s26], $0x40, s19, s26, $0xb8;
	[tilespmem:$0x1C800] =	vst v63  }
0x30: {  	s21 =	simm.s32 $0x200  }
0x31: {  	[tilespmem:s1], [sflag:$0x3] =	stream.indirect.gather [hbm4b:s3+s26], $0x40, s21, s26, $0xb8;
	[tilespmem:$0x1C800] =	vst v63  }
0x32: {  	s22 =	simm.s32 $0x280  }
0x33: {  	[tilespmem:s30], [sflag:$0x3] =	stream.indirect.gather [hbm4b:s3+s26], $0x40, s22, s26, $0xb8;
	[tilespmem:$0x1C800] =	vst v63  }
0x34: {  	s23 =	simm.s32 $0x300  }
0x35: {  	[tilespmem:s5], [sflag:$0x4] =	stream.indirect.gather [hbm4b:s3+s26], $0x40, s23, s26, $0xb8;
	[tilespmem:$0x1C800] =	vst v63  }
0x36: {  	s16 =	simm.s32 $0x380  }
0x37: {  	[tilespmem:s7], [sflag:$0x4] =	stream.indirect.gather [hbm4b:s3+s26], $0x40, s16, s26, $0xb8;
	[tilespmem:$0x1C800] =	vst v63  }
0x38: {  	_ =	swait.ge [sflag:s8], $0x4000  }
0x39: {  	[sflag:s8] =	ssyncset.done $0x0  }
0x3a: {  	s17 =	rddreg [dreg:$0x6];
	[sflag:s8] =	ssyncadd.s32 $0xFFFFC000  }
0x3b: {  	[hbm4b:s17+s9] =	stream.strided.scatter [tilespmem:s28], [sflag:$0x5], $0x4000, s26, s9, $0x38;
	[tilespmem:$0x1C800] =	vst v63  }
0x3c: {  	_ =	swait.ge [sflag:s10], $0x4000  }
0x3d: {  	[sflag:s10] =	ssyncset.done $0x0  }
0x3e: {  	s18 =	rddreg [dreg:$0x8];
	[sflag:s10] =	ssyncadd.s32 $0xFFFFC000  }
0x3f: {  	[hbm4b:s18+s9] =	stream.strided.scatter [tilespmem:s31], [sflag:$0x6], $0x4000, s26, s9, $0x38;
	[tilespmem:$0x1C800] =	vst v63  }
0x40: {  	_ =	swait.ge [sflag:s11], $0x4000  }
0x41: {  	[sflag:s11] =	ssyncset.done $0x0  }
0x42: {  	s19 =	simm.s32 $0x400;
	[sflag:s11] =	ssyncadd.s32 $0xFFFFC000  }
0x43: {  	[tilespmem:s28], [sflag:$0x1] =	stream.indirect.gather [hbm4b:s3+s26], $0x40, s19, s26, $0xb8;
	[tilespmem:$0x1C800] =	vst v63  }
0x44: {  	s21 =	simm.s32 $0x480  }
0x45: {  	[tilespmem:s29], [sflag:$0x1] =	stream.indirect.gather [hbm4b:s3+s26], $0x40, s21, s26, $0xb8;
	[tilespmem:$0x1C800] =	vst v63  }
0x46: {  	_ =	swait.ge [sflag:s12], $0x4000  }
0x47: {  	[sflag:s12] =	ssyncset.done $0x0  }
0x48: {  	s21 =	rddreg [dreg:$0x11];
	[sflag:s12] =	ssyncadd.s32 $0xFFFFC000  }
0x49: {  	[hbm4b:s21+s9] =	stream.strided.scatter [tilespmem:s1], [sflag:$0x7], $0x4000, s26, s9, $0x38;
	[tilespmem:$0x1C800] =	vst v63  }
0x4a: {  	_ =	swait.ge [sflag:s13], $0x4000  }
0x4b: {  	[sflag:s13] =	ssyncset.done $0x0  }
0x4c: {  	s22 =	simm.s32 $0x500;
	[sflag:s13] =	ssyncadd.s32 $0xFFFFC000  }
0x4d: {  	[tilespmem:s31], [sflag:$0x2] =	stream.indirect.gather [hbm4b:s3+s26], $0x40, s22, s26, $0xb8;
	[tilespmem:$0x1C800] =	vst v63  }
0x4e: {  	s23 =	simm.s32 $0x580  }
0x4f: {  	[tilespmem:s0], [sflag:$0x2] =	stream.indirect.gather [hbm4b:s3+s26], $0x40, s23, s26, $0xb8;
	[tilespmem:$0x1C800] =	vst v63  }
0x50: {  	_ =	swait.ge [sflag:s14], $0x4000  }
0x51: {  	[sflag:s14] =	ssyncset.done $0x0  }
0x52: {  	s18 =	rddreg [dreg:$0x10];
	[sflag:s14] =	ssyncadd.s32 $0xFFFFC000  }
0x53: {  	[hbm4b:s18+s9] =	stream.strided.scatter [tilespmem:s5], [sflag:$0x8], $0x4000, s26, s9, $0x38;
	[tilespmem:$0x1C800] =	vst v63  }
0x54: {  	_ =	swait.ge [sflag:s15], $0x4000  }
0x55: {  	[sflag:s15] =	ssyncset.done $0x0  }
0x56: {  	s16 =	simm.s32 $0x600;
	[sflag:s15] =	ssyncadd.s32 $0xFFFFC000  }
0x57: {  	[tilespmem:s1], [sflag:$0x3] =	stream.indirect.gather [hbm4b:s3+s26], $0x40, s16, s26, $0xb8;
	[tilespmem:$0x1C800] =	vst v63  }
0x58: {  	s17 =	simm.s32 $0x680  }
0x59: {  	[tilespmem:s30], [sflag:$0x3] =	stream.indirect.gather [hbm4b:s3+s26], $0x40, s17, s26, $0xb8;
	[tilespmem:$0x1C800] =	vst v63  }
0x5a: {  	_ =	swait.ge [sflag:s8], $0x4000  }
0x5b: {  	[sflag:s8] =	ssyncset.done $0x0  }
0x5c: {  	s19 =	rddreg [dreg:$0x13];
	[sflag:s8] =	ssyncadd.s32 $0xFFFFC000  }
0x5d: {  	[hbm4b:s19+s9] =	stream.strided.scatter [tilespmem:s28], [sflag:$0x5], $0x4000, s26, s9, $0x38;
	[tilespmem:$0x1C800] =	vst v63  }
0x5e: {  	_ =	swait.ge [sflag:s24], $0x4000  }
0x5f: {  	[sflag:s24] =	ssyncset.done $0x0  }
0x60: {  	s22 =	simm.s32 $0x700;
	[sflag:s24] =	ssyncadd.s32 $0xFFFFC000  }
0x61: {  	[tilespmem:s5], [sflag:$0x4] =	stream.indirect.gather [hbm4b:s3+s26], $0x40, s22, s26, $0xb8;
	[tilespmem:$0x1C800] =	vst v63  }
0x62: {  	s2 =	simm.s32 $0x1000;
	s23 =	simm.s32 $0x780  }
0x63: {  	[tilespmem:s7], [sflag:$0x4] =	stream.indirect.gather [hbm4b:s3+s26], $0x40, s23, s26, $0xb8;
	[tilespmem:$0x1C800] =	vst v63  }
0x64: {  	s21 =	sadd.s32 $0x4000, s21;
	s17 =	sadd.s32 $0x4000, s19;
	_ =	swait.ge [sflag:s10], $0x4000  }
0x65: {  	s19 =	sadd.s32 $0x4000, s18;
	[sflag:s10] =	ssyncset.done $0x0;
	s22 =	rddreg [dreg:$0x12]  }
0x66: {  	s16 =	sadd.s32 $0x4000, s22;
	[sflag:s10] =	ssyncadd.s32 $0xFFFFC000;
	s18 =	smov.u32 s22  }
.LBB2_2:
0x67: {  	[hbm4b:s18+s9] =	stream.strided.scatter [tilespmem:s31], [sflag:$0x6], $0x4000, s26, s9, $0x38;
	[tilespmem:$0x1C800] =	vst v63  }
0x68: {  	s22 =	smov.u32 s2;
	s18 =	smov.u32 s16  }
0x69: {  	p0 =	sne.s32 s2, $0x17000;
	s2 =	sadd.s32 $0x1000, s2;
	_ =	swait.ge [sflag:s11], $0x4000  }
0x6a: {  	s22 =	sshra.s32 s22, $0x2;
	[sflag:s11] =	ssyncset.done $0x0  }
0x6b: {  	s23 =	sadd.s32 $0x400, s22;
	[sflag:s11] =	ssyncadd.s32 $0xFFFFC000  }
0x6c: {  	[tilespmem:s28], [sflag:$0x1] =	stream.indirect.gather [hbm4b:s3+s26], $0x40, s23, s26, $0xb8;
	[tilespmem:$0x1C800] =	vst v63  }
0x6d: {  	s23 =	sadd.s32 $0x480, s22  }
0x6e: {  	[tilespmem:s29], [sflag:$0x1] =	stream.indirect.gather [hbm4b:s3+s26], $0x40, s23, s26, $0xb8;
	[tilespmem:$0x1C800] =	vst v63  }
0x6f: {  	_ =	swait.ge [sflag:s12], $0x4000  }
0x70: {  	[sflag:s12] =	ssyncset.done $0x0  }
0x71: {  	[sflag:s12] =	ssyncadd.s32 $0xFFFFC000  }
0x72: {  	[hbm4b:s21+s9] =	stream.strided.scatter [tilespmem:s1], [sflag:$0x7], $0x4000, s26, s9, $0x38;
	[tilespmem:$0x1C800] =	vst v63  }
0x73: {  	_ =	swait.ge [sflag:s13], $0x4000  }
0x74: {  	[sflag:s13] =	ssyncset.done $0x0  }
0x75: {  	s23 =	sadd.s32 $0x500, s22;
	[sflag:s13] =	ssyncadd.s32 $0xFFFFC000  }
0x76: {  	[tilespmem:s31], [sflag:$0x2] =	stream.indirect.gather [hbm4b:s3+s26], $0x40, s23, s26, $0xb8;
	[tilespmem:$0x1C800] =	vst v63  }
0x77: {  	s23 =	sadd.s32 $0x580, s22  }
0x78: {  	[tilespmem:s0], [sflag:$0x2] =	stream.indirect.gather [hbm4b:s3+s26], $0x40, s23, s26, $0xb8;
	[tilespmem:$0x1C800] =	vst v63  }
0x79: {  	_ =	swait.ge [sflag:s14], $0x4000  }
0x7a: {  	[sflag:s14] =	ssyncset.done $0x0  }
0x7b: {  	[sflag:s14] =	ssyncadd.s32 $0xFFFFC000  }
0x7c: {  	[hbm4b:s19+s9] =	stream.strided.scatter [tilespmem:s5], [sflag:$0x8], $0x4000, s26, s9, $0x38;
	[tilespmem:$0x1C800] =	vst v63  }
0x7d: {  	_ =	swait.ge [sflag:s15], $0x4000  }
0x7e: {  	[sflag:s15] =	ssyncset.done $0x0  }
0x7f: {  	s23 =	sadd.s32 $0x600, s22;
	[sflag:s15] =	ssyncadd.s32 $0xFFFFC000  }
0x80: {  	[tilespmem:s1], [sflag:$0x3] =	stream.indirect.gather [hbm4b:s3+s26], $0x40, s23, s26, $0xb8;
	[tilespmem:$0x1C800] =	vst v63  }
0x81: {  	s23 =	sadd.s32 $0x680, s22  }
0x82: {  	[tilespmem:s30], [sflag:$0x3] =	stream.indirect.gather [hbm4b:s3+s26], $0x40, s23, s26, $0xb8;
	[tilespmem:$0x1C800] =	vst v63  }
0x83: {  	_ =	swait.ge [sflag:s8], $0x4000  }
0x84: {  	[sflag:s8] =	ssyncset.done $0x0  }
0x85: {  	[sflag:s8] =	ssyncadd.s32 $0xFFFFC000  }
0x86: {  	[hbm4b:s17+s9] =	stream.strided.scatter [tilespmem:s28], [sflag:$0x5], $0x4000, s26, s9, $0x38;
	[tilespmem:$0x1C800] =	vst v63  }
0x87: {  	_ =	swait.ge [sflag:s24], $0x4000  }
0x88: {  	[sflag:s24] =	ssyncset.done $0x0  }
0x89: {  	s23 =	sadd.s32 $0x700, s22;
	[sflag:s24] =	ssyncadd.s32 $0xFFFFC000  }
0x8a: {  	[tilespmem:s5], [sflag:$0x4] =	stream.indirect.gather [hbm4b:s3+s26], $0x40, s23, s26, $0xb8;
	[tilespmem:$0x1C800] =	vst v63  }
.Ltmp0:
0x8b: {  	s22 =	sadd.s32 $0x780, s22;
	(pc) =	sbr.rel @p0 .LBB2_2-.Ltmp0, $4  }
0x8c: {  	[tilespmem:s7], [sflag:$0x4] =	stream.indirect.gather [hbm4b:s3+s26], $0x40, s22, s26, $0xb8;
	[tilespmem:$0x1C800] =	vst v63  }
0x8d: {  	_ =	swait.ge [sflag:s10], $0x4000  }
0x8e: {  	s16 =	sadd.s32 $0x4000, s16;
	s17 =	sadd.s32 $0x4000, s17;
	[sflag:s10] =	ssyncset.done $0x0  }
0x8f: {  	s21 =	sadd.s32 $0x4000, s21;
	s19 =	sadd.s32 $0x4000, s19;
	[sflag:s10] =	ssyncadd.s32 $0xFFFFC000  }
0x90: {  	[hbm4b:s18+s9] =	stream.strided.scatter [tilespmem:s31], [sflag:$0x6], $0x4000, s26, s9, $0x38;
	[tilespmem:$0x1C800] =	vst v63  }
0x91: {  	_ =	swait.ge [sflag:s12], $0x4000  }
0x92: {  	[sflag:s12] =	ssyncset.done $0x0  }
0x93: {  	s2 =	rddreg [dreg:$0x9];
	[sflag:s12] =	ssyncadd.s32 $0xFFFFC000  }
0x94: {  	[hbm4b:s2+s9] =	stream.strided.scatter [tilespmem:s1], [sflag:$0x7], $0x4000, s26, s9, $0x38;
	[tilespmem:$0x1C800] =	vst v63  }
0x95: {  	_ =	swait.ge [sflag:s14], $0x4000  }
0x96: {  	[sflag:s14] =	ssyncset.done $0x0  }
0x97: {  	s18 =	rddreg [dreg:$0xa];
	[sflag:s14] =	ssyncadd.s32 $0xFFFFC000  }
0x98: {  	[hbm4b:s18+s9] =	stream.strided.scatter [tilespmem:s5], [sflag:$0x8], $0x4000, s26, s9, $0x38;
	[tilespmem:$0x1C800] =	vst v63  }
0x99: {  	_ =	swait.ge [sflag:s11], $0x4000  }
0x9a: {  	[sflag:s11] =	ssyncset.done $0x0  }
0x9b: {  	[sflag:s11] =	ssyncadd.s32 $0xFFFFC000  }
0x9c: {  	_ =	swait.ge [sflag:s13], $0x4000  }
0x9d: {  	[sflag:s13] =	ssyncset.done $0x0  }
0x9e: {  	[sflag:s13] =	ssyncadd.s32 $0xFFFFC000  }
0x9f: {  	_ =	swait.ge [sflag:s15], $0x4000  }
0xa0: {  	[sflag:s15] =	ssyncset.done $0x0  }
0xa1: {  	[sflag:s15] =	ssyncadd.s32 $0xFFFFC000  }
0xa2: {  	_ =	swait.ge [sflag:s24], $0x4000  }
0xa3: {  	[sflag:s24] =	ssyncset.done $0x0  }
0xa4: {  	s19 =	simm.s32 $0x6400;
	[sflag:s24] =	ssyncadd.s32 $0xFFFFC000  }
0xa5: {  	[tilespmem:s28], [sflag:$0x1] =	stream.indirect.gather [hbm4b:s4+s26], $0x40, s19, s26, $0xb8;
	[tilespmem:$0x1C800] =	vst v63  }
0xa6: {  	s21 =	simm.s32 $0x6480  }
0xa7: {  	[tilespmem:s29], [sflag:$0x1] =	stream.indirect.gather [hbm4b:s4+s26], $0x40, s21, s26, $0xb8;
	[tilespmem:$0x1C800] =	vst v63  }
0xa8: {  	s22 =	simm.s32 $0x6500  }
0xa9: {  	[tilespmem:s31], [sflag:$0x2] =	stream.indirect.gather [hbm4b:s4+s26], $0x40, s22, s26, $0xb8;
	[tilespmem:$0x1C800] =	vst v63  }
0xaa: {  	s23 =	simm.s32 $0x6580  }
0xab: {  	[tilespmem:s0], [sflag:$0x2] =	stream.indirect.gather [hbm4b:s4+s26], $0x40, s23, s26, $0xb8;
	[tilespmem:$0x1C800] =	vst v63  }
0xac: {  	s16 =	simm.s32 $0x6600  }
0xad: {  	[tilespmem:s1], [sflag:$0x3] =	stream.indirect.gather [hbm4b:s4+s26], $0x40, s16, s26, $0xb8;
	[tilespmem:$0x1C800] =	vst v63  }
0xae: {  	s17 =	simm.s32 $0x6680  }
0xaf: {  	[tilespmem:s30], [sflag:$0x3] =	stream.indirect.gather [hbm4b:s4+s26], $0x40, s17, s26, $0xb8;
	[tilespmem:$0x1C800] =	vst v63  }
0xb0: {  	s18 =	simm.s32 $0x6700  }
0xb1: {  	[tilespmem:s5], [sflag:$0x4] =	stream.indirect.gather [hbm4b:s4+s26], $0x40, s18, s26, $0xb8;
	[tilespmem:$0x1C800] =	vst v63  }
0xb2: {  	s19 =	simm.s32 $0x6780  }
0xb3: {  	[tilespmem:s7], [sflag:$0x4] =	stream.indirect.gather [hbm4b:s4+s26], $0x40, s19, s26, $0xb8;
	[tilespmem:$0x1C800] =	vst v63  }
0xb4: {  	_ =	swait.ge [sflag:s8], $0x4000  }
0xb5: {  	[sflag:s8] =	ssyncset.done $0x0  }
0xb6: {  	s21 =	rddreg [dreg:$0xb];
	[sflag:s8] =	ssyncadd.s32 $0xFFFFC000  }
0xb7: {  	[hbm4b:s21+s9] =	stream.strided.scatter [tilespmem:s28], [sflag:$0x5], $0x4000, s26, s9, $0x38;
	[tilespmem:$0x1C800] =	vst v63  }
0xb8: {  	_ =	swait.ge [sflag:s10], $0x4000  }
0xb9: {  	[sflag:s10] =	ssyncset.done $0x0  }
0xba: {  	s22 =	rddreg [dreg:$0xc];
	[sflag:s10] =	ssyncadd.s32 $0xFFFFC000  }
0xbb: {  	[hbm4b:s22+s9] =	stream.strided.scatter [tilespmem:s31], [sflag:$0x6], $0x4000, s26, s9, $0x38;
	[tilespmem:$0x1C800] =	vst v63  }
0xbc: {  	_ =	swait.ge [sflag:s11], $0x4000  }
0xbd: {  	[sflag:s11] =	ssyncset.done $0x0  }
0xbe: {  	s23 =	simm.s32 $0x6800;
	[sflag:s11] =	ssyncadd.s32 $0xFFFFC000  }
0xbf: {  	[tilespmem:s28], [sflag:$0x1] =	stream.indirect.gather [hbm4b:s4+s26], $0x40, s23, s26, $0xb8;
	[tilespmem:$0x1C800] =	vst v63  }
0xc0: {  	s16 =	simm.s32 $0x6880  }
0xc1: {  	[tilespmem:s29], [sflag:$0x1] =	stream.indirect.gather [hbm4b:s4+s26], $0x40, s16, s26, $0xb8;
	[tilespmem:$0x1C800] =	vst v63  }
0xc2: {  	_ =	swait.ge [sflag:s12], $0x4000  }
0xc3: {  	[sflag:s12] =	ssyncset.done $0x0  }
0xc4: {  	s16 =	rddreg [dreg:$0x15];
	[sflag:s12] =	ssyncadd.s32 $0xFFFFC000  }
0xc5: {  	[hbm4b:s16+s9] =	stream.strided.scatter [tilespmem:s1], [sflag:$0x7], $0x4000, s26, s9, $0x38;
	[tilespmem:$0x1C800] =	vst v63  }
0xc6: {  	_ =	swait.ge [sflag:s13], $0x4000  }
0xc7: {  	[sflag:s13] =	ssyncset.done $0x0  }
0xc8: {  	s17 =	simm.s32 $0x6900;
	[sflag:s13] =	ssyncadd.s32 $0xFFFFC000  }
0xc9: {  	[tilespmem:s31], [sflag:$0x2] =	stream.indirect.gather [hbm4b:s4+s26], $0x40, s17, s26, $0xb8;
	[tilespmem:$0x1C800] =	vst v63  }
0xca: {  	s18 =	simm.s32 $0x6980  }
0xcb: {  	[tilespmem:s0], [sflag:$0x2] =	stream.indirect.gather [hbm4b:s4+s26], $0x40, s18, s26, $0xb8;
	[tilespmem:$0x1C800] =	vst v63  }
0xcc: {  	_ =	swait.ge [sflag:s14], $0x4000  }
0xcd: {  	[sflag:s14] =	ssyncset.done $0x0  }
0xce: {  	s18 =	rddreg [dreg:$0x14];
	[sflag:s14] =	ssyncadd.s32 $0xFFFFC000  }
0xcf: {  	[hbm4b:s18+s9] =	stream.strided.scatter [tilespmem:s5], [sflag:$0x8], $0x4000, s26, s9, $0x38;
	[tilespmem:$0x1C800] =	vst v63  }
0xd0: {  	_ =	swait.ge [sflag:s15], $0x4000  }
0xd1: {  	[sflag:s15] =	ssyncset.done $0x0  }
0xd2: {  	s19 =	simm.s32 $0x6A00;
	[sflag:s15] =	ssyncadd.s32 $0xFFFFC000  }
0xd3: {  	[tilespmem:s1], [sflag:$0x3] =	stream.indirect.gather [hbm4b:s4+s26], $0x40, s19, s26, $0xb8;
	[tilespmem:$0x1C800] =	vst v63  }
0xd4: {  	s21 =	simm.s32 $0x6A80  }
0xd5: {  	[tilespmem:s30], [sflag:$0x3] =	stream.indirect.gather [hbm4b:s4+s26], $0x40, s21, s26, $0xb8;
	[tilespmem:$0x1C800] =	vst v63  }
0xd6: {  	_ =	swait.ge [sflag:s8], $0x4000  }
0xd7: {  	[sflag:s8] =	ssyncset.done $0x0  }
0xd8: {  	s17 =	rddreg [dreg:$0x16];
	[sflag:s8] =	ssyncadd.s32 $0xFFFFC000  }
0xd9: {  	[hbm4b:s17+s9] =	stream.strided.scatter [tilespmem:s28], [sflag:$0x5], $0x4000, s26, s9, $0x38;
	[tilespmem:$0x1C800] =	vst v63  }
0xda: {  	_ =	swait.ge [sflag:s24], $0x4000  }
0xdb: {  	[sflag:s24] =	ssyncset.done $0x0  }
0xdc: {  	s22 =	simm.s32 $0x6B00;
	[sflag:s24] =	ssyncadd.s32 $0xFFFFC000  }
0xdd: {  	[tilespmem:s5], [sflag:$0x4] =	stream.indirect.gather [hbm4b:s4+s26], $0x40, s22, s26, $0xb8;
	[tilespmem:$0x1C800] =	vst v63  }
0xde: {  	s23 =	simm.s32 $0x6B80  }
0xdf: {  	[tilespmem:s7], [sflag:$0x4] =	stream.indirect.gather [hbm4b:s4+s26], $0x40, s23, s26, $0xb8;
	[tilespmem:$0x1C800] =	vst v63  }
0xe0: {  	s2 =	simm.s32 $0x1000;
	s16 =	sadd.s32 $0x4000, s16;
	_ =	swait.ge [sflag:s10], $0x4000  }
0xe1: {  	s19 =	sadd.s32 $0x4000, s20;
	s21 =	sadd.s32 $0x4000, s18;
	[sflag:s10] =	ssyncset.done $0x0  }
0xe2: {  	s18 =	smov.u32 s20;
	s17 =	sadd.s32 $0x4000, s17;
	[sflag:s10] =	ssyncadd.s32 $0xFFFFC000  }
.LBB2_4:
0xe3: {  	[hbm4b:s18+s9] =	stream.strided.scatter [tilespmem:s31], [sflag:$0x6], $0x4000, s26, s9, $0x38;
	[tilespmem:$0x1C800] =	vst v63  }
0xe4: {  	s22 =	smov.u32 s2;
	s18 =	smov.u32 s19  }
0xe5: {  	p0 =	sne.s32 s2, $0x17000;
	s2 =	sadd.s32 $0x1000, s2;
	_ =	swait.ge [sflag:s11], $0x4000  }
0xe6: {  	s22 =	sshra.s32 s22, $0x2;
	[sflag:s11] =	ssyncset.done $0x0  }
0xe7: {  	s23 =	sadd.s32 $0x6800, s22;
	[sflag:s11] =	ssyncadd.s32 $0xFFFFC000  }
0xe8: {  	[tilespmem:s28], [sflag:$0x1] =	stream.indirect.gather [hbm4b:s4+s26], $0x40, s23, s26, $0xb8;
	[tilespmem:$0x1C800] =	vst v63  }
0xe9: {  	s23 =	sadd.s32 $0x6880, s22  }
0xea: {  	[tilespmem:s29], [sflag:$0x1] =	stream.indirect.gather [hbm4b:s4+s26], $0x40, s23, s26, $0xb8;
	[tilespmem:$0x1C800] =	vst v63  }
0xeb: {  	_ =	swait.ge [sflag:s12], $0x4000  }
0xec: {  	[sflag:s12] =	ssyncset.done $0x0  }
0xed: {  	[sflag:s12] =	ssyncadd.s32 $0xFFFFC000  }
0xee: {  	[hbm4b:s16+s9] =	stream.strided.scatter [tilespmem:s1], [sflag:$0x7], $0x4000, s26, s9, $0x38;
	[tilespmem:$0x1C800] =	vst v63  }
0xef: {  	_ =	swait.ge [sflag:s13], $0x4000  }
0xf0: {  	[sflag:s13] =	ssyncset.done $0x0  }
0xf1: {  	s23 =	sadd.s32 $0x6900, s22;
	[sflag:s13] =	ssyncadd.s32 $0xFFFFC000  }
0xf2: {  	[tilespmem:s31], [sflag:$0x2] =	stream.indirect.gather [hbm4b:s4+s26], $0x40, s23, s26, $0xb8;
	[tilespmem:$0x1C800] =	vst v63  }
0xf3: {  	s23 =	sadd.s32 $0x6980, s22  }
0xf4: {  	[tilespmem:s0], [sflag:$0x2] =	stream.indirect.gather [hbm4b:s4+s26], $0x40, s23, s26, $0xb8;
	[tilespmem:$0x1C800] =	vst v63  }
0xf5: {  	_ =	swait.ge [sflag:s14], $0x4000  }
0xf6: {  	[sflag:s14] =	ssyncset.done $0x0  }
0xf7: {  	[sflag:s14] =	ssyncadd.s32 $0xFFFFC000  }
0xf8: {  	[hbm4b:s21+s9] =	stream.strided.scatter [tilespmem:s5], [sflag:$0x8], $0x4000, s26, s9, $0x38;
	[tilespmem:$0x1C800] =	vst v63  }
0xf9: {  	_ =	swait.ge [sflag:s15], $0x4000  }
0xfa: {  	[sflag:s15] =	ssyncset.done $0x0  }
0xfb: {  	s23 =	sadd.s32 $0x6A00, s22;
	[sflag:s15] =	ssyncadd.s32 $0xFFFFC000  }
0xfc: {  	[tilespmem:s1], [sflag:$0x3] =	stream.indirect.gather [hbm4b:s4+s26], $0x40, s23, s26, $0xb8;
	[tilespmem:$0x1C800] =	vst v63  }
0xfd: {  	s23 =	sadd.s32 $0x6A80, s22  }
0xfe: {  	[tilespmem:s30], [sflag:$0x3] =	stream.indirect.gather [hbm4b:s4+s26], $0x40, s23, s26, $0xb8;
	[tilespmem:$0x1C800] =	vst v63  }
0xff: {  	_ =	swait.ge [sflag:s8], $0x4000  }
0x100: {  	[sflag:s8] =	ssyncset.done $0x0  }
0x101: {  	[sflag:s8] =	ssyncadd.s32 $0xFFFFC000  }
0x102: {  	[hbm4b:s17+s9] =	stream.strided.scatter [tilespmem:s28], [sflag:$0x5], $0x4000, s26, s9, $0x38;
	[tilespmem:$0x1C800] =	vst v63  }
0x103: {  	_ =	swait.ge [sflag:s24], $0x4000  }
0x104: {  	[sflag:s24] =	ssyncset.done $0x0  }
0x105: {  	s23 =	sadd.s32 $0x6B00, s22;
	[sflag:s24] =	ssyncadd.s32 $0xFFFFC000  }
0x106: {  	[tilespmem:s5], [sflag:$0x4] =	stream.indirect.gather [hbm4b:s4+s26], $0x40, s23, s26, $0xb8;
	[tilespmem:$0x1C800] =	vst v63  }
.Ltmp1:
0x107: {  	s22 =	sadd.s32 $0x6B80, s22;
	(pc) =	sbr.rel @p0 .LBB2_4-.Ltmp1, $4  }
0x108: {  	[tilespmem:s7], [sflag:$0x4] =	stream.indirect.gather [hbm4b:s4+s26], $0x40, s22, s26, $0xb8;
	[tilespmem:$0x1C800] =	vst v63  }
0x109: {  	_ =	swait.ge [sflag:s10], $0x4000  }
0x10a: {  	s16 =	sadd.s32 $0x4000, s16;
	s17 =	sadd.s32 $0x4000, s17;
	[sflag:s10] =	ssyncset.done $0x0  }
0x10b: {  	s19 =	sadd.s32 $0x4000, s19;
	s21 =	sadd.s32 $0x4000, s21;
	[sflag:s10] =	ssyncadd.s32 $0xFFFFC000  }
0x10c: {  	[hbm4b:s18+s9] =	stream.strided.scatter [tilespmem:s31], [sflag:$0x6], $0x4000, s26, s9, $0x38;
	[tilespmem:$0x1C800] =	vst v63  }
0x10d: {  	_ =	swait.ge [sflag:s12], $0x4000  }
0x10e: {  	[sflag:s12] =	ssyncset.done $0x0  }
0x10f: {  	s2 =	rddreg [dreg:$0xd];
	[sflag:s12] =	ssyncadd.s32 $0xFFFFC000  }
0x110: {  	[hbm4b:s2+s9] =	stream.strided.scatter [tilespmem:s1], [sflag:$0x7], $0x4000, s26, s9, $0x38;
	[tilespmem:$0x1C800] =	vst v63  }
0x111: {  	_ =	swait.ge [sflag:s14], $0x4000  }
0x112: {  	[sflag:s14] =	ssyncset.done $0x0  }
0x113: {  	s22 =	rddreg [dreg:$0xe];
	[sflag:s14] =	ssyncadd.s32 $0xFFFFC000  }
0x114: {  	[hbm4b:s22+s9] =	stream.strided.scatter [tilespmem:s5], [sflag:$0x8], $0x4000, s26, s9, $0x38;
	[tilespmem:$0x1C800] =	vst v63  }
0x115: {  	_ =	swait.ge [sflag:s11], $0x4000  }
0x116: {  	[sflag:s11] =	ssyncset.done $0x0  }
0x117: {  	[sflag:s11] =	ssyncadd.s32 $0xFFFFC000  }
0x118: {  	_ =	swait.ge [sflag:s13], $0x4000  }
0x119: {  	[sflag:s13] =	ssyncset.done $0x0  }
0x11a: {  	[sflag:s13] =	ssyncadd.s32 $0xFFFFC000  }
0x11b: {  	_ =	swait.ge [sflag:s15], $0x4000  }
0x11c: {  	[sflag:s15] =	ssyncset.done $0x0  }
0x11d: {  	[sflag:s15] =	ssyncadd.s32 $0xFFFFC000  }
0x11e: {  	_ =	swait.ge [sflag:s24], $0x4000  }
0x11f: {  	s6 =	sadd.s32 $0x1, s6;
	s23 =	rddreg [dreg:$0xf]  }
0x120: {  	p0 =	sne.s32 s6, s23  }
.Ltmp2:
0x121: {  	_ = 	snop;
	(pc) =	sbr.rel @p0 .LBB2_1-.Ltmp2, $3  }
0x122: {  	_ =	sdelay $0x1  }
0x123: {  	[sflag:s24] =	ssyncset.done $0x0  }
0x124: {  	[sflag:s24] =	ssyncadd.s32 $0xFFFFC000  }
0x125: {  	_ =	sfence.sel $0x180000  }
0x126: {  	[bflag:$0x0] =	sbarrier.arrive $0xFFFF  }
0x127: {  	_ =	strace $0x9000004A  }
0x128: {  	s0 =	stileid.u32;
	[bflag:$0x2] =	sbarrier.arrive $0xFFFF  }
0x129: {  	p0 =	sne.s32 s0, $0x0;
	s0 =	rddreg [dreg:$0x4]  }
0x12a: {  	s0 =	sadd.s32 @!p0 $0x100000, s0  }
0x12b: {  	[sflag:s0] =	ssyncadd.tile.s32 @!p0 $0x1;
	_ =	shalt  }
.Lfunc_end2:
_tile_overlayer_lowered:
.L_overlay_start_2:
0x12c: {  	(tag) =	ssettag $0x2  }
0x12d: {  	s0 =	rddreg [dreg:$0x0];
	s2 =	stileid.u32  }
0x12e: {  	s1 =	rddreg [dreg:$0x1];
	p0 =	sne.s32 s2, $0x0  }
0x12f: {  	s3 =	rddreg [dreg:$0x2];
	[bflag:$0x3] =	sbarrier.arrive $0xFFFF;
	s2 =	simm.s32 @!p0 $0x1C0A  }
0x130: {  	[timem:s3], [sflag:s2] =	dma.local @!p0 [hbm:s0], s1  }
0x131: {  	s0 =	simm.s32 @!p0 $0xA  }
0x132: {  	_ =	swait.ge @!p0 [sflag:s0], s1  }
0x133: {  	s1 =	ssub.s32 @!p0 $0x0, s1;
	[sflag:s0] =	ssyncset.done @!p0 $0x0  }
0x134: {  	[sflag:s0] =	ssyncadd.s32 @!p0 s1  }
0x135: {  	[bflag:$0x3] =	sbarrier.arrive $0xFFFF  }
0x136: {  	_ =	shalt  }

// kernel: _embed.7.cloned.1.call-start
scs
__scs_entry_jumppad:
0x0: {  	(pc) =	sbr.rel $0x88, $3  }
0x1: {  	(tag) =	ssettag $0x0;
	lr =	simm.s32 $0x1  }
0x2: {  	[smem:$0x3F97] =	sst lr;
	_ =	strace $0xD0000000  }
0x3: {  	_ = 	snop  }
0x4: {  	_ = 	snop  }
0x5: {  	_ = 	snop  }
0x6: {  	_ = 	snop  }
0x7: {  	_ = 	snop  }
__scs_overlays_trampoline_lowered:
0x8: {  	[smem:$0x3FA6] =	sst s0  }
0x9: {  	[smem:$0x3FA7] =	sst s1  }
0xa: {  	[smem:$0x3FA8] =	sst s2  }
0xb: {  	[smem:$0x3FA9] =	sst s3  }
0xc: {  	[smem:$0x3FAA] =	sst s4  }
0xd: {  	[smem:$0x3FAB] =	sst s5  }
0xe: {  	[smem:$0x3FAC] =	sst s6  }
0xf: {  	[smem:$0x3FAD] =	sst s7  }
0x10: {  	[smem:$0x3FAE] =	sst s8  }
0x11: {  	[smem:$0x3FAF] =	sst s9;
	s0 =	simm.s32 @!p0 $0x0  }
0x12: {  	s1 =	sld [smem:$0x3F95];
	s0 =	simm.s32 @p0 $0x1  }
0x13: {  	[smem:$0x3FB0] =	sst s0;
	s0 =	simm.s32 @!p1 $0x0  }
0x14: {  	s2 =	sld [smem:$0x3F94];
	s0 =	simm.s32 @p1 $0x1  }
0x15: {  	[smem:$0x3FB1] =	sst s0;
	s0 =	simm.s32 @!p2 $0x0  }
0x16: {  	s3 =	sld [smem:$0x3FDB];
	s0 =	simm.s32 @p2 $0x1  }
0x17: {  	s4 =	simm.s32 $0x1BF5;
	[smem:$0x3FB3] =	sst s0  }
0x18: {  	s0 =	sld [smem:$0x3F96];
	_ =	swait.ge [sflag:s4], $0x0  }
0x19: {  	s7 =	sld [smem:$0x3F97]  }
0x1a: {  	s8 =	sadd.s32 $0xFFFFE003, lr  }
0x1b: {  	s9 =	sadd.s32 $0xFFFFFEF7, lr;
	s5 =	simm.s32 $0xFFFFFFFF;
	p2 =	slt.u32 s8, $0xFFFFF086  }
0x1c: {  	p1 =	slt.u32 s9, $0xF7A;
	s5 =	simm.s32 @!p2 $0x0  }
0x1d: {  	s5 =	simm.s32 @p1 $0x1;
	p0 =	seq.s32 s7, s2  }
0x1e: {  	s7 =	smul.u32 @!p0 $0xF7A, s2;
	p2 =	seq.s32 @!p0 s5, $0x0  }
0x1f: {  	s9 =	smul.u32 $0xF7A, s1;
	s8 =	simm.s32 @!p0 $0x1BF5;
	p2 =	por !p2, p0  }
0x20: {  	[sflag:s8] =	ssyncset.s32 @!p0 $0xFFFFF086;
	s6 =	sadd.s32 @!p0 s3, s7;
	s7 =	simm.s32 @!p0 $0x108  }
0x21: {  	s3 =	sadd.s32 s3, s9;
	s6 =	sadd.s32 @!p0 $0x88, s6;
	s7 =	simm.s32 @p2 $0x1082  }
0x22: {  	[simem:s7], [sflag:s8] =	dma.local @!p0 [hbm:s6], $0xF7A  }
0x23: {  	s9 =	sor.u32 $0xD0000000, s2;
	s6 =	simm.s32 $0x108;
	_ =	swait.ge @!p0 [sflag:s8], $0x0  }
0x24: {  	s3 =	sadd.s32 $0x88, s3;
	s6 =	simm.s32 @!p1 $0x1082;
	[sflag:s4] =	ssyncset.s32 $0xFFFFF086  }
0x25: {  	[simem:s6], [sflag:s4] =	dma.local [hbm:s3], $0xF7A  }
0x26: {  	[smem:$0x3F97] =	sst s1;
	(tag) =	ssettag s2;
	_ =	strace s9  }
0x27: {  	s1 =	sld [smem:$0x3FA7]  }
0x28: {  	s2 =	sld [smem:$0x3FA8]  }
0x29: {  	s4 =	sld [smem:$0x3FAA]  }
0x2a: {  	p0 =	seq.s32 s5, $0x0;
	s5 =	sld [smem:$0x3FAB]  }
0x2b: {  	s6 =	sld [smem:$0x3FAC]  }
0x2c: {  	s7 =	sld [smem:$0x3FAD]  }
0x2d: {  	s3 =	simm.s32 $0x108;
	s8 =	sld [smem:$0x3FAE]  }
0x2e: {  	s3 =	simm.s32 @!p0 $0x1082;
	s9 =	sld [smem:$0x3FAF]  }
0x2f: {  	lr =	sadd.s32 s0, s3;
	s0 =	sld [smem:$0x3FA6]  }
0x30: {  	s3 =	sld [smem:$0x3FA9]  }
0x31: {  	[smem:$0x3FB2] =	sst s10  }
0x32: {  	s10 =	sld [smem:$0x3FB0];
	_ =	sdelay $0x3  }
0x33: {  	p0 =	seq.s32 s10, $0x1;
	s10 =	sld [smem:$0x3FB2];
	_ =	sdelay $0x3  }
0x34: {  	[smem:$0x3FB2] =	sst s10  }
0x35: {  	s10 =	sld [smem:$0x3FB1];
	_ =	sdelay $0x3  }
0x36: {  	p1 =	seq.s32 s10, $0x1;
	s10 =	sld [smem:$0x3FB2];
	_ =	sdelay $0x3  }
0x37: {  	[smem:$0x3FB2] =	sst s10  }
0x38: {  	s10 =	sld [smem:$0x3FB3]  }
0x39: {  	_ = 	snop;
	(pc) =	sbr.ind lr, $3  }
0x3a: {  	_ = 	snop  }
0x3b: {  	_ = 	snop  }
0x3c: {  	p2 =	seq.s32 s10, $0x1;
	s10 =	sld [smem:$0x3FB2]  }
0x3d: {  	_ =	shalt  }
0x3e: {  	_ =	shalt  }
0x3f: {  	_ =	shalt  }
0x40: {  	_ =	shalt  }
0x41: {  	_ =	shalt  }
0x42: {  	_ =	shalt  }
0x43: {  	_ =	shalt  }
0x44: {  	_ =	shalt  }
0x45: {  	_ =	shalt  }
0x46: {  	_ =	shalt  }
0x47: {  	_ =	shalt  }
0x48: {  	_ =	shalt  }
0x49: {  	_ =	shalt  }
0x4a: {  	_ =	shalt  }
0x4b: {  	_ =	shalt  }
0x4c: {  	_ =	shalt  }
0x4d: {  	_ =	shalt  }
0x4e: {  	_ =	shalt  }
0x4f: {  	_ =	shalt  }
0x50: {  	_ =	shalt  }
0x51: {  	_ =	shalt  }
0x52: {  	_ =	shalt  }
0x53: {  	_ =	shalt  }
0x54: {  	_ =	shalt  }
0x55: {  	_ =	shalt  }
0x56: {  	_ =	shalt  }
0x57: {  	_ =	shalt  }
0x58: {  	_ =	shalt  }
0x59: {  	_ =	shalt  }
0x5a: {  	_ =	shalt  }
0x5b: {  	_ =	shalt  }
0x5c: {  	_ =	shalt  }
0x5d: {  	_ =	shalt  }
0x5e: {  	_ =	shalt  }
0x5f: {  	_ =	shalt  }
0x60: {  	_ =	shalt  }
0x61: {  	_ =	shalt  }
0x62: {  	_ =	shalt  }
0x63: {  	_ =	shalt  }
0x64: {  	_ =	shalt  }
0x65: {  	_ =	shalt  }
0x66: {  	_ =	shalt  }
0x67: {  	_ =	shalt  }
0x68: {  	_ =	shalt  }
0x69: {  	_ =	shalt  }
0x6a: {  	_ =	shalt  }
0x6b: {  	_ =	shalt  }
0x6c: {  	_ =	shalt  }
0x6d: {  	_ =	shalt  }
0x6e: {  	_ =	shalt  }
0x6f: {  	_ =	shalt  }
0x70: {  	_ =	shalt  }
0x71: {  	_ =	shalt  }
0x72: {  	_ =	shalt  }
0x73: {  	_ =	shalt  }
0x74: {  	_ =	shalt  }
0x75: {  	_ =	shalt  }
0x76: {  	_ =	shalt  }
0x77: {  	_ =	shalt  }
0x78: {  	_ =	shalt  }
0x79: {  	_ =	shalt  }
0x7a: {  	_ =	shalt  }
0x7b: {  	_ =	shalt  }
0x7c: {  	_ =	shalt  }
0x7d: {  	_ =	shalt  }
0x7e: {  	_ =	shalt  }
0x7f: {  	_ =	shalt  }
0x80: {  	_ =	shalt  }
0x81: {  	_ =	shalt  }
0x82: {  	_ =	shalt  }
0x83: {  	_ =	shalt  }
0x84: {  	_ =	shalt  }
0x85: {  	_ =	shalt  }
0x86: {  	_ =	shalt  }
0x87: {  	_ =	shalt  }
.Lfunc_end0:
.L_simem_size_0:
called_computation.3_lowered:
.L_overlay_start_0:
0x88: {  	s2 =	sld [smem:$0x3FD9]  }
0x89: {  	s3 =	sld [smem:$0x3FFE];
	_ =	sdelay $0x1  }
0x8a: {  	s1 =	srdreg.scid  }
0x8b: {  	s0 =	sand.u32 $0x1, s1  }
0x8c: {  	s14 =	sshll.u32 s0, $0xA;
	s2 =	sadd.s32 s3, s2  }
0x8d: {  	s2 =	sadd.s32 s2, s14  }
0x8e: {  	[smem:$0x3FBE] =	sst s2  }
0x8f: {  	_ = 	snop  }
0x90: {  	s2 =	sld [smem:$0x3FD0]  }
0x91: {  	s15 =	sld [smem:$0x3FC9]  }
0x92: {  	s4 =	sld [smem:$0x3FC8]  }
0x93: {  	s6 =	simm.s32 $0xB;
	s7 =	simm.s32 $0x10;
	s5 =	sld [smem:$0x3FC5]  }
0x94: {  	[smem:s7], [sflag:s6] =	dma.local [hbm:s2], $0x1  }
0x95: {  	_ =	swait.eq [sflag:s6], $0x1  }
0x96: {  	[sflag:s6] =	ssyncset.done $0x0  }
0x97: {  	s16 =	sld [smem:$0x10];
	[sflag:s6] =	ssyncadd.s32 $0xFFFFFFFF  }
0x98: {  	s17 =	sld [smem:$0x12];
	(tm) =	ssettm $0x1  }
0x99: {  	s18 =	sld [smem:$0x3FFB];
	_ =	sdelay $0x3  }
0x9a: {  	_ =	strace s18  }
0x9b: {  	s7 =	sld [smem:$0x3FFC];
	_ =	sdelay $0x3  }
0x9c: {  	_ =	strace s7  }
0x9d: {  	s7 =	sld [smem:$0x3FFD];
	_ =	sdelay $0x3  }
0x9e: {  	_ =	strace s7  }
0x9f: {  	_ =	strace $0x8FFFFFFF  }
0xa0: {  	s19 =	sld [smem:$0x3FDB];
	_ =	sdelay $0x1  }
0xa1: {  	s8 =	simm.s32 $_scs_section_size  }
0xa2: {  	s9 =	simm.s32 $_size__tile_overlayer_lowered;
	s10 =	simm.s32 $_tile_overlayer_lowered  }
0xa3: {  	s22 =	simm.s32 $0x1BFF;
	s21 =	sshll.u32 s10, $0x1;
	s7 =	sadd.s32 s8, s19  }
0xa4: {  	s11 =	simm.s32 $0x0;
	s20 =	sshll.u32 s9, $0x1;
	s9 =	sadd.s32 s21, s7  }
0xa5: {  	[timem:s11], [sflag:s22] =	dma.local [hbm:s9], s20  }
0xa6: {  	_ =	swait.ge [sflag:s22], s20  }
0xa7: {  	s8 =	ssub.s32 $0x0, s20;
	[sflag:s22] =	ssyncset.done $0x0  }
0xa8: {  	[sflag:s22] =	ssyncadd.s32 s8;
	_ =	sdelay $0x1  }
0xa9: {  	s23 =	simm.s32 $0x1B8B  }
0xaa: {  	_ =	swait.ge [sflag:s23], $0x1  }
0xab: {  	[sflag:s23] =	ssyncset.done $0x0  }
0xac: {  	s25 =	simm.s32 $0x1B8E;
	s24 =	sld [smem:$0x3FFE];
	[sflag:s23] =	ssyncadd.s32 $0xFFFFFFFF  }
0xad: {  	s26 =	simm.s32 $execute0_lowered;
	[smem:$0x3FD2] =	sst s25  }
0xae: {  	s9 =	sshll.u32 s26, $0x1;
	_ =	strace $0x80000046;
	[dreg:$0x1] =	wrdreg $0xFFFFFFFF  }
0xaf: {  	s28 =	simm.s32 $_size_execute0_lowered;
	s7 =	sadd.s32 s7, s9;
	[dreg:$0x0] =	wrdreg $0x0  }
0xb0: {  	s9 =	sshll.u32 s28, $0x1;
	[dreg:$0x2] =	wrdreg s7  }
0xb1: {  	[dreg:$0x3] =	wrdreg s9  }
0xb2: {  	[dreg:$0x4] =	wrdreg $0xC0  }
0xb3: {  	_ =	task [dreg:s11], $0x5FFFF  }
0xb4: {  	[dreg:$0x1] =	wrdreg $0xFFFFFFFF  }
0xb5: {  	[dreg:$0x0] =	wrdreg $0x60  }
0xb6: {  	[dreg:$0x2] =	wrdreg s15  }
0xb7: {  	[dreg:$0x3] =	wrdreg s4  }
0xb8: {  	[dreg:$0x4] =	wrdreg s5  }
0xb9: {  	[dreg:$0x5] =	wrdreg s24  }
0xba: {  	[dreg:$0x6] =	wrdreg s16  }
0xbb: {  	[dreg:$0x7] =	wrdreg s17  }
0xbc: {  	[dreg:$0x8] =	wrdreg $0x9  }
0xbd: {  	_ =	task.clear_ibuf [dreg:s11], $0x9FFFF;
	_ =	strace $0x90000046  }
0xbe: {  	s29 =	simm.s32 $0x9;
	_ =	strace $0x80000048  }
0xbf: {  	_ =	swait.ge [sflag:s29], $0x1  }
0xc0: {  	[sflag:s29] =	ssyncadd.s32 $0xFFFFFFFF  }
0xc1: {  	_ =	strace $0x90000048  }
0xc2: {  	_ =	sfence  }
0xc3: {  	s30 =	sld [smem:$0x0];
	_ =	sdelay $0x2  }
0xc4: {  	s31 =	sshll.u32 s1, $0xD;
	s1 =	sshrl.u32 s1, $0x2  }
0xc5: {  	s3 =	sand.u32 $0x4000, s31;
	s1 =	sadd.s32 s1, s30  }
0xc6: {  	s0 =	sor.u32 s3, s0;
	s1 =	sshll.u32 s1, $0x11  }
0xc7: {  	s0 =	sor.u32 s1, s0  }
0xc8: {  	s0 =	sadd.s32 $0x8F2B, s0  }
0xc9: {  	[sflag:s0] =	ssyncadd.remote.s32 $0x1  }
0xca: {  	_ =	sfence.sel $0xFFFF  }
0xcb: {  	[dreg:$0x0] =	wrdreg $0xFFFFFFFF;
	(pc) =	sbr.abs _section_cstart, $3  }
0xcc: {  	[dreg:$0x1] =	wrdreg $0xFFFFFFFF  }
0xcd: {  	_ =	task.clear_ibuf [dreg:s11], $0x2FFFF;
	_ =	strace $0x9FFFFFFF  }
0xce: {  	(tm) =	ssettm $0x7FFFFFFF  }
0xcf: {  	_ =	shalt  }
tec
execute0_lowered:
.L_overlay_start_1:
0x0: {  	(tag) =	ssettag $0x1  }
0x1: {  	s0 =	rddreg [dreg:$0x0]  }
0x2: {  	s2 =	rddreg [dreg:$0x1]  }
0x3: {  	s6 =	rddreg [dreg:$0x2]  }
0x4: {  	s5 =	rddreg [dreg:$0x3]  }
0x5: {  	s7 =	rddreg [dreg:$0x4]  }
0x6: {  	s8 =	rddreg [dreg:$0x5];
	s1 =	simm.s32 $0x0  }
0x7: {  	s4 =	srdreg.scid;
	s14 =	stileid.u32;
	s29 =	simm.s32 $0x8100  }
0x8: {  	s31 =	simm.s32 $0xA100;
	s28 =	simm.s32 $0xE100;
	s30 =	simm.s32 $0x40  }
0x9: {  	[smem:$0x7FF] =	sst s1;
	s3 =	sadd.s32 $0x4E00, s5;
	s10 =	sand.u32 $0x1, s4  }
0xa: {  	s4 =	sadd.s32 $0xC8400, s5;
	s11 =	sshll.u32 s14, $0x1;
	s5 =	sadd.s32 $0x18BA00, s5  }
0xb: {  	s19 =	smul.u32 $0x3200, s14;
	_ =	strace $0x80000047;
	s9 =	ssub.s32 $0x2, s10  }
0xc: {  	s11 =	sor.u32 s10, s11;
	s20 =	smul.u32 $0x1900, s10;
	s10 =	simm.s32 $0x0  }
0xd: {  	s12 =	sshrl.u32 s9, $0x1;
	s26 =	sshll.u32 s11, $0x7;
	s13 =	smul.u32 $0x1900, s11  }
0xe: {  	s16 =	smul.u32 $0x64000, s11;
	s18 =	sshll.u32 s11, $0xE;
	s0 =	sadd.s32 s0, s26  }
0xf: {  	s23 =	smul.u32 $0xC800, s11;
	s15 =	sadd.s32 s2, s26;
	[dreg:$0x7] =	wrdreg s0  }
0x10: {  	s12 =	ssub.s32 s9, s12;
	s9 =	sadd.s32 s7, s18;
	[dreg:$0x8] =	wrdreg s15  }
0x11: {  	s17 =	sshrl.u32 s13, $0x3;
	s21 =	sadd.s32 $0x2000, s9;
	s22 =	sadd.s32 $0x8, s9  }
0x12: {  	s7 =	sadd.s32 $0x2008, s9;
	s0 =	sshrl.u32 s16, $0x3;
	[dreg:$0xa] =	wrdreg s21  }
0x13: {  	s26 =	smax.u32 s12, $0x1;
	s2 =	sadd.s32 s6, s17;
	[dreg:$0xb] =	wrdreg s22  }
0x14: {  	[dreg:$0xc] =	wrdreg s7;
	s6 =	sadd.s32 s8, s23;
	s0 =	sadd.s32 s8, s0  }
0x15: {  	[dreg:$0x10] =	wrdreg s26;
	s21 =	simm.s32 $0x5;
	s22 =	simm.s32 $0x80  }
0x16: {  	s23 =	simm.s32 $0x2100;
	s26 =	simm.s32 $0x6100;
	[dreg:$0x9] =	wrdreg s2  }
0x17: {  	s7 =	simm.s32 $0x3;
	s2 =	sadd.s32 s20, s19;
	[dreg:$0xd] =	wrdreg s6  }
0x18: {  	s24 =	sadd.s32 $0xB000, s0;
	s0 =	sadd.s32 $0xC000, s0;
	s19 =	simm.s32 $0x400  }
0x19: {  	s20 =	simm.s32 $0x800;
	s2 =	sshll.u32 s2, $0x3;
	[dreg:$0xe] =	wrdreg s24  }
0x1a: {  	s6 =	simm.s32 $0x2;
	[dreg:$0xf] =	wrdreg s0;
	s25 =	sadd.s32 $0x20001000, s2  }
0x1b: {  	s24 =	simm.s32 $0x4100;
	s2 =	sadd.s32 s8, s2;
	s0 =	sand.u32 $0x7FF800, s25  }
0x1c: {  	s14 =	sadd.s32 $0x2000, s2;
	s2 =	simm.s32 $0xC100;
	s25 =	simm.s32 $0x1  }
0x1d: {  	s17 =	sadd.s32 s0, s8;
	s0 =	simm.s32 $0x10100;
	s8 =	simm.s32 $0x4  }
.LBB2_1:
0x1e: {  	s11 =	rddreg [dreg:$0x7]  }
0x1f: {  	[tilespmem:s1], [sflag:$0x5] =	stream.linear.gather [hbm4b:s11+s1], $0x400, $0x38;
	[tilespmem:$0x12100] =	vst v63  }
0x20: {  	s13 =	rddreg [dreg:$0x8]  }
0x21: {  	[tilespmem:s19], [sflag:$0x5] =	stream.linear.gather [hbm4b:s13+s1], $0x400, $0x38;
	[tilespmem:$0x12100] =	vst v63  }
0x22: {  	s15 =	rddreg [dreg:$0x9]  }
0x23: {  	[tilespmem:s20], [sflag:$0x5] =	stream.linear.gather [hbm4b:s15+s1], $0x1900, $0x38;
	[tilespmem:$0x12100] =	vst v63  }
0x24: {  	_ =	swait.ge [sflag:s21], $0x400  }
0x25: {  	[sflag:s21] =	ssyncset.done $0x0  }
0x26: {  	[sflag:s21] =	ssyncadd.s32 $0xFFFFFC00  }
0x27: {  	_ =	swait.ge [sflag:s21], $0x400  }
0x28: {  	[sflag:s21] =	ssyncset.done $0x0  }
0x29: {  	[sflag:s21] =	ssyncadd.s32 $0xFFFFFC00  }
0x2a: {  	_ =	swait.ge [sflag:s21], $0x1900  }
0x2b: {  	[sflag:s21] =	ssyncset.done $0x0  }
0x2c: {  	[sflag:s21] =	ssyncadd.s32 $0xFFFFE700  }
0x2d: {  	[tilespmem:s23], [sflag:$0x1] =	stream.indirect.gather [hbm4b:s3+s22], $0x40, s1, s22, $0xb8;
	[tilespmem:$0x12100] =	vst v63  }
0x2e: {  	_ = 	snop  }
0x2f: {  	[tilespmem:s24], [sflag:$0x1] =	stream.indirect.gather [hbm4b:s3+s22], $0x40, s22, s22, $0xb8;
	[tilespmem:$0x12100] =	vst v63  }
0x30: {  	s16 =	simm.s32 $0x100  }
0x31: {  	[tilespmem:s26], [sflag:$0x1] =	stream.indirect.gather [hbm4b:s3+s22], $0x40, s16, s22, $0xb8;
	[tilespmem:$0x12100] =	vst v63  }
0x32: {  	s18 =	simm.s32 $0x180  }
0x33: {  	[tilespmem:s29], [sflag:$0x1] =	stream.indirect.gather [hbm4b:s3+s22], $0x40, s18, s22, $0xb8;
	[tilespmem:$0x12100] =	vst v63  }
0x34: {  	s12 =	simm.s32 $0x200  }
0x35: {  	[tilespmem:s31], [sflag:$0x2] =	stream.indirect.gather [hbm4b:s3+s22], $0x40, s12, s22, $0xb8;
	[tilespmem:$0x12100] =	vst v63  }
0x36: {  	s13 =	simm.s32 $0x280  }
0x37: {  	[tilespmem:s2], [sflag:$0x2] =	stream.indirect.gather [hbm4b:s3+s22], $0x40, s13, s22, $0xb8;
	[tilespmem:$0x12100] =	vst v63  }
0x38: {  	s15 =	simm.s32 $0x300  }
0x39: {  	[tilespmem:s28], [sflag:$0x2] =	stream.indirect.gather [hbm4b:s3+s22], $0x40, s15, s22, $0xb8;
	[tilespmem:$0x12100] =	vst v63  }
0x3a: {  	s16 =	simm.s32 $0x380  }
0x3b: {  	[tilespmem:s0], [sflag:$0x2] =	stream.indirect.gather [hbm4b:s3+s22], $0x40, s16, s22, $0xb8;
	[tilespmem:$0x12100] =	vst v63  }
0x3c: {  	_ =	swait.ge [sflag:s25], $0x8000  }
0x3d: {  	[sflag:s25] =	ssyncset.done $0x0  }
0x3e: {  	[sflag:s25] =	ssyncadd.s32 $0xFFFF8000  }
0x3f: {  	[hbm4b:s9+s30] =	stream.strided.scatter [tilespmem:s23], [sflag:$0x3], $0x8000, s22, s30, $0x38;
	[tilespmem:$0x12100] =	vst v63  }
0x40: {  	_ =	swait.ge [sflag:s6], $0x8000  }
0x41: {  	[sflag:s6] =	ssyncset.done $0x0  }
0x42: {  	s18 =	rddreg [dreg:$0xa];
	[sflag:s6] =	ssyncadd.s32 $0xFFFF8000  }
0x43: {  	[hbm4b:s18+s30] =	stream.strided.scatter [tilespmem:s31], [sflag:$0x4], $0x8000, s22, s30, $0x38;
	[tilespmem:$0x12100] =	vst v63  }
0x44: {  	_ =	swait.ge [sflag:s7], $0x8000  }
0x45: {  	[sflag:s7] =	ssyncset.done $0x0  }
0x46: {  	[sflag:s7] =	ssyncadd.s32 $0xFFFF8000  }
0x47: {  	_ =	swait.ge [sflag:s8], $0x8000  }
0x48: {  	[sflag:s8] =	ssyncset.done $0x0  }
0x49: {  	[sflag:s8] =	ssyncadd.s32 $0xFFFF8000  }
0x4a: {  	[tilespmem:s23], [sflag:$0x1] =	stream.indirect.gather [hbm4b:s4+s22], $0x40, s19, s22, $0xb8;
	[tilespmem:$0x12100] =	vst v63  }
0x4b: {  	s12 =	simm.s32 $0x480  }
0x4c: {  	[tilespmem:s24], [sflag:$0x1] =	stream.indirect.gather [hbm4b:s4+s22], $0x40, s12, s22, $0xb8;
	[tilespmem:$0x12100] =	vst v63  }
0x4d: {  	s13 =	simm.s32 $0x500  }
0x4e: {  	[tilespmem:s26], [sflag:$0x1] =	stream.indirect.gather [hbm4b:s4+s22], $0x40, s13, s22, $0xb8;
	[tilespmem:$0x12100] =	vst v63  }
0x4f: {  	s15 =	simm.s32 $0x580  }
0x50: {  	[tilespmem:s29], [sflag:$0x1] =	stream.indirect.gather [hbm4b:s4+s22], $0x40, s15, s22, $0xb8;
	[tilespmem:$0x12100] =	vst v63  }
0x51: {  	s16 =	simm.s32 $0x600  }
0x52: {  	[tilespmem:s31], [sflag:$0x2] =	stream.indirect.gather [hbm4b:s4+s22], $0x40, s16, s22, $0xb8;
	[tilespmem:$0x12100] =	vst v63  }
0x53: {  	s18 =	simm.s32 $0x680  }
0x54: {  	[tilespmem:s2], [sflag:$0x2] =	stream.indirect.gather [hbm4b:s4+s22], $0x40, s18, s22, $0xb8;
	[tilespmem:$0x12100] =	vst v63  }
0x55: {  	s12 =	simm.s32 $0x700  }
0x56: {  	[tilespmem:s28], [sflag:$0x2] =	stream.indirect.gather [hbm4b:s4+s22], $0x40, s12, s22, $0xb8;
	[tilespmem:$0x12100] =	vst v63  }
0x57: {  	s13 =	simm.s32 $0x780  }
0x58: {  	[tilespmem:s0], [sflag:$0x2] =	stream.indirect.gather [hbm4b:s4+s22], $0x40, s13, s22, $0xb8;
	[tilespmem:$0x12100] =	vst v63  }
0x59: {  	_ =	swait.ge [sflag:s25], $0x8000  }
0x5a: {  	[sflag:s25] =	ssyncset.done $0x0  }
0x5b: {  	s15 =	rddreg [dreg:$0xb];
	[sflag:s25] =	ssyncadd.s32 $0xFFFF8000  }
0x5c: {  	[hbm4b:s15+s30] =	stream.strided.scatter [tilespmem:s23], [sflag:$0x3], $0x8000, s22, s30, $0x38;
	[tilespmem:$0x12100] =	vst v63  }
0x5d: {  	_ =	swait.ge [sflag:s6], $0x8000  }
0x5e: {  	[sflag:s6] =	ssyncset.done $0x0  }
0x5f: {  	s16 =	rddreg [dreg:$0xc];
	[sflag:s6] =	ssyncadd.s32 $0xFFFF8000  }
0x60: {  	[hbm4b:s16+s30] =	stream.strided.scatter [tilespmem:s31], [sflag:$0x4], $0x8000, s22, s30, $0x38;
	[tilespmem:$0x12100] =	vst v63  }
0x61: {  	_ =	swait.ge [sflag:s7], $0x8000  }
0x62: {  	[sflag:s7] =	ssyncset.done $0x0  }
0x63: {  	[sflag:s7] =	ssyncadd.s32 $0xFFFF8000  }
0x64: {  	_ =	swait.ge [sflag:s8], $0x8000  }
0x65: {  	[sflag:s8] =	ssyncset.done $0x0  }
0x66: {  	[sflag:s8] =	ssyncadd.s32 $0xFFFF8000  }
0x67: {  	[tilespmem:s23], [sflag:$0x1] =	stream.indirect.gather [hbm4b:s5+s22], $0x40, s20, s22, $0xb8;
	[tilespmem:$0x12100] =	vst v63  }
0x68: {  	s18 =	simm.s32 $0x880  }
0x69: {  	[tilespmem:s24], [sflag:$0x1] =	stream.indirect.gather [hbm4b:s5+s22], $0x40, s18, s22, $0xb8;
	[tilespmem:$0x12100] =	vst v63  }
0x6a: {  	s12 =	simm.s32 $0x900  }
0x6b: {  	[tilespmem:s26], [sflag:$0x1] =	stream.indirect.gather [hbm4b:s5+s22], $0x40, s12, s22, $0xb8;
	[tilespmem:$0x12100] =	vst v63  }
0x6c: {  	s13 =	simm.s32 $0x980  }
0x6d: {  	[tilespmem:s29], [sflag:$0x1] =	stream.indirect.gather [hbm4b:s5+s22], $0x40, s13, s22, $0xb8;
	[tilespmem:$0x12100] =	vst v63  }
0x6e: {  	s15 =	simm.s32 $0xA00  }
0x6f: {  	[tilespmem:s31], [sflag:$0x2] =	stream.indirect.gather [hbm4b:s5+s22], $0x40, s15, s22, $0xb8;
	[tilespmem:$0x12100] =	vst v63  }
0x70: {  	s16 =	simm.s32 $0xA80  }
0x71: {  	[tilespmem:s2], [sflag:$0x2] =	stream.indirect.gather [hbm4b:s5+s22], $0x40, s16, s22, $0xb8;
	[tilespmem:$0x12100] =	vst v63  }
0x72: {  	s18 =	simm.s32 $0xB00  }
0x73: {  	[tilespmem:s28], [sflag:$0x2] =	stream.indirect.gather [hbm4b:s5+s22], $0x40, s18, s22, $0xb8;
	[tilespmem:$0x12100] =	vst v63  }
0x74: {  	s12 =	simm.s32 $0xB80  }
0x75: {  	[tilespmem:s0], [sflag:$0x2] =	stream.indirect.gather [hbm4b:s5+s22], $0x40, s12, s22, $0xb8;
	[tilespmem:$0x12100] =	vst v63  }
0x76: {  	_ =	swait.ge [sflag:s25], $0x8000  }
0x77: {  	[sflag:s25] =	ssyncset.done $0x0  }
0x78: {  	s13 =	rddreg [dreg:$0xd];
	[sflag:s25] =	ssyncadd.s32 $0xFFFF8000  }
0x79: {  	[hbm4b:s13+s1] =	stream.linear.scatter [tilespmem:s23], [sflag:$0x3], $0x8000, $0x38;
	[tilespmem:$0x12100] =	vst v63  }
0x7a: {  	_ =	swait.ge [sflag:s7], $0x8000  }
0x7b: {  	[sflag:s7] =	ssyncset.done $0x0  }
0x7c: {  	s15 =	simm.s32 $0xC00;
	[sflag:s7] =	ssyncadd.s32 $0xFFFF8000  }
0x7d: {  	[tilespmem:s23], [sflag:$0x1] =	stream.indirect.gather [hbm4b:s5+s22], $0x40, s15, s22, $0xb8;
	[tilespmem:$0x12100] =	vst v63  }
0x7e: {  	s16 =	simm.s32 $0xC80  }
0x7f: {  	[tilespmem:s24], [sflag:$0x1] =	stream.indirect.gather [hbm4b:s5+s22], $0x40, s16, s22, $0xb8;
	[tilespmem:$0x12100] =	vst v63  }
0x80: {  	s18 =	simm.s32 $0xD00  }
0x81: {  	[tilespmem:s26], [sflag:$0x1] =	stream.indirect.gather [hbm4b:s5+s22], $0x40, s18, s22, $0xb8;
	[tilespmem:$0x12100] =	vst v63  }
0x82: {  	s12 =	simm.s32 $0xD80  }
0x83: {  	[tilespmem:s29], [sflag:$0x1] =	stream.indirect.gather [hbm4b:s5+s22], $0x40, s12, s22, $0xb8;
	[tilespmem:$0x12100] =	vst v63  }
0x84: {  	_ =	swait.ge [sflag:s6], $0x8000  }
0x85: {  	[sflag:s6] =	ssyncset.done $0x0  }
0x86: {  	[sflag:s6] =	ssyncadd.s32 $0xFFFF8000  }
0x87: {  	[hbm4b:s17+s1] =	stream.linear.scatter [tilespmem:s31], [sflag:$0x4], $0x8000, $0x38;
	[tilespmem:$0x12100] =	vst v63  }
0x88: {  	_ =	swait.ge [sflag:s8], $0x8000  }
0x89: {  	[sflag:s8] =	ssyncset.done $0x0  }
0x8a: {  	s13 =	simm.s32 $0xE00;
	[sflag:s8] =	ssyncadd.s32 $0xFFFF8000  }
0x8b: {  	[tilespmem:s31], [sflag:$0x2] =	stream.indirect.gather [hbm4b:s5+s22], $0x40, s13, s22, $0xb8;
	[tilespmem:$0x12100] =	vst v63  }
0x8c: {  	s15 =	simm.s32 $0xE80  }
0x8d: {  	[tilespmem:s2], [sflag:$0x2] =	stream.indirect.gather [hbm4b:s5+s22], $0x40, s15, s22, $0xb8;
	[tilespmem:$0x12100] =	vst v63  }
0x8e: {  	s16 =	simm.s32 $0xF00  }
0x8f: {  	[tilespmem:s28], [sflag:$0x2] =	stream.indirect.gather [hbm4b:s5+s22], $0x40, s16, s22, $0xb8;
	[tilespmem:$0x12100] =	vst v63  }
0x90: {  	s18 =	simm.s32 $0xF80  }
0x91: {  	[tilespmem:s0], [sflag:$0x2] =	stream.indirect.gather [hbm4b:s5+s22], $0x40, s18, s22, $0xb8;
	[tilespmem:$0x12100] =	vst v63  }
0x92: {  	_ =	swait.ge [sflag:s25], $0x8000  }
0x93: {  	s11 =	simm.s32 $0x1000;
	s12 =	sadd.s32 $0x2000, s17;
	[sflag:s25] =	ssyncset.done $0x0  }
0x94: {  	s13 =	sadd.s32 $0x2000, s14;
	s18 =	smov.u32 s14;
	[sflag:s25] =	ssyncadd.s32 $0xFFFF8000  }
.LBB2_2:
0x95: {  	[hbm4b:s18+s1] =	stream.linear.scatter [tilespmem:s23], [sflag:$0x3], $0x8000, $0x38;
	[tilespmem:$0x12100] =	vst v63  }
0x96: {  	s15 =	smov.u32 s11;
	s18 =	smov.u32 s13  }
0x97: {  	p0 =	sne.s32 s11, $0x4000;
	s11 =	sadd.s32 $0x1000, s11;
	_ =	swait.ge [sflag:s7], $0x8000  }
0x98: {  	s15 =	sshra.s32 s15, $0x2;
	[sflag:s7] =	ssyncset.done $0x0  }
0x99: {  	s16 =	sadd.s32 $0xC00, s15;
	[sflag:s7] =	ssyncadd.s32 $0xFFFF8000  }
0x9a: {  	[tilespmem:s23], [sflag:$0x1] =	stream.indirect.gather [hbm4b:s5+s22], $0x40, s16, s22, $0xb8;
	[tilespmem:$0x12100] =	vst v63  }
0x9b: {  	s16 =	sadd.s32 $0xC80, s15  }
0x9c: {  	[tilespmem:s24], [sflag:$0x1] =	stream.indirect.gather [hbm4b:s5+s22], $0x40, s16, s22, $0xb8;
	[tilespmem:$0x12100] =	vst v63  }
0x9d: {  	s16 =	sadd.s32 $0xD00, s15  }
0x9e: {  	[tilespmem:s26], [sflag:$0x1] =	stream.indirect.gather [hbm4b:s5+s22], $0x40, s16, s22, $0xb8;
	[tilespmem:$0x12100] =	vst v63  }
0x9f: {  	s16 =	sadd.s32 $0xD80, s15  }
0xa0: {  	[tilespmem:s29], [sflag:$0x1] =	stream.indirect.gather [hbm4b:s5+s22], $0x40, s16, s22, $0xb8;
	[tilespmem:$0x12100] =	vst v63  }
0xa1: {  	_ =	swait.ge [sflag:s6], $0x8000  }
0xa2: {  	[sflag:s6] =	ssyncset.done $0x0  }
0xa3: {  	[sflag:s6] =	ssyncadd.s32 $0xFFFF8000  }
0xa4: {  	[hbm4b:s12+s1] =	stream.linear.scatter [tilespmem:s31], [sflag:$0x4], $0x8000, $0x38;
	[tilespmem:$0x12100] =	vst v63  }
0xa5: {  	_ =	swait.ge [sflag:s8], $0x8000  }
0xa6: {  	[sflag:s8] =	ssyncset.done $0x0  }
0xa7: {  	s16 =	sadd.s32 $0xE00, s15;
	[sflag:s8] =	ssyncadd.s32 $0xFFFF8000  }
0xa8: {  	[tilespmem:s31], [sflag:$0x2] =	stream.indirect.gather [hbm4b:s5+s22], $0x40, s16, s22, $0xb8;
	[tilespmem:$0x12100] =	vst v63  }
0xa9: {  	s16 =	sadd.s32 $0xE80, s15  }
0xaa: {  	[tilespmem:s2], [sflag:$0x2] =	stream.indirect.gather [hbm4b:s5+s22], $0x40, s16, s22, $0xb8;
	[tilespmem:$0x12100] =	vst v63  }
0xab: {  	s16 =	sadd.s32 $0xF00, s15  }
0xac: {  	[tilespmem:s28], [sflag:$0x2] =	stream.indirect.gather [hbm4b:s5+s22], $0x40, s16, s22, $0xb8;
	[tilespmem:$0x12100] =	vst v63  }
.Ltmp0:
0xad: {  	s15 =	sadd.s32 $0xF80, s15;
	(pc) =	sbr.rel @p0 .LBB2_2-.Ltmp0, $4  }
0xae: {  	[tilespmem:s0], [sflag:$0x2] =	stream.indirect.gather [hbm4b:s5+s22], $0x40, s15, s22, $0xb8;
	[tilespmem:$0x12100] =	vst v63  }
0xaf: {  	_ =	swait.ge [sflag:s25], $0x8000  }
0xb0: {  	[sflag:s25] =	ssyncset.done $0x0  }
0xb1: {  	s13 =	sadd.s32 $0x2000, s13;
	s12 =	sadd.s32 $0x2000, s12;
	[sflag:s25] =	ssyncadd.s32 $0xFFFF8000  }
0xb2: {  	[hbm4b:s18+s1] =	stream.linear.scatter [tilespmem:s23], [sflag:$0x3], $0x8000, $0x38;
	[tilespmem:$0x12100] =	vst v63  }
0xb3: {  	_ =	swait.ge [sflag:s6], $0x8000  }
0xb4: {  	[sflag:s6] =	ssyncset.done $0x0  }
0xb5: {  	s11 =	rddreg [dreg:$0xe];
	[sflag:s6] =	ssyncadd.s32 $0xFFFF8000  }
0xb6: {  	[hbm4b:s11+s1] =	stream.linear.scatter [tilespmem:s31], [sflag:$0x4], $0x8000, $0x38;
	[tilespmem:$0x12100] =	vst v63  }
0xb7: {  	_ =	swait.ge [sflag:s7], $0x8000  }
0xb8: {  	[sflag:s7] =	ssyncset.done $0x0  }
0xb9: {  	s13 =	simm.s32 $0x2000;
	[sflag:s7] =	ssyncadd.s32 $0xFFFF8000  }
0xba: {  	[tilespmem:s23], [sflag:$0x1] =	stream.indirect.gather [hbm4b:s5+s22], $0x40, s13, s22, $0xb8;
	[tilespmem:$0x12100] =	vst v63  }
0xbb: {  	s15 =	simm.s32 $0x2080  }
0xbc: {  	[tilespmem:s24], [sflag:$0x1] =	stream.indirect.gather [hbm4b:s5+s22], $0x40, s15, s22, $0xb8;
	[tilespmem:$0x12100] =	vst v63  }
0xbd: {  	_ =	swait.ge [sflag:s25], $0x4000  }
0xbe: {  	[sflag:s25] =	ssyncset.done $0x0  }
0xbf: {  	s16 =	rddreg [dreg:$0xf];
	[sflag:s25] =	ssyncadd.s32 $0xFFFFC000  }
0xc0: {  	[hbm4b:s16+s1] =	stream.linear.scatter [tilespmem:s23], [sflag:$0x3], $0x4000, $0x38;
	[tilespmem:$0x12100] =	vst v63  }
0xc1: {  	_ =	swait.ge [sflag:s7], $0x4000  }
0xc2: {  	[sflag:s7] =	ssyncset.done $0x0  }
0xc3: {  	[sflag:s7] =	ssyncadd.s32 $0xFFFFC000  }
0xc4: {  	_ =	swait.ge [sflag:s8], $0x8000  }
0xc5: {  	s10 =	sadd.s32 $0x1, s10;
	s18 =	rddreg [dreg:$0x10]  }
0xc6: {  	p0 =	sne.s32 s10, s18  }
.Ltmp1:
0xc7: {  	_ = 	snop;
	(pc) =	sbr.rel @p0 .LBB2_1-.Ltmp1, $3  }
0xc8: {  	_ =	sdelay $0x1  }
0xc9: {  	[sflag:s8] =	ssyncset.done $0x0  }
0xca: {  	[sflag:s8] =	ssyncadd.s32 $0xFFFF8000  }
0xcb: {  	_ =	sfence.sel $0x180000  }
0xcc: {  	[bflag:$0x0] =	sbarrier.arrive $0xFFFF  }
0xcd: {  	_ =	strace $0x90000047  }
0xce: {  	s0 =	stileid.u32;
	[bflag:$0x2] =	sbarrier.arrive $0xFFFF  }
0xcf: {  	p0 =	sne.s32 s0, $0x0;
	s0 =	rddreg [dreg:$0x6]  }
0xd0: {  	s0 =	sadd.s32 @!p0 $0x100000, s0  }
0xd1: {  	[sflag:s0] =	ssyncadd.tile.s32 @!p0 $0x1;
	_ =	shalt  }
.Lfunc_end2:
_tile_overlayer_lowered:
.L_overlay_start_2:
0xd2: {  	(tag) =	ssettag $0x2  }
0xd3: {  	s0 =	rddreg [dreg:$0x0];
	s2 =	stileid.u32  }
0xd4: {  	s1 =	rddreg [dreg:$0x1];
	p0 =	sne.s32 s2, $0x0  }
0xd5: {  	s3 =	rddreg [dreg:$0x2];
	[bflag:$0x3] =	sbarrier.arrive $0xFFFF;
	s2 =	simm.s32 @!p0 $0x1C06  }
0xd6: {  	[timem:s3], [sflag:s2] =	dma.local @!p0 [hbm:s0], s1  }
0xd7: {  	s0 =	simm.s32 @!p0 $0x6  }
0xd8: {  	_ =	swait.ge @!p0 [sflag:s0], s1  }
0xd9: {  	s1 =	ssub.s32 @!p0 $0x0, s1;
	[sflag:s0] =	ssyncset.done @!p0 $0x0  }
0xda: {  	[sflag:s0] =	ssyncadd.s32 @!p0 s1  }
0xdb: {  	[bflag:$0x3] =	sbarrier.arrive $0xFFFF  }
0xdc: {  	_ =	shalt  }

// kernel: sparse-core-data-format-call.1.cloned.1.call-start
scs
called_computation.1_lowered:
.L_overlay_start_0:
0x0: {  	s2 =	sld [smem:$0x3FD9]  }
0x1: {  	s3 =	sld [smem:$0x3FFE];
	_ =	sdelay $0x1  }
0x2: {  	s1 =	srdreg.scid  }
0x3: {  	s0 =	sand.u32 $0x1, s1  }
0x4: {  	s16 =	sshll.u32 s0, $0xA;
	s2 =	sadd.s32 s3, s2  }
0x5: {  	s2 =	sadd.s32 s2, s16  }
0x6: {  	[smem:$0x3FBE] =	sst s2  }
0x7: {  	_ = 	snop  }
0x8: {  	s2 =	sld [smem:$0x3FD0];
	_ =	sdelay $0x2  }
0x9: {  	s17 =	simm.s32 $0xB;
	s4 =	simm.s32 $0x10  }
0xa: {  	[smem:s4], [sflag:s17] =	dma.local [hbm:s2], $0x1  }
0xb: {  	_ =	swait.eq [sflag:s17], $0x1  }
0xc: {  	[sflag:s17] =	ssyncset.done $0x0  }
0xd: {  	[sflag:s17] =	ssyncadd.s32 $0xFFFFFFFF  }
0xe: {  	s18 =	sld [smem:$0x11];
	(tm) =	ssettm $0x1  }
0xf: {  	s19 =	sld [smem:$0x3FFB];
	_ =	sdelay $0x3  }
0x10: {  	_ =	strace s19  }
0x11: {  	s2 =	sld [smem:$0x3FFC];
	_ =	sdelay $0x3  }
0x12: {  	_ =	strace s2  }
0x13: {  	s2 =	sld [smem:$0x3FFD];
	_ =	sdelay $0x3  }
0x14: {  	_ =	strace s2  }
0x15: {  	_ =	strace $0x8FFFFFFF  }
0x16: {  	s20 =	sld [smem:$0x3FDB];
	_ =	sdelay $0x1  }
0x17: {  	s21 =	simm.s32 $_scs_section_size  }
0x18: {  	s5 =	simm.s32 $_size__tile_overlayer_lowered;
	s6 =	simm.s32 $_tile_overlayer_lowered  }
0x19: {  	s7 =	simm.s32 $0x1BFF;
	s22 =	sshll.u32 s6, $0x1;
	s4 =	sadd.s32 s21, s20  }
0x1a: {  	s23 =	simm.s32 $0x0;
	s5 =	sshll.u32 s5, $0x1;
	s6 =	sadd.s32 s22, s4  }
0x1b: {  	[timem:s23], [sflag:s7] =	dma.local [hbm:s6], s5  }
0x1c: {  	_ =	swait.ge [sflag:s7], s5  }
0x1d: {  	s5 =	ssub.s32 $0x0, s5;
	[sflag:s7] =	ssyncset.done $0x0  }
0x1e: {  	[sflag:s7] =	ssyncadd.s32 s5;
	_ =	sdelay $0x1  }
0x1f: {  	s24 =	simm.s32 $0x1B8B  }
0x20: {  	_ =	swait.ge [sflag:s24], $0x1  }
0x21: {  	[sflag:s24] =	ssyncset.done $0x0  }
0x22: {  	[sflag:s24] =	ssyncadd.s32 $0xFFFFFFFF  }
0x23: {  	s5 =	sld [smem:$0x0]  }
0x24: {  	s6 =	sand.u32 $0xFFFFFFFE, s1  }
0x25: {  	p0 =	sne.s32 s1, s6  }
0x26: {  	s6 =	sshll.u32 @p0 s6, $0xE  }
0x27: {  	s6 =	sadd.s32 @p0 $0x11B8D, s6;
	s7 =	sshll.u32 @p0 s5, $0x11  }
0x28: {  	s6 =	sor.u32 @p0 s7, s6  }
0x29: {  	[sflag:s6] =	ssyncadd.remote.s32 @p0 $0x1;
	_ =	sdelay $0x1  }
0x2a: {  	s6 =	simm.s32 @p0 $0x1B8D  }
0x2b: {  	_ =	swait.eq @p0 [sflag:s6], $0x1  }
0x2c: {  	[sflag:s6] =	ssyncadd.s32 @p0 $0xFFFFFFFF  }
0x2d: {  	s7 =	sshll.u32 @!p0 s1, $0xE  }
0x2e: {  	s7 =	sor.u32 @!p0 $0x4000, s7;
	s6 =	simm.s32 @!p0 $0x1B8D  }
0x2f: {  	s5 =	sshll.u32 @!p0 s5, $0x11;
	s7 =	sadd.s32 @!p0 $0x11B8D, s7;
	_ =	swait.eq @!p0 [sflag:s6], $0x1  }
0x30: {  	s5 =	sor.u32 @!p0 s5, s7;
	[sflag:s6] =	ssyncadd.s32 @!p0 $0xFFFFFFFF  }
0x31: {  	s26 =	simm.s32 $0x1B8E;
	s25 =	sld [smem:$0x3FFE];
	[sflag:s5] =	ssyncadd.remote.s32 @!p0 $0x1  }
0x32: {  	s27 =	simm.s32 $execute0_lowered;
	[smem:$0x3FD2] =	sst s26  }
0x33: {  	s6 =	sshll.u32 s27, $0x1;
	_ =	strace $0x8000004F;
	[dreg:$0x1] =	wrdreg $0xFFFFFFFF  }
0x34: {  	s28 =	simm.s32 $_size_execute0_lowered;
	s4 =	sadd.s32 s4, s6;
	[dreg:$0x0] =	wrdreg $0x0  }
0x35: {  	s6 =	sshll.u32 s28, $0x1;
	[dreg:$0x2] =	wrdreg s4  }
0x36: {  	[dreg:$0x3] =	wrdreg s6  }
0x37: {  	[dreg:$0x4] =	wrdreg $0xC0  }
0x38: {  	_ =	task [dreg:s23], $0x5FFFF  }
0x39: {  	[dreg:$0x1] =	wrdreg $0xFFFFFFFF  }
0x3a: {  	[dreg:$0x0] =	wrdreg $0x60  }
0x3b: {  	[dreg:$0x2] =	wrdreg s25  }
0x3c: {  	[dreg:$0x3] =	wrdreg s18  }
0x3d: {  	[dreg:$0x4] =	wrdreg $0xA  }
0x3e: {  	_ =	task.clear_ibuf [dreg:s23], $0x5FFFF;
	_ =	strace $0x9000004F  }
0x3f: {  	s29 =	simm.s32 $0xA;
	_ =	strace $0x80000051  }
0x40: {  	_ =	swait.ge [sflag:s29], $0x1  }
0x41: {  	[sflag:s29] =	ssyncadd.s32 $0xFFFFFFFF  }
0x42: {  	_ =	strace $0x90000051  }
0x43: {  	_ =	sfence  }
0x44: {  	s30 =	sld [smem:$0x0];
	_ =	sdelay $0x2  }
0x45: {  	s31 =	sshll.u32 s1, $0xD;
	s1 =	sshrl.u32 s1, $0x2  }
0x46: {  	s4 =	sand.u32 $0x4000, s31;
	s1 =	sadd.s32 s1, s30  }
0x47: {  	s0 =	sor.u32 s4, s0;
	s1 =	sshll.u32 s1, $0x11  }
0x48: {  	s0 =	sor.u32 s1, s0  }
0x49: {  	s0 =	sadd.s32 $0x8F2B, s0  }
0x4a: {  	[sflag:s0] =	ssyncadd.remote.s32 $0x1  }
0x4b: {  	_ =	sfence.sel $0xFFFF  }
0x4c: {  	[dreg:$0x0] =	wrdreg $0xFFFFFFFF;
	(pc) =	sbr.abs _section_cstart, $3  }
0x4d: {  	[dreg:$0x1] =	wrdreg $0xFFFFFFFF  }
0x4e: {  	_ =	task.clear_ibuf [dreg:s23], $0x2FFFF;
	_ =	strace $0x9FFFFFFF  }
0x4f: {  	(tm) =	ssettm $0x7FFFFFFF  }
tec
execute0_lowered:
.L_overlay_start_1:
0x0: {  	(tag) =	ssettag $0x1  }
0x1: {  	s0 =	srdreg.scid  }
0x2: {  	s1 =	sshll.u32 s0, $0x4  }
0x3: {  	s6 =	rddreg [dreg:$0x0];
	s0 =	stileid.u32;
	s1 =	sand.u32 $0x10, s1  }
0x4: {  	s3 =	rddreg [dreg:$0x1];
	s1 =	sor.u32 s0, s1  }
0x5: {  	s7 =	simm.s32 $0x1;
	s8 =	simm.s32 $0x2;
	s2 =	sshll.u32 s1, $0x7  }
0x6: {  	s11 =	simm.s32 $0x0;
	s10 =	simm.s32 $0x0;
	s5 =	ssub.s32 $0xC8000, s2  }
.Ltmp0:
0x7: {  	s6 =	sadd.s32 $0x6F5C00, s6;
	s4 =	sand.u32 $0xF80, s5;
	(pc) =	sbr.rel .LBB1_1-.Ltmp0, $4  }
0x8: {  	s1 =	rddreg [dreg:$0x2];
	_ =	strace $0x80000050;
	p0 =	sne.s32 s4, $0x0  }
0x9: {  	s5 =	sshrl.u32 s5, $0xC;
	s4 =	simm.s32 $0x1;
	s7 =	simm.s32 @!p0 $0x0  }
0xa: {  	s9 =	smov.u32 s2;
	[sflag:s4] =	ssyncpa.u1 $0x0;
	s5 =	sadd.s32 s7, s5  }
0xb: {  	[sflag:s8] =	ssyncpa.u1 $0x0;
	s8 =	simm.s32 $0x640000;
	s7 =	sadd.s32 $0x1, s5  }
.LBB1_7:
0xc: {  	s13 =	sadd.s32 $0x1000, s9  }
0xd: {  	p1 =	sgt.s32 s13, $0xC7FFF  }
0xe: {  	s13 =	smov.u32 @p1 s2;
	p1 =	sne.s32 s10, s7  }
.Ltmp1:
0xf: {  	p0 =	slt.u32 s10, $0x2;
	(pc) =	sbr.rel @!p1 .LBB1_8-.Ltmp1, $4  }
0x10: {  	s12 =	simm.s32 @!p0 $0x2  }
0x11: {  	_ =	swait.ge @!p0 [sflag:s12], $0x4000  }
0x12: {  	s14 =	sadd.s32 $0x1, s10;
	s11 =	smov.u32 s9;
	[sflag:s12] =	ssyncset.done @!p0 $0x0  }
0x13: {  	s10 =	smov.u32 s14;
	s9 =	smov.u32 s13;
	[sflag:s12] =	ssyncadd.s32 @!p0 $0xFFFFC000  }
.LBB1_1:
0x14: {  	p0 =	sge.u32 s10, s5  }
0x15: {  	s31 =	sadd.s32 $0xFFFFFFFF, s10;
	s12 =	sxor.u32 @!p0 $0xFFFFFFFF, s10  }
0x16: {  	s13 =	sshll.u32 @!p0 s9, $0x5;
	s14 =	simm.s32 @!p0 $0x40;
	s12 =	sshll.u32 @!p0 s12, $0xE  }
0x17: {  	s15 =	simm.s32 @!p0 $0x80;
	s13 =	sadd.s32 @!p0 s6, s13;
	s12 =	sand.u32 @!p0 $0x4000, s12  }
0x18: {  	[tilespmem:s12], [sflag:$0x1] =	stream.strided.gather @!p0 [hbm4b:s13+s14], $0x4000, s15, s14, $0x38;
	[tilespmem:$0x10100] =	vst v63  }
0x19: {  	p0 =	sge.u32 s31, s5  }
.Ltmp2:
0x1a: {  	_ = 	snop;
	(pc) =	sbr.rel @p0 .LBB1_7-.Ltmp2, $1  }
0x1b: {  	_ =	sdelay $0x3  }
0x1c: {  	s12 =	sand.u32 $0x1, s10  }
0x1d: {  	_ =	swait.ge [sflag:s4], $0x4000;
	s13 =	smul.u32 $0x10200, s12  }
0x1e: {  	[sflag:s4] =	ssyncset.done $0x0  }
0x1f: {  	[sflag:s4] =	ssyncadd.s32 $0xFFFFC000;
	s14 =	sshrl.u32 s13, $0x2  }
0x20: {  	s13 =	sshll.u32 s12, $0xE;
	s12 =	sor.u32 $0x8000, s14;
	s14 =	simm.s32 $0x0  }
.LBB1_3:
0x21: {  	s15 =	sshll.u32 s14, $0x7  }
0x22: {  	s15 =	sand.u32 $0x3FFFFF80, s15  }
0x23: {  	s15 =	sadd.s32 s15, s13  }
0x24: {  	v0 =	vmov s15;
	_ =	sdelay $0x1  }
0x25: {  	p0 =	por $0x1, $0x1;
	s15 =	simm.s32 $0x0  }
.LBB1_4:
0x26: {  	s16 =	sshll.u32 s15, $0x6  }
0x27: {  	s16 =	sand.u32 $0x3FFFFFC0, s16  }
0x28: {  	s31 =	smul.u32 $0x8100, s15;
	v1 =	vld.idx.msk [tilespmem:v0+s16+$0x0 ss:$0x1], $0xffff  }
0x29: {  	v2 =	vld.idx.msk [tilespmem:v0+s16+$0x10 ss:$0x1], $0xffff  }
0x2a: {  	s15 =	sshra.s32 s31, $0x2;
	v3 =	vld.idx.msk [tilespmem:v0+s16+$0x20 ss:$0x1], $0xffff  }
0x2b: {  	p1 =	por p0, p0;
	v4 =	vld.idx.msk [tilespmem:v0+s16+$0x30 ss:$0x1], $0xffff;
	s15 =	sadd.s32 s15, s12  }
.Ltmp3:
0x2c: {  	s15 =	sadd.s32 s14, s15;
	(pc) =	sbr.rel @p1 .LBB1_4-.Ltmp3, $4  }
0x2d: {  	[tilespmem:s15+$0x0 ss:$0x81] =	vst.msk $0xffff, v1  }
0x2e: {  	[tilespmem:s15+$0x810 ss:$0x81] =	vst.msk $0xffff, v2  }
0x2f: {  	[tilespmem:s15+$0x1020 ss:$0x81] =	vst.msk $0xffff, v3  }
0x30: {  	p0 =	por $0x0, $0x0;
	[tilespmem:s15+$0x1830 ss:$0x81] =	vst.msk $0xffff, v4;
	s15 =	simm.s32 $0x1  }
0x31: {  	s14 =	sadd.s32 $0x1, s14  }
0x32: {  	p0 =	sne.s32 s14, $0x80  }
.Ltmp4:
0x33: {  	_ = 	snop;
	(pc) =	sbr.rel @p0 .LBB1_3-.Ltmp4, $1  }
0x34: {  	_ =	sdelay $0x3  }
0x35: {  	s13 =	sshll.u32 s11, $0x3  }
0x36: {  	s30 =	sand.u32 $0x7F, s11;
	s14 =	sand.u32 $0xFFFFFC00, s13  }
0x37: {  	s13 =	smulhi.u32 $0x51EB851F, s13;
	s11 =	sor.u32 s30, s14  }
0x38: {  	s14 =	smulhi.u32 $0x51EB851F, s11;
	_ =	sdelay $0x1  }
0x39: {  	s13 =	sshrl.u32 s13, $0x12;
	s14 =	sshrl.u32 s14, $0x12  }
0x3a: {  	s13 =	sand.u32 $0x3F, s13;
	s14 =	smul.u32 $0xC8000, s14  }
0x3b: {  	s13 =	smul.u32 $0x19000, s13  }
.Ltmp5:
0x3c: {  	s11 =	ssub.s32 s11, s14;
	(pc) =	sbr.rel .LBB1_7-.Ltmp5, $4  }
0x3d: {  	s14 =	sand.u32 $0x7, s11  }
0x3e: {  	s13 =	sadd.s32 s3, s13;
	s11 =	sshrl.u32 s11, $0x3;
	s14 =	sshll.u32 s14, $0x12  }
0x3f: {  	s11 =	sadd.s32 s11, s13;
	s31 =	sor.u32 $0x400, s14  }
0x40: {  	[hbm4b:s11+s31] =	stream.strided.scatter [tilespmem:s12], [sflag:$0x2], $0x4000, s8, s31, $0x20;
	[tilespmem:$0x10100] =	vst v63  }
.LBB1_8:
0x41: {  	_ =	sfence.sel $0x180000  }
0x42: {  	s2 =	simm.s32 $0x1;
	[bflag:$0x0] =	sbarrier.arrive $0xFFFF  }
0x43: {  	s31 =	simm.s32 $0x2;
	[sflag:s2] =	ssyncpa.u1 $0x1  }
0x44: {  	[sflag:s31] =	ssyncpa.u1 $0x1  }
0x45: {  	p0 =	sne.s32 s0, $0x0;
	_ =	strace $0x90000050  }
0x46: {  	s0 =	sadd.s32 @!p0 $0x100000, s1;
	[bflag:$0x2] =	sbarrier.arrive $0xFFFF  }
0x47: {  	[sflag:s0] =	ssyncadd.tile.s32 @!p0 $0x1;
	_ =	shalt  }
.Lfunc_end1:
_tile_overlayer_lowered:
.L_overlay_start_2:
0x48: {  	(tag) =	ssettag $0x2  }
0x49: {  	s0 =	rddreg [dreg:$0x0];
	s2 =	stileid.u32  }
0x4a: {  	s1 =	rddreg [dreg:$0x1];
	p0 =	sne.s32 s2, $0x0  }
0x4b: {  	s3 =	rddreg [dreg:$0x2];
	[bflag:$0x3] =	sbarrier.arrive $0xFFFF;
	s2 =	simm.s32 @!p0 $0x1C01  }
0x4c: {  	[timem:s3], [sflag:s2] =	dma.local @!p0 [hbm:s0], s1  }
0x4d: {  	s0 =	simm.s32 @!p0 $0x1  }
0x4e: {  	_ =	swait.ge @!p0 [sflag:s0], s1  }
0x4f: {  	s1 =	ssub.s32 @!p0 $0x0, s1;
	[sflag:s0] =	ssyncset.done @!p0 $0x0  }
0x50: {  	[sflag:s0] =	ssyncadd.s32 @!p0 s1  }
0x51: {  	[bflag:$0x3] =	sbarrier.arrive $0xFFFF  }
0x52: {  	_ =	shalt  }

// kernel: sparse-core-data-format-call.cloned.1.call-start
scs
called_computation_lowered:
.L_overlay_start_0:
0x0: {  	s2 =	sld [smem:$0x3FD9]  }
0x1: {  	s3 =	sld [smem:$0x3FFE];
	_ =	sdelay $0x1  }
0x2: {  	s1 =	srdreg.scid  }
0x3: {  	s0 =	sand.u32 $0x1, s1  }
0x4: {  	s16 =	sshll.u32 s0, $0xA;
	s2 =	sadd.s32 s3, s2  }
0x5: {  	s2 =	sadd.s32 s2, s16  }
0x6: {  	[smem:$0x3FBE] =	sst s2  }
0x7: {  	_ = 	snop  }
0x8: {  	s2 =	sld [smem:$0x3FD0];
	_ =	sdelay $0x2  }
0x9: {  	s17 =	simm.s32 $0xB;
	s4 =	simm.s32 $0x10  }
0xa: {  	[smem:s4], [sflag:s17] =	dma.local [hbm:s2], $0x1  }
0xb: {  	_ =	swait.eq [sflag:s17], $0x1  }
0xc: {  	[sflag:s17] =	ssyncset.done $0x0  }
0xd: {  	[sflag:s17] =	ssyncadd.s32 $0xFFFFFFFF  }
0xe: {  	s18 =	sld [smem:$0x12];
	(tm) =	ssettm $0x1  }
0xf: {  	s19 =	sld [smem:$0x3FFB];
	_ =	sdelay $0x3  }
0x10: {  	_ =	strace s19  }
0x11: {  	s2 =	sld [smem:$0x3FFC];
	_ =	sdelay $0x3  }
0x12: {  	_ =	strace s2  }
0x13: {  	s2 =	sld [smem:$0x3FFD];
	_ =	sdelay $0x3  }
0x14: {  	_ =	strace s2  }
0x15: {  	_ =	strace $0x8FFFFFFF  }
0x16: {  	s20 =	sld [smem:$0x3FDB];
	_ =	sdelay $0x1  }
0x17: {  	s21 =	simm.s32 $_scs_section_size  }
0x18: {  	s5 =	simm.s32 $_size__tile_overlayer_lowered;
	s6 =	simm.s32 $_tile_overlayer_lowered  }
0x19: {  	s7 =	simm.s32 $0x1BFF;
	s22 =	sshll.u32 s6, $0x1;
	s4 =	sadd.s32 s21, s20  }
0x1a: {  	s23 =	simm.s32 $0x0;
	s5 =	sshll.u32 s5, $0x1;
	s6 =	sadd.s32 s22, s4  }
0x1b: {  	[timem:s23], [sflag:s7] =	dma.local [hbm:s6], s5  }
0x1c: {  	_ =	swait.ge [sflag:s7], s5  }
0x1d: {  	s5 =	ssub.s32 $0x0, s5;
	[sflag:s7] =	ssyncset.done $0x0  }
0x1e: {  	[sflag:s7] =	ssyncadd.s32 s5;
	_ =	sdelay $0x1  }
0x1f: {  	s24 =	simm.s32 $0x1B8B  }
0x20: {  	_ =	swait.ge [sflag:s24], $0x1  }
0x21: {  	[sflag:s24] =	ssyncset.done $0x0  }
0x22: {  	[sflag:s24] =	ssyncadd.s32 $0xFFFFFFFF  }
0x23: {  	s5 =	sld [smem:$0x0]  }
0x24: {  	s6 =	sand.u32 $0xFFFFFFFE, s1  }
0x25: {  	p0 =	sne.s32 s1, s6  }
0x26: {  	s6 =	sshll.u32 @p0 s6, $0xE  }
0x27: {  	s6 =	sadd.s32 @p0 $0x11B8D, s6;
	s7 =	sshll.u32 @p0 s5, $0x11  }
0x28: {  	s6 =	sor.u32 @p0 s7, s6  }
0x29: {  	[sflag:s6] =	ssyncadd.remote.s32 @p0 $0x1;
	_ =	sdelay $0x1  }
0x2a: {  	s6 =	simm.s32 @p0 $0x1B8D  }
0x2b: {  	_ =	swait.eq @p0 [sflag:s6], $0x1  }
0x2c: {  	[sflag:s6] =	ssyncadd.s32 @p0 $0xFFFFFFFF  }
0x2d: {  	s7 =	sshll.u32 @!p0 s1, $0xE  }
0x2e: {  	s7 =	sor.u32 @!p0 $0x4000, s7;
	s6 =	simm.s32 @!p0 $0x1B8D  }
0x2f: {  	s5 =	sshll.u32 @!p0 s5, $0x11;
	s7 =	sadd.s32 @!p0 $0x11B8D, s7;
	_ =	swait.eq @!p0 [sflag:s6], $0x1  }
0x30: {  	s5 =	sor.u32 @!p0 s5, s7;
	[sflag:s6] =	ssyncadd.s32 @!p0 $0xFFFFFFFF  }
0x31: {  	s26 =	simm.s32 $0x1B8E;
	s25 =	sld [smem:$0x3FFE];
	[sflag:s5] =	ssyncadd.remote.s32 @!p0 $0x1  }
0x32: {  	s27 =	simm.s32 $execute0_lowered;
	[smem:$0x3FD2] =	sst s26  }
0x33: {  	s6 =	sshll.u32 s27, $0x1;
	_ =	strace $0x8000004C;
	[dreg:$0x1] =	wrdreg $0xFFFFFFFF  }
0x34: {  	s28 =	simm.s32 $_size_execute0_lowered;
	s4 =	sadd.s32 s4, s6;
	[dreg:$0x0] =	wrdreg $0x0  }
0x35: {  	s6 =	sshll.u32 s28, $0x1;
	[dreg:$0x2] =	wrdreg s4  }
0x36: {  	[dreg:$0x3] =	wrdreg s6  }
0x37: {  	[dreg:$0x4] =	wrdreg $0xC0  }
0x38: {  	_ =	task [dreg:s23], $0x5FFFF  }
0x39: {  	[dreg:$0x1] =	wrdreg $0xFFFFFFFF  }
0x3a: {  	[dreg:$0x0] =	wrdreg $0x60  }
0x3b: {  	[dreg:$0x2] =	wrdreg s25  }
0x3c: {  	[dreg:$0x3] =	wrdreg s18  }
0x3d: {  	[dreg:$0x4] =	wrdreg $0x9  }
0x3e: {  	_ =	task.clear_ibuf [dreg:s23], $0x5FFFF;
	_ =	strace $0x9000004C  }
0x3f: {  	s29 =	simm.s32 $0x9;
	_ =	strace $0x8000004E  }
0x40: {  	_ =	swait.ge [sflag:s29], $0x1  }
0x41: {  	[sflag:s29] =	ssyncadd.s32 $0xFFFFFFFF  }
0x42: {  	_ =	strace $0x9000004E  }
0x43: {  	_ =	sfence  }
0x44: {  	s30 =	sld [smem:$0x0];
	_ =	sdelay $0x2  }
0x45: {  	s31 =	sshll.u32 s1, $0xD;
	s1 =	sshrl.u32 s1, $0x2  }
0x46: {  	s4 =	sand.u32 $0x4000, s31;
	s1 =	sadd.s32 s1, s30  }
0x47: {  	s0 =	sor.u32 s4, s0;
	s1 =	sshll.u32 s1, $0x11  }
0x48: {  	s0 =	sor.u32 s1, s0  }
0x49: {  	s0 =	sadd.s32 $0x8F2B, s0  }
0x4a: {  	[sflag:s0] =	ssyncadd.remote.s32 $0x1  }
0x4b: {  	_ =	sfence.sel $0xFFFF  }
0x4c: {  	[dreg:$0x0] =	wrdreg $0xFFFFFFFF;
	(pc) =	sbr.abs _section_cstart, $3  }
0x4d: {  	[dreg:$0x1] =	wrdreg $0xFFFFFFFF  }
0x4e: {  	_ =	task.clear_ibuf [dreg:s23], $0x2FFFF;
	_ =	strace $0x9FFFFFFF  }
0x4f: {  	(tm) =	ssettm $0x7FFFFFFF  }
tec
execute0_lowered:
.L_overlay_start_1:
0x0: {  	(tag) =	ssettag $0x1  }
0x1: {  	s0 =	srdreg.scid  }
0x2: {  	s1 =	sshll.u32 s0, $0x4  }
0x3: {  	s4 =	rddreg [dreg:$0x0];
	s0 =	stileid.u32;
	s1 =	sand.u32 $0x10, s1  }
0x4: {  	s2 =	rddreg [dreg:$0x1];
	s7 =	simm.s32 $0x1;
	s1 =	sor.u32 s0, s1  }
0x5: {  	s8 =	simm.s32 $0x2;
	s11 =	simm.s32 $0x0;
	s3 =	sshll.u32 s1, $0x7  }
0x6: {  	s10 =	simm.s32 $0x0;
	s4 =	sadd.s32 $0x3D5C00, s4;
	s6 =	ssub.s32 $0x32000, s3  }
.Ltmp0:
0x7: {  	s1 =	rddreg [dreg:$0x2];
	s5 =	sand.u32 $0xF80, s6;
	(pc) =	sbr.rel .LBB1_1-.Ltmp0, $4  }
0x8: {  	_ =	strace $0x8000004D;
	s9 =	smov.u32 s3;
	p0 =	sne.s32 s5, $0x0  }
0x9: {  	s6 =	sshrl.u32 s6, $0xC;
	s5 =	simm.s32 $0x1;
	s7 =	simm.s32 @!p0 $0x0  }
0xa: {  	[sflag:s5] =	ssyncpa.u1 $0x0;
	p0 =	por $0x0, $0x0;
	s6 =	sadd.s32 s7, s6  }
0xb: {  	[sflag:s8] =	ssyncpa.u1 $0x0;
	s8 =	simm.s32 $0x190000;
	s7 =	sadd.s32 $0x1, s6  }
.LBB1_4:
0xc: {  	s14 =	sshll.u32 s11, $0x3  }
0xd: {  	s30 =	sand.u32 $0x7F, s11;
	s15 =	sand.u32 $0xFFFFFC00, s14  }
0xe: {  	s11 =	sor.u32 s30, s15  }
0xf: {  	s15 =	smulhi.u32 $0x51EB851F, s11  }
0x10: {  	s14 =	smulhi.u32 $0x51EB851F, s14  }
0x11: {  	s15 =	sshrl.u32 s15, $0x10  }
0x12: {  	s14 =	sshrl.u32 s14, $0x10;
	s15 =	smul.u32 $0x32000, s15  }
0x13: {  	s14 =	sand.u32 $0x3F, s14  }
0x14: {  	s14 =	smul.u32 $0x6400, s14;
	s11 =	ssub.s32 s11, s15  }
0x15: {  	[tilespmem:s13+$0x810 ss:$0x81] =	vst.msk $0xffff, v2;
	s15 =	sand.u32 $0x7, s11  }
0x16: {  	[tilespmem:s13+$0x1020 ss:$0x81] =	vst.msk $0xffff, v0;
	s14 =	sadd.s32 s2, s14;
	s11 =	sshrl.u32 s11, $0x3;
	s15 =	sshll.u32 s15, $0x12  }
0x17: {  	[tilespmem:s13+$0x0 ss:$0x81] =	vst.msk $0xffff, v1;
	s11 =	sadd.s32 s11, s14;
	s31 =	sor.u32 $0x400, s15  }
0x18: {  	[hbm4b:s11+s31] =	stream.strided.scatter [tilespmem:s12], [sflag:$0x2], $0x2000, s8, s31, $0x20;
	[tilespmem:$0x8080] =	vst v63  }
.LBB1_5:
0x19: {  	s13 =	sadd.s32 $0x1000, s9  }
0x1a: {  	p2 =	sgt.s32 s13, $0x31FFF  }
0x1b: {  	s13 =	smov.u32 @p2 s3;
	p2 =	sne.s32 s10, s7  }
.Ltmp1:
0x1c: {  	p1 =	slt.u32 s10, $0x2;
	(pc) =	sbr.rel @!p2 .LBB1_6-.Ltmp1, $4  }
0x1d: {  	s12 =	simm.s32 @!p1 $0x2  }
0x1e: {  	s14 =	sadd.s32 $0x1, s10;
	_ =	swait.ge @!p1 [sflag:s12], $0x2000  }
0x1f: {  	s11 =	smov.u32 s9;
	p0 =	por !p0, !p0;
	[sflag:s12] =	ssyncset.done @!p1 $0x0  }
0x20: {  	s10 =	smov.u32 s14;
	s9 =	smov.u32 s13;
	[sflag:s12] =	ssyncadd.s32 @!p1 $0xFFFFE000  }
.LBB1_1:
0x21: {  	p1 =	sge.u32 s10, s6  }
0x22: {  	s12 =	sand.u32 @!p1 $0x1FFFFFF, s9  }
0x23: {  	s13 =	smulhi.u32 @!p1 $0x147AE15, s12;
	_ =	sdelay $0x1  }
0x24: {  	s13 =	sshrl.u32 @!p1 s13, $0xA  }
0x25: {  	s13 =	smul.u32 @!p1 $0x32000, s13;
	_ =	sdelay $0x1  }
0x26: {  	s31 =	sadd.s32 $0xFFFFFFFF, s10;
	s14 =	sxor.u32 @!p1 $0xFFFFFFFF, s10;
	s12 =	ssub.s32 @!p1 s12, s13  }
0x27: {  	s15 =	simm.s32 @!p1 $0x80;
	s14 =	sshll.u32 @!p1 s14, $0xD;
	s12 =	sshll.u32 @!p1 s12, $0x4  }
0x28: {  	s13 =	sand.u32 @!p1 $0x2000, s14;
	s14 =	simm.s32 @!p1 $0x40;
	s12 =	sadd.s32 @!p1 s4, s12  }
0x29: {  	[tilespmem:s13], [sflag:$0x1] =	stream.strided.gather @!p1 [hbm4b:s12+s14], $0x2000, s15, s14, $0x38;
	[tilespmem:$0x8080] =	vst v63  }
0x2a: {  	p1 =	sge.u32 s31, s6  }
.Ltmp2:
0x2b: {  	_ = 	snop;
	(pc) =	sbr.rel @p1 .LBB1_5-.Ltmp2, $1  }
0x2c: {  	_ =	sdelay $0x3  }
0x2d: {  	s12 =	simm.s32 $0x1  }
0x2e: {  	_ =	swait.ge [sflag:s5], $0x2000;
	s12 =	simm.s32 @!p0 $0x0  }
0x2f: {  	[sflag:s5] =	ssyncset.done $0x0;
	s13 =	sshll.u32 s12, $0xD  }
0x30: {  	[sflag:s5] =	ssyncadd.s32 $0xFFFFE000;
	s16 =	sor.u32 $0x20, s13  }
0x31: {  	s12 =	smul.u32 $0x8100, s12;
	v3 =	vld [tilespmem:s16+$0x10]  }
0x32: {  	s30 =	sand.u32 $0x1, s10;
	v2 =	vld [tilespmem:s16+$0xFFFFFFF0]  }
0x33: {  	s13 =	smul.u32 $0x8100, s30;
	s12 =	sshrl.u32 s12, $0x2;
	v0 =	vld [tilespmem:s16+$0x0]  }
0x34: {  	v1 =	vld [tilespmem:s16+$0xFFFFFFE0];
	s14 =	sor.u32 $0x4000, s12  }
0x35: {  	s31 =	sshrl.u32 s13, $0x2;
	s13 =	sadd.s32 $0x0, s14  }
0x36: {  	s15 =	simm.s32 $0x4;
	s16 =	sadd.s32 $0x40, s16;
	s12 =	sor.u32 $0x4000, s31;
	[tilespmem:s13+$0x1830 ss:$0x81] =	vst.msk $0xffff, v3  }
.LBB1_3:
0x37: {  	v3 =	vld [tilespmem:s16+$0x10];
	p1 =	sne.s32 s15, $0x1FC;
	[tilespmem:s13+$0x810 ss:$0x81] =	vst.msk $0xffff, v2;
	s17 =	smov.u32 s15;
	s15 =	sadd.s32 $0x4, s15  }
.Ltmp3:
0x38: {  	v2 =	vld [tilespmem:s16+$0xFFFFFFF0];
	[tilespmem:s13+$0x1020 ss:$0x81] =	vst.msk $0xffff, v0;
	(pc) =	sbr.rel @p1 .LBB1_3-.Ltmp3, $4  }
0x39: {  	v0 =	vld [tilespmem:s16+$0x0];
	[tilespmem:s13+$0x0 ss:$0x81] =	vst.msk $0xffff, v1  }
0x3a: {  	s13 =	sshra.s32 s17, $0x2;
	v1 =	vld [tilespmem:s16+$0xFFFFFFE0]  }
0x3b: {  	s13 =	sadd.s32 s13, s14  }
0x3c: {  	s16 =	sadd.s32 $0x40, s16;
	[tilespmem:s13+$0x1830 ss:$0x81] =	vst.msk $0xffff, v3  }
.Ltmp4:
0x3d: {  	_ = 	snop;
	(pc) =	sbr.rel .LBB1_4-.Ltmp4, $1  }
0x3e: {  	_ =	sdelay $0x3  }
.LBB1_6:
0x3f: {  	_ =	sfence.sel $0x180000  }
0x40: {  	s2 =	simm.s32 $0x1;
	[bflag:$0x0] =	sbarrier.arrive $0xFFFF  }
0x41: {  	s31 =	simm.s32 $0x2;
	[sflag:s2] =	ssyncpa.u1 $0x1  }
0x42: {  	[sflag:s31] =	ssyncpa.u1 $0x1  }
0x43: {  	p0 =	sne.s32 s0, $0x0;
	_ =	strace $0x9000004D  }
0x44: {  	s0 =	sadd.s32 @!p0 $0x100000, s1;
	[bflag:$0x2] =	sbarrier.arrive $0xFFFF  }
0x45: {  	[sflag:s0] =	ssyncadd.tile.s32 @!p0 $0x1;
	_ =	shalt  }
.Lfunc_end1:
_tile_overlayer_lowered:
.L_overlay_start_2:
0x46: {  	(tag) =	ssettag $0x2  }
0x47: {  	s0 =	rddreg [dreg:$0x0];
	s2 =	stileid.u32  }
0x48: {  	s1 =	rddreg [dreg:$0x1];
	p0 =	sne.s32 s2, $0x0  }
0x49: {  	s3 =	rddreg [dreg:$0x2];
	[bflag:$0x3] =	sbarrier.arrive $0xFFFF;
	s2 =	simm.s32 @!p0 $0x1C01  }
0x4a: {  	[timem:s3], [sflag:s2] =	dma.local @!p0 [hbm:s0], s1  }
0x4b: {  	s0 =	simm.s32 @!p0 $0x1  }
0x4c: {  	_ =	swait.ge @!p0 [sflag:s0], s1  }
0x4d: {  	s1 =	ssub.s32 @!p0 $0x0, s1;
	[sflag:s0] =	ssyncset.done @!p0 $0x0  }
0x4e: {  	[sflag:s0] =	ssyncadd.s32 @!p0 s1  }
0x4f: {  	[bflag:$0x3] =	sbarrier.arrive $0xFFFF  }
0x50: {  	_ =	shalt  }

</sc_bundles>
